<compile_context>
chip_gen: v7x
topology: tpu7x:2x2x1
jax: 0.10.2.dev20260603
libtpu: 0.0.44.dev20260713+nightly
codegen_flags: <defaults>
</compile_context>

<pallas_src>
import functools
import jax
import jax.numpy as jnp
from jax import lax
from jax.experimental import pallas as pl
from jax.experimental.pallas import tpu as pltpu, tpu_sc as plsc

V = 10000
E = 160000
LN = 128
S = 32
C = 40
MU = 0.9
CPAD = 128
BV = 1000
NC = 2
NS = 16
NW = NC * NS
EW = E // NW
K = 40
NCH = EW // K
EW2 = E // NS
BLK = 1000
SCALE = MU / S

_f32 = jnp.float32

TB = 4.2
TC0 = 0.9984870022967067
TC1 = -0.31612427400549187
TC2 = 0.0980005857919904
TC3 = -0.021586585574683046
TC4 = 0.003101555064339166
TC5 = -0.0002801223621391636
TC6 = 1.5237073426592907e-05
TC7 = -4.545474746910083e-07
TC8 = 5.70137986821706e-09



def _dense_kernel(fm_ref, w1_ref, w2_ref, wr_ref, bx_ref, br_ref,
                  p1_ref, p2_ref, tq_ref):
    f = fm_ref[...]
    p1_ref[...] = jnp.dot(f, w1_ref[...], preferred_element_type=_f32) + bx_ref[0:1, :]
    p2_ref[...] = jnp.dot(f, w2_ref[...], preferred_element_type=_f32)
    tq = jnp.tanh(jnp.dot(f, wr_ref[...], preferred_element_type=_f32) + br_ref[0:1, :])
    sb = jnp.sum(tq, axis=1, keepdims=True)
    tq_ref[...] = jnp.concatenate(
        [tq, sb, jnp.zeros((tq.shape[0], 95), _f32)], axis=1)



def _edge_body(p1_hbm, p2_hbm, tqx_hbm, xnode_hbm, xneis_hbm, dg_hbm, y_hbm, c_hbm,
               ytab, ctab, r1, r2, bb, ublk, nblk, dblk, idxr, idxid, ctloc, yv, zb,
               sem1, sem2, sem3):
    c = lax.axis_index("c")
    s = lax.axis_index("s")
    vbase = c * 5000

    dblk[pl.ds(BLK, 16)] = jnp.ones((16,), _f32)
    ublk[pl.ds(BLK, 16)] = jnp.zeros((16,), jnp.int32)
    for t in (0, 16, 32):
        idxid[pl.ds(t, 16)] = lax.iota(jnp.int32, 16) + t

    def yvfill(i, _):
        for t in range(6):
            yv[i, pl.ds(32 + 16 * t, 16)] = jnp.zeros((16,), _f32)
        return 0
    lax.fori_loop(0, K, yvfill, 0)

    def ctfill(i, _):
        for t in range(8):
            ctloc[i, pl.ds(16 * t, 16)] = jnp.zeros((16,), _f32)
        return 0
    lax.fori_loop(0, 48, ctfill, 0)

    def zfill(i, _):
        for t in range(8):
            zb[i, pl.ds(16 * t, 16)] = jnp.zeros((16,), _f32)
        return 0
    lax.fori_loop(0, 80, zfill, 0)

    @pl.when(s < NS - 1)
    def _():
        pltpu.sync_copy(zb, ytab.at[pl.ds(pl.multiple_of(s * 80, 8), 80)])

    @pl.when(s == NS - 1)
    def _():
        pltpu.sync_copy(zb.at[pl.ds(0, 56)], ytab.at[pl.ds(1200, 56)])

    @pl.when(s == 0)
    def _():
        pltpu.sync_copy(zb.at[pl.ds(0, 48)], ctab)
    plsc.subcore_barrier()

    def block(b, _):
        bbase = pl.multiple_of(s * EW2 + b * BLK, 8)
        pltpu.sync_copy(xnode_hbm.at[pl.ds(bbase, BLK)], ublk.at[pl.ds(0, BLK)])
        pltpu.sync_copy(xneis_hbm.at[pl.ds(bbase, BLK)], nblk)
        pltpu.sync_copy(dg_hbm.at[pl.ds(bbase, BLK)], dblk.at[pl.ds(0, BLK)])

        def chunk(ci, _):
            co = ci * K
            for st in (0, 16, 24):
                uvv = ublk[pl.ds(co + st, 16)]
                loc = uvv - vbase
                inb = (loc >= 0) & (loc < 5000)
                safe = jnp.where(inb, loc, 5000)
                idxr[pl.ds(st, 16)] = lax.shift_right_logical(safe, 2)
            cp1 = pltpu.async_copy(p1_hbm.at[ublk.at[pl.ds(co, K)]], r1, sem1)
            cp2 = pltpu.async_copy(p2_hbm.at[nblk.at[pl.ds(co, K)]], r2, sem2)
            cp3 = pltpu.async_copy(tqx_hbm.at[ublk.at[pl.ds(co, K)]], bb, sem3)
            cp1.wait()
            cp2.wait()
            cp3.wait()

            def edge(k, _):
                uv = ublk[pl.ds(co + k, 16)]
                locv = uv - vbase
                ul = locv[0]

                @pl.when((ul >= 0) & (ul < 5000))
                def _():
                    b0 = bb[k, 0:16]
                    b1 = bb[k, 16:32]
                    dv = dblk[pl.ds(co + k, 16)]
                    skv = SCALE / dv
                    sk = skv[0]
                    offv = (locv & 3) * 32
                    off = offv[0]
                    acc0 = jnp.zeros((16,), _f32)
                    acc1 = jnp.zeros((16,), _f32)

                    def _ptanh(x):
                        xc = jnp.minimum(jnp.maximum(x, -TB), TB)
                        y2 = xc * xc
                        p = TC8
                        for cc in (TC7, TC6, TC5, TC4, TC3, TC2, TC1, TC0):
                            p = p * y2 + cc
                        return xc * p

                    for j in range(S):
                        bj = b0[j] if j < 16 else b1[j - 16]
                        v0 = 2 * j
                        pre0 = r1[k, pl.ds(v0 * 16, 16)] + r2[k, pl.ds(v0 * 16, 16)]
                        acc0 = acc0 + bj * _ptanh(pre0)
                        pre1 = r1[k, pl.ds(v0 * 16 + 16, 16)] + r2[k, pl.ds(v0 * 16 + 16, 16)]
                        acc1 = acc1 + bj * _ptanh(pre1)
                    for t in range(8):
                        yv[k, pl.ds(16 * t, 16)] = jnp.zeros((16,), _f32)
                    yv[k, pl.ds(off, 16)] = acc0 * sk
                    yv[k, pl.ds(off + 16, 16)] = acc1 * sk
                    crv = lax.shift_right_logical(locv, 7)
                    crow = crv[0]
                    colv = locv & 127
                    coffv = (colv >> 4) * 16
                    coff = coffv[0]
                    lanev = colv & 15
                    lane = lax.iota(jnp.int32, 16)
                    onehot = jnp.where(lane == lanev[0], 1.0, 0.0).astype(_f32)
                    told = ctloc[crow, pl.ds(coff, 16)]
                    ctloc[crow, pl.ds(coff, 16)] = told + onehot
                return 0
            lax.fori_loop(0, K, edge, 0)
            pltpu.sync_copy(yv, ytab.at[idxr], add=True)
            return 0
        lax.fori_loop(0, BLK // K, chunk, 0)
        return 0
    lax.fori_loop(0, EW2 // BLK, block, 0)
    pltpu.sync_copy(ctloc, ctab.at[idxid], add=True)
    plsc.subcore_barrier()

    @pl.when(s < NS - 1)
    def _():
        soff = pl.multiple_of(s * 80, 8)
        pltpu.sync_copy(ytab.at[pl.ds(soff, 80)],
                        y_hbm.at[pl.ds(c * 1256 + soff, 80)])

    @pl.when(s == NS - 1)
    def _():
        pltpu.sync_copy(ytab.at[pl.ds(1200, 56)],
                        y_hbm.at[pl.ds(c * 1256 + 1200, 56)])

    @pl.when(s == 0)
    def _():
        pltpu.sync_copy(ctab, c_hbm.at[pl.ds(c * 48, 48)])



def _head_kernel(y_ref, tqx_ref, cnt_ref, w_ref, bias_ref, out_ref):
    h2 = cnt_ref[:, 0:1] * (y_ref[...] + tqx_ref[:, :S])
    logits = jnp.dot(h2, w_ref[...], preferred_element_type=_f32)
    logits = logits + bias_ref[0:1, :]
    m = jnp.max(logits, axis=-1, keepdims=True)
    lse = jnp.log(jnp.sum(jnp.exp(logits - m), axis=-1, keepdims=True)) + m
    out_ref[...] = logits - lse


def kernel(feat_Matrix, X_Node, X_Neis, dg_list, W_xi, b_xi, W_rou, b_rou, W_out, b_out):
    idx = jnp.arange(S * S)
    perm = (idx % S) * S + idx // S
    W1T = W_xi[perm, :LN].T
    W2T = W_xi[perm, LN:].T
    bx2 = jnp.broadcast_to(b_xi[perm], (8, S * S))
    WrT = W_rou.T
    br = jnp.broadcast_to(b_rou, (8, S))

    P1c, P2c, tqx = pl.pallas_call(
        _dense_kernel,
        grid=(V // BV,),
        in_specs=[
            pl.BlockSpec((BV, LN), lambda i: (i, 0)),
            pl.BlockSpec((LN, S * S), lambda i: (0, 0)),
            pl.BlockSpec((LN, S * S), lambda i: (0, 0)),
            pl.BlockSpec((LN, S), lambda i: (0, 0)),
            pl.BlockSpec((8, S * S), lambda i: (0, 0)),
            pl.BlockSpec((8, S), lambda i: (0, 0)),
        ],
        out_specs=[
            pl.BlockSpec((BV, S * S), lambda i: (i, 0)),
            pl.BlockSpec((BV, S * S), lambda i: (i, 0)),
            pl.BlockSpec((BV, 128), lambda i: (i, 0)),
        ],
        out_shape=[
            jax.ShapeDtypeStruct((V, S * S), _f32),
            jax.ShapeDtypeStruct((V, S * S), _f32),
            jax.ShapeDtypeStruct((V, 128), _f32),
        ],
    )(feat_Matrix, W1T, W2T, WrT, bx2, br)

    mesh = plsc.VectorSubcoreMesh(core_axis_name="c", subcore_axis_name="s")
    edge_k = functools.partial(
        pl.kernel,
        out_type=(jax.ShapeDtypeStruct((NC * 1256, 128), _f32),
                  jax.ShapeDtypeStruct((NC * 48, 128), _f32)),
        mesh=mesh,
        scratch_types=[
            pltpu.VMEM_SHARED((1256, 128), _f32),
            pltpu.VMEM_SHARED((48, 128), _f32),
            pltpu.VMEM((K, S * S), _f32),
            pltpu.VMEM((K, S * S), _f32),
            pltpu.VMEM((K, 128), _f32),
            pltpu.VMEM((BLK + 16,), jnp.int32),
            pltpu.VMEM((BLK,), jnp.int32),
            pltpu.VMEM((BLK + 16,), _f32),
            pltpu.VMEM((K,), jnp.int32),
            pltpu.VMEM((48,), jnp.int32),
            pltpu.VMEM((48, 128), _f32),
            pltpu.VMEM((K, 128), _f32),
            pltpu.VMEM((80, 128), _f32),
            pltpu.SemaphoreType.DMA,
            pltpu.SemaphoreType.DMA,
            pltpu.SemaphoreType.DMA,
        ],
    )(_edge_body)
    yflat, chbm = edge_k(P1c, P2c, tqx, X_Node, X_Neis, dg_list)
    z0 = yflat[0:1250, :].reshape(5000, S)
    z1 = yflat[1256:2506, :].reshape(5000, S)
    zz = jnp.concatenate([z0, z1], axis=0)
    cnt0 = chbm[0:40, :].reshape(-1)[0:5000]
    cnt1 = chbm[48:88, :].reshape(-1)[0:5000]
    cnt = jnp.concatenate([cnt0, cnt1], axis=0)
    cntx = jnp.broadcast_to(cnt[:, None], (V, 8))

    Wp = jnp.zeros((S, CPAD), _f32).at[:, :C].set(W_out.T)
    bp = jnp.full((CPAD,), -1e30, _f32).at[:C].set(b_out)
    bp = jnp.broadcast_to(bp, (8, CPAD))

    out = pl.pallas_call(
        _head_kernel,
        grid=(V // BV,),
        in_specs=[
            pl.BlockSpec((BV, S), lambda i: (i, 0)),
            pl.BlockSpec((BV, 128), lambda i: (i, 0)),
            pl.BlockSpec((BV, 8), lambda i: (i, 0)),
            pl.BlockSpec((S, CPAD), lambda i: (0, 0)),
            pl.BlockSpec((8, CPAD), lambda i: (0, 0)),
        ],
        out_specs=pl.BlockSpec((BV, CPAD), lambda i: (i, 0)),
        out_shape=jax.ShapeDtypeStruct((V, CPAD), _f32),
    )(zz, tqx, cntx, Wp, bp)
    return out[:, :C]

# --- scband reference (transcript-rebuilt; emitter-appended) ---
"""Pipeline reference for scband-ori-linear-gnn-6846177869857 (READ-ONLY COPY).

The authoritative reference and input builder live on the scoring server;
editing this copy changes nothing except your own understanding.
"""

import jax, jax.numpy as jnp
import numpy as np

V = 10000
E = 160000
LN = 128
S = 32
C = 40
T = 2
MU = 0.9


def setup_inputs(seed: int = 0) -> dict:
    key = jax.random.key(seed)
    ks = jax.random.split(key, 10)
    feat_Matrix = jax.random.normal(ks[0], (V, LN), dtype=jnp.float32)
    X_Node = jax.random.randint(ks[1], (E,), 0, V)
    X_Neis = jax.random.randint(ks[2], (E,), 0, V)
    # degrees must be >= 1 (divisor); randint in [1, 17)
    dg_list = jax.random.randint(ks[3], (E,), 1, 17).astype(jnp.float32)
    # Xi: Linear(2*ln -> s^2), stored torch-style [out, in]
    W_xi = jax.random.normal(ks[4], (S * S, 2 * LN), dtype=jnp.float32) * (1.0 / np.sqrt(2 * LN))
    b_xi = jnp.zeros((S * S,), dtype=jnp.float32)
    # Rou: Linear(ln -> s)
    W_rou = jax.random.normal(ks[5], (S, LN), dtype=jnp.float32) * (1.0 / np.sqrt(LN))
    b_rou = jnp.zeros((S,), dtype=jnp.float32)
    # out_layer: Linear(s -> num_class)
    W_out = jax.random.normal(ks[6], (C, S), dtype=jnp.float32) * (1.0 / np.sqrt(S))
    b_out = jnp.zeros((C,), dtype=jnp.float32)
    return {"feat_Matrix": feat_Matrix, "X_Node": X_Node, "X_Neis": X_Neis, "dg_list": dg_list,
            "W_xi": W_xi, "b_xi": b_xi, "W_rou": W_rou, "b_rou": b_rou, "W_out": W_out, "b_out": b_out}


def reference(feat_Matrix, X_Node, X_Neis, dg_list, W_xi, b_xi, W_rou, b_rou, W_out, b_out):
    # gather node / neighbor embeddings per edge
    node_embeds = jnp.take(feat_Matrix, X_Node, axis=0)
    neis_embeds = jnp.take(feat_Matrix, X_Neis, axis=0)
    X = jnp.concatenate([node_embeds, neis_embeds], axis=1)  # [E, 2*ln]
    # Hw internals: Xi(X) and Rou(first chunk of X) are loop-invariant (depend only on X),
    # so compute once -- identical math to recomputing inside the loop as in the original.
    A = jnp.tanh(X @ W_xi.T + b_xi).reshape(-1, S, S) * MU / S / dg_list[:, None, None]  # [E, s, s]
    b = jnp.tanh(node_embeds @ W_rou.T + b_rou)  # [E, s]  (chunk(X,2,dim=1)[0] == node_embeds)
    H = jnp.zeros((feat_Matrix.shape[0], S), dtype=jnp.float32)
    for _ in range(T):
        Hg = jnp.take(H, X_Node, axis=0)  # [E, s]
        He = jnp.squeeze(jnp.matmul(A, Hg[:, :, None]), -1) + b  # [E, s]
        # AggrSum's mm(one-hot-mask, H) is exactly a scatter-add by X_Node
        H = jax.ops.segment_sum(He, X_Node, num_segments=feat_Matrix.shape[0])  # [V, s]
    # dropout is identity in eval mode
    logits = H @ W_out.T + b_out
    return jax.nn.log_softmax(logits, axis=-1)

if __name__ == "__main__":
    import jax
    _d = setup_inputs()
    print(jax.jit(kernel)(*tuple(_d.values())))

</pallas_src>

<mosaic_0001>
#map = affine_map<(d0, d1) -> (0, 0)>
#map1 = affine_map<(d0, d1) -> (0)>
module attributes {stable_mosaic.version = 14 : i64} {
  func.func @_edge_body(%arg0: i32, %arg1: i32, %arg2: memref<10000x1024xf32, #tpu.memory_space<hbm>>, %arg3: memref<10000x1024xf32, #tpu.memory_space<hbm>>, %arg4: memref<10000x128xf32, #tpu.memory_space<hbm>>, %arg5: memref<160000xi32, #tpu.memory_space<hbm>>, %arg6: memref<160000xi32, #tpu.memory_space<hbm>>, %arg7: memref<160000xf32, #tpu.memory_space<hbm>>, %arg8: memref<2512x128xf32, #tpu.memory_space<hbm>>, %arg9: memref<96x128xf32, #tpu.memory_space<hbm>>, %arg10: memref<1256x128xf32, #tpu.memory_space<vmem_shared>>, %arg11: memref<48x128xf32, #tpu.memory_space<vmem_shared>>, %arg12: memref<40x1024xf32, #tpu.memory_space<vmem>>, %arg13: memref<40x1024xf32, #tpu.memory_space<vmem>>, %arg14: memref<40x128xf32, #tpu.memory_space<vmem>>, %arg15: memref<1016xi32, #tpu.memory_space<vmem>>, %arg16: memref<1000xi32, #tpu.memory_space<vmem>>, %arg17: memref<1016xf32, #tpu.memory_space<vmem>>, %arg18: memref<40xi32, #tpu.memory_space<vmem>>, %arg19: memref<48xi32, #tpu.memory_space<vmem>>, %arg20: memref<48x128xf32, #tpu.memory_space<vmem>>, %arg21: memref<40x128xf32, #tpu.memory_space<vmem>>, %arg22: memref<80x128xf32, #tpu.memory_space<vmem>>, %arg23: memref<!tpu.dma_semaphore, #tpu.memory_space<semaphore_mem>>, %arg24: memref<!tpu.dma_semaphore, #tpu.memory_space<semaphore_mem>>, %arg25: memref<!tpu.dma_semaphore, #tpu.memory_space<semaphore_mem>>) attributes {dimension_semantics = [#tpu.dimension_semantics<core_parallel>, #tpu.dimension_semantics<subcore_parallel>], iteration_bounds = array<i64: 2, 16>, scalar_prefetch = 0 : i64, scratch_operands = 16 : i64, tpu.core_type = #tpu.core_type<sc_vector_subcore>, window_params = [{transform_indices = #map}, {transform_indices = #map}, {transform_indices = #map}, {transform_indices = #map1}, {transform_indices = #map1}, {transform_indices = #map1}, {transform_indices = #map}, {transform_indices = #map}]} {
    %mul3A = arith.constant 5000 : i32
    %mul3A_0 = arith.muli %arg0, %mul3A : i32
    %broadcast_in_dim3A = arith.constant 1.000000e+00 : f32
    %broadcast_in_dim3A_1 = vector.broadcast %broadcast_in_dim3A : f32 to vector<16xf32>
    %swap3A = arith.constant 1000 : index
    %swap3A_2 = tpu.vector_load %arg17[%swap3A] {strides = array<i32>} : memref<1016xf32, #tpu.memory_space<vmem>>, vector<16xf32>,
    %swap3A_3 = vector.shape_cast %swap3A_2 : vector<16xf32> to vector<16xf32>
    %swap3A_4 = vector.shape_cast %broadcast_in_dim3A_1 : vector<16xf32> to vector<16xf32>
    tpu.vector_store %arg17[%swap3A], %swap3A_4 {strides = array<i32>} : memref<1016xf32, #tpu.memory_space<vmem>>, vector<16xf32>,
    %broadcast_in_dim3A_5 = arith.constant 0 : i32
    %broadcast_in_dim3A_6 = vector.broadcast %broadcast_in_dim3A_5 : i32 to vector<16xi32>
    %swap3A_7 = arith.constant 1000 : index
    %swap3A_8 = tpu.vector_load %arg15[%swap3A_7] {strides = array<i32>} : memref<1016xi32, #tpu.memory_space<vmem>>, vector<16xi32>,
    %swap3A_9 = vector.shape_cast %swap3A_8 : vector<16xi32> to vector<16xi32>
    %swap3A_10 = vector.shape_cast %broadcast_in_dim3A_6 : vector<16xi32> to vector<16xi32>
    tpu.vector_store %arg15[%swap3A_7], %swap3A_10 {strides = array<i32>} : memref<1016xi32, #tpu.memory_space<vmem>>, vector<16xi32>,
    %iota3A = tpu.iota {dimensions = array<i32: 0>} : vector<16xi32>
    %add3A = arith.constant 0 : i32
    %add3A_11 = vector.broadcast %add3A : i32 to vector<16xi32>
    %add3A_12 = arith.addi %iota3A, %add3A_11 : vector<16xi32>
    %swap3A_13 = arith.constant 0 : index
    %swap3A_14 = tpu.vector_load %arg19[%swap3A_13] {strides = array<i32>} : memref<48xi32, #tpu.memory_space<vmem>>, vector<16xi32>,
    %swap3A_15 = vector.shape_cast %swap3A_14 : vector<16xi32> to vector<16xi32>
    %swap3A_16 = vector.shape_cast %add3A_12 : vector<16xi32> to vector<16xi32>
    tpu.vector_store %arg19[%swap3A_13], %swap3A_16 {strides = array<i32>} : memref<48xi32, #tpu.memory_space<vmem>>, vector<16xi32>,
    %iota3A_17 = tpu.iota {dimensions = array<i32: 0>} : vector<16xi32>
    %add3A_18 = arith.constant 16 : i32
    %add3A_19 = vector.broadcast %add3A_18 : i32 to vector<16xi32>
    %add3A_20 = arith.addi %iota3A_17, %add3A_19 : vector<16xi32>
    %swap3A_21 = arith.constant 16 : index
    %swap3A_22 = tpu.vector_load %arg19[%swap3A_21] {strides = array<i32>} : memref<48xi32, #tpu.memory_space<vmem>>, vector<16xi32>,
    %swap3A_23 = vector.shape_cast %swap3A_22 : vector<16xi32> to vector<16xi32>
    %swap3A_24 = vector.shape_cast %add3A_20 : vector<16xi32> to vector<16xi32>
    tpu.vector_store %arg19[%swap3A_21], %swap3A_24 {strides = array<i32>} : memref<48xi32, #tpu.memory_space<vmem>>, vector<16xi32>,
    %iota3A_25 = tpu.iota {dimensions = array<i32: 0>} : vector<16xi32>
    %add3A_26 = arith.constant 32 : i32
    %add3A_27 = vector.broadcast %add3A_26 : i32 to vector<16xi32>
    %add3A_28 = arith.addi %iota3A_25, %add3A_27 : vector<16xi32>
    %swap3A_29 = arith.constant 32 : index
    %swap3A_30 = tpu.vector_load %arg19[%swap3A_29] {strides = array<i32>} : memref<48xi32, #tpu.memory_space<vmem>>, vector<16xi32>,
    %swap3A_31 = vector.shape_cast %swap3A_30 : vector<16xi32> to vector<16xi32>
    %swap3A_32 = vector.shape_cast %add3A_28 : vector<16xi32> to vector<16xi32>
    tpu.vector_store %arg19[%swap3A_29], %swap3A_32 {strides = array<i32>} : memref<48xi32, #tpu.memory_space<vmem>>, vector<16xi32>,
    %scan3A = arith.constant 0 : i32
    %scan3A_33 = arith.constant 0 : i32
    %scan3A_34 = arith.constant 40 : i32
    %scan3A_35 = arith.addi %scan3A_33, %scan3A_34 : i32
    %scan3A_36 = arith.constant 1 : i32
    %scan3A_37 = scf.for %scan3A_87 = %scan3A_33 to %scan3A_35 step %scan3A_36 iter_args(%scan3A_88 = %scan3A) -> (i32)  : i32 {
      %broadcast_in_dim3A_89 = arith.constant 0.000000e+00 : f32
      %broadcast_in_dim3A_90 = vector.broadcast %broadcast_in_dim3A_89 : f32 to vector<16xf32>
      %swap3A_91 = arith.index_cast %scan3A_87 : i32 to index
      %swap3A_92 = arith.constant 32 : index
      %swap3A_93 = tpu.vector_load %arg21[%swap3A_91, %swap3A_92] {strides = array<i32>} : memref<40x128xf32, #tpu.memory_space<vmem>>, vector<1x16xf32>,
      %swap3A_94 = vector.shape_cast %swap3A_93 : vector<1x16xf32> to vector<16xf32>
      %swap3A_95 = vector.shape_cast %broadcast_in_dim3A_90 : vector<16xf32> to vector<1x16xf32>
      tpu.vector_store %arg21[%swap3A_91, %swap3A_92], %swap3A_95 {strides = array<i32>} : memref<40x128xf32, #tpu.memory_space<vmem>>, vector<1x16xf32>,
      %broadcast_in_dim3A_96 = arith.constant 0.000000e+00 : f32
      %broadcast_in_dim3A_97 = vector.broadcast %broadcast_in_dim3A_96 : f32 to vector<16xf32>
      %swap3A_98 = arith.index_cast %scan3A_87 : i32 to index
      %swap3A_99 = arith.constant 48 : index
      %swap3A_100 = tpu.vector_load %arg21[%swap3A_98, %swap3A_99] {strides = array<i32>} : memref<40x128xf32, #tpu.memory_space<vmem>>, vector<1x16xf32>,
      %swap3A_101 = vector.shape_cast %swap3A_100 : vector<1x16xf32> to vector<16xf32>
      %swap3A_102 = vector.shape_cast %broadcast_in_dim3A_97 : vector<16xf32> to vector<1x16xf32>
      tpu.vector_store %arg21[%swap3A_98, %swap3A_99], %swap3A_102 {strides = array<i32>} : memref<40x128xf32, #tpu.memory_space<vmem>>, vector<1x16xf32>,
      %broadcast_in_dim3A_103 = arith.constant 0.000000e+00 : f32
      %broadcast_in_dim3A_104 = vector.broadcast %broadcast_in_dim3A_103 : f32 to vector<16xf32>
      %swap3A_105 = arith.index_cast %scan3A_87 : i32 to index
      %swap3A_106 = arith.constant 64 : index
      %swap3A_107 = tpu.vector_load %arg21[%swap3A_105, %swap3A_106] {strides = array<i32>} : memref<40x128xf32, #tpu.memory_space<vmem>>, vector<1x16xf32>,
      %swap3A_108 = vector.shape_cast %swap3A_107 : vector<1x16xf32> to vector<16xf32>
      %swap3A_109 = vector.shape_cast %broadcast_in_dim3A_104 : vector<16xf32> to vector<1x16xf32>
      tpu.vector_store %arg21[%swap3A_105, %swap3A_106], %swap3A_109 {strides = array<i32>} : memref<40x128xf32, #tpu.memory_space<vmem>>, vector<1x16xf32>,
      %broadcast_in_dim3A_110 = arith.constant 0.000000e+00 : f32
      %broadcast_in_dim3A_111 = vector.broadcast %broadcast_in_dim3A_110 : f32 to vector<16xf32>
      %swap3A_112 = arith.index_cast %scan3A_87 : i32 to index
      %swap3A_113 = arith.constant 80 : index
      %swap3A_114 = tpu.vector_load %arg21[%swap3A_112, %swap3A_113] {strides = array<i32>} : memref<40x128xf32, #tpu.memory_space<vmem>>, vector<1x16xf32>,
      %swap3A_115 = vector.shape_cast %swap3A_114 : vector<1x16xf32> to vector<16xf32>
      %swap3A_116 = vector.shape_cast %broadcast_in_dim3A_111 : vector<16xf32> to vector<1x16xf32>
      tpu.vector_store %arg21[%swap3A_112, %swap3A_113], %swap3A_116 {strides = array<i32>} : memref<40x128xf32, #tpu.memory_space<vmem>>, vector<1x16xf32>,
      %broadcast_in_dim3A_117 = arith.constant 0.000000e+00 : f32
      %broadcast_in_dim3A_118 = vector.broadcast %broadcast_in_dim3A_117 : f32 to vector<16xf32>
      %swap3A_119 = arith.index_cast %scan3A_87 : i32 to index
      %swap3A_120 = arith.constant 96 : index
      %swap3A_121 = tpu.vector_load %arg21[%swap3A_119, %swap3A_120] {strides = array<i32>} : memref<40x128xf32, #tpu.memory_space<vmem>>, vector<1x16xf32>,
      %swap3A_122 = vector.shape_cast %swap3A_121 : vector<1x16xf32> to vector<16xf32>
      %swap3A_123 = vector.shape_cast %broadcast_in_dim3A_118 : vector<16xf32> to vector<1x16xf32>
      tpu.vector_store %arg21[%swap3A_119, %swap3A_120], %swap3A_123 {strides = array<i32>} : memref<40x128xf32, #tpu.memory_space<vmem>>, vector<1x16xf32>,
      %broadcast_in_dim3A_124 = arith.constant 0.000000e+00 : f32
      %broadcast_in_dim3A_125 = vector.broadcast %broadcast_in_dim3A_124 : f32 to vector<16xf32>
      %swap3A_126 = arith.index_cast %scan3A_87 : i32 to index
      %swap3A_127 = arith.constant 112 : index
      %swap3A_128 = tpu.vector_load %arg21[%swap3A_126, %swap3A_127] {strides = array<i32>} : memref<40x128xf32, #tpu.memory_space<vmem>>, vector<1x16xf32>,
      %swap3A_129 = vector.shape_cast %swap3A_128 : vector<1x16xf32> to vector<16xf32>
      %swap3A_130 = vector.shape_cast %broadcast_in_dim3A_125 : vector<16xf32> to vector<1x16xf32>
      tpu.vector_store %arg21[%swap3A_126, %swap3A_127], %swap3A_130 {strides = array<i32>} : memref<40x128xf32, #tpu.memory_space<vmem>>, vector<1x16xf32>,
      %scan3A_131 = arith.constant 0 : i32
      scf.yield %scan3A_131 : i32
    }
    %scan3A_38 = arith.constant 40 : i32
    %scan3A_39 = arith.constant 0 : i32
    %scan3A_40 = arith.constant 0 : i32
    %scan3A_41 = arith.constant 48 : i32
    %scan3A_42 = arith.addi %scan3A_40, %scan3A_41 : i32
    %scan3A_43 = arith.constant 1 : i32
    %scan3A_44 = scf.for %scan3A_87 = %scan3A_40 to %scan3A_42 step %scan3A_43 iter_args(%scan3A_88 = %scan3A_39) -> (i32)  : i32 {
      %broadcast_in_dim3A_89 = arith.constant 0.000000e+00 : f32
      %broadcast_in_dim3A_90 = vector.broadcast %broadcast_in_dim3A_89 : f32 to vector<16xf32>
      %swap3A_91 = arith.index_cast %scan3A_87 : i32 to index
      %swap3A_92 = arith.constant 0 : index
      %swap3A_93 = tpu.vector_load %arg20[%swap3A_91, %swap3A_92] {strides = array<i32>} : memref<48x128xf32, #tpu.memory_space<vmem>>, vector<1x16xf32>,
      %swap3A_94 = vector.shape_cast %swap3A_93 : vector<1x16xf32> to vector<16xf32>
      %swap3A_95 = vector.shape_cast %broadcast_in_dim3A_90 : vector<16xf32> to vector<1x16xf32>
      tpu.vector_store %arg20[%swap3A_91, %swap3A_92], %swap3A_95 {strides = array<i32>} : memref<48x128xf32, #tpu.memory_space<vmem>>, vector<1x16xf32>,
      %broadcast_in_dim3A_96 = arith.constant 0.000000e+00 : f32
      %broadcast_in_dim3A_97 = vector.broadcast %broadcast_in_dim3A_96 : f32 to vector<16xf32>
      %swap3A_98 = arith.index_cast %scan3A_87 : i32 to index
      %swap3A_99 = arith.constant 16 : index
      %swap3A_100 = tpu.vector_load %arg20[%swap3A_98, %swap3A_99] {strides = array<i32>} : memref<48x128xf32, #tpu.memory_space<vmem>>, vector<1x16xf32>,
      %swap3A_101 = vector.shape_cast %swap3A_100 : vector<1x16xf32> to vector<16xf32>
      %swap3A_102 = vector.shape_cast %broadcast_in_dim3A_97 : vector<16xf32> to vector<1x16xf32>
      tpu.vector_store %arg20[%swap3A_98, %swap3A_99], %swap3A_102 {strides = array<i32>} : memref<48x128xf32, #tpu.memory_space<vmem>>, vector<1x16xf32>,
      %broadcast_in_dim3A_103 = arith.constant 0.000000e+00 : f32
      %broadcast_in_dim3A_104 = vector.broadcast %broadcast_in_dim3A_103 : f32 to vector<16xf32>
      %swap3A_105 = arith.index_cast %scan3A_87 : i32 to index
      %swap3A_106 = arith.constant 32 : index
      %swap3A_107 = tpu.vector_load %arg20[%swap3A_105, %swap3A_106] {strides = array<i32>} : memref<48x128xf32, #tpu.memory_space<vmem>>, vector<1x16xf32>,
      %swap3A_108 = vector.shape_cast %swap3A_107 : vector<1x16xf32> to vector<16xf32>
      %swap3A_109 = vector.shape_cast %broadcast_in_dim3A_104 : vector<16xf32> to vector<1x16xf32>
      tpu.vector_store %arg20[%swap3A_105, %swap3A_106], %swap3A_109 {strides = array<i32>} : memref<48x128xf32, #tpu.memory_space<vmem>>, vector<1x16xf32>,
      %broadcast_in_dim3A_110 = arith.constant 0.000000e+00 : f32
      %broadcast_in_dim3A_111 = vector.broadcast %broadcast_in_dim3A_110 : f32 to vector<16xf32>
      %swap3A_112 = arith.index_cast %scan3A_87 : i32 to index
      %swap3A_113 = arith.constant 48 : index
      %swap3A_114 = tpu.vector_load %arg20[%swap3A_112, %swap3A_113] {strides = array<i32>} : memref<48x128xf32, #tpu.memory_space<vmem>>, vector<1x16xf32>,
      %swap3A_115 = vector.shape_cast %swap3A_114 : vector<1x16xf32> to vector<16xf32>
      %swap3A_116 = vector.shape_cast %broadcast_in_dim3A_111 : vector<16xf32> to vector<1x16xf32>
      tpu.vector_store %arg20[%swap3A_112, %swap3A_113], %swap3A_116 {strides = array<i32>} : memref<48x128xf32, #tpu.memory_space<vmem>>, vector<1x16xf32>,
      %broadcast_in_dim3A_117 = arith.constant 0.000000e+00 : f32
      %broadcast_in_dim3A_118 = vector.broadcast %broadcast_in_dim3A_117 : f32 to vector<16xf32>
      %swap3A_119 = arith.index_cast %scan3A_87 : i32 to index
      %swap3A_120 = arith.constant 64 : index
      %swap3A_121 = tpu.vector_load %arg20[%swap3A_119, %swap3A_120] {strides = array<i32>} : memref<48x128xf32, #tpu.memory_space<vmem>>, vector<1x16xf32>,
      %swap3A_122 = vector.shape_cast %swap3A_121 : vector<1x16xf32> to vector<16xf32>
      %swap3A_123 = vector.shape_cast %broadcast_in_dim3A_118 : vector<16xf32> to vector<1x16xf32>
      tpu.vector_store %arg20[%swap3A_119, %swap3A_120], %swap3A_123 {strides = array<i32>} : memref<48x128xf32, #tpu.memory_space<vmem>>, vector<1x16xf32>,
      %broadcast_in_dim3A_124 = arith.constant 0.000000e+00 : f32
      %broadcast_in_dim3A_125 = vector.broadcast %broadcast_in_dim3A_124 : f32 to vector<16xf32>
      %swap3A_126 = arith.index_cast %scan3A_87 : i32 to index
      %swap3A_127 = arith.constant 80 : index
      %swap3A_128 = tpu.vector_load %arg20[%swap3A_126, %swap3A_127] {strides = array<i32>} : memref<48x128xf32, #tpu.memory_space<vmem>>, vector<1x16xf32>,
      %swap3A_129 = vector.shape_cast %swap3A_128 : vector<1x16xf32> to vector<16xf32>
      %swap3A_130 = vector.shape_cast %broadcast_in_dim3A_125 : vector<16xf32> to vector<1x16xf32>
      tpu.vector_store %arg20[%swap3A_126, %swap3A_127], %swap3A_130 {strides = array<i32>} : memref<48x128xf32, #tpu.memory_space<vmem>>, vector<1x16xf32>,
      %broadcast_in_dim3A_131 = arith.constant 0.000000e+00 : f32
      %broadcast_in_dim3A_132 = vector.broadcast %broadcast_in_dim3A_131 : f32 to vector<16xf32>
      %swap3A_133 = arith.index_cast %scan3A_87 : i32 to index
      %swap3A_134 = arith.constant 96 : index
      %swap3A_135 = tpu.vector_load %arg20[%swap3A_133, %swap3A_134] {strides = array<i32>} : memref<48x128xf32, #tpu.memory_space<vmem>>, vector<1x16xf32>,
      %swap3A_136 = vector.shape_cast %swap3A_135 : vector<1x16xf32> to vector<16xf32>
      %swap3A_137 = vector.shape_cast %broadcast_in_dim3A_132 : vector<16xf32> to vector<1x16xf32>
      tpu.vector_store %arg20[%swap3A_133, %swap3A_134], %swap3A_137 {strides = array<i32>} : memref<48x128xf32, #tpu.memory_space<vmem>>, vector<1x16xf32>,
      %broadcast_in_dim3A_138 = arith.constant 0.000000e+00 : f32
      %broadcast_in_dim3A_139 = vector.broadcast %broadcast_in_dim3A_138 : f32 to vector<16xf32>
      %swap3A_140 = arith.index_cast %scan3A_87 : i32 to index
      %swap3A_141 = arith.constant 112 : index
      %swap3A_142 = tpu.vector_load %arg20[%swap3A_140, %swap3A_141] {strides = array<i32>} : memref<48x128xf32, #tpu.memory_space<vmem>>, vector<1x16xf32>,
      %swap3A_143 = vector.shape_cast %swap3A_142 : vector<1x16xf32> to vector<16xf32>
      %swap3A_144 = vector.shape_cast %broadcast_in_dim3A_139 : vector<16xf32> to vector<1x16xf32>
      tpu.vector_store %arg20[%swap3A_140, %swap3A_141], %swap3A_144 {strides = array<i32>} : memref<48x128xf32, #tpu.memory_space<vmem>>, vector<1x16xf32>,
      %scan3A_145 = arith.constant 0 : i32
      scf.yield %scan3A_145 : i32
    }
    %scan3A_45 = arith.constant 48 : i32
    %scan3A_46 = arith.constant 0 : i32
    %scan3A_47 = arith.constant 0 : i32
    %scan3A_48 = arith.constant 80 : i32
    %scan3A_49 = arith.addi %scan3A_47, %scan3A_48 : i32
    %scan3A_50 = arith.constant 1 : i32
    %scan3A_51 = scf.for %scan3A_87 = %scan3A_47 to %scan3A_49 step %scan3A_50 iter_args(%scan3A_88 = %scan3A_46) -> (i32)  : i32 {
      %broadcast_in_dim3A_89 = arith.constant 0.000000e+00 : f32
      %broadcast_in_dim3A_90 = vector.broadcast %broadcast_in_dim3A_89 : f32 to vector<16xf32>
      %swap3A_91 = arith.index_cast %scan3A_87 : i32 to index
      %swap3A_92 = arith.constant 0 : index
      %swap3A_93 = tpu.vector_load %arg22[%swap3A_91, %swap3A_92] {strides = array<i32>} : memref<80x128xf32, #tpu.memory_space<vmem>>, vector<1x16xf32>,
      %swap3A_94 = vector.shape_cast %swap3A_93 : vector<1x16xf32> to vector<16xf32>
      %swap3A_95 = vector.shape_cast %broadcast_in_dim3A_90 : vector<16xf32> to vector<1x16xf32>
      tpu.vector_store %arg22[%swap3A_91, %swap3A_92], %swap3A_95 {strides = array<i32>} : memref<80x128xf32, #tpu.memory_space<vmem>>, vector<1x16xf32>,
      %broadcast_in_dim3A_96 = arith.constant 0.000000e+00 : f32
      %broadcast_in_dim3A_97 = vector.broadcast %broadcast_in_dim3A_96 : f32 to vector<16xf32>
      %swap3A_98 = arith.index_cast %scan3A_87 : i32 to index
      %swap3A_99 = arith.constant 16 : index
      %swap3A_100 = tpu.vector_load %arg22[%swap3A_98, %swap3A_99] {strides = array<i32>} : memref<80x128xf32, #tpu.memory_space<vmem>>, vector<1x16xf32>,
      %swap3A_101 = vector.shape_cast %swap3A_100 : vector<1x16xf32> to vector<16xf32>
      %swap3A_102 = vector.shape_cast %broadcast_in_dim3A_97 : vector<16xf32> to vector<1x16xf32>
      tpu.vector_store %arg22[%swap3A_98, %swap3A_99], %swap3A_102 {strides = array<i32>} : memref<80x128xf32, #tpu.memory_space<vmem>>, vector<1x16xf32>,
      %broadcast_in_dim3A_103 = arith.constant 0.000000e+00 : f32
      %broadcast_in_dim3A_104 = vector.broadcast %broadcast_in_dim3A_103 : f32 to vector<16xf32>
      %swap3A_105 = arith.index_cast %scan3A_87 : i32 to index
      %swap3A_106 = arith.constant 32 : index
      %swap3A_107 = tpu.vector_load %arg22[%swap3A_105, %swap3A_106] {strides = array<i32>} : memref<80x128xf32, #tpu.memory_space<vmem>>, vector<1x16xf32>,
      %swap3A_108 = vector.shape_cast %swap3A_107 : vector<1x16xf32> to vector<16xf32>
      %swap3A_109 = vector.shape_cast %broadcast_in_dim3A_104 : vector<16xf32> to vector<1x16xf32>
      tpu.vector_store %arg22[%swap3A_105, %swap3A_106], %swap3A_109 {strides = array<i32>} : memref<80x128xf32, #tpu.memory_space<vmem>>, vector<1x16xf32>,
      %broadcast_in_dim3A_110 = arith.constant 0.000000e+00 : f32
      %broadcast_in_dim3A_111 = vector.broadcast %broadcast_in_dim3A_110 : f32 to vector<16xf32>
      %swap3A_112 = arith.index_cast %scan3A_87 : i32 to index
      %swap3A_113 = arith.constant 48 : index
      %swap3A_114 = tpu.vector_load %arg22[%swap3A_112, %swap3A_113] {strides = array<i32>} : memref<80x128xf32, #tpu.memory_space<vmem>>, vector<1x16xf32>,
      %swap3A_115 = vector.shape_cast %swap3A_114 : vector<1x16xf32> to vector<16xf32>
      %swap3A_116 = vector.shape_cast %broadcast_in_dim3A_111 : vector<16xf32> to vector<1x16xf32>
      tpu.vector_store %arg22[%swap3A_112, %swap3A_113], %swap3A_116 {strides = array<i32>} : memref<80x128xf32, #tpu.memory_space<vmem>>, vector<1x16xf32>,
      %broadcast_in_dim3A_117 = arith.constant 0.000000e+00 : f32
      %broadcast_in_dim3A_118 = vector.broadcast %broadcast_in_dim3A_117 : f32 to vector<16xf32>
      %swap3A_119 = arith.index_cast %scan3A_87 : i32 to index
      %swap3A_120 = arith.constant 64 : index
      %swap3A_121 = tpu.vector_load %arg22[%swap3A_119, %swap3A_120] {strides = array<i32>} : memref<80x128xf32, #tpu.memory_space<vmem>>, vector<1x16xf32>,
      %swap3A_122 = vector.shape_cast %swap3A_121 : vector<1x16xf32> to vector<16xf32>
      %swap3A_123 = vector.shape_cast %broadcast_in_dim3A_118 : vector<16xf32> to vector<1x16xf32>
      tpu.vector_store %arg22[%swap3A_119, %swap3A_120], %swap3A_123 {strides = array<i32>} : memref<80x128xf32, #tpu.memory_space<vmem>>, vector<1x16xf32>,
      %broadcast_in_dim3A_124 = arith.constant 0.000000e+00 : f32
      %broadcast_in_dim3A_125 = vector.broadcast %broadcast_in_dim3A_124 : f32 to vector<16xf32>
      %swap3A_126 = arith.index_cast %scan3A_87 : i32 to index
      %swap3A_127 = arith.constant 80 : index
      %swap3A_128 = tpu.vector_load %arg22[%swap3A_126, %swap3A_127] {strides = array<i32>} : memref<80x128xf32, #tpu.memory_space<vmem>>, vector<1x16xf32>,
      %swap3A_129 = vector.shape_cast %swap3A_128 : vector<1x16xf32> to vector<16xf32>
      %swap3A_130 = vector.shape_cast %broadcast_in_dim3A_125 : vector<16xf32> to vector<1x16xf32>
      tpu.vector_store %arg22[%swap3A_126, %swap3A_127], %swap3A_130 {strides = array<i32>} : memref<80x128xf32, #tpu.memory_space<vmem>>, vector<1x16xf32>,
      %broadcast_in_dim3A_131 = arith.constant 0.000000e+00 : f32
      %broadcast_in_dim3A_132 = vector.broadcast %broadcast_in_dim3A_131 : f32 to vector<16xf32>
      %swap3A_133 = arith.index_cast %scan3A_87 : i32 to index
      %swap3A_134 = arith.constant 96 : index
      %swap3A_135 = tpu.vector_load %arg22[%swap3A_133, %swap3A_134] {strides = array<i32>} : memref<80x128xf32, #tpu.memory_space<vmem>>, vector<1x16xf32>,
      %swap3A_136 = vector.shape_cast %swap3A_135 : vector<1x16xf32> to vector<16xf32>
      %swap3A_137 = vector.shape_cast %broadcast_in_dim3A_132 : vector<16xf32> to vector<1x16xf32>
      tpu.vector_store %arg22[%swap3A_133, %swap3A_134], %swap3A_137 {strides = array<i32>} : memref<80x128xf32, #tpu.memory_space<vmem>>, vector<1x16xf32>,
      %broadcast_in_dim3A_138 = arith.constant 0.000000e+00 : f32
      %broadcast_in_dim3A_139 = vector.broadcast %broadcast_in_dim3A_138 : f32 to vector<16xf32>
      %swap3A_140 = arith.index_cast %scan3A_87 : i32 to index
      %swap3A_141 = arith.constant 112 : index
      %swap3A_142 = tpu.vector_load %arg22[%swap3A_140, %swap3A_141] {strides = array<i32>} : memref<80x128xf32, #tpu.memory_space<vmem>>, vector<1x16xf32>,
      %swap3A_143 = vector.shape_cast %swap3A_142 : vector<1x16xf32> to vector<16xf32>
      %swap3A_144 = vector.shape_cast %broadcast_in_dim3A_139 : vector<16xf32> to vector<1x16xf32>
      tpu.vector_store %arg22[%swap3A_140, %swap3A_141], %swap3A_144 {strides = array<i32>} : memref<80x128xf32, #tpu.memory_space<vmem>>, vector<1x16xf32>,
      %scan3A_145 = arith.constant 0 : i32
      scf.yield %scan3A_145 : i32
    }
    %scan3A_52 = arith.constant 80 : i32
    %lt3A = arith.constant 15 : i32
    %lt3A_53 = arith.cmpi slt, %arg1, %lt3A : i32
    %convert_element_type3A = arith.extui %lt3A_53 : i1 to i32
    %cond3A = arith.constant 0 : i32
    %cond3A_54 = arith.cmpi ne, %convert_element_type3A, %cond3A : i32
    scf.if %cond3A_54 {
      %mul3A_87 = arith.constant 80 : i32
      %mul3A_88 = arith.muli %arg1, %mul3A_87 : i32
      %multiple_of3A = tpu.assume_multiple %mul3A_88, 8 : i32
      "tpu.region"() ({
        %run_scoped3A = tpu.sem_alloc : memref<!tpu.dma_semaphore, #tpu.memory_space<semaphore_mem>>
        %dma_start3A = arith.constant 0 : i32
        %dma_start3A_89 = tpu.memref_slice %arg10[%multiple_of3A, %dma_start3A] : memref<1256x128xf32, #tpu.memory_space<vmem_shared>> -> memref<80x128xf32, #tpu.memory_space<vmem_shared>>
        %dma_start3A_90 = arith.constant 0 : i32
        %dma_start3A_91 = tpu.memref_slice %arg10[%multiple_of3A, %dma_start3A_90] : memref<1256x128xf32, #tpu.memory_space<vmem_shared>> -> memref<80x128xf32, #tpu.memory_space<vmem_shared>>
        tpu.enqueue_dma source(%arg22 : memref<80x128xf32, #tpu.memory_space<vmem>>) target(%dma_start3A_91 : memref<80x128xf32, #tpu.memory_space<vmem_shared>>) target_semaphore(%run_scoped3A : memref<!tpu.dma_semaphore, #tpu.memory_space<semaphore_mem>>)
        %dma_wait3A = arith.constant 0 : i32
        %dma_wait3A_92 = tpu.memref_slice %arg10[%multiple_of3A, %dma_wait3A] : memref<1256x128xf32, #tpu.memory_space<vmem_shared>> -> memref<80x128xf32, #tpu.memory_space<vmem_shared>>
        %dma_wait3A_93 = arith.constant 0 : i32
        %dma_wait3A_94 = tpu.memref_slice %arg10[%multiple_of3A, %dma_wait3A_93] : memref<1256x128xf32, #tpu.memory_space<vmem_shared>> -> memref<80x128xf32, #tpu.memory_space<vmem_shared>>
        tpu.wait_dma2 semaphore(%run_scoped3A : memref<!tpu.dma_semaphore, #tpu.memory_space<semaphore_mem>>) src(%arg22 : memref<80x128xf32, #tpu.memory_space<vmem>>) dst(%dma_wait3A_94 : memref<80x128xf32, #tpu.memory_space<vmem_shared>>)
        tpu.yield
      }) : () -> ()
    } else {
    }
    %eq3A = arith.constant 15 : i32
    %eq3A_55 = arith.cmpi eq, %arg1, %eq3A : i32
    %convert_element_type3A_56 = arith.extui %eq3A_55 : i1 to i32
    %cond3A_57 = arith.constant 0 : i32
    %cond3A_58 = arith.cmpi ne, %convert_element_type3A_56, %cond3A_57 : i32
    scf.if %cond3A_58 {
      "tpu.region"() ({
        %run_scoped3A = tpu.sem_alloc : memref<!tpu.dma_semaphore, #tpu.memory_space<semaphore_mem>>
        %dma_start3A = arith.constant 0 : i32
        %dma_start3A_87 = arith.constant 0 : i32
        %dma_start3A_88 = tpu.memref_slice %arg22[%dma_start3A, %dma_start3A_87] : memref<80x128xf32, #tpu.memory_space<vmem>> -> memref<56x128xf32, #tpu.memory_space<vmem>>
        %dma_start3A_89 = arith.constant 1200 : i32
        %dma_start3A_90 = arith.constant 0 : i32
        %dma_start3A_91 = tpu.memref_slice %arg10[%dma_start3A_89, %dma_start3A_90] : memref<1256x128xf32, #tpu.memory_space<vmem_shared>> -> memref<56x128xf32, #tpu.memory_space<vmem_shared>>
        %dma_start3A_92 = arith.constant 1200 : i32
        %dma_start3A_93 = arith.constant 0 : i32
        %dma_start3A_94 = tpu.memref_slice %arg10[%dma_start3A_92, %dma_start3A_93] : memref<1256x128xf32, #tpu.memory_space<vmem_shared>> -> memref<56x128xf32, #tpu.memory_space<vmem_shared>>
        %dma_start3A_95 = arith.constant 0 : i32
        %dma_start3A_96 = arith.constant 0 : i32
        %dma_start3A_97 = tpu.memref_slice %arg22[%dma_start3A_95, %dma_start3A_96] : memref<80x128xf32, #tpu.memory_space<vmem>> -> memref<56x128xf32, #tpu.memory_space<vmem>>
        tpu.enqueue_dma source(%dma_start3A_97 : memref<56x128xf32, #tpu.memory_space<vmem>>) target(%dma_start3A_94 : memref<56x128xf32, #tpu.memory_space<vmem_shared>>) target_semaphore(%run_scoped3A : memref<!tpu.dma_semaphore, #tpu.memory_space<semaphore_mem>>)
        %dma_wait3A = arith.constant 0 : i32
        %dma_wait3A_98 = arith.constant 0 : i32
        %dma_wait3A_99 = tpu.memref_slice %arg22[%dma_wait3A, %dma_wait3A_98] : memref<80x128xf32, #tpu.memory_space<vmem>> -> memref<56x128xf32, #tpu.memory_space<vmem>>
        %dma_wait3A_100 = arith.constant 1200 : i32
        %dma_wait3A_101 = arith.constant 0 : i32
        %dma_wait3A_102 = tpu.memref_slice %arg10[%dma_wait3A_100, %dma_wait3A_101] : memref<1256x128xf32, #tpu.memory_space<vmem_shared>> -> memref<56x128xf32, #tpu.memory_space<vmem_shared>>
        %dma_wait3A_103 = arith.constant 1200 : i32
        %dma_wait3A_104 = arith.constant 0 : i32
        %dma_wait3A_105 = tpu.memref_slice %arg10[%dma_wait3A_103, %dma_wait3A_104] : memref<1256x128xf32, #tpu.memory_space<vmem_shared>> -> memref<56x128xf32, #tpu.memory_space<vmem_shared>>
        %dma_wait3A_106 = arith.constant 0 : i32
        %dma_wait3A_107 = arith.constant 0 : i32
        %dma_wait3A_108 = tpu.memref_slice %arg22[%dma_wait3A_106, %dma_wait3A_107] : memref<80x128xf32, #tpu.memory_space<vmem>> -> memref<56x128xf32, #tpu.memory_space<vmem>>
        tpu.wait_dma2 semaphore(%run_scoped3A : memref<!tpu.dma_semaphore, #tpu.memory_space<semaphore_mem>>) src(%dma_wait3A_108 : memref<56x128xf32, #tpu.memory_space<vmem>>) dst(%dma_wait3A_105 : memref<56x128xf32, #tpu.memory_space<vmem_shared>>)
        tpu.yield
      }) : () -> ()
    } else {
    }
    %eq3A_59 = arith.constant 0 : i32
    %eq3A_60 = arith.cmpi eq, %arg1, %eq3A_59 : i32
    %convert_element_type3A_61 = arith.extui %eq3A_60 : i1 to i32
    %cond3A_62 = arith.constant 0 : i32
    %cond3A_63 = arith.cmpi ne, %convert_element_type3A_61, %cond3A_62 : i32
    scf.if %cond3A_63 {
      "tpu.region"() ({
        %run_scoped3A = tpu.sem_alloc : memref<!tpu.dma_semaphore, #tpu.memory_space<semaphore_mem>>
        %dma_start3A = arith.constant 0 : i32
        %dma_start3A_87 = arith.constant 0 : i32
        %dma_start3A_88 = tpu.memref_slice %arg22[%dma_start3A, %dma_start3A_87] : memref<80x128xf32, #tpu.memory_space<vmem>> -> memref<48x128xf32, #tpu.memory_space<vmem>>
        %dma_start3A_89 = arith.constant 0 : i32
        %dma_start3A_90 = arith.constant 0 : i32
        %dma_start3A_91 = tpu.memref_slice %arg22[%dma_start3A_89, %dma_start3A_90] : memref<80x128xf32, #tpu.memory_space<vmem>> -> memref<48x128xf32, #tpu.memory_space<vmem>>
        tpu.enqueue_dma source(%dma_start3A_91 : memref<48x128xf32, #tpu.memory_space<vmem>>) target(%arg11 : memref<48x128xf32, #tpu.memory_space<vmem_shared>>) target_semaphore(%run_scoped3A : memref<!tpu.dma_semaphore, #tpu.memory_space<semaphore_mem>>)
        %dma_wait3A = arith.constant 0 : i32
        %dma_wait3A_92 = arith.constant 0 : i32
        %dma_wait3A_93 = tpu.memref_slice %arg22[%dma_wait3A, %dma_wait3A_92] : memref<80x128xf32, #tpu.memory_space<vmem>> -> memref<48x128xf32, #tpu.memory_space<vmem>>
        %dma_wait3A_94 = arith.constant 0 : i32
        %dma_wait3A_95 = arith.constant 0 : i32
        %dma_wait3A_96 = tpu.memref_slice %arg22[%dma_wait3A_94, %dma_wait3A_95] : memref<80x128xf32, #tpu.memory_space<vmem>> -> memref<48x128xf32, #tpu.memory_space<vmem>>
        tpu.wait_dma2 semaphore(%run_scoped3A : memref<!tpu.dma_semaphore, #tpu.memory_space<semaphore_mem>>) src(%dma_wait3A_96 : memref<48x128xf32, #tpu.memory_space<vmem>>) dst(%arg11 : memref<48x128xf32, #tpu.memory_space<vmem_shared>>)
        tpu.yield
      }) : () -> ()
    } else {
    }
    %barrier3A = arith.constant 0 : index
    tpu.barrier barrier_id(%barrier3A)
    %scan3A_64 = arith.constant 0 : i32
    %scan3A_65 = arith.constant 0 : i32
    %scan3A_66 = arith.constant 10 : i32
    %scan3A_67 = arith.addi %scan3A_65, %scan3A_66 : i32
    %scan3A_68 = arith.constant 1 : i32
    %scan3A_69 = scf.for %scan3A_87 = %scan3A_65 to %scan3A_67 step %scan3A_68 iter_args(%scan3A_88 = %scan3A_64) -> (i32)  : i32 {
      %mul3A_89 = arith.constant 10000 : i32
      %mul3A_90 = arith.muli %arg1, %mul3A_89 : i32
      %mul3A_91 = arith.constant 1000 : i32
      %mul3A_92 = arith.muli %scan3A_87, %mul3A_91 : i32
      %add3A_93 = arith.addi %mul3A_90, %mul3A_92 : i32
      %multiple_of3A = tpu.assume_multiple %add3A_93, 8 : i32
      "tpu.region"() ({
        %run_scoped3A = tpu.sem_alloc : memref<!tpu.dma_semaphore, #tpu.memory_space<semaphore_mem>>
        %dma_start3A = arith.constant 0 : i32
        %dma_start3A_102 = tpu.memref_slice %arg15[%dma_start3A] : memref<1016xi32, #tpu.memory_space<vmem>> -> memref<1000xi32, #tpu.memory_space<vmem>>
        %dma_start3A_103 = tpu.memref_slice %arg5[%multiple_of3A] : memref<160000xi32, #tpu.memory_space<hbm>> -> memref<1000xi32, #tpu.memory_space<hbm>>
        %dma_start3A_104 = arith.constant 0 : i32
        %dma_start3A_105 = tpu.memref_slice %arg15[%dma_start3A_104] : memref<1016xi32, #tpu.memory_space<vmem>> -> memref<1000xi32, #tpu.memory_space<vmem>>
        %dma_start3A_106 = tpu.memref_slice %arg5[%multiple_of3A] : memref<160000xi32, #tpu.memory_space<hbm>> -> memref<1000xi32, #tpu.memory_space<hbm>>
        tpu.enqueue_dma source(%dma_start3A_106 : memref<1000xi32, #tpu.memory_space<hbm>>) target(%dma_start3A_105 : memref<1000xi32, #tpu.memory_space<vmem>>) target_semaphore(%run_scoped3A : memref<!tpu.dma_semaphore, #tpu.memory_space<semaphore_mem>>)
        %dma_wait3A = arith.constant 0 : i32
        %dma_wait3A_107 = tpu.memref_slice %arg15[%dma_wait3A] : memref<1016xi32, #tpu.memory_space<vmem>> -> memref<1000xi32, #tpu.memory_space<vmem>>
        %dma_wait3A_108 = tpu.memref_slice %arg5[%multiple_of3A] : memref<160000xi32, #tpu.memory_space<hbm>> -> memref<1000xi32, #tpu.memory_space<hbm>>
        %dma_wait3A_109 = arith.constant 0 : i32
        %dma_wait3A_110 = tpu.memref_slice %arg15[%dma_wait3A_109] : memref<1016xi32, #tpu.memory_space<vmem>> -> memref<1000xi32, #tpu.memory_space<vmem>>
        %dma_wait3A_111 = tpu.memref_slice %arg5[%multiple_of3A] : memref<160000xi32, #tpu.memory_space<hbm>> -> memref<1000xi32, #tpu.memory_space<hbm>>
        tpu.wait_dma2 semaphore(%run_scoped3A : memref<!tpu.dma_semaphore, #tpu.memory_space<semaphore_mem>>) src(%dma_wait3A_111 : memref<1000xi32, #tpu.memory_space<hbm>>) dst(%dma_wait3A_110 : memref<1000xi32, #tpu.memory_space<vmem>>)
        tpu.yield
      }) : () -> ()
      "tpu.region"() ({
        %run_scoped3A = tpu.sem_alloc : memref<!tpu.dma_semaphore, #tpu.memory_space<semaphore_mem>>
        %dma_start3A = tpu.memref_slice %arg6[%multiple_of3A] : memref<160000xi32, #tpu.memory_space<hbm>> -> memref<1000xi32, #tpu.memory_space<hbm>>
        %dma_start3A_102 = tpu.memref_slice %arg6[%multiple_of3A] : memref<160000xi32, #tpu.memory_space<hbm>> -> memref<1000xi32, #tpu.memory_space<hbm>>
        tpu.enqueue_dma source(%dma_start3A_102 : memref<1000xi32, #tpu.memory_space<hbm>>) target(%arg16 : memref<1000xi32, #tpu.memory_space<vmem>>) target_semaphore(%run_scoped3A : memref<!tpu.dma_semaphore, #tpu.memory_space<semaphore_mem>>)
        %dma_wait3A = tpu.memref_slice %arg6[%multiple_of3A] : memref<160000xi32, #tpu.memory_space<hbm>> -> memref<1000xi32, #tpu.memory_space<hbm>>
        %dma_wait3A_103 = tpu.memref_slice %arg6[%multiple_of3A] : memref<160000xi32, #tpu.memory_space<hbm>> -> memref<1000xi32, #tpu.memory_space<hbm>>
        tpu.wait_dma2 semaphore(%run_scoped3A : memref<!tpu.dma_semaphore, #tpu.memory_space<semaphore_mem>>) src(%dma_wait3A_103 : memref<1000xi32, #tpu.memory_space<hbm>>) dst(%arg16 : memref<1000xi32, #tpu.memory_space<vmem>>)
        tpu.yield
      }) : () -> ()
      "tpu.region"() ({
        %run_scoped3A = tpu.sem_alloc : memref<!tpu.dma_semaphore, #tpu.memory_space<semaphore_mem>>
        %dma_start3A = arith.constant 0 : i32
        %dma_start3A_102 = tpu.memref_slice %arg17[%dma_start3A] : memref<1016xf32, #tpu.memory_space<vmem>> -> memref<1000xf32, #tpu.memory_space<vmem>>
        %dma_start3A_103 = tpu.memref_slice %arg7[%multiple_of3A] : memref<160000xf32, #tpu.memory_space<hbm>> -> memref<1000xf32, #tpu.memory_space<hbm>>
        %dma_start3A_104 = arith.constant 0 : i32
        %dma_start3A_105 = tpu.memref_slice %arg17[%dma_start3A_104] : memref<1016xf32, #tpu.memory_space<vmem>> -> memref<1000xf32, #tpu.memory_space<vmem>>
        %dma_start3A_106 = tpu.memref_slice %arg7[%multiple_of3A] : memref<160000xf32, #tpu.memory_space<hbm>> -> memref<1000xf32, #tpu.memory_space<hbm>>
        tpu.enqueue_dma source(%dma_start3A_106 : memref<1000xf32, #tpu.memory_space<hbm>>) target(%dma_start3A_105 : memref<1000xf32, #tpu.memory_space<vmem>>) target_semaphore(%run_scoped3A : memref<!tpu.dma_semaphore, #tpu.memory_space<semaphore_mem>>)
        %dma_wait3A = arith.constant 0 : i32
        %dma_wait3A_107 = tpu.memref_slice %arg17[%dma_wait3A] : memref<1016xf32, #tpu.memory_space<vmem>> -> memref<1000xf32, #tpu.memory_space<vmem>>
        %dma_wait3A_108 = tpu.memref_slice %arg7[%multiple_of3A] : memref<160000xf32, #tpu.memory_space<hbm>> -> memref<1000xf32, #tpu.memory_space<hbm>>
        %dma_wait3A_109 = arith.constant 0 : i32
        %dma_wait3A_110 = tpu.memref_slice %arg17[%dma_wait3A_109] : memref<1016xf32, #tpu.memory_space<vmem>> -> memref<1000xf32, #tpu.memory_space<vmem>>
        %dma_wait3A_111 = tpu.memref_slice %arg7[%multiple_of3A] : memref<160000xf32, #tpu.memory_space<hbm>> -> memref<1000xf32, #tpu.memory_space<hbm>>
        tpu.wait_dma2 semaphore(%run_scoped3A : memref<!tpu.dma_semaphore, #tpu.memory_space<semaphore_mem>>) src(%dma_wait3A_111 : memref<1000xf32, #tpu.memory_space<hbm>>) dst(%dma_wait3A_110 : memref<1000xf32, #tpu.memory_space<vmem>>)
        tpu.yield
      }) : () -> ()
      %scan3A_94 = arith.constant 0 : i32
      %scan3A_95 = arith.constant 0 : i32
      %scan3A_96 = arith.constant 25 : i32
      %scan3A_97 = arith.addi %scan3A_95, %scan3A_96 : i32
      %scan3A_98 = arith.constant 1 : i32
      %scan3A_99 = scf.for %scan3A_102 = %scan3A_95 to %scan3A_97 step %scan3A_98 iter_args(%scan3A_103 = %scan3A_94) -> (i32)  : i32 {
        %mul3A_104 = arith.constant 40 : i32
        %mul3A_105 = arith.muli %scan3A_102, %mul3A_104 : i32
        %add3A_106 = arith.constant 0 : i32
        %add3A_107 = arith.addi %mul3A_105, %add3A_106 : i32
        %get3A = arith.index_cast %add3A_107 : i32 to index
        %get3A_108 = tpu.vector_load %arg15[%get3A] {strides = array<i32>} : memref<1016xi32, #tpu.memory_space<vmem>>, vector<16xi32>,
        %get3A_109 = vector.shape_cast %get3A_108 : vector<16xi32> to vector<16xi32>
        %sub3A = vector.broadcast %mul3A_0 : i32 to vector<16xi32>
        %sub3A_110 = arith.subi %get3A_109, %sub3A : vector<16xi32>
        %ge3A = arith.constant 0 : i32
        %ge3A_111 = vector.broadcast %ge3A : i32 to vector<16xi32>
        %ge3A_112 = arith.cmpi sge, %sub3A_110, %ge3A_111 : vector<16xi32>
        %lt3A_113 = arith.constant 5000 : i32
        %lt3A_114 = vector.broadcast %lt3A_113 : i32 to vector<16xi32>
        %lt3A_115 = arith.cmpi slt, %sub3A_110, %lt3A_114 : vector<16xi32>
        %and3A = arith.andi %ge3A_112, %lt3A_115 : vector<16xi1>
        %jit3A = arith.constant 5000 : i32
        %broadcast_in_dim3A_116 = vector.broadcast %jit3A : i32 to vector<16xi32>
        %select_n3A = arith.select %and3A, %sub3A_110, %broadcast_in_dim3A_116 : vector<16xi1>, vector<16xi32>
        %shift_right_logical3A = arith.constant 2 : i32
        %shift_right_logical3A_117 = vector.broadcast %shift_right_logical3A : i32 to vector<16xi32>
        %shift_right_logical3A_118 = arith.shrui %select_n3A, %shift_right_logical3A_117 : vector<16xi32>
        %swap3A_119 = arith.constant 0 : index
        %swap3A_120 = tpu.vector_load %arg18[%swap3A_119] {strides = array<i32>} : memref<40xi32, #tpu.memory_space<vmem>>, vector<16xi32>,
        %swap3A_121 = vector.shape_cast %swap3A_120 : vector<16xi32> to vector<16xi32>
        %swap3A_122 = vector.shape_cast %shift_right_logical3A_118 : vector<16xi32> to vector<16xi32>
        tpu.vector_store %arg18[%swap3A_119], %swap3A_122 {strides = array<i32>} : memref<40xi32, #tpu.memory_space<vmem>>, vector<16xi32>,
        %add3A_123 = arith.constant 16 : i32
        %add3A_124 = arith.addi %mul3A_105, %add3A_123 : i32
        %get3A_125 = arith.index_cast %add3A_124 : i32 to index
        %get3A_126 = tpu.vector_load %arg15[%get3A_125] {strides = array<i32>} : memref<1016xi32, #tpu.memory_space<vmem>>, vector<16xi32>,
        %get3A_127 = vector.shape_cast %get3A_126 : vector<16xi32> to vector<16xi32>
        %sub3A_128 = vector.broadcast %mul3A_0 : i32 to vector<16xi32>
        %sub3A_129 = arith.subi %get3A_127, %sub3A_128 : vector<16xi32>
        %ge3A_130 = arith.constant 0 : i32
        %ge3A_131 = vector.broadcast %ge3A_130 : i32 to vector<16xi32>
        %ge3A_132 = arith.cmpi sge, %sub3A_129, %ge3A_131 : vector<16xi32>
        %lt3A_133 = arith.constant 5000 : i32
        %lt3A_134 = vector.broadcast %lt3A_133 : i32 to vector<16xi32>
        %lt3A_135 = arith.cmpi slt, %sub3A_129, %lt3A_134 : vector<16xi32>
        %and3A_136 = arith.andi %ge3A_132, %lt3A_135 : vector<16xi1>
        %jit3A_137 = arith.constant 5000 : i32
        %broadcast_in_dim3A_138 = vector.broadcast %jit3A_137 : i32 to vector<16xi32>
        %select_n3A_139 = arith.select %and3A_136, %sub3A_129, %broadcast_in_dim3A_138 : vector<16xi1>, vector<16xi32>
        %shift_right_logical3A_140 = arith.constant 2 : i32
        %shift_right_logical3A_141 = vector.broadcast %shift_right_logical3A_140 : i32 to vector<16xi32>
        %shift_right_logical3A_142 = arith.shrui %select_n3A_139, %shift_right_logical3A_141 : vector<16xi32>
        %swap3A_143 = arith.constant 16 : index
        %swap3A_144 = tpu.vector_load %arg18[%swap3A_143] {strides = array<i32>} : memref<40xi32, #tpu.memory_space<vmem>>, vector<16xi32>,
        %swap3A_145 = vector.shape_cast %swap3A_144 : vector<16xi32> to vector<16xi32>
        %swap3A_146 = vector.shape_cast %shift_right_logical3A_142 : vector<16xi32> to vector<16xi32>
        tpu.vector_store %arg18[%swap3A_143], %swap3A_146 {strides = array<i32>} : memref<40xi32, #tpu.memory_space<vmem>>, vector<16xi32>,
        %add3A_147 = arith.constant 24 : i32
        %add3A_148 = arith.addi %mul3A_105, %add3A_147 : i32
        %get3A_149 = arith.index_cast %add3A_148 : i32 to index
        %get3A_150 = tpu.vector_load %arg15[%get3A_149] {strides = array<i32>} : memref<1016xi32, #tpu.memory_space<vmem>>, vector<16xi32>,
        %get3A_151 = vector.shape_cast %get3A_150 : vector<16xi32> to vector<16xi32>
        %sub3A_152 = vector.broadcast %mul3A_0 : i32 to vector<16xi32>
        %sub3A_153 = arith.subi %get3A_151, %sub3A_152 : vector<16xi32>
        %ge3A_154 = arith.constant 0 : i32
        %ge3A_155 = vector.broadcast %ge3A_154 : i32 to vector<16xi32>
        %ge3A_156 = arith.cmpi sge, %sub3A_153, %ge3A_155 : vector<16xi32>
        %lt3A_157 = arith.constant 5000 : i32
        %lt3A_158 = vector.broadcast %lt3A_157 : i32 to vector<16xi32>
        %lt3A_159 = arith.cmpi slt, %sub3A_153, %lt3A_158 : vector<16xi32>
        %and3A_160 = arith.andi %ge3A_156, %lt3A_159 : vector<16xi1>
        %jit3A_161 = arith.constant 5000 : i32
        %broadcast_in_dim3A_162 = vector.broadcast %jit3A_161 : i32 to vector<16xi32>
        %select_n3A_163 = arith.select %and3A_160, %sub3A_153, %broadcast_in_dim3A_162 : vector<16xi1>, vector<16xi32>
        %shift_right_logical3A_164 = arith.constant 2 : i32
        %shift_right_logical3A_165 = vector.broadcast %shift_right_logical3A_164 : i32 to vector<16xi32>
        %shift_right_logical3A_166 = arith.shrui %select_n3A_163, %shift_right_logical3A_165 : vector<16xi32>
        %swap3A_167 = arith.constant 24 : index
        %swap3A_168 = tpu.vector_load %arg18[%swap3A_167] {strides = array<i32>} : memref<40xi32, #tpu.memory_space<vmem>>, vector<16xi32>,
        %swap3A_169 = vector.shape_cast %swap3A_168 : vector<16xi32> to vector<16xi32>
        %swap3A_170 = vector.shape_cast %shift_right_logical3A_166 : vector<16xi32> to vector<16xi32>
        tpu.vector_store %arg18[%swap3A_167], %swap3A_170 {strides = array<i32>} : memref<40xi32, #tpu.memory_space<vmem>>, vector<16xi32>,
        %dma_start3A = tpu.memref_slice %arg15[%mul3A_105] : memref<1016xi32, #tpu.memory_space<vmem>> -> memref<40xi32, #tpu.memory_space<vmem>>
        %dma_start3A_171 = arith.constant 0 : i32
        %dma_start3A_172 = arith.constant 0 : i32
        %dma_start3A_173 = tpu.memref_slice %arg2[%dma_start3A_171, %dma_start3A_172] : memref<10000x1024xf32, #tpu.memory_space<hbm>> -> memref<10000x1024xf32, #tpu.memory_space<hbm>>
        tpu.enqueue_indirect_dma source(%dma_start3A_173 : memref<10000x1024xf32, #tpu.memory_space<hbm>>) target(%arg12 : memref<40x1024xf32, #tpu.memory_space<vmem>>) offsets(%dma_start3A : memref<40xi32, #tpu.memory_space<vmem>>) semaphore(%arg23 : memref<!tpu.dma_semaphore, #tpu.memory_space<semaphore_mem>>)
        %dma_start3A_174 = tpu.memref_slice %arg16[%mul3A_105] : memref<1000xi32, #tpu.memory_space<vmem>> -> memref<40xi32, #tpu.memory_space<vmem>>
        %dma_start3A_175 = arith.constant 0 : i32
        %dma_start3A_176 = arith.constant 0 : i32
        %dma_start3A_177 = tpu.memref_slice %arg3[%dma_start3A_175, %dma_start3A_176] : memref<10000x1024xf32, #tpu.memory_space<hbm>> -> memref<10000x1024xf32, #tpu.memory_space<hbm>>
        tpu.enqueue_indirect_dma source(%dma_start3A_177 : memref<10000x1024xf32, #tpu.memory_space<hbm>>) target(%arg13 : memref<40x1024xf32, #tpu.memory_space<vmem>>) offsets(%dma_start3A_174 : memref<40xi32, #tpu.memory_space<vmem>>) semaphore(%arg24 : memref<!tpu.dma_semaphore, #tpu.memory_space<semaphore_mem>>)
        %dma_start3A_178 = tpu.memref_slice %arg15[%mul3A_105] : memref<1016xi32, #tpu.memory_space<vmem>> -> memref<40xi32, #tpu.memory_space<vmem>>
        %dma_start3A_179 = arith.constant 0 : i32
        %dma_start3A_180 = arith.constant 0 : i32
        %dma_start3A_181 = tpu.memref_slice %arg4[%dma_start3A_179, %dma_start3A_180] : memref<10000x128xf32, #tpu.memory_space<hbm>> -> memref<10000x128xf32, #tpu.memory_space<hbm>>
        tpu.enqueue_indirect_dma source(%dma_start3A_181 : memref<10000x128xf32, #tpu.memory_space<hbm>>) target(%arg14 : memref<40x128xf32, #tpu.memory_space<vmem>>) offsets(%dma_start3A_178 : memref<40xi32, #tpu.memory_space<vmem>>) semaphore(%arg25 : memref<!tpu.dma_semaphore, #tpu.memory_space<semaphore_mem>>)
        %dma_wait3A = tpu.memref_slice %arg15[%mul3A_105] : memref<1016xi32, #tpu.memory_space<vmem>> -> memref<40xi32, #tpu.memory_space<vmem>>
        %dma_wait3A_182 = arith.constant 0 : i32
        %dma_wait3A_183 = arith.constant 0 : i32
        %dma_wait3A_184 = tpu.memref_slice %arg2[%dma_wait3A_182, %dma_wait3A_183] : memref<10000x1024xf32, #tpu.memory_space<hbm>> -> memref<10000x1024xf32, #tpu.memory_space<hbm>>
        tpu.wait_indirect_dma semaphore(%arg23 : memref<!tpu.dma_semaphore, #tpu.memory_space<semaphore_mem>>) src(%dma_wait3A_184 : memref<10000x1024xf32, #tpu.memory_space<hbm>>) dst(%arg12 : memref<40x1024xf32, #tpu.memory_space<vmem>>)
        %dma_wait3A_185 = tpu.memref_slice %arg16[%mul3A_105] : memref<1000xi32, #tpu.memory_space<vmem>> -> memref<40xi32, #tpu.memory_space<vmem>>
        %dma_wait3A_186 = arith.constant 0 : i32
        %dma_wait3A_187 = arith.constant 0 : i32
        %dma_wait3A_188 = tpu.memref_slice %arg3[%dma_wait3A_186, %dma_wait3A_187] : memref<10000x1024xf32, #tpu.memory_space<hbm>> -> memref<10000x1024xf32, #tpu.memory_space<hbm>>
        tpu.wait_indirect_dma semaphore(%arg24 : memref<!tpu.dma_semaphore, #tpu.memory_space<semaphore_mem>>) src(%dma_wait3A_188 : memref<10000x1024xf32, #tpu.memory_space<hbm>>) dst(%arg13 : memref<40x1024xf32, #tpu.memory_space<vmem>>)
        %dma_wait3A_189 = tpu.memref_slice %arg15[%mul3A_105] : memref<1016xi32, #tpu.memory_space<vmem>> -> memref<40xi32, #tpu.memory_space<vmem>>
        %dma_wait3A_190 = arith.constant 0 : i32
        %dma_wait3A_191 = arith.constant 0 : i32
        %dma_wait3A_192 = tpu.memref_slice %arg4[%dma_wait3A_190, %dma_wait3A_191] : memref<10000x128xf32, #tpu.memory_space<hbm>> -> memref<10000x128xf32, #tpu.memory_space<hbm>>
        tpu.wait_indirect_dma semaphore(%arg25 : memref<!tpu.dma_semaphore, #tpu.memory_space<semaphore_mem>>) src(%dma_wait3A_192 : memref<10000x128xf32, #tpu.memory_space<hbm>>) dst(%arg14 : memref<40x128xf32, #tpu.memory_space<vmem>>)
        %scan3A_193 = arith.constant 0 : i32
        %scan3A_194 = arith.constant 0 : i32
        %scan3A_195 = arith.constant 40 : i32
        %scan3A_196 = arith.addi %scan3A_194, %scan3A_195 : i32
        %scan3A_197 = arith.constant 1 : i32
        %scan3A_198 = scf.for %scan3A_201 = %scan3A_194 to %scan3A_196 step %scan3A_197 iter_args(%scan3A_202 = %scan3A_193) -> (i32)  : i32 {
          %add3A_203 = arith.addi %mul3A_105, %scan3A_201 : i32
          %get3A_204 = arith.index_cast %add3A_203 : i32 to index
          %get3A_205 = tpu.vector_load %arg15[%get3A_204] {strides = array<i32>} : memref<1016xi32, #tpu.memory_space<vmem>>, vector<16xi32>,
          %get3A_206 = vector.shape_cast %get3A_205 : vector<16xi32> to vector<16xi32>
          %sub3A_207 = vector.broadcast %mul3A_0 : i32 to vector<16xi32>
          %sub3A_208 = arith.subi %get3A_206, %sub3A_207 : vector<16xi32>
          %slice3A = vector.extract_strided_slice %sub3A_208 {offsets = [0], sizes = [1], strides = [1]} : vector<16xi32> to vector<1xi32>
          %squeeze3A = vector.extract %slice3A[0] : i32 from vector<1xi32>
          %ge3A_209 = arith.constant 0 : i32
          %ge3A_210 = arith.cmpi sge, %squeeze3A, %ge3A_209 : i32
          %lt3A_211 = arith.constant 5000 : i32
          %lt3A_212 = arith.cmpi slt, %squeeze3A, %lt3A_211 : i32
          %and3A_213 = arith.andi %ge3A_210, %lt3A_212 : i1
          %convert_element_type3A_214 = arith.extui %and3A_213 : i1 to i32
          %cond3A_215 = arith.constant 0 : i32
          %cond3A_216 = arith.cmpi ne, %convert_element_type3A_214, %cond3A_215 : i32
          scf.if %cond3A_216 {
            %get3A_218 = arith.index_cast %scan3A_201 : i32 to index
            %get3A_219 = arith.constant 0 : index
            %get3A_220 = tpu.vector_load %arg14[%get3A_218, %get3A_219] {strides = array<i32>} : memref<40x128xf32, #tpu.memory_space<vmem>>, vector<1x16xf32>,
            %get3A_221 = vector.shape_cast %get3A_220 : vector<1x16xf32> to vector<16xf32>
            %get3A_222 = arith.index_cast %scan3A_201 : i32 to index
            %get3A_223 = arith.constant 16 : index
            %get3A_224 = tpu.vector_load %arg14[%get3A_222, %get3A_223] {strides = array<i32>} : memref<40x128xf32, #tpu.memory_space<vmem>>, vector<1x16xf32>,
            %get3A_225 = vector.shape_cast %get3A_224 : vector<1x16xf32> to vector<16xf32>
            %add3A_226 = arith.addi %mul3A_105, %scan3A_201 : i32
            %get3A_227 = arith.index_cast %add3A_226 : i32 to index
            %get3A_228 = tpu.vector_load %arg17[%get3A_227] {strides = array<i32>} : memref<1016xf32, #tpu.memory_space<vmem>>, vector<16xf32>,
            %get3A_229 = vector.shape_cast %get3A_228 : vector<16xf32> to vector<16xf32>
            %div3A = arith.constant 2.812500e-02 : f32
            %div3A_230 = vector.broadcast %div3A : f32 to vector<16xf32>
            %div3A_231 = arith.divf %div3A_230, %get3A_229 : vector<16xf32>
            %slice3A_232 = vector.extract_strided_slice %div3A_231 {offsets = [0], sizes = [1], strides = [1]} : vector<16xf32> to vector<1xf32>
            %squeeze3A_233 = vector.extract %slice3A_232[0] : f32 from vector<1xf32>
            %and3A_234 = arith.constant 3 : i32
            %and3A_235 = vector.broadcast %and3A_234 : i32 to vector<16xi32>
            %and3A_236 = arith.andi %sub3A_208, %and3A_235 : vector<16xi32>
            %mul3A_237 = arith.constant 32 : i32
            %mul3A_238 = vector.broadcast %mul3A_237 : i32 to vector<16xi32>
            %mul3A_239 = arith.muli %and3A_236, %mul3A_238 : vector<16xi32>
            %slice3A_240 = vector.extract_strided_slice %mul3A_239 {offsets = [0], sizes = [1], strides = [1]} : vector<16xi32> to vector<1xi32>
            %squeeze3A_241 = vector.extract %slice3A_240[0] : i32 from vector<1xi32>
            %broadcast_in_dim3A_242 = arith.constant 0.000000e+00 : f32
            %broadcast_in_dim3A_243 = vector.broadcast %broadcast_in_dim3A_242 : f32 to vector<16xf32>
            %broadcast_in_dim3A_244 = arith.constant 0.000000e+00 : f32
            %broadcast_in_dim3A_245 = vector.broadcast %broadcast_in_dim3A_244 : f32 to vector<16xf32>
            %slice3A_246 = vector.extract_strided_slice %get3A_221 {offsets = [0], sizes = [1], strides = [1]} : vector<16xf32> to vector<1xf32>
            %squeeze3A_247 = vector.extract %slice3A_246[0] : f32 from vector<1xf32>
            %get3A_248 = arith.index_cast %scan3A_201 : i32 to index
            %get3A_249 = arith.constant 0 : index
            %get3A_250 = tpu.vector_load %arg12[%get3A_248, %get3A_249] {strides = array<i32>} : memref<40x1024xf32, #tpu.memory_space<vmem>>, vector<1x16xf32>,
            %get3A_251 = vector.shape_cast %get3A_250 : vector<1x16xf32> to vector<16xf32>
            %get3A_252 = arith.index_cast %scan3A_201 : i32 to index
            %get3A_253 = arith.constant 0 : index
            %get3A_254 = tpu.vector_load %arg13[%get3A_252, %get3A_253] {strides = array<i32>} : memref<40x1024xf32, #tpu.memory_space<vmem>>, vector<1x16xf32>,
            %get3A_255 = vector.shape_cast %get3A_254 : vector<1x16xf32> to vector<16xf32>
            %add3A_256 = arith.addf %get3A_251, %get3A_255 : vector<16xf32>
            %max3A = arith.constant -4.200000e+00 : f32
            %max3A_257 = vector.broadcast %max3A : f32 to vector<16xf32>
            %max3A_258 = arith.maximumf %add3A_256, %max3A_257 : vector<16xf32>
            %min3A = arith.constant 4.200000e+00 : f32
            %min3A_259 = vector.broadcast %min3A : f32 to vector<16xf32>
            %min3A_260 = arith.minimumf %max3A_258, %min3A_259 : vector<16xf32>
            %mul3A_261 = arith.mulf %min3A_260, %min3A_260 : vector<16xf32>
            %mul3A_262 = arith.constant 5.701380e-09 : f32
            %mul3A_263 = vector.broadcast %mul3A_262 : f32 to vector<16xf32>
            %mul3A_264 = arith.mulf %mul3A_263, %mul3A_261 : vector<16xf32>
            %add3A_265 = arith.constant -4.54547461E-7 : f32
            %add3A_266 = vector.broadcast %add3A_265 : f32 to vector<16xf32>
            %add3A_267 = arith.addf %mul3A_264, %add3A_266 : vector<16xf32>
            %mul3A_268 = arith.mulf %add3A_267, %mul3A_261 : vector<16xf32>
            %add3A_269 = arith.constant 1.52370731E-5 : f32
            %add3A_270 = vector.broadcast %add3A_269 : f32 to vector<16xf32>
            %add3A_271 = arith.addf %mul3A_268, %add3A_270 : vector<16xf32>
            %mul3A_272 = arith.mulf %add3A_271, %mul3A_261 : vector<16xf32>
            %add3A_273 = arith.constant -2.8012236E-4 : f32
            %add3A_274 = vector.broadcast %add3A_273 : f32 to vector<16xf32>
            %add3A_275 = arith.addf %mul3A_272, %add3A_274 : vector<16xf32>
            %mul3A_276 = arith.mulf %add3A_275, %mul3A_261 : vector<16xf32>
            %add3A_277 = arith.constant 0.00310155516 : f32
            %add3A_278 = vector.broadcast %add3A_277 : f32 to vector<16xf32>
            %add3A_279 = arith.addf %mul3A_276, %add3A_278 : vector<16xf32>
            %mul3A_280 = arith.mulf %add3A_279, %mul3A_261 : vector<16xf32>
            %add3A_281 = arith.constant -0.0215865858 : f32
            %add3A_282 = vector.broadcast %add3A_281 : f32 to vector<16xf32>
            %add3A_283 = arith.addf %mul3A_280, %add3A_282 : vector<16xf32>
            %mul3A_284 = arith.mulf %add3A_283, %mul3A_261 : vector<16xf32>
            %add3A_285 = arith.constant 0.098000586 : f32
            %add3A_286 = vector.broadcast %add3A_285 : f32 to vector<16xf32>
            %add3A_287 = arith.addf %mul3A_284, %add3A_286 : vector<16xf32>
            %mul3A_288 = arith.mulf %add3A_287, %mul3A_261 : vector<16xf32>
            %add3A_289 = arith.constant -0.31612426 : f32
            %add3A_290 = vector.broadcast %add3A_289 : f32 to vector<16xf32>
            %add3A_291 = arith.addf %mul3A_288, %add3A_290 : vector<16xf32>
            %mul3A_292 = arith.mulf %add3A_291, %mul3A_261 : vector<16xf32>
            %add3A_293 = arith.constant 0.998486995 : f32
            %add3A_294 = vector.broadcast %add3A_293 : f32 to vector<16xf32>
            %add3A_295 = arith.addf %mul3A_292, %add3A_294 : vector<16xf32>
            %mul3A_296 = arith.mulf %min3A_260, %add3A_295 : vector<16xf32>
            %mul3A_297 = vector.broadcast %squeeze3A_247 : f32 to vector<16xf32>
            %mul3A_298 = arith.mulf %mul3A_297, %mul3A_296 : vector<16xf32>
            %add3A_299 = arith.addf %broadcast_in_dim3A_243, %mul3A_298 : vector<16xf32>
            %get3A_300 = arith.index_cast %scan3A_201 : i32 to index
            %get3A_301 = arith.constant 16 : index
            %get3A_302 = tpu.vector_load %arg12[%get3A_300, %get3A_301] {strides = array<i32>} : memref<40x1024xf32, #tpu.memory_space<vmem>>, vector<1x16xf32>,
            %get3A_303 = vector.shape_cast %get3A_302 : vector<1x16xf32> to vector<16xf32>
            %get3A_304 = arith.index_cast %scan3A_201 : i32 to index
            %get3A_305 = arith.constant 16 : index
            %get3A_306 = tpu.vector_load %arg13[%get3A_304, %get3A_305] {strides = array<i32>} : memref<40x1024xf32, #tpu.memory_space<vmem>>, vector<1x16xf32>,
            %get3A_307 = vector.shape_cast %get3A_306 : vector<1x16xf32> to vector<16xf32>
            %add3A_308 = arith.addf %get3A_303, %get3A_307 : vector<16xf32>
            %max3A_309 = arith.constant -4.200000e+00 : f32
            %max3A_310 = vector.broadcast %max3A_309 : f32 to vector<16xf32>
            %max3A_311 = arith.maximumf %add3A_308, %max3A_310 : vector<16xf32>
            %min3A_312 = arith.constant 4.200000e+00 : f32
            %min3A_313 = vector.broadcast %min3A_312 : f32 to vector<16xf32>
            %min3A_314 = arith.minimumf %max3A_311, %min3A_313 : vector<16xf32>
            %mul3A_315 = arith.mulf %min3A_314, %min3A_314 : vector<16xf32>
            %mul3A_316 = arith.constant 5.701380e-09 : f32
            %mul3A_317 = vector.broadcast %mul3A_316 : f32 to vector<16xf32>
            %mul3A_318 = arith.mulf %mul3A_317, %mul3A_315 : vector<16xf32>
            %add3A_319 = arith.constant -4.54547461E-7 : f32
            %add3A_320 = vector.broadcast %add3A_319 : f32 to vector<16xf32>
            %add3A_321 = arith.addf %mul3A_318, %add3A_320 : vector<16xf32>
            %mul3A_322 = arith.mulf %add3A_321, %mul3A_315 : vector<16xf32>
            %add3A_323 = arith.constant 1.52370731E-5 : f32
            %add3A_324 = vector.broadcast %add3A_323 : f32 to vector<16xf32>
            %add3A_325 = arith.addf %mul3A_322, %add3A_324 : vector<16xf32>
            %mul3A_326 = arith.mulf %add3A_325, %mul3A_315 : vector<16xf32>
            %add3A_327 = arith.constant -2.8012236E-4 : f32
            %add3A_328 = vector.broadcast %add3A_327 : f32 to vector<16xf32>
            %add3A_329 = arith.addf %mul3A_326, %add3A_328 : vector<16xf32>
            %mul3A_330 = arith.mulf %add3A_329, %mul3A_315 : vector<16xf32>
            %add3A_331 = arith.constant 0.00310155516 : f32
            %add3A_332 = vector.broadcast %add3A_331 : f32 to vector<16xf32>
            %add3A_333 = arith.addf %mul3A_330, %add3A_332 : vector<16xf32>
            %mul3A_334 = arith.mulf %add3A_333, %mul3A_315 : vector<16xf32>
            %add3A_335 = arith.constant -0.0215865858 : f32
            %add3A_336 = vector.broadcast %add3A_335 : f32 to vector<16xf32>
            %add3A_337 = arith.addf %mul3A_334, %add3A_336 : vector<16xf32>
            %mul3A_338 = arith.mulf %add3A_337, %mul3A_315 : vector<16xf32>
            %add3A_339 = arith.constant 0.098000586 : f32
            %add3A_340 = vector.broadcast %add3A_339 : f32 to vector<16xf32>
            %add3A_341 = arith.addf %mul3A_338, %add3A_340 : vector<16xf32>
            %mul3A_342 = arith.mulf %add3A_341, %mul3A_315 : vector<16xf32>
            %add3A_343 = arith.constant -0.31612426 : f32
            %add3A_344 = vector.broadcast %add3A_343 : f32 to vector<16xf32>
            %add3A_345 = arith.addf %mul3A_342, %add3A_344 : vector<16xf32>
            %mul3A_346 = arith.mulf %add3A_345, %mul3A_315 : vector<16xf32>
            %add3A_347 = arith.constant 0.998486995 : f32
            %add3A_348 = vector.broadcast %add3A_347 : f32 to vector<16xf32>
            %add3A_349 = arith.addf %mul3A_346, %add3A_348 : vector<16xf32>
            %mul3A_350 = arith.mulf %min3A_314, %add3A_349 : vector<16xf32>
            %mul3A_351 = vector.broadcast %squeeze3A_247 : f32 to vector<16xf32>
            %mul3A_352 = arith.mulf %mul3A_351, %mul3A_350 : vector<16xf32>
            %add3A_353 = arith.addf %broadcast_in_dim3A_245, %mul3A_352 : vector<16xf32>
            %slice3A_354 = vector.extract_strided_slice %get3A_221 {offsets = [1], sizes = [1], strides = [1]} : vector<16xf32> to vector<1xf32>
            %squeeze3A_355 = vector.extract %slice3A_354[0] : f32 from vector<1xf32>
            %get3A_356 = arith.index_cast %scan3A_201 : i32 to index
            %get3A_357 = arith.constant 32 : index
            %get3A_358 = tpu.vector_load %arg12[%get3A_356, %get3A_357] {strides = array<i32>} : memref<40x1024xf32, #tpu.memory_space<vmem>>, vector<1x16xf32>,
            %get3A_359 = vector.shape_cast %get3A_358 : vector<1x16xf32> to vector<16xf32>
            %get3A_360 = arith.index_cast %scan3A_201 : i32 to index
            %get3A_361 = arith.constant 32 : index
            %get3A_362 = tpu.vector_load %arg13[%get3A_360, %get3A_361] {strides = array<i32>} : memref<40x1024xf32, #tpu.memory_space<vmem>>, vector<1x16xf32>,
            %get3A_363 = vector.shape_cast %get3A_362 : vector<1x16xf32> to vector<16xf32>
            %add3A_364 = arith.addf %get3A_359, %get3A_363 : vector<16xf32>
            %max3A_365 = arith.constant -4.200000e+00 : f32
            %max3A_366 = vector.broadcast %max3A_365 : f32 to vector<16xf32>
            %max3A_367 = arith.maximumf %add3A_364, %max3A_366 : vector<16xf32>
            %min3A_368 = arith.constant 4.200000e+00 : f32
            %min3A_369 = vector.broadcast %min3A_368 : f32 to vector<16xf32>
            %min3A_370 = arith.minimumf %max3A_367, %min3A_369 : vector<16xf32>
            %mul3A_371 = arith.mulf %min3A_370, %min3A_370 : vector<16xf32>
            %mul3A_372 = arith.constant 5.701380e-09 : f32
            %mul3A_373 = vector.broadcast %mul3A_372 : f32 to vector<16xf32>
            %mul3A_374 = arith.mulf %mul3A_373, %mul3A_371 : vector<16xf32>
            %add3A_375 = arith.constant -4.54547461E-7 : f32
            %add3A_376 = vector.broadcast %add3A_375 : f32 to vector<16xf32>
            %add3A_377 = arith.addf %mul3A_374, %add3A_376 : vector<16xf32>
            %mul3A_378 = arith.mulf %add3A_377, %mul3A_371 : vector<16xf32>
            %add3A_379 = arith.constant 1.52370731E-5 : f32
            %add3A_380 = vector.broadcast %add3A_379 : f32 to vector<16xf32>
            %add3A_381 = arith.addf %mul3A_378, %add3A_380 : vector<16xf32>
            %mul3A_382 = arith.mulf %add3A_381, %mul3A_371 : vector<16xf32>
            %add3A_383 = arith.constant -2.8012236E-4 : f32
            %add3A_384 = vector.broadcast %add3A_383 : f32 to vector<16xf32>
            %add3A_385 = arith.addf %mul3A_382, %add3A_384 : vector<16xf32>
            %mul3A_386 = arith.mulf %add3A_385, %mul3A_371 : vector<16xf32>
            %add3A_387 = arith.constant 0.00310155516 : f32
            %add3A_388 = vector.broadcast %add3A_387 : f32 to vector<16xf32>
            %add3A_389 = arith.addf %mul3A_386, %add3A_388 : vector<16xf32>
            %mul3A_390 = arith.mulf %add3A_389, %mul3A_371 : vector<16xf32>
            %add3A_391 = arith.constant -0.0215865858 : f32
            %add3A_392 = vector.broadcast %add3A_391 : f32 to vector<16xf32>
            %add3A_393 = arith.addf %mul3A_390, %add3A_392 : vector<16xf32>
            %mul3A_394 = arith.mulf %add3A_393, %mul3A_371 : vector<16xf32>
            %add3A_395 = arith.constant 0.098000586 : f32
            %add3A_396 = vector.broadcast %add3A_395 : f32 to vector<16xf32>
            %add3A_397 = arith.addf %mul3A_394, %add3A_396 : vector<16xf32>
            %mul3A_398 = arith.mulf %add3A_397, %mul3A_371 : vector<16xf32>
            %add3A_399 = arith.constant -0.31612426 : f32
            %add3A_400 = vector.broadcast %add3A_399 : f32 to vector<16xf32>
            %add3A_401 = arith.addf %mul3A_398, %add3A_400 : vector<16xf32>
            %mul3A_402 = arith.mulf %add3A_401, %mul3A_371 : vector<16xf32>
            %add3A_403 = arith.constant 0.998486995 : f32
            %add3A_404 = vector.broadcast %add3A_403 : f32 to vector<16xf32>
            %add3A_405 = arith.addf %mul3A_402, %add3A_404 : vector<16xf32>
            %mul3A_406 = arith.mulf %min3A_370, %add3A_405 : vector<16xf32>
            %mul3A_407 = vector.broadcast %squeeze3A_355 : f32 to vector<16xf32>
            %mul3A_408 = arith.mulf %mul3A_407, %mul3A_406 : vector<16xf32>
            %add3A_409 = arith.addf %add3A_299, %mul3A_408 : vector<16xf32>
            %get3A_410 = arith.index_cast %scan3A_201 : i32 to index
            %get3A_411 = arith.constant 48 : index
            %get3A_412 = tpu.vector_load %arg12[%get3A_410, %get3A_411] {strides = array<i32>} : memref<40x1024xf32, #tpu.memory_space<vmem>>, vector<1x16xf32>,
            %get3A_413 = vector.shape_cast %get3A_412 : vector<1x16xf32> to vector<16xf32>
            %get3A_414 = arith.index_cast %scan3A_201 : i32 to index
            %get3A_415 = arith.constant 48 : index
            %get3A_416 = tpu.vector_load %arg13[%get3A_414, %get3A_415] {strides = array<i32>} : memref<40x1024xf32, #tpu.memory_space<vmem>>, vector<1x16xf32>,
            %get3A_417 = vector.shape_cast %get3A_416 : vector<1x16xf32> to vector<16xf32>
            %add3A_418 = arith.addf %get3A_413, %get3A_417 : vector<16xf32>
            %max3A_419 = arith.constant -4.200000e+00 : f32
            %max3A_420 = vector.broadcast %max3A_419 : f32 to vector<16xf32>
            %max3A_421 = arith.maximumf %add3A_418, %max3A_420 : vector<16xf32>
            %min3A_422 = arith.constant 4.200000e+00 : f32
            %min3A_423 = vector.broadcast %min3A_422 : f32 to vector<16xf32>
            %min3A_424 = arith.minimumf %max3A_421, %min3A_423 : vector<16xf32>
            %mul3A_425 = arith.mulf %min3A_424, %min3A_424 : vector<16xf32>
            %mul3A_426 = arith.constant 5.701380e-09 : f32
            %mul3A_427 = vector.broadcast %mul3A_426 : f32 to vector<16xf32>
            %mul3A_428 = arith.mulf %mul3A_427, %mul3A_425 : vector<16xf32>
            %add3A_429 = arith.constant -4.54547461E-7 : f32
            %add3A_430 = vector.broadcast %add3A_429 : f32 to vector<16xf32>
            %add3A_431 = arith.addf %mul3A_428, %add3A_430 : vector<16xf32>
            %mul3A_432 = arith.mulf %add3A_431, %mul3A_425 : vector<16xf32>
            %add3A_433 = arith.constant 1.52370731E-5 : f32
            %add3A_434 = vector.broadcast %add3A_433 : f32 to vector<16xf32>
            %add3A_435 = arith.addf %mul3A_432, %add3A_434 : vector<16xf32>
            %mul3A_436 = arith.mulf %add3A_435, %mul3A_425 : vector<16xf32>
            %add3A_437 = arith.constant -2.8012236E-4 : f32
            %add3A_438 = vector.broadcast %add3A_437 : f32 to vector<16xf32>
            %add3A_439 = arith.addf %mul3A_436, %add3A_438 : vector<16xf32>
            %mul3A_440 = arith.mulf %add3A_439, %mul3A_425 : vector<16xf32>
            %add3A_441 = arith.constant 0.00310155516 : f32
            %add3A_442 = vector.broadcast %add3A_441 : f32 to vector<16xf32>
            %add3A_443 = arith.addf %mul3A_440, %add3A_442 : vector<16xf32>
            %mul3A_444 = arith.mulf %add3A_443, %mul3A_425 : vector<16xf32>
            %add3A_445 = arith.constant -0.0215865858 : f32
            %add3A_446 = vector.broadcast %add3A_445 : f32 to vector<16xf32>
            %add3A_447 = arith.addf %mul3A_444, %add3A_446 : vector<16xf32>
            %mul3A_448 = arith.mulf %add3A_447, %mul3A_425 : vector<16xf32>
            %add3A_449 = arith.constant 0.098000586 : f32
            %add3A_450 = vector.broadcast %add3A_449 : f32 to vector<16xf32>
            %add3A_451 = arith.addf %mul3A_448, %add3A_450 : vector<16xf32>
            %mul3A_452 = arith.mulf %add3A_451, %mul3A_425 : vector<16xf32>
            %add3A_453 = arith.constant -0.31612426 : f32
            %add3A_454 = vector.broadcast %add3A_453 : f32 to vector<16xf32>
            %add3A_455 = arith.addf %mul3A_452, %add3A_454 : vector<16xf32>
            %mul3A_456 = arith.mulf %add3A_455, %mul3A_425 : vector<16xf32>
            %add3A_457 = arith.constant 0.998486995 : f32
            %add3A_458 = vector.broadcast %add3A_457 : f32 to vector<16xf32>
            %add3A_459 = arith.addf %mul3A_456, %add3A_458 : vector<16xf32>
            %mul3A_460 = arith.mulf %min3A_424, %add3A_459 : vector<16xf32>
            %mul3A_461 = vector.broadcast %squeeze3A_355 : f32 to vector<16xf32>
            %mul3A_462 = arith.mulf %mul3A_461, %mul3A_460 : vector<16xf32>
            %add3A_463 = arith.addf %add3A_353, %mul3A_462 : vector<16xf32>
            %slice3A_464 = vector.extract_strided_slice %get3A_221 {offsets = [2], sizes = [1], strides = [1]} : vector<16xf32> to vector<1xf32>
            %squeeze3A_465 = vector.extract %slice3A_464[0] : f32 from vector<1xf32>
            %get3A_466 = arith.index_cast %scan3A_201 : i32 to index
            %get3A_467 = arith.constant 64 : index
            %get3A_468 = tpu.vector_load %arg12[%get3A_466, %get3A_467] {strides = array<i32>} : memref<40x1024xf32, #tpu.memory_space<vmem>>, vector<1x16xf32>,
            %get3A_469 = vector.shape_cast %get3A_468 : vector<1x16xf32> to vector<16xf32>
            %get3A_470 = arith.index_cast %scan3A_201 : i32 to index
            %get3A_471 = arith.constant 64 : index
            %get3A_472 = tpu.vector_load %arg13[%get3A_470, %get3A_471] {strides = array<i32>} : memref<40x1024xf32, #tpu.memory_space<vmem>>, vector<1x16xf32>,
            %get3A_473 = vector.shape_cast %get3A_472 : vector<1x16xf32> to vector<16xf32>
            %add3A_474 = arith.addf %get3A_469, %get3A_473 : vector<16xf32>
            %max3A_475 = arith.constant -4.200000e+00 : f32
            %max3A_476 = vector.broadcast %max3A_475 : f32 to vector<16xf32>
            %max3A_477 = arith.maximumf %add3A_474, %max3A_476 : vector<16xf32>
            %min3A_478 = arith.constant 4.200000e+00 : f32
            %min3A_479 = vector.broadcast %min3A_478 : f32 to vector<16xf32>
            %min3A_480 = arith.minimumf %max3A_477, %min3A_479 : vector<16xf32>
            %mul3A_481 = arith.mulf %min3A_480, %min3A_480 : vector<16xf32>
            %mul3A_482 = arith.constant 5.701380e-09 : f32
            %mul3A_483 = vector.broadcast %mul3A_482 : f32 to vector<16xf32>
            %mul3A_484 = arith.mulf %mul3A_483, %mul3A_481 : vector<16xf32>
            %add3A_485 = arith.constant -4.54547461E-7 : f32
            %add3A_486 = vector.broadcast %add3A_485 : f32 to vector<16xf32>
            %add3A_487 = arith.addf %mul3A_484, %add3A_486 : vector<16xf32>
            %mul3A_488 = arith.mulf %add3A_487, %mul3A_481 : vector<16xf32>
            %add3A_489 = arith.constant 1.52370731E-5 : f32
            %add3A_490 = vector.broadcast %add3A_489 : f32 to vector<16xf32>
            %add3A_491 = arith.addf %mul3A_488, %add3A_490 : vector<16xf32>
            %mul3A_492 = arith.mulf %add3A_491, %mul3A_481 : vector<16xf32>
            %add3A_493 = arith.constant -2.8012236E-4 : f32
            %add3A_494 = vector.broadcast %add3A_493 : f32 to vector<16xf32>
            %add3A_495 = arith.addf %mul3A_492, %add3A_494 : vector<16xf32>
            %mul3A_496 = arith.mulf %add3A_495, %mul3A_481 : vector<16xf32>
            %add3A_497 = arith.constant 0.00310155516 : f32
            %add3A_498 = vector.broadcast %add3A_497 : f32 to vector<16xf32>
            %add3A_499 = arith.addf %mul3A_496, %add3A_498 : vector<16xf32>
            %mul3A_500 = arith.mulf %add3A_499, %mul3A_481 : vector<16xf32>
            %add3A_501 = arith.constant -0.0215865858 : f32
            %add3A_502 = vector.broadcast %add3A_501 : f32 to vector<16xf32>
            %add3A_503 = arith.addf %mul3A_500, %add3A_502 : vector<16xf32>
            %mul3A_504 = arith.mulf %add3A_503, %mul3A_481 : vector<16xf32>
            %add3A_505 = arith.constant 0.098000586 : f32
            %add3A_506 = vector.broadcast %add3A_505 : f32 to vector<16xf32>
            %add3A_507 = arith.addf %mul3A_504, %add3A_506 : vector<16xf32>
            %mul3A_508 = arith.mulf %add3A_507, %mul3A_481 : vector<16xf32>
            %add3A_509 = arith.constant -0.31612426 : f32
            %add3A_510 = vector.broadcast %add3A_509 : f32 to vector<16xf32>
            %add3A_511 = arith.addf %mul3A_508, %add3A_510 : vector<16xf32>
            %mul3A_512 = arith.mulf %add3A_511, %mul3A_481 : vector<16xf32>
            %add3A_513 = arith.constant 0.998486995 : f32
            %add3A_514 = vector.broadcast %add3A_513 : f32 to vector<16xf32>
            %add3A_515 = arith.addf %mul3A_512, %add3A_514 : vector<16xf32>
            %mul3A_516 = arith.mulf %min3A_480, %add3A_515 : vector<16xf32>
            %mul3A_517 = vector.broadcast %squeeze3A_465 : f32 to vector<16xf32>
            %mul3A_518 = arith.mulf %mul3A_517, %mul3A_516 : vector<16xf32>
            %add3A_519 = arith.addf %add3A_409, %mul3A_518 : vector<16xf32>
            %get3A_520 = arith.index_cast %scan3A_201 : i32 to index
            %get3A_521 = arith.constant 80 : index
            %get3A_522 = tpu.vector_load %arg12[%get3A_520, %get3A_521] {strides = array<i32>} : memref<40x1024xf32, #tpu.memory_space<vmem>>, vector<1x16xf32>,
            %get3A_523 = vector.shape_cast %get3A_522 : vector<1x16xf32> to vector<16xf32>
            %get3A_524 = arith.index_cast %scan3A_201 : i32 to index
            %get3A_525 = arith.constant 80 : index
            %get3A_526 = tpu.vector_load %arg13[%get3A_524, %get3A_525] {strides = array<i32>} : memref<40x1024xf32, #tpu.memory_space<vmem>>, vector<1x16xf32>,
            %get3A_527 = vector.shape_cast %get3A_526 : vector<1x16xf32> to vector<16xf32>
            %add3A_528 = arith.addf %get3A_523, %get3A_527 : vector<16xf32>
            %max3A_529 = arith.constant -4.200000e+00 : f32
            %max3A_530 = vector.broadcast %max3A_529 : f32 to vector<16xf32>
            %max3A_531 = arith.maximumf %add3A_528, %max3A_530 : vector<16xf32>
            %min3A_532 = arith.constant 4.200000e+00 : f32
            %min3A_533 = vector.broadcast %min3A_532 : f32 to vector<16xf32>
            %min3A_534 = arith.minimumf %max3A_531, %min3A_533 : vector<16xf32>
            %mul3A_535 = arith.mulf %min3A_534, %min3A_534 : vector<16xf32>
            %mul3A_536 = arith.constant 5.701380e-09 : f32
            %mul3A_537 = vector.broadcast %mul3A_536 : f32 to vector<16xf32>
            %mul3A_538 = arith.mulf %mul3A_537, %mul3A_535 : vector<16xf32>
            %add3A_539 = arith.constant -4.54547461E-7 : f32
            %add3A_540 = vector.broadcast %add3A_539 : f32 to vector<16xf32>
            %add3A_541 = arith.addf %mul3A_538, %add3A_540 : vector<16xf32>
            %mul3A_542 = arith.mulf %add3A_541, %mul3A_535 : vector<16xf32>
            %add3A_543 = arith.constant 1.52370731E-5 : f32
            %add3A_544 = vector.broadcast %add3A_543 : f32 to vector<16xf32>
            %add3A_545 = arith.addf %mul3A_542, %add3A_544 : vector<16xf32>
            %mul3A_546 = arith.mulf %add3A_545, %mul3A_535 : vector<16xf32>
            %add3A_547 = arith.constant -2.8012236E-4 : f32
            %add3A_548 = vector.broadcast %add3A_547 : f32 to vector<16xf32>
            %add3A_549 = arith.addf %mul3A_546, %add3A_548 : vector<16xf32>
            %mul3A_550 = arith.mulf %add3A_549, %mul3A_535 : vector<16xf32>
            %add3A_551 = arith.constant 0.00310155516 : f32
            %add3A_552 = vector.broadcast %add3A_551 : f32 to vector<16xf32>
            %add3A_553 = arith.addf %mul3A_550, %add3A_552 : vector<16xf32>
            %mul3A_554 = arith.mulf %add3A_553, %mul3A_535 : vector<16xf32>
            %add3A_555 = arith.constant -0.0215865858 : f32
            %add3A_556 = vector.broadcast %add3A_555 : f32 to vector<16xf32>
            %add3A_557 = arith.addf %mul3A_554, %add3A_556 : vector<16xf32>
            %mul3A_558 = arith.mulf %add3A_557, %mul3A_535 : vector<16xf32>
            %add3A_559 = arith.constant 0.098000586 : f32
            %add3A_560 = vector.broadcast %add3A_559 : f32 to vector<16xf32>
            %add3A_561 = arith.addf %mul3A_558, %add3A_560 : vector<16xf32>
            %mul3A_562 = arith.mulf %add3A_561, %mul3A_535 : vector<16xf32>
            %add3A_563 = arith.constant -0.31612426 : f32
            %add3A_564 = vector.broadcast %add3A_563 : f32 to vector<16xf32>
            %add3A_565 = arith.addf %mul3A_562, %add3A_564 : vector<16xf32>
            %mul3A_566 = arith.mulf %add3A_565, %mul3A_535 : vector<16xf32>
            %add3A_567 = arith.constant 0.998486995 : f32
            %add3A_568 = vector.broadcast %add3A_567 : f32 to vector<16xf32>
            %add3A_569 = arith.addf %mul3A_566, %add3A_568 : vector<16xf32>
            %mul3A_570 = arith.mulf %min3A_534, %add3A_569 : vector<16xf32>
            %mul3A_571 = vector.broadcast %squeeze3A_465 : f32 to vector<16xf32>
            %mul3A_572 = arith.mulf %mul3A_571, %mul3A_570 : vector<16xf32>
            %add3A_573 = arith.addf %add3A_463, %mul3A_572 : vector<16xf32>
            %slice3A_574 = vector.extract_strided_slice %get3A_221 {offsets = [3], sizes = [1], strides = [1]} : vector<16xf32> to vector<1xf32>
            %squeeze3A_575 = vector.extract %slice3A_574[0] : f32 from vector<1xf32>
            %get3A_576 = arith.index_cast %scan3A_201 : i32 to index
            %get3A_577 = arith.constant 96 : index
            %get3A_578 = tpu.vector_load %arg12[%get3A_576, %get3A_577] {strides = array<i32>} : memref<40x1024xf32, #tpu.memory_space<vmem>>, vector<1x16xf32>,
            %get3A_579 = vector.shape_cast %get3A_578 : vector<1x16xf32> to vector<16xf32>
            %get3A_580 = arith.index_cast %scan3A_201 : i32 to index
            %get3A_581 = arith.constant 96 : index
            %get3A_582 = tpu.vector_load %arg13[%get3A_580, %get3A_581] {strides = array<i32>} : memref<40x1024xf32, #tpu.memory_space<vmem>>, vector<1x16xf32>,
            %get3A_583 = vector.shape_cast %get3A_582 : vector<1x16xf32> to vector<16xf32>
            %add3A_584 = arith.addf %get3A_579, %get3A_583 : vector<16xf32>
            %max3A_585 = arith.constant -4.200000e+00 : f32
            %max3A_586 = vector.broadcast %max3A_585 : f32 to vector<16xf32>
            %max3A_587 = arith.maximumf %add3A_584, %max3A_586 : vector<16xf32>
            %min3A_588 = arith.constant 4.200000e+00 : f32
            %min3A_589 = vector.broadcast %min3A_588 : f32 to vector<16xf32>
            %min3A_590 = arith.minimumf %max3A_587, %min3A_589 : vector<16xf32>
            %mul3A_591 = arith.mulf %min3A_590, %min3A_590 : vector<16xf32>
            %mul3A_592 = arith.constant 5.701380e-09 : f32
            %mul3A_593 = vector.broadcast %mul3A_592 : f32 to vector<16xf32>
            %mul3A_594 = arith.mulf %mul3A_593, %mul3A_591 : vector<16xf32>
            %add3A_595 = arith.constant -4.54547461E-7 : f32
            %add3A_596 = vector.broadcast %add3A_595 : f32 to vector<16xf32>
            %add3A_597 = arith.addf %mul3A_594, %add3A_596 : vector<16xf32>
            %mul3A_598 = arith.mulf %add3A_597, %mul3A_591 : vector<16xf32>
            %add3A_599 = arith.constant 1.52370731E-5 : f32
            %add3A_600 = vector.broadcast %add3A_599 : f32 to vector<16xf32>
            %add3A_601 = arith.addf %mul3A_598, %add3A_600 : vector<16xf32>
            %mul3A_602 = arith.mulf %add3A_601, %mul3A_591 : vector<16xf32>
            %add3A_603 = arith.constant -2.8012236E-4 : f32
            %add3A_604 = vector.broadcast %add3A_603 : f32 to vector<16xf32>
            %add3A_605 = arith.addf %mul3A_602, %add3A_604 : vector<16xf32>
            %mul3A_606 = arith.mulf %add3A_605, %mul3A_591 : vector<16xf32>
            %add3A_607 = arith.constant 0.00310155516 : f32
            %add3A_608 = vector.broadcast %add3A_607 : f32 to vector<16xf32>
            %add3A_609 = arith.addf %mul3A_606, %add3A_608 : vector<16xf32>
            %mul3A_610 = arith.mulf %add3A_609, %mul3A_591 : vector<16xf32>
            %add3A_611 = arith.constant -0.0215865858 : f32
            %add3A_612 = vector.broadcast %add3A_611 : f32 to vector<16xf32>
            %add3A_613 = arith.addf %mul3A_610, %add3A_612 : vector<16xf32>
            %mul3A_614 = arith.mulf %add3A_613, %mul3A_591 : vector<16xf32>
            %add3A_615 = arith.constant 0.098000586 : f32
            %add3A_616 = vector.broadcast %add3A_615 : f32 to vector<16xf32>
            %add3A_617 = arith.addf %mul3A_614, %add3A_616 : vector<16xf32>
            %mul3A_618 = arith.mulf %add3A_617, %mul3A_591 : vector<16xf32>
            %add3A_619 = arith.constant -0.31612426 : f32
            %add3A_620 = vector.broadcast %add3A_619 : f32 to vector<16xf32>
            %add3A_621 = arith.addf %mul3A_618, %add3A_620 : vector<16xf32>
            %mul3A_622 = arith.mulf %add3A_621, %mul3A_591 : vector<16xf32>
            %add3A_623 = arith.constant 0.998486995 : f32
            %add3A_624 = vector.broadcast %add3A_623 : f32 to vector<16xf32>
            %add3A_625 = arith.addf %mul3A_622, %add3A_624 : vector<16xf32>
            %mul3A_626 = arith.mulf %min3A_590, %add3A_625 : vector<16xf32>
            %mul3A_627 = vector.broadcast %squeeze3A_575 : f32 to vector<16xf32>
            %mul3A_628 = arith.mulf %mul3A_627, %mul3A_626 : vector<16xf32>
            %add3A_629 = arith.addf %add3A_519, %mul3A_628 : vector<16xf32>
            %get3A_630 = arith.index_cast %scan3A_201 : i32 to index
            %get3A_631 = arith.constant 112 : index
            %get3A_632 = tpu.vector_load %arg12[%get3A_630, %get3A_631] {strides = array<i32>} : memref<40x1024xf32, #tpu.memory_space<vmem>>, vector<1x16xf32>,
            %get3A_633 = vector.shape_cast %get3A_632 : vector<1x16xf32> to vector<16xf32>
            %get3A_634 = arith.index_cast %scan3A_201 : i32 to index
            %get3A_635 = arith.constant 112 : index
            %get3A_636 = tpu.vector_load %arg13[%get3A_634, %get3A_635] {strides = array<i32>} : memref<40x1024xf32, #tpu.memory_space<vmem>>, vector<1x16xf32>,
            %get3A_637 = vector.shape_cast %get3A_636 : vector<1x16xf32> to vector<16xf32>
            %add3A_638 = arith.addf %get3A_633, %get3A_637 : vector<16xf32>
            %max3A_639 = arith.constant -4.200000e+00 : f32
            %max3A_640 = vector.broadcast %max3A_639 : f32 to vector<16xf32>
            %max3A_641 = arith.maximumf %add3A_638, %max3A_640 : vector<16xf32>
            %min3A_642 = arith.constant 4.200000e+00 : f32
            %min3A_643 = vector.broadcast %min3A_642 : f32 to vector<16xf32>
            %min3A_644 = arith.minimumf %max3A_641, %min3A_643 : vector<16xf32>
            %mul3A_645 = arith.mulf %min3A_644, %min3A_644 : vector<16xf32>
            %mul3A_646 = arith.constant 5.701380e-09 : f32
            %mul3A_647 = vector.broadcast %mul3A_646 : f32 to vector<16xf32>
            %mul3A_648 = arith.mulf %mul3A_647, %mul3A_645 : vector<16xf32>
            %add3A_649 = arith.constant -4.54547461E-7 : f32
            %add3A_650 = vector.broadcast %add3A_649 : f32 to vector<16xf32>
            %add3A_651 = arith.addf %mul3A_648, %add3A_650 : vector<16xf32>
            %mul3A_652 = arith.mulf %add3A_651, %mul3A_645 : vector<16xf32>
            %add3A_653 = arith.constant 1.52370731E-5 : f32
            %add3A_654 = vector.broadcast %add3A_653 : f32 to vector<16xf32>
            %add3A_655 = arith.addf %mul3A_652, %add3A_654 : vector<16xf32>
            %mul3A_656 = arith.mulf %add3A_655, %mul3A_645 : vector<16xf32>
            %add3A_657 = arith.constant -2.8012236E-4 : f32
            %add3A_658 = vector.broadcast %add3A_657 : f32 to vector<16xf32>
            %add3A_659 = arith.addf %mul3A_656, %add3A_658 : vector<16xf32>
            %mul3A_660 = arith.mulf %add3A_659, %mul3A_645 : vector<16xf32>
            %add3A_661 = arith.constant 0.00310155516 : f32
            %add3A_662 = vector.broadcast %add3A_661 : f32 to vector<16xf32>
            %add3A_663 = arith.addf %mul3A_660, %add3A_662 : vector<16xf32>
            %mul3A_664 = arith.mulf %add3A_663, %mul3A_645 : vector<16xf32>
            %add3A_665 = arith.constant -0.0215865858 : f32
            %add3A_666 = vector.broadcast %add3A_665 : f32 to vector<16xf32>
            %add3A_667 = arith.addf %mul3A_664, %add3A_666 : vector<16xf32>
            %mul3A_668 = arith.mulf %add3A_667, %mul3A_645 : vector<16xf32>
            %add3A_669 = arith.constant 0.098000586 : f32
            %add3A_670 = vector.broadcast %add3A_669 : f32 to vector<16xf32>
            %add3A_671 = arith.addf %mul3A_668, %add3A_670 : vector<16xf32>
            %mul3A_672 = arith.mulf %add3A_671, %mul3A_645 : vector<16xf32>
            %add3A_673 = arith.constant -0.31612426 : f32
            %add3A_674 = vector.broadcast %add3A_673 : f32 to vector<16xf32>
            %add3A_675 = arith.addf %mul3A_672, %add3A_674 : vector<16xf32>
            %mul3A_676 = arith.mulf %add3A_675, %mul3A_645 : vector<16xf32>
            %add3A_677 = arith.constant 0.998486995 : f32
            %add3A_678 = vector.broadcast %add3A_677 : f32 to vector<16xf32>
            %add3A_679 = arith.addf %mul3A_676, %add3A_678 : vector<16xf32>
            %mul3A_680 = arith.mulf %min3A_644, %add3A_679 : vector<16xf32>
            %mul3A_681 = vector.broadcast %squeeze3A_575 : f32 to vector<16xf32>
            %mul3A_682 = arith.mulf %mul3A_681, %mul3A_680 : vector<16xf32>
            %add3A_683 = arith.addf %add3A_573, %mul3A_682 : vector<16xf32>
            %slice3A_684 = vector.extract_strided_slice %get3A_221 {offsets = [4], sizes = [1], strides = [1]} : vector<16xf32> to vector<1xf32>
            %squeeze3A_685 = vector.extract %slice3A_684[0] : f32 from vector<1xf32>
            %get3A_686 = arith.index_cast %scan3A_201 : i32 to index
            %get3A_687 = arith.constant 128 : index
            %get3A_688 = tpu.vector_load %arg12[%get3A_686, %get3A_687] {strides = array<i32>} : memref<40x1024xf32, #tpu.memory_space<vmem>>, vector<1x16xf32>,
            %get3A_689 = vector.shape_cast %get3A_688 : vector<1x16xf32> to vector<16xf32>
            %get3A_690 = arith.index_cast %scan3A_201 : i32 to index
            %get3A_691 = arith.constant 128 : index
            %get3A_692 = tpu.vector_load %arg13[%get3A_690, %get3A_691] {strides = array<i32>} : memref<40x1024xf32, #tpu.memory_space<vmem>>, vector<1x16xf32>,
            %get3A_693 = vector.shape_cast %get3A_692 : vector<1x16xf32> to vector<16xf32>
            %add3A_694 = arith.addf %get3A_689, %get3A_693 : vector<16xf32>
            %max3A_695 = arith.constant -4.200000e+00 : f32
            %max3A_696 = vector.broadcast %max3A_695 : f32 to vector<16xf32>
            %max3A_697 = arith.maximumf %add3A_694, %max3A_696 : vector<16xf32>
            %min3A_698 = arith.constant 4.200000e+00 : f32
            %min3A_699 = vector.broadcast %min3A_698 : f32 to vector<16xf32>
            %min3A_700 = arith.minimumf %max3A_697, %min3A_699 : vector<16xf32>
            %mul3A_701 = arith.mulf %min3A_700, %min3A_700 : vector<16xf32>
            %mul3A_702 = arith.constant 5.701380e-09 : f32
            %mul3A_703 = vector.broadcast %mul3A_702 : f32 to vector<16xf32>
            %mul3A_704 = arith.mulf %mul3A_703, %mul3A_701 : vector<16xf32>
            %add3A_705 = arith.constant -4.54547461E-7 : f32
            %add3A_706 = vector.broadcast %add3A_705 : f32 to vector<16xf32>
            %add3A_707 = arith.addf %mul3A_704, %add3A_706 : vector<16xf32>
            %mul3A_708 = arith.mulf %add3A_707, %mul3A_701 : vector<16xf32>
            %add3A_709 = arith.constant 1.52370731E-5 : f32
            %add3A_710 = vector.broadcast %add3A_709 : f32 to vector<16xf32>
            %add3A_711 = arith.addf %mul3A_708, %add3A_710 : vector<16xf32>
            %mul3A_712 = arith.mulf %add3A_711, %mul3A_701 : vector<16xf32>
            %add3A_713 = arith.constant -2.8012236E-4 : f32
            %add3A_714 = vector.broadcast %add3A_713 : f32 to vector<16xf32>
            %add3A_715 = arith.addf %mul3A_712, %add3A_714 : vector<16xf32>
            %mul3A_716 = arith.mulf %add3A_715, %mul3A_701 : vector<16xf32>
            %add3A_717 = arith.constant 0.00310155516 : f32
            %add3A_718 = vector.broadcast %add3A_717 : f32 to vector<16xf32>
            %add3A_719 = arith.addf %mul3A_716, %add3A_718 : vector<16xf32>
            %mul3A_720 = arith.mulf %add3A_719, %mul3A_701 : vector<16xf32>
            %add3A_721 = arith.constant -0.0215865858 : f32
            %add3A_722 = vector.broadcast %add3A_721 : f32 to vector<16xf32>
            %add3A_723 = arith.addf %mul3A_720, %add3A_722 : vector<16xf32>
            %mul3A_724 = arith.mulf %add3A_723, %mul3A_701 : vector<16xf32>
            %add3A_725 = arith.constant 0.098000586 : f32
            %add3A_726 = vector.broadcast %add3A_725 : f32 to vector<16xf32>
            %add3A_727 = arith.addf %mul3A_724, %add3A_726 : vector<16xf32>
            %mul3A_728 = arith.mulf %add3A_727, %mul3A_701 : vector<16xf32>
            %add3A_729 = arith.constant -0.31612426 : f32
            %add3A_730 = vector.broadcast %add3A_729 : f32 to vector<16xf32>
            %add3A_731 = arith.addf %mul3A_728, %add3A_730 : vector<16xf32>
            %mul3A_732 = arith.mulf %add3A_731, %mul3A_701 : vector<16xf32>
            %add3A_733 = arith.constant 0.998486995 : f32
            %add3A_734 = vector.broadcast %add3A_733 : f32 to vector<16xf32>
            %add3A_735 = arith.addf %mul3A_732, %add3A_734 : vector<16xf32>
            %mul3A_736 = arith.mulf %min3A_700, %add3A_735 : vector<16xf32>
            %mul3A_737 = vector.broadcast %squeeze3A_685 : f32 to vector<16xf32>
            %mul3A_738 = arith.mulf %mul3A_737, %mul3A_736 : vector<16xf32>
            %add3A_739 = arith.addf %add3A_629, %mul3A_738 : vector<16xf32>
            %get3A_740 = arith.index_cast %scan3A_201 : i32 to index
            %get3A_741 = arith.constant 144 : index
            %get3A_742 = tpu.vector_load %arg12[%get3A_740, %get3A_741] {strides = array<i32>} : memref<40x1024xf32, #tpu.memory_space<vmem>>, vector<1x16xf32>,
            %get3A_743 = vector.shape_cast %get3A_742 : vector<1x16xf32> to vector<16xf32>
            %get3A_744 = arith.index_cast %scan3A_201 : i32 to index
            %get3A_745 = arith.constant 144 : index
            %get3A_746 = tpu.vector_load %arg13[%get3A_744, %get3A_745] {strides = array<i32>} : memref<40x1024xf32, #tpu.memory_space<vmem>>, vector<1x16xf32>,
            %get3A_747 = vector.shape_cast %get3A_746 : vector<1x16xf32> to vector<16xf32>
            %add3A_748 = arith.addf %get3A_743, %get3A_747 : vector<16xf32>
            %max3A_749 = arith.constant -4.200000e+00 : f32
            %max3A_750 = vector.broadcast %max3A_749 : f32 to vector<16xf32>
            %max3A_751 = arith.maximumf %add3A_748, %max3A_750 : vector<16xf32>
            %min3A_752 = arith.constant 4.200000e+00 : f32
            %min3A_753 = vector.broadcast %min3A_752 : f32 to vector<16xf32>
            %min3A_754 = arith.minimumf %max3A_751, %min3A_753 : vector<16xf32>
            %mul3A_755 = arith.mulf %min3A_754, %min3A_754 : vector<16xf32>
            %mul3A_756 = arith.constant 5.701380e-09 : f32
            %mul3A_757 = vector.broadcast %mul3A_756 : f32 to vector<16xf32>
            %mul3A_758 = arith.mulf %mul3A_757, %mul3A_755 : vector<16xf32>
            %add3A_759 = arith.constant -4.54547461E-7 : f32
            %add3A_760 = vector.broadcast %add3A_759 : f32 to vector<16xf32>
            %add3A_761 = arith.addf %mul3A_758, %add3A_760 : vector<16xf32>
            %mul3A_762 = arith.mulf %add3A_761, %mul3A_755 : vector<16xf32>
            %add3A_763 = arith.constant 1.52370731E-5 : f32
            %add3A_764 = vector.broadcast %add3A_763 : f32 to vector<16xf32>
            %add3A_765 = arith.addf %mul3A_762, %add3A_764 : vector<16xf32>
            %mul3A_766 = arith.mulf %add3A_765, %mul3A_755 : vector<16xf32>
            %add3A_767 = arith.constant -2.8012236E-4 : f32
            %add3A_768 = vector.broadcast %add3A_767 : f32 to vector<16xf32>
            %add3A_769 = arith.addf %mul3A_766, %add3A_768 : vector<16xf32>
            %mul3A_770 = arith.mulf %add3A_769, %mul3A_755 : vector<16xf32>
            %add3A_771 = arith.constant 0.00310155516 : f32
            %add3A_772 = vector.broadcast %add3A_771 : f32 to vector<16xf32>
            %add3A_773 = arith.addf %mul3A_770, %add3A_772 : vector<16xf32>
            %mul3A_774 = arith.mulf %add3A_773, %mul3A_755 : vector<16xf32>
            %add3A_775 = arith.constant -0.0215865858 : f32
            %add3A_776 = vector.broadcast %add3A_775 : f32 to vector<16xf32>
            %add3A_777 = arith.addf %mul3A_774, %add3A_776 : vector<16xf32>
            %mul3A_778 = arith.mulf %add3A_777, %mul3A_755 : vector<16xf32>
            %add3A_779 = arith.constant 0.098000586 : f32
            %add3A_780 = vector.broadcast %add3A_779 : f32 to vector<16xf32>
            %add3A_781 = arith.addf %mul3A_778, %add3A_780 : vector<16xf32>
            %mul3A_782 = arith.mulf %add3A_781, %mul3A_755 : vector<16xf32>
            %add3A_783 = arith.constant -0.31612426 : f32
            %add3A_784 = vector.broadcast %add3A_783 : f32 to vector<16xf32>
            %add3A_785 = arith.addf %mul3A_782, %add3A_784 : vector<16xf32>
            %mul3A_786 = arith.mulf %add3A_785, %mul3A_755 : vector<16xf32>
            %add3A_787 = arith.constant 0.998486995 : f32
            %add3A_788 = vector.broadcast %add3A_787 : f32 to vector<16xf32>
            %add3A_789 = arith.addf %mul3A_786, %add3A_788 : vector<16xf32>
            %mul3A_790 = arith.mulf %min3A_754, %add3A_789 : vector<16xf32>
            %mul3A_791 = vector.broadcast %squeeze3A_685 : f32 to vector<16xf32>
            %mul3A_792 = arith.mulf %mul3A_791, %mul3A_790 : vector<16xf32>
            %add3A_793 = arith.addf %add3A_683, %mul3A_792 : vector<16xf32>
            %slice3A_794 = vector.extract_strided_slice %get3A_221 {offsets = [5], sizes = [1], strides = [1]} : vector<16xf32> to vector<1xf32>
            %squeeze3A_795 = vector.extract %slice3A_794[0] : f32 from vector<1xf32>
            %get3A_796 = arith.index_cast %scan3A_201 : i32 to index
            %get3A_797 = arith.constant 160 : index
            %get3A_798 = tpu.vector_load %arg12[%get3A_796, %get3A_797] {strides = array<i32>} : memref<40x1024xf32, #tpu.memory_space<vmem>>, vector<1x16xf32>,
            %get3A_799 = vector.shape_cast %get3A_798 : vector<1x16xf32> to vector<16xf32>
            %get3A_800 = arith.index_cast %scan3A_201 : i32 to index
            %get3A_801 = arith.constant 160 : index
            %get3A_802 = tpu.vector_load %arg13[%get3A_800, %get3A_801] {strides = array<i32>} : memref<40x1024xf32, #tpu.memory_space<vmem>>, vector<1x16xf32>,
            %get3A_803 = vector.shape_cast %get3A_802 : vector<1x16xf32> to vector<16xf32>
            %add3A_804 = arith.addf %get3A_799, %get3A_803 : vector<16xf32>
            %max3A_805 = arith.constant -4.200000e+00 : f32
            %max3A_806 = vector.broadcast %max3A_805 : f32 to vector<16xf32>
            %max3A_807 = arith.maximumf %add3A_804, %max3A_806 : vector<16xf32>
            %min3A_808 = arith.constant 4.200000e+00 : f32
            %min3A_809 = vector.broadcast %min3A_808 : f32 to vector<16xf32>
            %min3A_810 = arith.minimumf %max3A_807, %min3A_809 : vector<16xf32>
            %mul3A_811 = arith.mulf %min3A_810, %min3A_810 : vector<16xf32>
            %mul3A_812 = arith.constant 5.701380e-09 : f32
            %mul3A_813 = vector.broadcast %mul3A_812 : f32 to vector<16xf32>
            %mul3A_814 = arith.mulf %mul3A_813, %mul3A_811 : vector<16xf32>
            %add3A_815 = arith.constant -4.54547461E-7 : f32
            %add3A_816 = vector.broadcast %add3A_815 : f32 to vector<16xf32>
            %add3A_817 = arith.addf %mul3A_814, %add3A_816 : vector<16xf32>
            %mul3A_818 = arith.mulf %add3A_817, %mul3A_811 : vector<16xf32>
            %add3A_819 = arith.constant 1.52370731E-5 : f32
            %add3A_820 = vector.broadcast %add3A_819 : f32 to vector<16xf32>
            %add3A_821 = arith.addf %mul3A_818, %add3A_820 : vector<16xf32>
            %mul3A_822 = arith.mulf %add3A_821, %mul3A_811 : vector<16xf32>
            %add3A_823 = arith.constant -2.8012236E-4 : f32
            %add3A_824 = vector.broadcast %add3A_823 : f32 to vector<16xf32>
            %add3A_825 = arith.addf %mul3A_822, %add3A_824 : vector<16xf32>
            %mul3A_826 = arith.mulf %add3A_825, %mul3A_811 : vector<16xf32>
            %add3A_827 = arith.constant 0.00310155516 : f32
            %add3A_828 = vector.broadcast %add3A_827 : f32 to vector<16xf32>
            %add3A_829 = arith.addf %mul3A_826, %add3A_828 : vector<16xf32>
            %mul3A_830 = arith.mulf %add3A_829, %mul3A_811 : vector<16xf32>
            %add3A_831 = arith.constant -0.0215865858 : f32
            %add3A_832 = vector.broadcast %add3A_831 : f32 to vector<16xf32>
            %add3A_833 = arith.addf %mul3A_830, %add3A_832 : vector<16xf32>
            %mul3A_834 = arith.mulf %add3A_833, %mul3A_811 : vector<16xf32>
            %add3A_835 = arith.constant 0.098000586 : f32
            %add3A_836 = vector.broadcast %add3A_835 : f32 to vector<16xf32>
            %add3A_837 = arith.addf %mul3A_834, %add3A_836 : vector<16xf32>
            %mul3A_838 = arith.mulf %add3A_837, %mul3A_811 : vector<16xf32>
            %add3A_839 = arith.constant -0.31612426 : f32
            %add3A_840 = vector.broadcast %add3A_839 : f32 to vector<16xf32>
            %add3A_841 = arith.addf %mul3A_838, %add3A_840 : vector<16xf32>
            %mul3A_842 = arith.mulf %add3A_841, %mul3A_811 : vector<16xf32>
            %add3A_843 = arith.constant 0.998486995 : f32
            %add3A_844 = vector.broadcast %add3A_843 : f32 to vector<16xf32>
            %add3A_845 = arith.addf %mul3A_842, %add3A_844 : vector<16xf32>
            %mul3A_846 = arith.mulf %min3A_810, %add3A_845 : vector<16xf32>
            %mul3A_847 = vector.broadcast %squeeze3A_795 : f32 to vector<16xf32>
            %mul3A_848 = arith.mulf %mul3A_847, %mul3A_846 : vector<16xf32>
            %add3A_849 = arith.addf %add3A_739, %mul3A_848 : vector<16xf32>
            %get3A_850 = arith.index_cast %scan3A_201 : i32 to index
            %get3A_851 = arith.constant 176 : index
            %get3A_852 = tpu.vector_load %arg12[%get3A_850, %get3A_851] {strides = array<i32>} : memref<40x1024xf32, #tpu.memory_space<vmem>>, vector<1x16xf32>,
            %get3A_853 = vector.shape_cast %get3A_852 : vector<1x16xf32> to vector<16xf32>
            %get3A_854 = arith.index_cast %scan3A_201 : i32 to index
            %get3A_855 = arith.constant 176 : index
            %get3A_856 = tpu.vector_load %arg13[%get3A_854, %get3A_855] {strides = array<i32>} : memref<40x1024xf32, #tpu.memory_space<vmem>>, vector<1x16xf32>,
            %get3A_857 = vector.shape_cast %get3A_856 : vector<1x16xf32> to vector<16xf32>
            %add3A_858 = arith.addf %get3A_853, %get3A_857 : vector<16xf32>
            %max3A_859 = arith.constant -4.200000e+00 : f32
            %max3A_860 = vector.broadcast %max3A_859 : f32 to vector<16xf32>
            %max3A_861 = arith.maximumf %add3A_858, %max3A_860 : vector<16xf32>
            %min3A_862 = arith.constant 4.200000e+00 : f32
            %min3A_863 = vector.broadcast %min3A_862 : f32 to vector<16xf32>
            %min3A_864 = arith.minimumf %max3A_861, %min3A_863 : vector<16xf32>
            %mul3A_865 = arith.mulf %min3A_864, %min3A_864 : vector<16xf32>
            %mul3A_866 = arith.constant 5.701380e-09 : f32
            %mul3A_867 = vector.broadcast %mul3A_866 : f32 to vector<16xf32>
            %mul3A_868 = arith.mulf %mul3A_867, %mul3A_865 : vector<16xf32>
            %add3A_869 = arith.constant -4.54547461E-7 : f32
            %add3A_870 = vector.broadcast %add3A_869 : f32 to vector<16xf32>
            %add3A_871 = arith.addf %mul3A_868, %add3A_870 : vector<16xf32>
            %mul3A_872 = arith.mulf %add3A_871, %mul3A_865 : vector<16xf32>
            %add3A_873 = arith.constant 1.52370731E-5 : f32
            %add3A_874 = vector.broadcast %add3A_873 : f32 to vector<16xf32>
            %add3A_875 = arith.addf %mul3A_872, %add3A_874 : vector<16xf32>
            %mul3A_876 = arith.mulf %add3A_875, %mul3A_865 : vector<16xf32>
            %add3A_877 = arith.constant -2.8012236E-4 : f32
            %add3A_878 = vector.broadcast %add3A_877 : f32 to vector<16xf32>
            %add3A_879 = arith.addf %mul3A_876, %add3A_878 : vector<16xf32>
            %mul3A_880 = arith.mulf %add3A_879, %mul3A_865 : vector<16xf32>
            %add3A_881 = arith.constant 0.00310155516 : f32
            %add3A_882 = vector.broadcast %add3A_881 : f32 to vector<16xf32>
            %add3A_883 = arith.addf %mul3A_880, %add3A_882 : vector<16xf32>
            %mul3A_884 = arith.mulf %add3A_883, %mul3A_865 : vector<16xf32>
            %add3A_885 = arith.constant -0.0215865858 : f32
            %add3A_886 = vector.broadcast %add3A_885 : f32 to vector<16xf32>
            %add3A_887 = arith.addf %mul3A_884, %add3A_886 : vector<16xf32>
            %mul3A_888 = arith.mulf %add3A_887, %mul3A_865 : vector<16xf32>
            %add3A_889 = arith.constant 0.098000586 : f32
            %add3A_890 = vector.broadcast %add3A_889 : f32 to vector<16xf32>
            %add3A_891 = arith.addf %mul3A_888, %add3A_890 : vector<16xf32>
            %mul3A_892 = arith.mulf %add3A_891, %mul3A_865 : vector<16xf32>
            %add3A_893 = arith.constant -0.31612426 : f32
            %add3A_894 = vector.broadcast %add3A_893 : f32 to vector<16xf32>
            %add3A_895 = arith.addf %mul3A_892, %add3A_894 : vector<16xf32>
            %mul3A_896 = arith.mulf %add3A_895, %mul3A_865 : vector<16xf32>
            %add3A_897 = arith.constant 0.998486995 : f32
            %add3A_898 = vector.broadcast %add3A_897 : f32 to vector<16xf32>
            %add3A_899 = arith.addf %mul3A_896, %add3A_898 : vector<16xf32>
            %mul3A_900 = arith.mulf %min3A_864, %add3A_899 : vector<16xf32>
            %mul3A_901 = vector.broadcast %squeeze3A_795 : f32 to vector<16xf32>
            %mul3A_902 = arith.mulf %mul3A_901, %mul3A_900 : vector<16xf32>
            %add3A_903 = arith.addf %add3A_793, %mul3A_902 : vector<16xf32>
            %slice3A_904 = vector.extract_strided_slice %get3A_221 {offsets = [6], sizes = [1], strides = [1]} : vector<16xf32> to vector<1xf32>
            %squeeze3A_905 = vector.extract %slice3A_904[0] : f32 from vector<1xf32>
            %get3A_906 = arith.index_cast %scan3A_201 : i32 to index
            %get3A_907 = arith.constant 192 : index
            %get3A_908 = tpu.vector_load %arg12[%get3A_906, %get3A_907] {strides = array<i32>} : memref<40x1024xf32, #tpu.memory_space<vmem>>, vector<1x16xf32>,
            %get3A_909 = vector.shape_cast %get3A_908 : vector<1x16xf32> to vector<16xf32>
            %get3A_910 = arith.index_cast %scan3A_201 : i32 to index
            %get3A_911 = arith.constant 192 : index
            %get3A_912 = tpu.vector_load %arg13[%get3A_910, %get3A_911] {strides = array<i32>} : memref<40x1024xf32, #tpu.memory_space<vmem>>, vector<1x16xf32>,
            %get3A_913 = vector.shape_cast %get3A_912 : vector<1x16xf32> to vector<16xf32>
            %add3A_914 = arith.addf %get3A_909, %get3A_913 : vector<16xf32>
            %max3A_915 = arith.constant -4.200000e+00 : f32
            %max3A_916 = vector.broadcast %max3A_915 : f32 to vector<16xf32>
            %max3A_917 = arith.maximumf %add3A_914, %max3A_916 : vector<16xf32>
            %min3A_918 = arith.constant 4.200000e+00 : f32
            %min3A_919 = vector.broadcast %min3A_918 : f32 to vector<16xf32>
            %min3A_920 = arith.minimumf %max3A_917, %min3A_919 : vector<16xf32>
            %mul3A_921 = arith.mulf %min3A_920, %min3A_920 : vector<16xf32>
            %mul3A_922 = arith.constant 5.701380e-09 : f32
            %mul3A_923 = vector.broadcast %mul3A_922 : f32 to vector<16xf32>
            %mul3A_924 = arith.mulf %mul3A_923, %mul3A_921 : vector<16xf32>
            %add3A_925 = arith.constant -4.54547461E-7 : f32
            %add3A_926 = vector.broadcast %add3A_925 : f32 to vector<16xf32>
            %add3A_927 = arith.addf %mul3A_924, %add3A_926 : vector<16xf32>
            %mul3A_928 = arith.mulf %add3A_927, %mul3A_921 : vector<16xf32>
            %add3A_929 = arith.constant 1.52370731E-5 : f32
            %add3A_930 = vector.broadcast %add3A_929 : f32 to vector<16xf32>
            %add3A_931 = arith.addf %mul3A_928, %add3A_930 : vector<16xf32>
            %mul3A_932 = arith.mulf %add3A_931, %mul3A_921 : vector<16xf32>
            %add3A_933 = arith.constant -2.8012236E-4 : f32
            %add3A_934 = vector.broadcast %add3A_933 : f32 to vector<16xf32>
            %add3A_935 = arith.addf %mul3A_932, %add3A_934 : vector<16xf32>
            %mul3A_936 = arith.mulf %add3A_935, %mul3A_921 : vector<16xf32>
            %add3A_937 = arith.constant 0.00310155516 : f32
            %add3A_938 = vector.broadcast %add3A_937 : f32 to vector<16xf32>
            %add3A_939 = arith.addf %mul3A_936, %add3A_938 : vector<16xf32>
            %mul3A_940 = arith.mulf %add3A_939, %mul3A_921 : vector<16xf32>
            %add3A_941 = arith.constant -0.0215865858 : f32
            %add3A_942 = vector.broadcast %add3A_941 : f32 to vector<16xf32>
            %add3A_943 = arith.addf %mul3A_940, %add3A_942 : vector<16xf32>
            %mul3A_944 = arith.mulf %add3A_943, %mul3A_921 : vector<16xf32>
            %add3A_945 = arith.constant 0.098000586 : f32
            %add3A_946 = vector.broadcast %add3A_945 : f32 to vector<16xf32>
            %add3A_947 = arith.addf %mul3A_944, %add3A_946 : vector<16xf32>
            %mul3A_948 = arith.mulf %add3A_947, %mul3A_921 : vector<16xf32>
            %add3A_949 = arith.constant -0.31612426 : f32
            %add3A_950 = vector.broadcast %add3A_949 : f32 to vector<16xf32>
            %add3A_951 = arith.addf %mul3A_948, %add3A_950 : vector<16xf32>
            %mul3A_952 = arith.mulf %add3A_951, %mul3A_921 : vector<16xf32>
            %add3A_953 = arith.constant 0.998486995 : f32
            %add3A_954 = vector.broadcast %add3A_953 : f32 to vector<16xf32>
            %add3A_955 = arith.addf %mul3A_952, %add3A_954 : vector<16xf32>
            %mul3A_956 = arith.mulf %min3A_920, %add3A_955 : vector<16xf32>
            %mul3A_957 = vector.broadcast %squeeze3A_905 : f32 to vector<16xf32>
            %mul3A_958 = arith.mulf %mul3A_957, %mul3A_956 : vector<16xf32>
            %add3A_959 = arith.addf %add3A_849, %mul3A_958 : vector<16xf32>
            %get3A_960 = arith.index_cast %scan3A_201 : i32 to index
            %get3A_961 = arith.constant 208 : index
            %get3A_962 = tpu.vector_load %arg12[%get3A_960, %get3A_961] {strides = array<i32>} : memref<40x1024xf32, #tpu.memory_space<vmem>>, vector<1x16xf32>,
            %get3A_963 = vector.shape_cast %get3A_962 : vector<1x16xf32> to vector<16xf32>
            %get3A_964 = arith.index_cast %scan3A_201 : i32 to index
            %get3A_965 = arith.constant 208 : index
            %get3A_966 = tpu.vector_load %arg13[%get3A_964, %get3A_965] {strides = array<i32>} : memref<40x1024xf32, #tpu.memory_space<vmem>>, vector<1x16xf32>,
            %get3A_967 = vector.shape_cast %get3A_966 : vector<1x16xf32> to vector<16xf32>
            %add3A_968 = arith.addf %get3A_963, %get3A_967 : vector<16xf32>
            %max3A_969 = arith.constant -4.200000e+00 : f32
            %max3A_970 = vector.broadcast %max3A_969 : f32 to vector<16xf32>
            %max3A_971 = arith.maximumf %add3A_968, %max3A_970 : vector<16xf32>
            %min3A_972 = arith.constant 4.200000e+00 : f32
            %min3A_973 = vector.broadcast %min3A_972 : f32 to vector<16xf32>
            %min3A_974 = arith.minimumf %max3A_971, %min3A_973 : vector<16xf32>
            %mul3A_975 = arith.mulf %min3A_974, %min3A_974 : vector<16xf32>
            %mul3A_976 = arith.constant 5.701380e-09 : f32
            %mul3A_977 = vector.broadcast %mul3A_976 : f32 to vector<16xf32>
            %mul3A_978 = arith.mulf %mul3A_977, %mul3A_975 : vector<16xf32>
            %add3A_979 = arith.constant -4.54547461E-7 : f32
            %add3A_980 = vector.broadcast %add3A_979 : f32 to vector<16xf32>
            %add3A_981 = arith.addf %mul3A_978, %add3A_980 : vector<16xf32>
            %mul3A_982 = arith.mulf %add3A_981, %mul3A_975 : vector<16xf32>
            %add3A_983 = arith.constant 1.52370731E-5 : f32
            %add3A_984 = vector.broadcast %add3A_983 : f32 to vector<16xf32>
            %add3A_985 = arith.addf %mul3A_982, %add3A_984 : vector<16xf32>
            %mul3A_986 = arith.mulf %add3A_985, %mul3A_975 : vector<16xf32>
            %add3A_987 = arith.constant -2.8012236E-4 : f32
            %add3A_988 = vector.broadcast %add3A_987 : f32 to vector<16xf32>
            %add3A_989 = arith.addf %mul3A_986, %add3A_988 : vector<16xf32>
            %mul3A_990 = arith.mulf %add3A_989, %mul3A_975 : vector<16xf32>
            %add3A_991 = arith.constant 0.00310155516 : f32
            %add3A_992 = vector.broadcast %add3A_991 : f32 to vector<16xf32>
            %add3A_993 = arith.addf %mul3A_990, %add3A_992 : vector<16xf32>
            %mul3A_994 = arith.mulf %add3A_993, %mul3A_975 : vector<16xf32>
            %add3A_995 = arith.constant -0.0215865858 : f32
            %add3A_996 = vector.broadcast %add3A_995 : f32 to vector<16xf32>
            %add3A_997 = arith.addf %mul3A_994, %add3A_996 : vector<16xf32>
            %mul3A_998 = arith.mulf %add3A_997, %mul3A_975 : vector<16xf32>
            %add3A_999 = arith.constant 0.098000586 : f32
            %add3A_1000 = vector.broadcast %add3A_999 : f32 to vector<16xf32>
            %add3A_1001 = arith.addf %mul3A_998, %add3A_1000 : vector<16xf32>
            %mul3A_1002 = arith.mulf %add3A_1001, %mul3A_975 : vector<16xf32>
            %add3A_1003 = arith.constant -0.31612426 : f32
            %add3A_1004 = vector.broadcast %add3A_1003 : f32 to vector<16xf32>
            %add3A_1005 = arith.addf %mul3A_1002, %add3A_1004 : vector<16xf32>
            %mul3A_1006 = arith.mulf %add3A_1005, %mul3A_975 : vector<16xf32>
            %add3A_1007 = arith.constant 0.998486995 : f32
            %add3A_1008 = vector.broadcast %add3A_1007 : f32 to vector<16xf32>
            %add3A_1009 = arith.addf %mul3A_1006, %add3A_1008 : vector<16xf32>
            %mul3A_1010 = arith.mulf %min3A_974, %add3A_1009 : vector<16xf32>
            %mul3A_1011 = vector.broadcast %squeeze3A_905 : f32 to vector<16xf32>
            %mul3A_1012 = arith.mulf %mul3A_1011, %mul3A_1010 : vector<16xf32>
            %add3A_1013 = arith.addf %add3A_903, %mul3A_1012 : vector<16xf32>
            %slice3A_1014 = vector.extract_strided_slice %get3A_221 {offsets = [7], sizes = [1], strides = [1]} : vector<16xf32> to vector<1xf32>
            %squeeze3A_1015 = vector.extract %slice3A_1014[0] : f32 from vector<1xf32>
            %get3A_1016 = arith.index_cast %scan3A_201 : i32 to index
            %get3A_1017 = arith.constant 224 : index
            %get3A_1018 = tpu.vector_load %arg12[%get3A_1016, %get3A_1017] {strides = array<i32>} : memref<40x1024xf32, #tpu.memory_space<vmem>>, vector<1x16xf32>,
            %get3A_1019 = vector.shape_cast %get3A_1018 : vector<1x16xf32> to vector<16xf32>
            %get3A_1020 = arith.index_cast %scan3A_201 : i32 to index
            %get3A_1021 = arith.constant 224 : index
            %get3A_1022 = tpu.vector_load %arg13[%get3A_1020, %get3A_1021] {strides = array<i32>} : memref<40x1024xf32, #tpu.memory_space<vmem>>, vector<1x16xf32>,
            %get3A_1023 = vector.shape_cast %get3A_1022 : vector<1x16xf32> to vector<16xf32>
            %add3A_1024 = arith.addf %get3A_1019, %get3A_1023 : vector<16xf32>
            %max3A_1025 = arith.constant -4.200000e+00 : f32
            %max3A_1026 = vector.broadcast %max3A_1025 : f32 to vector<16xf32>
            %max3A_1027 = arith.maximumf %add3A_1024, %max3A_1026 : vector<16xf32>
            %min3A_1028 = arith.constant 4.200000e+00 : f32
            %min3A_1029 = vector.broadcast %min3A_1028 : f32 to vector<16xf32>
            %min3A_1030 = arith.minimumf %max3A_1027, %min3A_1029 : vector<16xf32>
            %mul3A_1031 = arith.mulf %min3A_1030, %min3A_1030 : vector<16xf32>
            %mul3A_1032 = arith.constant 5.701380e-09 : f32
            %mul3A_1033 = vector.broadcast %mul3A_1032 : f32 to vector<16xf32>
            %mul3A_1034 = arith.mulf %mul3A_1033, %mul3A_1031 : vector<16xf32>
            %add3A_1035 = arith.constant -4.54547461E-7 : f32
            %add3A_1036 = vector.broadcast %add3A_1035 : f32 to vector<16xf32>
            %add3A_1037 = arith.addf %mul3A_1034, %add3A_1036 : vector<16xf32>
            %mul3A_1038 = arith.mulf %add3A_1037, %mul3A_1031 : vector<16xf32>
            %add3A_1039 = arith.constant 1.52370731E-5 : f32
            %add3A_1040 = vector.broadcast %add3A_1039 : f32 to vector<16xf32>
            %add3A_1041 = arith.addf %mul3A_1038, %add3A_1040 : vector<16xf32>
            %mul3A_1042 = arith.mulf %add3A_1041, %mul3A_1031 : vector<16xf32>
            %add3A_1043 = arith.constant -2.8012236E-4 : f32
            %add3A_1044 = vector.broadcast %add3A_1043 : f32 to vector<16xf32>
            %add3A_1045 = arith.addf %mul3A_1042, %add3A_1044 : vector<16xf32>
            %mul3A_1046 = arith.mulf %add3A_1045, %mul3A_1031 : vector<16xf32>
            %add3A_1047 = arith.constant 0.00310155516 : f32
            %add3A_1048 = vector.broadcast %add3A_1047 : f32 to vector<16xf32>
            %add3A_1049 = arith.addf %mul3A_1046, %add3A_1048 : vector<16xf32>
            %mul3A_1050 = arith.mulf %add3A_1049, %mul3A_1031 : vector<16xf32>
            %add3A_1051 = arith.constant -0.0215865858 : f32
            %add3A_1052 = vector.broadcast %add3A_1051 : f32 to vector<16xf32>
            %add3A_1053 = arith.addf %mul3A_1050, %add3A_1052 : vector<16xf32>
            %mul3A_1054 = arith.mulf %add3A_1053, %mul3A_1031 : vector<16xf32>
            %add3A_1055 = arith.constant 0.098000586 : f32
            %add3A_1056 = vector.broadcast %add3A_1055 : f32 to vector<16xf32>
            %add3A_1057 = arith.addf %mul3A_1054, %add3A_1056 : vector<16xf32>
            %mul3A_1058 = arith.mulf %add3A_1057, %mul3A_1031 : vector<16xf32>
            %add3A_1059 = arith.constant -0.31612426 : f32
            %add3A_1060 = vector.broadcast %add3A_1059 : f32 to vector<16xf32>
            %add3A_1061 = arith.addf %mul3A_1058, %add3A_1060 : vector<16xf32>
            %mul3A_1062 = arith.mulf %add3A_1061, %mul3A_1031 : vector<16xf32>
            %add3A_1063 = arith.constant 0.998486995 : f32
            %add3A_1064 = vector.broadcast %add3A_1063 : f32 to vector<16xf32>
            %add3A_1065 = arith.addf %mul3A_1062, %add3A_1064 : vector<16xf32>
            %mul3A_1066 = arith.mulf %min3A_1030, %add3A_1065 : vector<16xf32>
            %mul3A_1067 = vector.broadcast %squeeze3A_1015 : f32 to vector<16xf32>
            %mul3A_1068 = arith.mulf %mul3A_1067, %mul3A_1066 : vector<16xf32>
            %add3A_1069 = arith.addf %add3A_959, %mul3A_1068 : vector<16xf32>
            %get3A_1070 = arith.index_cast %scan3A_201 : i32 to index
            %get3A_1071 = arith.constant 240 : index
            %get3A_1072 = tpu.vector_load %arg12[%get3A_1070, %get3A_1071] {strides = array<i32>} : memref<40x1024xf32, #tpu.memory_space<vmem>>, vector<1x16xf32>,
            %get3A_1073 = vector.shape_cast %get3A_1072 : vector<1x16xf32> to vector<16xf32>
            %get3A_1074 = arith.index_cast %scan3A_201 : i32 to index
            %get3A_1075 = arith.constant 240 : index
            %get3A_1076 = tpu.vector_load %arg13[%get3A_1074, %get3A_1075] {strides = array<i32>} : memref<40x1024xf32, #tpu.memory_space<vmem>>, vector<1x16xf32>,
            %get3A_1077 = vector.shape_cast %get3A_1076 : vector<1x16xf32> to vector<16xf32>
            %add3A_1078 = arith.addf %get3A_1073, %get3A_1077 : vector<16xf32>
            %max3A_1079 = arith.constant -4.200000e+00 : f32
            %max3A_1080 = vector.broadcast %max3A_1079 : f32 to vector<16xf32>
            %max3A_1081 = arith.maximumf %add3A_1078, %max3A_1080 : vector<16xf32>
            %min3A_1082 = arith.constant 4.200000e+00 : f32
            %min3A_1083 = vector.broadcast %min3A_1082 : f32 to vector<16xf32>
            %min3A_1084 = arith.minimumf %max3A_1081, %min3A_1083 : vector<16xf32>
            %mul3A_1085 = arith.mulf %min3A_1084, %min3A_1084 : vector<16xf32>
            %mul3A_1086 = arith.constant 5.701380e-09 : f32
            %mul3A_1087 = vector.broadcast %mul3A_1086 : f32 to vector<16xf32>
            %mul3A_1088 = arith.mulf %mul3A_1087, %mul3A_1085 : vector<16xf32>
            %add3A_1089 = arith.constant -4.54547461E-7 : f32
            %add3A_1090 = vector.broadcast %add3A_1089 : f32 to vector<16xf32>
            %add3A_1091 = arith.addf %mul3A_1088, %add3A_1090 : vector<16xf32>
            %mul3A_1092 = arith.mulf %add3A_1091, %mul3A_1085 : vector<16xf32>
            %add3A_1093 = arith.constant 1.52370731E-5 : f32
            %add3A_1094 = vector.broadcast %add3A_1093 : f32 to vector<16xf32>
            %add3A_1095 = arith.addf %mul3A_1092, %add3A_1094 : vector<16xf32>
            %mul3A_1096 = arith.mulf %add3A_1095, %mul3A_1085 : vector<16xf32>
            %add3A_1097 = arith.constant -2.8012236E-4 : f32
            %add3A_1098 = vector.broadcast %add3A_1097 : f32 to vector<16xf32>
            %add3A_1099 = arith.addf %mul3A_1096, %add3A_1098 : vector<16xf32>
            %mul3A_1100 = arith.mulf %add3A_1099, %mul3A_1085 : vector<16xf32>
            %add3A_1101 = arith.constant 0.00310155516 : f32
            %add3A_1102 = vector.broadcast %add3A_1101 : f32 to vector<16xf32>
            %add3A_1103 = arith.addf %mul3A_1100, %add3A_1102 : vector<16xf32>
            %mul3A_1104 = arith.mulf %add3A_1103, %mul3A_1085 : vector<16xf32>
            %add3A_1105 = arith.constant -0.0215865858 : f32
            %add3A_1106 = vector.broadcast %add3A_1105 : f32 to vector<16xf32>
            %add3A_1107 = arith.addf %mul3A_1104, %add3A_1106 : vector<16xf32>
            %mul3A_1108 = arith.mulf %add3A_1107, %mul3A_1085 : vector<16xf32>
            %add3A_1109 = arith.constant 0.098000586 : f32
            %add3A_1110 = vector.broadcast %add3A_1109 : f32 to vector<16xf32>
            %add3A_1111 = arith.addf %mul3A_1108, %add3A_1110 : vector<16xf32>
            %mul3A_1112 = arith.mulf %add3A_1111, %mul3A_1085 : vector<16xf32>
            %add3A_1113 = arith.constant -0.31612426 : f32
            %add3A_1114 = vector.broadcast %add3A_1113 : f32 to vector<16xf32>
            %add3A_1115 = arith.addf %mul3A_1112, %add3A_1114 : vector<16xf32>
            %mul3A_1116 = arith.mulf %add3A_1115, %mul3A_1085 : vector<16xf32>
            %add3A_1117 = arith.constant 0.998486995 : f32
            %add3A_1118 = vector.broadcast %add3A_1117 : f32 to vector<16xf32>
            %add3A_1119 = arith.addf %mul3A_1116, %add3A_1118 : vector<16xf32>
            %mul3A_1120 = arith.mulf %min3A_1084, %add3A_1119 : vector<16xf32>
            %mul3A_1121 = vector.broadcast %squeeze3A_1015 : f32 to vector<16xf32>
            %mul3A_1122 = arith.mulf %mul3A_1121, %mul3A_1120 : vector<16xf32>
            %add3A_1123 = arith.addf %add3A_1013, %mul3A_1122 : vector<16xf32>
            %slice3A_1124 = vector.extract_strided_slice %get3A_221 {offsets = [8], sizes = [1], strides = [1]} : vector<16xf32> to vector<1xf32>
            %squeeze3A_1125 = vector.extract %slice3A_1124[0] : f32 from vector<1xf32>
            %get3A_1126 = arith.index_cast %scan3A_201 : i32 to index
            %get3A_1127 = arith.constant 256 : index
            %get3A_1128 = tpu.vector_load %arg12[%get3A_1126, %get3A_1127] {strides = array<i32>} : memref<40x1024xf32, #tpu.memory_space<vmem>>, vector<1x16xf32>,
            %get3A_1129 = vector.shape_cast %get3A_1128 : vector<1x16xf32> to vector<16xf32>
            %get3A_1130 = arith.index_cast %scan3A_201 : i32 to index
            %get3A_1131 = arith.constant 256 : index
            %get3A_1132 = tpu.vector_load %arg13[%get3A_1130, %get3A_1131] {strides = array<i32>} : memref<40x1024xf32, #tpu.memory_space<vmem>>, vector<1x16xf32>,
            %get3A_1133 = vector.shape_cast %get3A_1132 : vector<1x16xf32> to vector<16xf32>
            %add3A_1134 = arith.addf %get3A_1129, %get3A_1133 : vector<16xf32>
            %max3A_1135 = arith.constant -4.200000e+00 : f32
            %max3A_1136 = vector.broadcast %max3A_1135 : f32 to vector<16xf32>
            %max3A_1137 = arith.maximumf %add3A_1134, %max3A_1136 : vector<16xf32>
            %min3A_1138 = arith.constant 4.200000e+00 : f32
            %min3A_1139 = vector.broadcast %min3A_1138 : f32 to vector<16xf32>
            %min3A_1140 = arith.minimumf %max3A_1137, %min3A_1139 : vector<16xf32>
            %mul3A_1141 = arith.mulf %min3A_1140, %min3A_1140 : vector<16xf32>
            %mul3A_1142 = arith.constant 5.701380e-09 : f32
            %mul3A_1143 = vector.broadcast %mul3A_1142 : f32 to vector<16xf32>
            %mul3A_1144 = arith.mulf %mul3A_1143, %mul3A_1141 : vector<16xf32>
            %add3A_1145 = arith.constant -4.54547461E-7 : f32
            %add3A_1146 = vector.broadcast %add3A_1145 : f32 to vector<16xf32>
            %add3A_1147 = arith.addf %mul3A_1144, %add3A_1146 : vector<16xf32>
            %mul3A_1148 = arith.mulf %add3A_1147, %mul3A_1141 : vector<16xf32>
            %add3A_1149 = arith.constant 1.52370731E-5 : f32
            %add3A_1150 = vector.broadcast %add3A_1149 : f32 to vector<16xf32>
            %add3A_1151 = arith.addf %mul3A_1148, %add3A_1150 : vector<16xf32>
            %mul3A_1152 = arith.mulf %add3A_1151, %mul3A_1141 : vector<16xf32>
            %add3A_1153 = arith.constant -2.8012236E-4 : f32
            %add3A_1154 = vector.broadcast %add3A_1153 : f32 to vector<16xf32>
            %add3A_1155 = arith.addf %mul3A_1152, %add3A_1154 : vector<16xf32>
            %mul3A_1156 = arith.mulf %add3A_1155, %mul3A_1141 : vector<16xf32>
            %add3A_1157 = arith.constant 0.00310155516 : f32
            %add3A_1158 = vector.broadcast %add3A_1157 : f32 to vector<16xf32>
            %add3A_1159 = arith.addf %mul3A_1156, %add3A_1158 : vector<16xf32>
            %mul3A_1160 = arith.mulf %add3A_1159, %mul3A_1141 : vector<16xf32>
            %add3A_1161 = arith.constant -0.0215865858 : f32
            %add3A_1162 = vector.broadcast %add3A_1161 : f32 to vector<16xf32>
            %add3A_1163 = arith.addf %mul3A_1160, %add3A_1162 : vector<16xf32>
            %mul3A_1164 = arith.mulf %add3A_1163, %mul3A_1141 : vector<16xf32>
            %add3A_1165 = arith.constant 0.098000586 : f32
            %add3A_1166 = vector.broadcast %add3A_1165 : f32 to vector<16xf32>
            %add3A_1167 = arith.addf %mul3A_1164, %add3A_1166 : vector<16xf32>
            %mul3A_1168 = arith.mulf %add3A_1167, %mul3A_1141 : vector<16xf32>
            %add3A_1169 = arith.constant -0.31612426 : f32
            %add3A_1170 = vector.broadcast %add3A_1169 : f32 to vector<16xf32>
            %add3A_1171 = arith.addf %mul3A_1168, %add3A_1170 : vector<16xf32>
            %mul3A_1172 = arith.mulf %add3A_1171, %mul3A_1141 : vector<16xf32>
            %add3A_1173 = arith.constant 0.998486995 : f32
            %add3A_1174 = vector.broadcast %add3A_1173 : f32 to vector<16xf32>
            %add3A_1175 = arith.addf %mul3A_1172, %add3A_1174 : vector<16xf32>
            %mul3A_1176 = arith.mulf %min3A_1140, %add3A_1175 : vector<16xf32>
            %mul3A_1177 = vector.broadcast %squeeze3A_1125 : f32 to vector<16xf32>
            %mul3A_1178 = arith.mulf %mul3A_1177, %mul3A_1176 : vector<16xf32>
            %add3A_1179 = arith.addf %add3A_1069, %mul3A_1178 : vector<16xf32>
            %get3A_1180 = arith.index_cast %scan3A_201 : i32 to index
            %get3A_1181 = arith.constant 272 : index
            %get3A_1182 = tpu.vector_load %arg12[%get3A_1180, %get3A_1181] {strides = array<i32>} : memref<40x1024xf32, #tpu.memory_space<vmem>>, vector<1x16xf32>,
            %get3A_1183 = vector.shape_cast %get3A_1182 : vector<1x16xf32> to vector<16xf32>
            %get3A_1184 = arith.index_cast %scan3A_201 : i32 to index
            %get3A_1185 = arith.constant 272 : index
            %get3A_1186 = tpu.vector_load %arg13[%get3A_1184, %get3A_1185] {strides = array<i32>} : memref<40x1024xf32, #tpu.memory_space<vmem>>, vector<1x16xf32>,
            %get3A_1187 = vector.shape_cast %get3A_1186 : vector<1x16xf32> to vector<16xf32>
            %add3A_1188 = arith.addf %get3A_1183, %get3A_1187 : vector<16xf32>
            %max3A_1189 = arith.constant -4.200000e+00 : f32
            %max3A_1190 = vector.broadcast %max3A_1189 : f32 to vector<16xf32>
            %max3A_1191 = arith.maximumf %add3A_1188, %max3A_1190 : vector<16xf32>
            %min3A_1192 = arith.constant 4.200000e+00 : f32
            %min3A_1193 = vector.broadcast %min3A_1192 : f32 to vector<16xf32>
            %min3A_1194 = arith.minimumf %max3A_1191, %min3A_1193 : vector<16xf32>
            %mul3A_1195 = arith.mulf %min3A_1194, %min3A_1194 : vector<16xf32>
            %mul3A_1196 = arith.constant 5.701380e-09 : f32
            %mul3A_1197 = vector.broadcast %mul3A_1196 : f32 to vector<16xf32>
            %mul3A_1198 = arith.mulf %mul3A_1197, %mul3A_1195 : vector<16xf32>
            %add3A_1199 = arith.constant -4.54547461E-7 : f32
            %add3A_1200 = vector.broadcast %add3A_1199 : f32 to vector<16xf32>
            %add3A_1201 = arith.addf %mul3A_1198, %add3A_1200 : vector<16xf32>
            %mul3A_1202 = arith.mulf %add3A_1201, %mul3A_1195 : vector<16xf32>
            %add3A_1203 = arith.constant 1.52370731E-5 : f32
            %add3A_1204 = vector.broadcast %add3A_1203 : f32 to vector<16xf32>
            %add3A_1205 = arith.addf %mul3A_1202, %add3A_1204 : vector<16xf32>
            %mul3A_1206 = arith.mulf %add3A_1205, %mul3A_1195 : vector<16xf32>
            %add3A_1207 = arith.constant -2.8012236E-4 : f32
            %add3A_1208 = vector.broadcast %add3A_1207 : f32 to vector<16xf32>
            %add3A_1209 = arith.addf %mul3A_1206, %add3A_1208 : vector<16xf32>
            %mul3A_1210 = arith.mulf %add3A_1209, %mul3A_1195 : vector<16xf32>
            %add3A_1211 = arith.constant 0.00310155516 : f32
            %add3A_1212 = vector.broadcast %add3A_1211 : f32 to vector<16xf32>
            %add3A_1213 = arith.addf %mul3A_1210, %add3A_1212 : vector<16xf32>
            %mul3A_1214 = arith.mulf %add3A_1213, %mul3A_1195 : vector<16xf32>
            %add3A_1215 = arith.constant -0.0215865858 : f32
            %add3A_1216 = vector.broadcast %add3A_1215 : f32 to vector<16xf32>
            %add3A_1217 = arith.addf %mul3A_1214, %add3A_1216 : vector<16xf32>
            %mul3A_1218 = arith.mulf %add3A_1217, %mul3A_1195 : vector<16xf32>
            %add3A_1219 = arith.constant 0.098000586 : f32
            %add3A_1220 = vector.broadcast %add3A_1219 : f32 to vector<16xf32>
            %add3A_1221 = arith.addf %mul3A_1218, %add3A_1220 : vector<16xf32>
            %mul3A_1222 = arith.mulf %add3A_1221, %mul3A_1195 : vector<16xf32>
            %add3A_1223 = arith.constant -0.31612426 : f32
            %add3A_1224 = vector.broadcast %add3A_1223 : f32 to vector<16xf32>
            %add3A_1225 = arith.addf %mul3A_1222, %add3A_1224 : vector<16xf32>
            %mul3A_1226 = arith.mulf %add3A_1225, %mul3A_1195 : vector<16xf32>
            %add3A_1227 = arith.constant 0.998486995 : f32
            %add3A_1228 = vector.broadcast %add3A_1227 : f32 to vector<16xf32>
            %add3A_1229 = arith.addf %mul3A_1226, %add3A_1228 : vector<16xf32>
            %mul3A_1230 = arith.mulf %min3A_1194, %add3A_1229 : vector<16xf32>
            %mul3A_1231 = vector.broadcast %squeeze3A_1125 : f32 to vector<16xf32>
            %mul3A_1232 = arith.mulf %mul3A_1231, %mul3A_1230 : vector<16xf32>
            %add3A_1233 = arith.addf %add3A_1123, %mul3A_1232 : vector<16xf32>
            %slice3A_1234 = vector.extract_strided_slice %get3A_221 {offsets = [9], sizes = [1], strides = [1]} : vector<16xf32> to vector<1xf32>
            %squeeze3A_1235 = vector.extract %slice3A_1234[0] : f32 from vector<1xf32>
            %get3A_1236 = arith.index_cast %scan3A_201 : i32 to index
            %get3A_1237 = arith.constant 288 : index
            %get3A_1238 = tpu.vector_load %arg12[%get3A_1236, %get3A_1237] {strides = array<i32>} : memref<40x1024xf32, #tpu.memory_space<vmem>>, vector<1x16xf32>,
            %get3A_1239 = vector.shape_cast %get3A_1238 : vector<1x16xf32> to vector<16xf32>
            %get3A_1240 = arith.index_cast %scan3A_201 : i32 to index
            %get3A_1241 = arith.constant 288 : index
            %get3A_1242 = tpu.vector_load %arg13[%get3A_1240, %get3A_1241] {strides = array<i32>} : memref<40x1024xf32, #tpu.memory_space<vmem>>, vector<1x16xf32>,
            %get3A_1243 = vector.shape_cast %get3A_1242 : vector<1x16xf32> to vector<16xf32>
            %add3A_1244 = arith.addf %get3A_1239, %get3A_1243 : vector<16xf32>
            %max3A_1245 = arith.constant -4.200000e+00 : f32
            %max3A_1246 = vector.broadcast %max3A_1245 : f32 to vector<16xf32>
            %max3A_1247 = arith.maximumf %add3A_1244, %max3A_1246 : vector<16xf32>
            %min3A_1248 = arith.constant 4.200000e+00 : f32
            %min3A_1249 = vector.broadcast %min3A_1248 : f32 to vector<16xf32>
            %min3A_1250 = arith.minimumf %max3A_1247, %min3A_1249 : vector<16xf32>
            %mul3A_1251 = arith.mulf %min3A_1250, %min3A_1250 : vector<16xf32>
            %mul3A_1252 = arith.constant 5.701380e-09 : f32
            %mul3A_1253 = vector.broadcast %mul3A_1252 : f32 to vector<16xf32>
            %mul3A_1254 = arith.mulf %mul3A_1253, %mul3A_1251 : vector<16xf32>
            %add3A_1255 = arith.constant -4.54547461E-7 : f32
            %add3A_1256 = vector.broadcast %add3A_1255 : f32 to vector<16xf32>
            %add3A_1257 = arith.addf %mul3A_1254, %add3A_1256 : vector<16xf32>
            %mul3A_1258 = arith.mulf %add3A_1257, %mul3A_1251 : vector<16xf32>
            %add3A_1259 = arith.constant 1.52370731E-5 : f32
            %add3A_1260 = vector.broadcast %add3A_1259 : f32 to vector<16xf32>
            %add3A_1261 = arith.addf %mul3A_1258, %add3A_1260 : vector<16xf32>
            %mul3A_1262 = arith.mulf %add3A_1261, %mul3A_1251 : vector<16xf32>
            %add3A_1263 = arith.constant -2.8012236E-4 : f32
            %add3A_1264 = vector.broadcast %add3A_1263 : f32 to vector<16xf32>
            %add3A_1265 = arith.addf %mul3A_1262, %add3A_1264 : vector<16xf32>
            %mul3A_1266 = arith.mulf %add3A_1265, %mul3A_1251 : vector<16xf32>
            %add3A_1267 = arith.constant 0.00310155516 : f32
            %add3A_1268 = vector.broadcast %add3A_1267 : f32 to vector<16xf32>
            %add3A_1269 = arith.addf %mul3A_1266, %add3A_1268 : vector<16xf32>
            %mul3A_1270 = arith.mulf %add3A_1269, %mul3A_1251 : vector<16xf32>
            %add3A_1271 = arith.constant -0.0215865858 : f32
            %add3A_1272 = vector.broadcast %add3A_1271 : f32 to vector<16xf32>
            %add3A_1273 = arith.addf %mul3A_1270, %add3A_1272 : vector<16xf32>
            %mul3A_1274 = arith.mulf %add3A_1273, %mul3A_1251 : vector<16xf32>
            %add3A_1275 = arith.constant 0.098000586 : f32
            %add3A_1276 = vector.broadcast %add3A_1275 : f32 to vector<16xf32>
            %add3A_1277 = arith.addf %mul3A_1274, %add3A_1276 : vector<16xf32>
            %mul3A_1278 = arith.mulf %add3A_1277, %mul3A_1251 : vector<16xf32>
            %add3A_1279 = arith.constant -0.31612426 : f32
            %add3A_1280 = vector.broadcast %add3A_1279 : f32 to vector<16xf32>
            %add3A_1281 = arith.addf %mul3A_1278, %add3A_1280 : vector<16xf32>
            %mul3A_1282 = arith.mulf %add3A_1281, %mul3A_1251 : vector<16xf32>
            %add3A_1283 = arith.constant 0.998486995 : f32
            %add3A_1284 = vector.broadcast %add3A_1283 : f32 to vector<16xf32>
            %add3A_1285 = arith.addf %mul3A_1282, %add3A_1284 : vector<16xf32>
            %mul3A_1286 = arith.mulf %min3A_1250, %add3A_1285 : vector<16xf32>
            %mul3A_1287 = vector.broadcast %squeeze3A_1235 : f32 to vector<16xf32>
            %mul3A_1288 = arith.mulf %mul3A_1287, %mul3A_1286 : vector<16xf32>
            %add3A_1289 = arith.addf %add3A_1179, %mul3A_1288 : vector<16xf32>
            %get3A_1290 = arith.index_cast %scan3A_201 : i32 to index
            %get3A_1291 = arith.constant 304 : index
            %get3A_1292 = tpu.vector_load %arg12[%get3A_1290, %get3A_1291] {strides = array<i32>} : memref<40x1024xf32, #tpu.memory_space<vmem>>, vector<1x16xf32>,
            %get3A_1293 = vector.shape_cast %get3A_1292 : vector<1x16xf32> to vector<16xf32>
            %get3A_1294 = arith.index_cast %scan3A_201 : i32 to index
            %get3A_1295 = arith.constant 304 : index
            %get3A_1296 = tpu.vector_load %arg13[%get3A_1294, %get3A_1295] {strides = array<i32>} : memref<40x1024xf32, #tpu.memory_space<vmem>>, vector<1x16xf32>,
            %get3A_1297 = vector.shape_cast %get3A_1296 : vector<1x16xf32> to vector<16xf32>
            %add3A_1298 = arith.addf %get3A_1293, %get3A_1297 : vector<16xf32>
            %max3A_1299 = arith.constant -4.200000e+00 : f32
            %max3A_1300 = vector.broadcast %max3A_1299 : f32 to vector<16xf32>
            %max3A_1301 = arith.maximumf %add3A_1298, %max3A_1300 : vector<16xf32>
            %min3A_1302 = arith.constant 4.200000e+00 : f32
            %min3A_1303 = vector.broadcast %min3A_1302 : f32 to vector<16xf32>
            %min3A_1304 = arith.minimumf %max3A_1301, %min3A_1303 : vector<16xf32>
            %mul3A_1305 = arith.mulf %min3A_1304, %min3A_1304 : vector<16xf32>
            %mul3A_1306 = arith.constant 5.701380e-09 : f32
            %mul3A_1307 = vector.broadcast %mul3A_1306 : f32 to vector<16xf32>
            %mul3A_1308 = arith.mulf %mul3A_1307, %mul3A_1305 : vector<16xf32>
            %add3A_1309 = arith.constant -4.54547461E-7 : f32
            %add3A_1310 = vector.broadcast %add3A_1309 : f32 to vector<16xf32>
            %add3A_1311 = arith.addf %mul3A_1308, %add3A_1310 : vector<16xf32>
            %mul3A_1312 = arith.mulf %add3A_1311, %mul3A_1305 : vector<16xf32>
            %add3A_1313 = arith.constant 1.52370731E-5 : f32
            %add3A_1314 = vector.broadcast %add3A_1313 : f32 to vector<16xf32>
            %add3A_1315 = arith.addf %mul3A_1312, %add3A_1314 : vector<16xf32>
            %mul3A_1316 = arith.mulf %add3A_1315, %mul3A_1305 : vector<16xf32>
            %add3A_1317 = arith.constant -2.8012236E-4 : f32
            %add3A_1318 = vector.broadcast %add3A_1317 : f32 to vector<16xf32>
            %add3A_1319 = arith.addf %mul3A_1316, %add3A_1318 : vector<16xf32>
            %mul3A_1320 = arith.mulf %add3A_1319, %mul3A_1305 : vector<16xf32>
            %add3A_1321 = arith.constant 0.00310155516 : f32
            %add3A_1322 = vector.broadcast %add3A_1321 : f32 to vector<16xf32>
            %add3A_1323 = arith.addf %mul3A_1320, %add3A_1322 : vector<16xf32>
            %mul3A_1324 = arith.mulf %add3A_1323, %mul3A_1305 : vector<16xf32>
            %add3A_1325 = arith.constant -0.0215865858 : f32
            %add3A_1326 = vector.broadcast %add3A_1325 : f32 to vector<16xf32>
            %add3A_1327 = arith.addf %mul3A_1324, %add3A_1326 : vector<16xf32>
            %mul3A_1328 = arith.mulf %add3A_1327, %mul3A_1305 : vector<16xf32>
            %add3A_1329 = arith.constant 0.098000586 : f32
            %add3A_1330 = vector.broadcast %add3A_1329 : f32 to vector<16xf32>
            %add3A_1331 = arith.addf %mul3A_1328, %add3A_1330 : vector<16xf32>
            %mul3A_1332 = arith.mulf %add3A_1331, %mul3A_1305 : vector<16xf32>
            %add3A_1333 = arith.constant -0.31612426 : f32
            %add3A_1334 = vector.broadcast %add3A_1333 : f32 to vector<16xf32>
            %add3A_1335 = arith.addf %mul3A_1332, %add3A_1334 : vector<16xf32>
            %mul3A_1336 = arith.mulf %add3A_1335, %mul3A_1305 : vector<16xf32>
            %add3A_1337 = arith.constant 0.998486995 : f32
            %add3A_1338 = vector.broadcast %add3A_1337 : f32 to vector<16xf32>
            %add3A_1339 = arith.addf %mul3A_1336, %add3A_1338 : vector<16xf32>
            %mul3A_1340 = arith.mulf %min3A_1304, %add3A_1339 : vector<16xf32>
            %mul3A_1341 = vector.broadcast %squeeze3A_1235 : f32 to vector<16xf32>
            %mul3A_1342 = arith.mulf %mul3A_1341, %mul3A_1340 : vector<16xf32>
            %add3A_1343 = arith.addf %add3A_1233, %mul3A_1342 : vector<16xf32>
            %slice3A_1344 = vector.extract_strided_slice %get3A_221 {offsets = [10], sizes = [1], strides = [1]} : vector<16xf32> to vector<1xf32>
            %squeeze3A_1345 = vector.extract %slice3A_1344[0] : f32 from vector<1xf32>
            %get3A_1346 = arith.index_cast %scan3A_201 : i32 to index
            %get3A_1347 = arith.constant 320 : index
            %get3A_1348 = tpu.vector_load %arg12[%get3A_1346, %get3A_1347] {strides = array<i32>} : memref<40x1024xf32, #tpu.memory_space<vmem>>, vector<1x16xf32>,
            %get3A_1349 = vector.shape_cast %get3A_1348 : vector<1x16xf32> to vector<16xf32>
            %get3A_1350 = arith.index_cast %scan3A_201 : i32 to index
            %get3A_1351 = arith.constant 320 : index
            %get3A_1352 = tpu.vector_load %arg13[%get3A_1350, %get3A_1351] {strides = array<i32>} : memref<40x1024xf32, #tpu.memory_space<vmem>>, vector<1x16xf32>,
            %get3A_1353 = vector.shape_cast %get3A_1352 : vector<1x16xf32> to vector<16xf32>
            %add3A_1354 = arith.addf %get3A_1349, %get3A_1353 : vector<16xf32>
            %max3A_1355 = arith.constant -4.200000e+00 : f32
            %max3A_1356 = vector.broadcast %max3A_1355 : f32 to vector<16xf32>
            %max3A_1357 = arith.maximumf %add3A_1354, %max3A_1356 : vector<16xf32>
            %min3A_1358 = arith.constant 4.200000e+00 : f32
            %min3A_1359 = vector.broadcast %min3A_1358 : f32 to vector<16xf32>
            %min3A_1360 = arith.minimumf %max3A_1357, %min3A_1359 : vector<16xf32>
            %mul3A_1361 = arith.mulf %min3A_1360, %min3A_1360 : vector<16xf32>
            %mul3A_1362 = arith.constant 5.701380e-09 : f32
            %mul3A_1363 = vector.broadcast %mul3A_1362 : f32 to vector<16xf32>
            %mul3A_1364 = arith.mulf %mul3A_1363, %mul3A_1361 : vector<16xf32>
            %add3A_1365 = arith.constant -4.54547461E-7 : f32
            %add3A_1366 = vector.broadcast %add3A_1365 : f32 to vector<16xf32>
            %add3A_1367 = arith.addf %mul3A_1364, %add3A_1366 : vector<16xf32>
            %mul3A_1368 = arith.mulf %add3A_1367, %mul3A_1361 : vector<16xf32>
            %add3A_1369 = arith.constant 1.52370731E-5 : f32
            %add3A_1370 = vector.broadcast %add3A_1369 : f32 to vector<16xf32>
            %add3A_1371 = arith.addf %mul3A_1368, %add3A_1370 : vector<16xf32>
            %mul3A_1372 = arith.mulf %add3A_1371, %mul3A_1361 : vector<16xf32>
            %add3A_1373 = arith.constant -2.8012236E-4 : f32
            %add3A_1374 = vector.broadcast %add3A_1373 : f32 to vector<16xf32>
            %add3A_1375 = arith.addf %mul3A_1372, %add3A_1374 : vector<16xf32>
            %mul3A_1376 = arith.mulf %add3A_1375, %mul3A_1361 : vector<16xf32>
            %add3A_1377 = arith.constant 0.00310155516 : f32
            %add3A_1378 = vector.broadcast %add3A_1377 : f32 to vector<16xf32>
            %add3A_1379 = arith.addf %mul3A_1376, %add3A_1378 : vector<16xf32>
            %mul3A_1380 = arith.mulf %add3A_1379, %mul3A_1361 : vector<16xf32>
            %add3A_1381 = arith.constant -0.0215865858 : f32
            %add3A_1382 = vector.broadcast %add3A_1381 : f32 to vector<16xf32>
            %add3A_1383 = arith.addf %mul3A_1380, %add3A_1382 : vector<16xf32>
            %mul3A_1384 = arith.mulf %add3A_1383, %mul3A_1361 : vector<16xf32>
            %add3A_1385 = arith.constant 0.098000586 : f32
            %add3A_1386 = vector.broadcast %add3A_1385 : f32 to vector<16xf32>
            %add3A_1387 = arith.addf %mul3A_1384, %add3A_1386 : vector<16xf32>
            %mul3A_1388 = arith.mulf %add3A_1387, %mul3A_1361 : vector<16xf32>
            %add3A_1389 = arith.constant -0.31612426 : f32
            %add3A_1390 = vector.broadcast %add3A_1389 : f32 to vector<16xf32>
            %add3A_1391 = arith.addf %mul3A_1388, %add3A_1390 : vector<16xf32>
            %mul3A_1392 = arith.mulf %add3A_1391, %mul3A_1361 : vector<16xf32>
            %add3A_1393 = arith.constant 0.998486995 : f32
            %add3A_1394 = vector.broadcast %add3A_1393 : f32 to vector<16xf32>
            %add3A_1395 = arith.addf %mul3A_1392, %add3A_1394 : vector<16xf32>
            %mul3A_1396 = arith.mulf %min3A_1360, %add3A_1395 : vector<16xf32>
            %mul3A_1397 = vector.broadcast %squeeze3A_1345 : f32 to vector<16xf32>
            %mul3A_1398 = arith.mulf %mul3A_1397, %mul3A_1396 : vector<16xf32>
            %add3A_1399 = arith.addf %add3A_1289, %mul3A_1398 : vector<16xf32>
            %get3A_1400 = arith.index_cast %scan3A_201 : i32 to index
            %get3A_1401 = arith.constant 336 : index
            %get3A_1402 = tpu.vector_load %arg12[%get3A_1400, %get3A_1401] {strides = array<i32>} : memref<40x1024xf32, #tpu.memory_space<vmem>>, vector<1x16xf32>,
            %get3A_1403 = vector.shape_cast %get3A_1402 : vector<1x16xf32> to vector<16xf32>
            %get3A_1404 = arith.index_cast %scan3A_201 : i32 to index
            %get3A_1405 = arith.constant 336 : index
            %get3A_1406 = tpu.vector_load %arg13[%get3A_1404, %get3A_1405] {strides = array<i32>} : memref<40x1024xf32, #tpu.memory_space<vmem>>, vector<1x16xf32>,
            %get3A_1407 = vector.shape_cast %get3A_1406 : vector<1x16xf32> to vector<16xf32>
            %add3A_1408 = arith.addf %get3A_1403, %get3A_1407 : vector<16xf32>
            %max3A_1409 = arith.constant -4.200000e+00 : f32
            %max3A_1410 = vector.broadcast %max3A_1409 : f32 to vector<16xf32>
            %max3A_1411 = arith.maximumf %add3A_1408, %max3A_1410 : vector<16xf32>
            %min3A_1412 = arith.constant 4.200000e+00 : f32
            %min3A_1413 = vector.broadcast %min3A_1412 : f32 to vector<16xf32>
            %min3A_1414 = arith.minimumf %max3A_1411, %min3A_1413 : vector<16xf32>
            %mul3A_1415 = arith.mulf %min3A_1414, %min3A_1414 : vector<16xf32>
            %mul3A_1416 = arith.constant 5.701380e-09 : f32
            %mul3A_1417 = vector.broadcast %mul3A_1416 : f32 to vector<16xf32>
            %mul3A_1418 = arith.mulf %mul3A_1417, %mul3A_1415 : vector<16xf32>
            %add3A_1419 = arith.constant -4.54547461E-7 : f32
            %add3A_1420 = vector.broadcast %add3A_1419 : f32 to vector<16xf32>
            %add3A_1421 = arith.addf %mul3A_1418, %add3A_1420 : vector<16xf32>
            %mul3A_1422 = arith.mulf %add3A_1421, %mul3A_1415 : vector<16xf32>
            %add3A_1423 = arith.constant 1.52370731E-5 : f32
            %add3A_1424 = vector.broadcast %add3A_1423 : f32 to vector<16xf32>
            %add3A_1425 = arith.addf %mul3A_1422, %add3A_1424 : vector<16xf32>
            %mul3A_1426 = arith.mulf %add3A_1425, %mul3A_1415 : vector<16xf32>
            %add3A_1427 = arith.constant -2.8012236E-4 : f32
            %add3A_1428 = vector.broadcast %add3A_1427 : f32 to vector<16xf32>
            %add3A_1429 = arith.addf %mul3A_1426, %add3A_1428 : vector<16xf32>
            %mul3A_1430 = arith.mulf %add3A_1429, %mul3A_1415 : vector<16xf32>
            %add3A_1431 = arith.constant 0.00310155516 : f32
            %add3A_1432 = vector.broadcast %add3A_1431 : f32 to vector<16xf32>
            %add3A_1433 = arith.addf %mul3A_1430, %add3A_1432 : vector<16xf32>
            %mul3A_1434 = arith.mulf %add3A_1433, %mul3A_1415 : vector<16xf32>
            %add3A_1435 = arith.constant -0.0215865858 : f32
            %add3A_1436 = vector.broadcast %add3A_1435 : f32 to vector<16xf32>
            %add3A_1437 = arith.addf %mul3A_1434, %add3A_1436 : vector<16xf32>
            %mul3A_1438 = arith.mulf %add3A_1437, %mul3A_1415 : vector<16xf32>
            %add3A_1439 = arith.constant 0.098000586 : f32
            %add3A_1440 = vector.broadcast %add3A_1439 : f32 to vector<16xf32>
            %add3A_1441 = arith.addf %mul3A_1438, %add3A_1440 : vector<16xf32>
            %mul3A_1442 = arith.mulf %add3A_1441, %mul3A_1415 : vector<16xf32>
            %add3A_1443 = arith.constant -0.31612426 : f32
            %add3A_1444 = vector.broadcast %add3A_1443 : f32 to vector<16xf32>
            %add3A_1445 = arith.addf %mul3A_1442, %add3A_1444 : vector<16xf32>
            %mul3A_1446 = arith.mulf %add3A_1445, %mul3A_1415 : vector<16xf32>
            %add3A_1447 = arith.constant 0.998486995 : f32
            %add3A_1448 = vector.broadcast %add3A_1447 : f32 to vector<16xf32>
            %add3A_1449 = arith.addf %mul3A_1446, %add3A_1448 : vector<16xf32>
            %mul3A_1450 = arith.mulf %min3A_1414, %add3A_1449 : vector<16xf32>
            %mul3A_1451 = vector.broadcast %squeeze3A_1345 : f32 to vector<16xf32>
            %mul3A_1452 = arith.mulf %mul3A_1451, %mul3A_1450 : vector<16xf32>
            %add3A_1453 = arith.addf %add3A_1343, %mul3A_1452 : vector<16xf32>
            %slice3A_1454 = vector.extract_strided_slice %get3A_221 {offsets = [11], sizes = [1], strides = [1]} : vector<16xf32> to vector<1xf32>
            %squeeze3A_1455 = vector.extract %slice3A_1454[0] : f32 from vector<1xf32>
            %get3A_1456 = arith.index_cast %scan3A_201 : i32 to index
            %get3A_1457 = arith.constant 352 : index
            %get3A_1458 = tpu.vector_load %arg12[%get3A_1456, %get3A_1457] {strides = array<i32>} : memref<40x1024xf32, #tpu.memory_space<vmem>>, vector<1x16xf32>,
            %get3A_1459 = vector.shape_cast %get3A_1458 : vector<1x16xf32> to vector<16xf32>
            %get3A_1460 = arith.index_cast %scan3A_201 : i32 to index
            %get3A_1461 = arith.constant 352 : index
            %get3A_1462 = tpu.vector_load %arg13[%get3A_1460, %get3A_1461] {strides = array<i32>} : memref<40x1024xf32, #tpu.memory_space<vmem>>, vector<1x16xf32>,
            %get3A_1463 = vector.shape_cast %get3A_1462 : vector<1x16xf32> to vector<16xf32>
            %add3A_1464 = arith.addf %get3A_1459, %get3A_1463 : vector<16xf32>
            %max3A_1465 = arith.constant -4.200000e+00 : f32
            %max3A_1466 = vector.broadcast %max3A_1465 : f32 to vector<16xf32>
            %max3A_1467 = arith.maximumf %add3A_1464, %max3A_1466 : vector<16xf32>
            %min3A_1468 = arith.constant 4.200000e+00 : f32
            %min3A_1469 = vector.broadcast %min3A_1468 : f32 to vector<16xf32>
            %min3A_1470 = arith.minimumf %max3A_1467, %min3A_1469 : vector<16xf32>
            %mul3A_1471 = arith.mulf %min3A_1470, %min3A_1470 : vector<16xf32>
            %mul3A_1472 = arith.constant 5.701380e-09 : f32
            %mul3A_1473 = vector.broadcast %mul3A_1472 : f32 to vector<16xf32>
            %mul3A_1474 = arith.mulf %mul3A_1473, %mul3A_1471 : vector<16xf32>
            %add3A_1475 = arith.constant -4.54547461E-7 : f32
            %add3A_1476 = vector.broadcast %add3A_1475 : f32 to vector<16xf32>
            %add3A_1477 = arith.addf %mul3A_1474, %add3A_1476 : vector<16xf32>
            %mul3A_1478 = arith.mulf %add3A_1477, %mul3A_1471 : vector<16xf32>
            %add3A_1479 = arith.constant 1.52370731E-5 : f32
            %add3A_1480 = vector.broadcast %add3A_1479 : f32 to vector<16xf32>
            %add3A_1481 = arith.addf %mul3A_1478, %add3A_1480 : vector<16xf32>
            %mul3A_1482 = arith.mulf %add3A_1481, %mul3A_1471 : vector<16xf32>
            %add3A_1483 = arith.constant -2.8012236E-4 : f32
            %add3A_1484 = vector.broadcast %add3A_1483 : f32 to vector<16xf32>
            %add3A_1485 = arith.addf %mul3A_1482, %add3A_1484 : vector<16xf32>
            %mul3A_1486 = arith.mulf %add3A_1485, %mul3A_1471 : vector<16xf32>
            %add3A_1487 = arith.constant 0.00310155516 : f32
            %add3A_1488 = vector.broadcast %add3A_1487 : f32 to vector<16xf32>
            %add3A_1489 = arith.addf %mul3A_1486, %add3A_1488 : vector<16xf32>
            %mul3A_1490 = arith.mulf %add3A_1489, %mul3A_1471 : vector<16xf32>
            %add3A_1491 = arith.constant -0.0215865858 : f32
            %add3A_1492 = vector.broadcast %add3A_1491 : f32 to vector<16xf32>
            %add3A_1493 = arith.addf %mul3A_1490, %add3A_1492 : vector<16xf32>
            %mul3A_1494 = arith.mulf %add3A_1493, %mul3A_1471 : vector<16xf32>
            %add3A_1495 = arith.constant 0.098000586 : f32
            %add3A_1496 = vector.broadcast %add3A_1495 : f32 to vector<16xf32>
            %add3A_1497 = arith.addf %mul3A_1494, %add3A_1496 : vector<16xf32>
            %mul3A_1498 = arith.mulf %add3A_1497, %mul3A_1471 : vector<16xf32>
            %add3A_1499 = arith.constant -0.31612426 : f32
            %add3A_1500 = vector.broadcast %add3A_1499 : f32 to vector<16xf32>
            %add3A_1501 = arith.addf %mul3A_1498, %add3A_1500 : vector<16xf32>
            %mul3A_1502 = arith.mulf %add3A_1501, %mul3A_1471 : vector<16xf32>
            %add3A_1503 = arith.constant 0.998486995 : f32
            %add3A_1504 = vector.broadcast %add3A_1503 : f32 to vector<16xf32>
            %add3A_1505 = arith.addf %mul3A_1502, %add3A_1504 : vector<16xf32>
            %mul3A_1506 = arith.mulf %min3A_1470, %add3A_1505 : vector<16xf32>
            %mul3A_1507 = vector.broadcast %squeeze3A_1455 : f32 to vector<16xf32>
            %mul3A_1508 = arith.mulf %mul3A_1507, %mul3A_1506 : vector<16xf32>
            %add3A_1509 = arith.addf %add3A_1399, %mul3A_1508 : vector<16xf32>
            %get3A_1510 = arith.index_cast %scan3A_201 : i32 to index
            %get3A_1511 = arith.constant 368 : index
            %get3A_1512 = tpu.vector_load %arg12[%get3A_1510, %get3A_1511] {strides = array<i32>} : memref<40x1024xf32, #tpu.memory_space<vmem>>, vector<1x16xf32>,
            %get3A_1513 = vector.shape_cast %get3A_1512 : vector<1x16xf32> to vector<16xf32>
            %get3A_1514 = arith.index_cast %scan3A_201 : i32 to index
            %get3A_1515 = arith.constant 368 : index
            %get3A_1516 = tpu.vector_load %arg13[%get3A_1514, %get3A_1515] {strides = array<i32>} : memref<40x1024xf32, #tpu.memory_space<vmem>>, vector<1x16xf32>,
            %get3A_1517 = vector.shape_cast %get3A_1516 : vector<1x16xf32> to vector<16xf32>
            %add3A_1518 = arith.addf %get3A_1513, %get3A_1517 : vector<16xf32>
            %max3A_1519 = arith.constant -4.200000e+00 : f32
            %max3A_1520 = vector.broadcast %max3A_1519 : f32 to vector<16xf32>
            %max3A_1521 = arith.maximumf %add3A_1518, %max3A_1520 : vector<16xf32>
            %min3A_1522 = arith.constant 4.200000e+00 : f32
            %min3A_1523 = vector.broadcast %min3A_1522 : f32 to vector<16xf32>
            %min3A_1524 = arith.minimumf %max3A_1521, %min3A_1523 : vector<16xf32>
            %mul3A_1525 = arith.mulf %min3A_1524, %min3A_1524 : vector<16xf32>
            %mul3A_1526 = arith.constant 5.701380e-09 : f32
            %mul3A_1527 = vector.broadcast %mul3A_1526 : f32 to vector<16xf32>
            %mul3A_1528 = arith.mulf %mul3A_1527, %mul3A_1525 : vector<16xf32>
            %add3A_1529 = arith.constant -4.54547461E-7 : f32
            %add3A_1530 = vector.broadcast %add3A_1529 : f32 to vector<16xf32>
            %add3A_1531 = arith.addf %mul3A_1528, %add3A_1530 : vector<16xf32>
            %mul3A_1532 = arith.mulf %add3A_1531, %mul3A_1525 : vector<16xf32>
            %add3A_1533 = arith.constant 1.52370731E-5 : f32
            %add3A_1534 = vector.broadcast %add3A_1533 : f32 to vector<16xf32>
            %add3A_1535 = arith.addf %mul3A_1532, %add3A_1534 : vector<16xf32>
            %mul3A_1536 = arith.mulf %add3A_1535, %mul3A_1525 : vector<16xf32>
            %add3A_1537 = arith.constant -2.8012236E-4 : f32
            %add3A_1538 = vector.broadcast %add3A_1537 : f32 to vector<16xf32>
            %add3A_1539 = arith.addf %mul3A_1536, %add3A_1538 : vector<16xf32>
            %mul3A_1540 = arith.mulf %add3A_1539, %mul3A_1525 : vector<16xf32>
            %add3A_1541 = arith.constant 0.00310155516 : f32
            %add3A_1542 = vector.broadcast %add3A_1541 : f32 to vector<16xf32>
            %add3A_1543 = arith.addf %mul3A_1540, %add3A_1542 : vector<16xf32>
            %mul3A_1544 = arith.mulf %add3A_1543, %mul3A_1525 : vector<16xf32>
            %add3A_1545 = arith.constant -0.0215865858 : f32
            %add3A_1546 = vector.broadcast %add3A_1545 : f32 to vector<16xf32>
            %add3A_1547 = arith.addf %mul3A_1544, %add3A_1546 : vector<16xf32>
            %mul3A_1548 = arith.mulf %add3A_1547, %mul3A_1525 : vector<16xf32>
            %add3A_1549 = arith.constant 0.098000586 : f32
            %add3A_1550 = vector.broadcast %add3A_1549 : f32 to vector<16xf32>
            %add3A_1551 = arith.addf %mul3A_1548, %add3A_1550 : vector<16xf32>
            %mul3A_1552 = arith.mulf %add3A_1551, %mul3A_1525 : vector<16xf32>
            %add3A_1553 = arith.constant -0.31612426 : f32
            %add3A_1554 = vector.broadcast %add3A_1553 : f32 to vector<16xf32>
            %add3A_1555 = arith.addf %mul3A_1552, %add3A_1554 : vector<16xf32>
            %mul3A_1556 = arith.mulf %add3A_1555, %mul3A_1525 : vector<16xf32>
            %add3A_1557 = arith.constant 0.998486995 : f32
            %add3A_1558 = vector.broadcast %add3A_1557 : f32 to vector<16xf32>
            %add3A_1559 = arith.addf %mul3A_1556, %add3A_1558 : vector<16xf32>
            %mul3A_1560 = arith.mulf %min3A_1524, %add3A_1559 : vector<16xf32>
            %mul3A_1561 = vector.broadcast %squeeze3A_1455 : f32 to vector<16xf32>
            %mul3A_1562 = arith.mulf %mul3A_1561, %mul3A_1560 : vector<16xf32>
            %add3A_1563 = arith.addf %add3A_1453, %mul3A_1562 : vector<16xf32>
            %slice3A_1564 = vector.extract_strided_slice %get3A_221 {offsets = [12], sizes = [1], strides = [1]} : vector<16xf32> to vector<1xf32>
            %squeeze3A_1565 = vector.extract %slice3A_1564[0] : f32 from vector<1xf32>
            %get3A_1566 = arith.index_cast %scan3A_201 : i32 to index
            %get3A_1567 = arith.constant 384 : index
            %get3A_1568 = tpu.vector_load %arg12[%get3A_1566, %get3A_1567] {strides = array<i32>} : memref<40x1024xf32, #tpu.memory_space<vmem>>, vector<1x16xf32>,
            %get3A_1569 = vector.shape_cast %get3A_1568 : vector<1x16xf32> to vector<16xf32>
            %get3A_1570 = arith.index_cast %scan3A_201 : i32 to index
            %get3A_1571 = arith.constant 384 : index
            %get3A_1572 = tpu.vector_load %arg13[%get3A_1570, %get3A_1571] {strides = array<i32>} : memref<40x1024xf32, #tpu.memory_space<vmem>>, vector<1x16xf32>,
            %get3A_1573 = vector.shape_cast %get3A_1572 : vector<1x16xf32> to vector<16xf32>
            %add3A_1574 = arith.addf %get3A_1569, %get3A_1573 : vector<16xf32>
            %max3A_1575 = arith.constant -4.200000e+00 : f32
            %max3A_1576 = vector.broadcast %max3A_1575 : f32 to vector<16xf32>
            %max3A_1577 = arith.maximumf %add3A_1574, %max3A_1576 : vector<16xf32>
            %min3A_1578 = arith.constant 4.200000e+00 : f32
            %min3A_1579 = vector.broadcast %min3A_1578 : f32 to vector<16xf32>
            %min3A_1580 = arith.minimumf %max3A_1577, %min3A_1579 : vector<16xf32>
            %mul3A_1581 = arith.mulf %min3A_1580, %min3A_1580 : vector<16xf32>
            %mul3A_1582 = arith.constant 5.701380e-09 : f32
            %mul3A_1583 = vector.broadcast %mul3A_1582 : f32 to vector<16xf32>
            %mul3A_1584 = arith.mulf %mul3A_1583, %mul3A_1581 : vector<16xf32>
            %add3A_1585 = arith.constant -4.54547461E-7 : f32
            %add3A_1586 = vector.broadcast %add3A_1585 : f32 to vector<16xf32>
            %add3A_1587 = arith.addf %mul3A_1584, %add3A_1586 : vector<16xf32>
            %mul3A_1588 = arith.mulf %add3A_1587, %mul3A_1581 : vector<16xf32>
            %add3A_1589 = arith.constant 1.52370731E-5 : f32
            %add3A_1590 = vector.broadcast %add3A_1589 : f32 to vector<16xf32>
            %add3A_1591 = arith.addf %mul3A_1588, %add3A_1590 : vector<16xf32>
            %mul3A_1592 = arith.mulf %add3A_1591, %mul3A_1581 : vector<16xf32>
            %add3A_1593 = arith.constant -2.8012236E-4 : f32
            %add3A_1594 = vector.broadcast %add3A_1593 : f32 to vector<16xf32>
            %add3A_1595 = arith.addf %mul3A_1592, %add3A_1594 : vector<16xf32>
            %mul3A_1596 = arith.mulf %add3A_1595, %mul3A_1581 : vector<16xf32>
            %add3A_1597 = arith.constant 0.00310155516 : f32
            %add3A_1598 = vector.broadcast %add3A_1597 : f32 to vector<16xf32>
            %add3A_1599 = arith.addf %mul3A_1596, %add3A_1598 : vector<16xf32>
            %mul3A_1600 = arith.mulf %add3A_1599, %mul3A_1581 : vector<16xf32>
            %add3A_1601 = arith.constant -0.0215865858 : f32
            %add3A_1602 = vector.broadcast %add3A_1601 : f32 to vector<16xf32>
            %add3A_1603 = arith.addf %mul3A_1600, %add3A_1602 : vector<16xf32>
            %mul3A_1604 = arith.mulf %add3A_1603, %mul3A_1581 : vector<16xf32>
            %add3A_1605 = arith.constant 0.098000586 : f32
            %add3A_1606 = vector.broadcast %add3A_1605 : f32 to vector<16xf32>
            %add3A_1607 = arith.addf %mul3A_1604, %add3A_1606 : vector<16xf32>
            %mul3A_1608 = arith.mulf %add3A_1607, %mul3A_1581 : vector<16xf32>
            %add3A_1609 = arith.constant -0.31612426 : f32
            %add3A_1610 = vector.broadcast %add3A_1609 : f32 to vector<16xf32>
            %add3A_1611 = arith.addf %mul3A_1608, %add3A_1610 : vector<16xf32>
            %mul3A_1612 = arith.mulf %add3A_1611, %mul3A_1581 : vector<16xf32>
            %add3A_1613 = arith.constant 0.998486995 : f32
            %add3A_1614 = vector.broadcast %add3A_1613 : f32 to vector<16xf32>
            %add3A_1615 = arith.addf %mul3A_1612, %add3A_1614 : vector<16xf32>
            %mul3A_1616 = arith.mulf %min3A_1580, %add3A_1615 : vector<16xf32>
            %mul3A_1617 = vector.broadcast %squeeze3A_1565 : f32 to vector<16xf32>
            %mul3A_1618 = arith.mulf %mul3A_1617, %mul3A_1616 : vector<16xf32>
            %add3A_1619 = arith.addf %add3A_1509, %mul3A_1618 : vector<16xf32>
            %get3A_1620 = arith.index_cast %scan3A_201 : i32 to index
            %get3A_1621 = arith.constant 400 : index
            %get3A_1622 = tpu.vector_load %arg12[%get3A_1620, %get3A_1621] {strides = array<i32>} : memref<40x1024xf32, #tpu.memory_space<vmem>>, vector<1x16xf32>,
            %get3A_1623 = vector.shape_cast %get3A_1622 : vector<1x16xf32> to vector<16xf32>
            %get3A_1624 = arith.index_cast %scan3A_201 : i32 to index
            %get3A_1625 = arith.constant 400 : index
            %get3A_1626 = tpu.vector_load %arg13[%get3A_1624, %get3A_1625] {strides = array<i32>} : memref<40x1024xf32, #tpu.memory_space<vmem>>, vector<1x16xf32>,
            %get3A_1627 = vector.shape_cast %get3A_1626 : vector<1x16xf32> to vector<16xf32>
            %add3A_1628 = arith.addf %get3A_1623, %get3A_1627 : vector<16xf32>
            %max3A_1629 = arith.constant -4.200000e+00 : f32
            %max3A_1630 = vector.broadcast %max3A_1629 : f32 to vector<16xf32>
            %max3A_1631 = arith.maximumf %add3A_1628, %max3A_1630 : vector<16xf32>
            %min3A_1632 = arith.constant 4.200000e+00 : f32
            %min3A_1633 = vector.broadcast %min3A_1632 : f32 to vector<16xf32>
            %min3A_1634 = arith.minimumf %max3A_1631, %min3A_1633 : vector<16xf32>
            %mul3A_1635 = arith.mulf %min3A_1634, %min3A_1634 : vector<16xf32>
            %mul3A_1636 = arith.constant 5.701380e-09 : f32
            %mul3A_1637 = vector.broadcast %mul3A_1636 : f32 to vector<16xf32>
            %mul3A_1638 = arith.mulf %mul3A_1637, %mul3A_1635 : vector<16xf32>
            %add3A_1639 = arith.constant -4.54547461E-7 : f32
            %add3A_1640 = vector.broadcast %add3A_1639 : f32 to vector<16xf32>
            %add3A_1641 = arith.addf %mul3A_1638, %add3A_1640 : vector<16xf32>
            %mul3A_1642 = arith.mulf %add3A_1641, %mul3A_1635 : vector<16xf32>
            %add3A_1643 = arith.constant 1.52370731E-5 : f32
            %add3A_1644 = vector.broadcast %add3A_1643 : f32 to vector<16xf32>
            %add3A_1645 = arith.addf %mul3A_1642, %add3A_1644 : vector<16xf32>
            %mul3A_1646 = arith.mulf %add3A_1645, %mul3A_1635 : vector<16xf32>
            %add3A_1647 = arith.constant -2.8012236E-4 : f32
            %add3A_1648 = vector.broadcast %add3A_1647 : f32 to vector<16xf32>
            %add3A_1649 = arith.addf %mul3A_1646, %add3A_1648 : vector<16xf32>
            %mul3A_1650 = arith.mulf %add3A_1649, %mul3A_1635 : vector<16xf32>
            %add3A_1651 = arith.constant 0.00310155516 : f32
            %add3A_1652 = vector.broadcast %add3A_1651 : f32 to vector<16xf32>
            %add3A_1653 = arith.addf %mul3A_1650, %add3A_1652 : vector<16xf32>
            %mul3A_1654 = arith.mulf %add3A_1653, %mul3A_1635 : vector<16xf32>
            %add3A_1655 = arith.constant -0.0215865858 : f32
            %add3A_1656 = vector.broadcast %add3A_1655 : f32 to vector<16xf32>
            %add3A_1657 = arith.addf %mul3A_1654, %add3A_1656 : vector<16xf32>
            %mul3A_1658 = arith.mulf %add3A_1657, %mul3A_1635 : vector<16xf32>
            %add3A_1659 = arith.constant 0.098000586 : f32
            %add3A_1660 = vector.broadcast %add3A_1659 : f32 to vector<16xf32>
            %add3A_1661 = arith.addf %mul3A_1658, %add3A_1660 : vector<16xf32>
            %mul3A_1662 = arith.mulf %add3A_1661, %mul3A_1635 : vector<16xf32>
            %add3A_1663 = arith.constant -0.31612426 : f32
            %add3A_1664 = vector.broadcast %add3A_1663 : f32 to vector<16xf32>
            %add3A_1665 = arith.addf %mul3A_1662, %add3A_1664 : vector<16xf32>
            %mul3A_1666 = arith.mulf %add3A_1665, %mul3A_1635 : vector<16xf32>
            %add3A_1667 = arith.constant 0.998486995 : f32
            %add3A_1668 = vector.broadcast %add3A_1667 : f32 to vector<16xf32>
            %add3A_1669 = arith.addf %mul3A_1666, %add3A_1668 : vector<16xf32>
            %mul3A_1670 = arith.mulf %min3A_1634, %add3A_1669 : vector<16xf32>
            %mul3A_1671 = vector.broadcast %squeeze3A_1565 : f32 to vector<16xf32>
            %mul3A_1672 = arith.mulf %mul3A_1671, %mul3A_1670 : vector<16xf32>
            %add3A_1673 = arith.addf %add3A_1563, %mul3A_1672 : vector<16xf32>
            %slice3A_1674 = vector.extract_strided_slice %get3A_221 {offsets = [13], sizes = [1], strides = [1]} : vector<16xf32> to vector<1xf32>
            %squeeze3A_1675 = vector.extract %slice3A_1674[0] : f32 from vector<1xf32>
            %get3A_1676 = arith.index_cast %scan3A_201 : i32 to index
            %get3A_1677 = arith.constant 416 : index
            %get3A_1678 = tpu.vector_load %arg12[%get3A_1676, %get3A_1677] {strides = array<i32>} : memref<40x1024xf32, #tpu.memory_space<vmem>>, vector<1x16xf32>,
            %get3A_1679 = vector.shape_cast %get3A_1678 : vector<1x16xf32> to vector<16xf32>
            %get3A_1680 = arith.index_cast %scan3A_201 : i32 to index
            %get3A_1681 = arith.constant 416 : index
            %get3A_1682 = tpu.vector_load %arg13[%get3A_1680, %get3A_1681] {strides = array<i32>} : memref<40x1024xf32, #tpu.memory_space<vmem>>, vector<1x16xf32>,
            %get3A_1683 = vector.shape_cast %get3A_1682 : vector<1x16xf32> to vector<16xf32>
            %add3A_1684 = arith.addf %get3A_1679, %get3A_1683 : vector<16xf32>
            %max3A_1685 = arith.constant -4.200000e+00 : f32
            %max3A_1686 = vector.broadcast %max3A_1685 : f32 to vector<16xf32>
            %max3A_1687 = arith.maximumf %add3A_1684, %max3A_1686 : vector<16xf32>
            %min3A_1688 = arith.constant 4.200000e+00 : f32
            %min3A_1689 = vector.broadcast %min3A_1688 : f32 to vector<16xf32>
            %min3A_1690 = arith.minimumf %max3A_1687, %min3A_1689 : vector<16xf32>
            %mul3A_1691 = arith.mulf %min3A_1690, %min3A_1690 : vector<16xf32>
            %mul3A_1692 = arith.constant 5.701380e-09 : f32
            %mul3A_1693 = vector.broadcast %mul3A_1692 : f32 to vector<16xf32>
            %mul3A_1694 = arith.mulf %mul3A_1693, %mul3A_1691 : vector<16xf32>
            %add3A_1695 = arith.constant -4.54547461E-7 : f32
            %add3A_1696 = vector.broadcast %add3A_1695 : f32 to vector<16xf32>
            %add3A_1697 = arith.addf %mul3A_1694, %add3A_1696 : vector<16xf32>
            %mul3A_1698 = arith.mulf %add3A_1697, %mul3A_1691 : vector<16xf32>
            %add3A_1699 = arith.constant 1.52370731E-5 : f32
            %add3A_1700 = vector.broadcast %add3A_1699 : f32 to vector<16xf32>
            %add3A_1701 = arith.addf %mul3A_1698, %add3A_1700 : vector<16xf32>
            %mul3A_1702 = arith.mulf %add3A_1701, %mul3A_1691 : vector<16xf32>
            %add3A_1703 = arith.constant -2.8012236E-4 : f32
            %add3A_1704 = vector.broadcast %add3A_1703 : f32 to vector<16xf32>
            %add3A_1705 = arith.addf %mul3A_1702, %add3A_1704 : vector<16xf32>
            %mul3A_1706 = arith.mulf %add3A_1705, %mul3A_1691 : vector<16xf32>
            %add3A_1707 = arith.constant 0.00310155516 : f32
            %add3A_1708 = vector.broadcast %add3A_1707 : f32 to vector<16xf32>
            %add3A_1709 = arith.addf %mul3A_1706, %add3A_1708 : vector<16xf32>
            %mul3A_1710 = arith.mulf %add3A_1709, %mul3A_1691 : vector<16xf32>
            %add3A_1711 = arith.constant -0.0215865858 : f32
            %add3A_1712 = vector.broadcast %add3A_1711 : f32 to vector<16xf32>
            %add3A_1713 = arith.addf %mul3A_1710, %add3A_1712 : vector<16xf32>
            %mul3A_1714 = arith.mulf %add3A_1713, %mul3A_1691 : vector<16xf32>
            %add3A_1715 = arith.constant 0.098000586 : f32
            %add3A_1716 = vector.broadcast %add3A_1715 : f32 to vector<16xf32>
            %add3A_1717 = arith.addf %mul3A_1714, %add3A_1716 : vector<16xf32>
            %mul3A_1718 = arith.mulf %add3A_1717, %mul3A_1691 : vector<16xf32>
            %add3A_1719 = arith.constant -0.31612426 : f32
            %add3A_1720 = vector.broadcast %add3A_1719 : f32 to vector<16xf32>
            %add3A_1721 = arith.addf %mul3A_1718, %add3A_1720 : vector<16xf32>
            %mul3A_1722 = arith.mulf %add3A_1721, %mul3A_1691 : vector<16xf32>
            %add3A_1723 = arith.constant 0.998486995 : f32
            %add3A_1724 = vector.broadcast %add3A_1723 : f32 to vector<16xf32>
            %add3A_1725 = arith.addf %mul3A_1722, %add3A_1724 : vector<16xf32>
            %mul3A_1726 = arith.mulf %min3A_1690, %add3A_1725 : vector<16xf32>
            %mul3A_1727 = vector.broadcast %squeeze3A_1675 : f32 to vector<16xf32>
            %mul3A_1728 = arith.mulf %mul3A_1727, %mul3A_1726 : vector<16xf32>
            %add3A_1729 = arith.addf %add3A_1619, %mul3A_1728 : vector<16xf32>
            %get3A_1730 = arith.index_cast %scan3A_201 : i32 to index
            %get3A_1731 = arith.constant 432 : index
            %get3A_1732 = tpu.vector_load %arg12[%get3A_1730, %get3A_1731] {strides = array<i32>} : memref<40x1024xf32, #tpu.memory_space<vmem>>, vector<1x16xf32>,
            %get3A_1733 = vector.shape_cast %get3A_1732 : vector<1x16xf32> to vector<16xf32>
            %get3A_1734 = arith.index_cast %scan3A_201 : i32 to index
            %get3A_1735 = arith.constant 432 : index
            %get3A_1736 = tpu.vector_load %arg13[%get3A_1734, %get3A_1735] {strides = array<i32>} : memref<40x1024xf32, #tpu.memory_space<vmem>>, vector<1x16xf32>,
            %get3A_1737 = vector.shape_cast %get3A_1736 : vector<1x16xf32> to vector<16xf32>
            %add3A_1738 = arith.addf %get3A_1733, %get3A_1737 : vector<16xf32>
            %max3A_1739 = arith.constant -4.200000e+00 : f32
            %max3A_1740 = vector.broadcast %max3A_1739 : f32 to vector<16xf32>
            %max3A_1741 = arith.maximumf %add3A_1738, %max3A_1740 : vector<16xf32>
            %min3A_1742 = arith.constant 4.200000e+00 : f32
            %min3A_1743 = vector.broadcast %min3A_1742 : f32 to vector<16xf32>
            %min3A_1744 = arith.minimumf %max3A_1741, %min3A_1743 : vector<16xf32>
            %mul3A_1745 = arith.mulf %min3A_1744, %min3A_1744 : vector<16xf32>
            %mul3A_1746 = arith.constant 5.701380e-09 : f32
            %mul3A_1747 = vector.broadcast %mul3A_1746 : f32 to vector<16xf32>
            %mul3A_1748 = arith.mulf %mul3A_1747, %mul3A_1745 : vector<16xf32>
            %add3A_1749 = arith.constant -4.54547461E-7 : f32
            %add3A_1750 = vector.broadcast %add3A_1749 : f32 to vector<16xf32>
            %add3A_1751 = arith.addf %mul3A_1748, %add3A_1750 : vector<16xf32>
            %mul3A_1752 = arith.mulf %add3A_1751, %mul3A_1745 : vector<16xf32>
            %add3A_1753 = arith.constant 1.52370731E-5 : f32
            %add3A_1754 = vector.broadcast %add3A_1753 : f32 to vector<16xf32>
            %add3A_1755 = arith.addf %mul3A_1752, %add3A_1754 : vector<16xf32>
            %mul3A_1756 = arith.mulf %add3A_1755, %mul3A_1745 : vector<16xf32>
            %add3A_1757 = arith.constant -2.8012236E-4 : f32
            %add3A_1758 = vector.broadcast %add3A_1757 : f32 to vector<16xf32>
            %add3A_1759 = arith.addf %mul3A_1756, %add3A_1758 : vector<16xf32>
            %mul3A_1760 = arith.mulf %add3A_1759, %mul3A_1745 : vector<16xf32>
            %add3A_1761 = arith.constant 0.00310155516 : f32
            %add3A_1762 = vector.broadcast %add3A_1761 : f32 to vector<16xf32>
            %add3A_1763 = arith.addf %mul3A_1760, %add3A_1762 : vector<16xf32>
            %mul3A_1764 = arith.mulf %add3A_1763, %mul3A_1745 : vector<16xf32>
            %add3A_1765 = arith.constant -0.0215865858 : f32
            %add3A_1766 = vector.broadcast %add3A_1765 : f32 to vector<16xf32>
            %add3A_1767 = arith.addf %mul3A_1764, %add3A_1766 : vector<16xf32>
            %mul3A_1768 = arith.mulf %add3A_1767, %mul3A_1745 : vector<16xf32>
            %add3A_1769 = arith.constant 0.098000586 : f32
            %add3A_1770 = vector.broadcast %add3A_1769 : f32 to vector<16xf32>
            %add3A_1771 = arith.addf %mul3A_1768, %add3A_1770 : vector<16xf32>
            %mul3A_1772 = arith.mulf %add3A_1771, %mul3A_1745 : vector<16xf32>
            %add3A_1773 = arith.constant -0.31612426 : f32
            %add3A_1774 = vector.broadcast %add3A_1773 : f32 to vector<16xf32>
            %add3A_1775 = arith.addf %mul3A_1772, %add3A_1774 : vector<16xf32>
            %mul3A_1776 = arith.mulf %add3A_1775, %mul3A_1745 : vector<16xf32>
            %add3A_1777 = arith.constant 0.998486995 : f32
            %add3A_1778 = vector.broadcast %add3A_1777 : f32 to vector<16xf32>
            %add3A_1779 = arith.addf %mul3A_1776, %add3A_1778 : vector<16xf32>
            %mul3A_1780 = arith.mulf %min3A_1744, %add3A_1779 : vector<16xf32>
            %mul3A_1781 = vector.broadcast %squeeze3A_1675 : f32 to vector<16xf32>
            %mul3A_1782 = arith.mulf %mul3A_1781, %mul3A_1780 : vector<16xf32>
            %add3A_1783 = arith.addf %add3A_1673, %mul3A_1782 : vector<16xf32>
            %slice3A_1784 = vector.extract_strided_slice %get3A_221 {offsets = [14], sizes = [1], strides = [1]} : vector<16xf32> to vector<1xf32>
            %squeeze3A_1785 = vector.extract %slice3A_1784[0] : f32 from vector<1xf32>
            %get3A_1786 = arith.index_cast %scan3A_201 : i32 to index
            %get3A_1787 = arith.constant 448 : index
            %get3A_1788 = tpu.vector_load %arg12[%get3A_1786, %get3A_1787] {strides = array<i32>} : memref<40x1024xf32, #tpu.memory_space<vmem>>, vector<1x16xf32>,
            %get3A_1789 = vector.shape_cast %get3A_1788 : vector<1x16xf32> to vector<16xf32>
            %get3A_1790 = arith.index_cast %scan3A_201 : i32 to index
            %get3A_1791 = arith.constant 448 : index
            %get3A_1792 = tpu.vector_load %arg13[%get3A_1790, %get3A_1791] {strides = array<i32>} : memref<40x1024xf32, #tpu.memory_space<vmem>>, vector<1x16xf32>,
            %get3A_1793 = vector.shape_cast %get3A_1792 : vector<1x16xf32> to vector<16xf32>
            %add3A_1794 = arith.addf %get3A_1789, %get3A_1793 : vector<16xf32>
            %max3A_1795 = arith.constant -4.200000e+00 : f32
            %max3A_1796 = vector.broadcast %max3A_1795 : f32 to vector<16xf32>
            %max3A_1797 = arith.maximumf %add3A_1794, %max3A_1796 : vector<16xf32>
            %min3A_1798 = arith.constant 4.200000e+00 : f32
            %min3A_1799 = vector.broadcast %min3A_1798 : f32 to vector<16xf32>
            %min3A_1800 = arith.minimumf %max3A_1797, %min3A_1799 : vector<16xf32>
            %mul3A_1801 = arith.mulf %min3A_1800, %min3A_1800 : vector<16xf32>
            %mul3A_1802 = arith.constant 5.701380e-09 : f32
            %mul3A_1803 = vector.broadcast %mul3A_1802 : f32 to vector<16xf32>
            %mul3A_1804 = arith.mulf %mul3A_1803, %mul3A_1801 : vector<16xf32>
            %add3A_1805 = arith.constant -4.54547461E-7 : f32
            %add3A_1806 = vector.broadcast %add3A_1805 : f32 to vector<16xf32>
            %add3A_1807 = arith.addf %mul3A_1804, %add3A_1806 : vector<16xf32>
            %mul3A_1808 = arith.mulf %add3A_1807, %mul3A_1801 : vector<16xf32>
            %add3A_1809 = arith.constant 1.52370731E-5 : f32
            %add3A_1810 = vector.broadcast %add3A_1809 : f32 to vector<16xf32>
            %add3A_1811 = arith.addf %mul3A_1808, %add3A_1810 : vector<16xf32>
            %mul3A_1812 = arith.mulf %add3A_1811, %mul3A_1801 : vector<16xf32>
            %add3A_1813 = arith.constant -2.8012236E-4 : f32
            %add3A_1814 = vector.broadcast %add3A_1813 : f32 to vector<16xf32>
            %add3A_1815 = arith.addf %mul3A_1812, %add3A_1814 : vector<16xf32>
            %mul3A_1816 = arith.mulf %add3A_1815, %mul3A_1801 : vector<16xf32>
            %add3A_1817 = arith.constant 0.00310155516 : f32
            %add3A_1818 = vector.broadcast %add3A_1817 : f32 to vector<16xf32>
            %add3A_1819 = arith.addf %mul3A_1816, %add3A_1818 : vector<16xf32>
            %mul3A_1820 = arith.mulf %add3A_1819, %mul3A_1801 : vector<16xf32>
            %add3A_1821 = arith.constant -0.0215865858 : f32
            %add3A_1822 = vector.broadcast %add3A_1821 : f32 to vector<16xf32>
            %add3A_1823 = arith.addf %mul3A_1820, %add3A_1822 : vector<16xf32>
            %mul3A_1824 = arith.mulf %add3A_1823, %mul3A_1801 : vector<16xf32>
            %add3A_1825 = arith.constant 0.098000586 : f32
            %add3A_1826 = vector.broadcast %add3A_1825 : f32 to vector<16xf32>
            %add3A_1827 = arith.addf %mul3A_1824, %add3A_1826 : vector<16xf32>
            %mul3A_1828 = arith.mulf %add3A_1827, %mul3A_1801 : vector<16xf32>
            %add3A_1829 = arith.constant -0.31612426 : f32
            %add3A_1830 = vector.broadcast %add3A_1829 : f32 to vector<16xf32>
            %add3A_1831 = arith.addf %mul3A_1828, %add3A_1830 : vector<16xf32>
            %mul3A_1832 = arith.mulf %add3A_1831, %mul3A_1801 : vector<16xf32>
            %add3A_1833 = arith.constant 0.998486995 : f32
            %add3A_1834 = vector.broadcast %add3A_1833 : f32 to vector<16xf32>
            %add3A_1835 = arith.addf %mul3A_1832, %add3A_1834 : vector<16xf32>
            %mul3A_1836 = arith.mulf %min3A_1800, %add3A_1835 : vector<16xf32>
            %mul3A_1837 = vector.broadcast %squeeze3A_1785 : f32 to vector<16xf32>
            %mul3A_1838 = arith.mulf %mul3A_1837, %mul3A_1836 : vector<16xf32>
            %add3A_1839 = arith.addf %add3A_1729, %mul3A_1838 : vector<16xf32>
            %get3A_1840 = arith.index_cast %scan3A_201 : i32 to index
            %get3A_1841 = arith.constant 464 : index
            %get3A_1842 = tpu.vector_load %arg12[%get3A_1840, %get3A_1841] {strides = array<i32>} : memref<40x1024xf32, #tpu.memory_space<vmem>>, vector<1x16xf32>,
            %get3A_1843 = vector.shape_cast %get3A_1842 : vector<1x16xf32> to vector<16xf32>
            %get3A_1844 = arith.index_cast %scan3A_201 : i32 to index
            %get3A_1845 = arith.constant 464 : index
            %get3A_1846 = tpu.vector_load %arg13[%get3A_1844, %get3A_1845] {strides = array<i32>} : memref<40x1024xf32, #tpu.memory_space<vmem>>, vector<1x16xf32>,
            %get3A_1847 = vector.shape_cast %get3A_1846 : vector<1x16xf32> to vector<16xf32>
            %add3A_1848 = arith.addf %get3A_1843, %get3A_1847 : vector<16xf32>
            %max3A_1849 = arith.constant -4.200000e+00 : f32
            %max3A_1850 = vector.broadcast %max3A_1849 : f32 to vector<16xf32>
            %max3A_1851 = arith.maximumf %add3A_1848, %max3A_1850 : vector<16xf32>
            %min3A_1852 = arith.constant 4.200000e+00 : f32
            %min3A_1853 = vector.broadcast %min3A_1852 : f32 to vector<16xf32>
            %min3A_1854 = arith.minimumf %max3A_1851, %min3A_1853 : vector<16xf32>
            %mul3A_1855 = arith.mulf %min3A_1854, %min3A_1854 : vector<16xf32>
            %mul3A_1856 = arith.constant 5.701380e-09 : f32
            %mul3A_1857 = vector.broadcast %mul3A_1856 : f32 to vector<16xf32>
            %mul3A_1858 = arith.mulf %mul3A_1857, %mul3A_1855 : vector<16xf32>
            %add3A_1859 = arith.constant -4.54547461E-7 : f32
            %add3A_1860 = vector.broadcast %add3A_1859 : f32 to vector<16xf32>
            %add3A_1861 = arith.addf %mul3A_1858, %add3A_1860 : vector<16xf32>
            %mul3A_1862 = arith.mulf %add3A_1861, %mul3A_1855 : vector<16xf32>
            %add3A_1863 = arith.constant 1.52370731E-5 : f32
            %add3A_1864 = vector.broadcast %add3A_1863 : f32 to vector<16xf32>
            %add3A_1865 = arith.addf %mul3A_1862, %add3A_1864 : vector<16xf32>
            %mul3A_1866 = arith.mulf %add3A_1865, %mul3A_1855 : vector<16xf32>
            %add3A_1867 = arith.constant -2.8012236E-4 : f32
            %add3A_1868 = vector.broadcast %add3A_1867 : f32 to vector<16xf32>
            %add3A_1869 = arith.addf %mul3A_1866, %add3A_1868 : vector<16xf32>
            %mul3A_1870 = arith.mulf %add3A_1869, %mul3A_1855 : vector<16xf32>
            %add3A_1871 = arith.constant 0.00310155516 : f32
            %add3A_1872 = vector.broadcast %add3A_1871 : f32 to vector<16xf32>
            %add3A_1873 = arith.addf %mul3A_1870, %add3A_1872 : vector<16xf32>
            %mul3A_1874 = arith.mulf %add3A_1873, %mul3A_1855 : vector<16xf32>
            %add3A_1875 = arith.constant -0.0215865858 : f32
            %add3A_1876 = vector.broadcast %add3A_1875 : f32 to vector<16xf32>
            %add3A_1877 = arith.addf %mul3A_1874, %add3A_1876 : vector<16xf32>
            %mul3A_1878 = arith.mulf %add3A_1877, %mul3A_1855 : vector<16xf32>
            %add3A_1879 = arith.constant 0.098000586 : f32
            %add3A_1880 = vector.broadcast %add3A_1879 : f32 to vector<16xf32>
            %add3A_1881 = arith.addf %mul3A_1878, %add3A_1880 : vector<16xf32>
            %mul3A_1882 = arith.mulf %add3A_1881, %mul3A_1855 : vector<16xf32>
            %add3A_1883 = arith.constant -0.31612426 : f32
            %add3A_1884 = vector.broadcast %add3A_1883 : f32 to vector<16xf32>
            %add3A_1885 = arith.addf %mul3A_1882, %add3A_1884 : vector<16xf32>
            %mul3A_1886 = arith.mulf %add3A_1885, %mul3A_1855 : vector<16xf32>
            %add3A_1887 = arith.constant 0.998486995 : f32
            %add3A_1888 = vector.broadcast %add3A_1887 : f32 to vector<16xf32>
            %add3A_1889 = arith.addf %mul3A_1886, %add3A_1888 : vector<16xf32>
            %mul3A_1890 = arith.mulf %min3A_1854, %add3A_1889 : vector<16xf32>
            %mul3A_1891 = vector.broadcast %squeeze3A_1785 : f32 to vector<16xf32>
            %mul3A_1892 = arith.mulf %mul3A_1891, %mul3A_1890 : vector<16xf32>
            %add3A_1893 = arith.addf %add3A_1783, %mul3A_1892 : vector<16xf32>
            %slice3A_1894 = vector.extract_strided_slice %get3A_221 {offsets = [15], sizes = [1], strides = [1]} : vector<16xf32> to vector<1xf32>
            %squeeze3A_1895 = vector.extract %slice3A_1894[0] : f32 from vector<1xf32>
            %get3A_1896 = arith.index_cast %scan3A_201 : i32 to index
            %get3A_1897 = arith.constant 480 : index
            %get3A_1898 = tpu.vector_load %arg12[%get3A_1896, %get3A_1897] {strides = array<i32>} : memref<40x1024xf32, #tpu.memory_space<vmem>>, vector<1x16xf32>,
            %get3A_1899 = vector.shape_cast %get3A_1898 : vector<1x16xf32> to vector<16xf32>
            %get3A_1900 = arith.index_cast %scan3A_201 : i32 to index
            %get3A_1901 = arith.constant 480 : index
            %get3A_1902 = tpu.vector_load %arg13[%get3A_1900, %get3A_1901] {strides = array<i32>} : memref<40x1024xf32, #tpu.memory_space<vmem>>, vector<1x16xf32>,
            %get3A_1903 = vector.shape_cast %get3A_1902 : vector<1x16xf32> to vector<16xf32>
            %add3A_1904 = arith.addf %get3A_1899, %get3A_1903 : vector<16xf32>
            %max3A_1905 = arith.constant -4.200000e+00 : f32
            %max3A_1906 = vector.broadcast %max3A_1905 : f32 to vector<16xf32>
            %max3A_1907 = arith.maximumf %add3A_1904, %max3A_1906 : vector<16xf32>
            %min3A_1908 = arith.constant 4.200000e+00 : f32
            %min3A_1909 = vector.broadcast %min3A_1908 : f32 to vector<16xf32>
            %min3A_1910 = arith.minimumf %max3A_1907, %min3A_1909 : vector<16xf32>
            %mul3A_1911 = arith.mulf %min3A_1910, %min3A_1910 : vector<16xf32>
            %mul3A_1912 = arith.constant 5.701380e-09 : f32
            %mul3A_1913 = vector.broadcast %mul3A_1912 : f32 to vector<16xf32>
            %mul3A_1914 = arith.mulf %mul3A_1913, %mul3A_1911 : vector<16xf32>
            %add3A_1915 = arith.constant -4.54547461E-7 : f32
            %add3A_1916 = vector.broadcast %add3A_1915 : f32 to vector<16xf32>
            %add3A_1917 = arith.addf %mul3A_1914, %add3A_1916 : vector<16xf32>
            %mul3A_1918 = arith.mulf %add3A_1917, %mul3A_1911 : vector<16xf32>
            %add3A_1919 = arith.constant 1.52370731E-5 : f32
            %add3A_1920 = vector.broadcast %add3A_1919 : f32 to vector<16xf32>
            %add3A_1921 = arith.addf %mul3A_1918, %add3A_1920 : vector<16xf32>
            %mul3A_1922 = arith.mulf %add3A_1921, %mul3A_1911 : vector<16xf32>
            %add3A_1923 = arith.constant -2.8012236E-4 : f32
            %add3A_1924 = vector.broadcast %add3A_1923 : f32 to vector<16xf32>
            %add3A_1925 = arith.addf %mul3A_1922, %add3A_1924 : vector<16xf32>
            %mul3A_1926 = arith.mulf %add3A_1925, %mul3A_1911 : vector<16xf32>
            %add3A_1927 = arith.constant 0.00310155516 : f32
            %add3A_1928 = vector.broadcast %add3A_1927 : f32 to vector<16xf32>
            %add3A_1929 = arith.addf %mul3A_1926, %add3A_1928 : vector<16xf32>
            %mul3A_1930 = arith.mulf %add3A_1929, %mul3A_1911 : vector<16xf32>
            %add3A_1931 = arith.constant -0.0215865858 : f32
            %add3A_1932 = vector.broadcast %add3A_1931 : f32 to vector<16xf32>
            %add3A_1933 = arith.addf %mul3A_1930, %add3A_1932 : vector<16xf32>
            %mul3A_1934 = arith.mulf %add3A_1933, %mul3A_1911 : vector<16xf32>
            %add3A_1935 = arith.constant 0.098000586 : f32
            %add3A_1936 = vector.broadcast %add3A_1935 : f32 to vector<16xf32>
            %add3A_1937 = arith.addf %mul3A_1934, %add3A_1936 : vector<16xf32>
            %mul3A_1938 = arith.mulf %add3A_1937, %mul3A_1911 : vector<16xf32>
            %add3A_1939 = arith.constant -0.31612426 : f32
            %add3A_1940 = vector.broadcast %add3A_1939 : f32 to vector<16xf32>
            %add3A_1941 = arith.addf %mul3A_1938, %add3A_1940 : vector<16xf32>
            %mul3A_1942 = arith.mulf %add3A_1941, %mul3A_1911 : vector<16xf32>
            %add3A_1943 = arith.constant 0.998486995 : f32
            %add3A_1944 = vector.broadcast %add3A_1943 : f32 to vector<16xf32>
            %add3A_1945 = arith.addf %mul3A_1942, %add3A_1944 : vector<16xf32>
            %mul3A_1946 = arith.mulf %min3A_1910, %add3A_1945 : vector<16xf32>
            %mul3A_1947 = vector.broadcast %squeeze3A_1895 : f32 to vector<16xf32>
            %mul3A_1948 = arith.mulf %mul3A_1947, %mul3A_1946 : vector<16xf32>
            %add3A_1949 = arith.addf %add3A_1839, %mul3A_1948 : vector<16xf32>
            %get3A_1950 = arith.index_cast %scan3A_201 : i32 to index
            %get3A_1951 = arith.constant 496 : index
            %get3A_1952 = tpu.vector_load %arg12[%get3A_1950, %get3A_1951] {strides = array<i32>} : memref<40x1024xf32, #tpu.memory_space<vmem>>, vector<1x16xf32>,
            %get3A_1953 = vector.shape_cast %get3A_1952 : vector<1x16xf32> to vector<16xf32>
            %get3A_1954 = arith.index_cast %scan3A_201 : i32 to index
            %get3A_1955 = arith.constant 496 : index
            %get3A_1956 = tpu.vector_load %arg13[%get3A_1954, %get3A_1955] {strides = array<i32>} : memref<40x1024xf32, #tpu.memory_space<vmem>>, vector<1x16xf32>,
            %get3A_1957 = vector.shape_cast %get3A_1956 : vector<1x16xf32> to vector<16xf32>
            %add3A_1958 = arith.addf %get3A_1953, %get3A_1957 : vector<16xf32>
            %max3A_1959 = arith.constant -4.200000e+00 : f32
            %max3A_1960 = vector.broadcast %max3A_1959 : f32 to vector<16xf32>
            %max3A_1961 = arith.maximumf %add3A_1958, %max3A_1960 : vector<16xf32>
            %min3A_1962 = arith.constant 4.200000e+00 : f32
            %min3A_1963 = vector.broadcast %min3A_1962 : f32 to vector<16xf32>
            %min3A_1964 = arith.minimumf %max3A_1961, %min3A_1963 : vector<16xf32>
            %mul3A_1965 = arith.mulf %min3A_1964, %min3A_1964 : vector<16xf32>
            %mul3A_1966 = arith.constant 5.701380e-09 : f32
            %mul3A_1967 = vector.broadcast %mul3A_1966 : f32 to vector<16xf32>
            %mul3A_1968 = arith.mulf %mul3A_1967, %mul3A_1965 : vector<16xf32>
            %add3A_1969 = arith.constant -4.54547461E-7 : f32
            %add3A_1970 = vector.broadcast %add3A_1969 : f32 to vector<16xf32>
            %add3A_1971 = arith.addf %mul3A_1968, %add3A_1970 : vector<16xf32>
            %mul3A_1972 = arith.mulf %add3A_1971, %mul3A_1965 : vector<16xf32>
            %add3A_1973 = arith.constant 1.52370731E-5 : f32
            %add3A_1974 = vector.broadcast %add3A_1973 : f32 to vector<16xf32>
            %add3A_1975 = arith.addf %mul3A_1972, %add3A_1974 : vector<16xf32>
            %mul3A_1976 = arith.mulf %add3A_1975, %mul3A_1965 : vector<16xf32>
            %add3A_1977 = arith.constant -2.8012236E-4 : f32
            %add3A_1978 = vector.broadcast %add3A_1977 : f32 to vector<16xf32>
            %add3A_1979 = arith.addf %mul3A_1976, %add3A_1978 : vector<16xf32>
            %mul3A_1980 = arith.mulf %add3A_1979, %mul3A_1965 : vector<16xf32>
            %add3A_1981 = arith.constant 0.00310155516 : f32
            %add3A_1982 = vector.broadcast %add3A_1981 : f32 to vector<16xf32>
            %add3A_1983 = arith.addf %mul3A_1980, %add3A_1982 : vector<16xf32>
            %mul3A_1984 = arith.mulf %add3A_1983, %mul3A_1965 : vector<16xf32>
            %add3A_1985 = arith.constant -0.0215865858 : f32
            %add3A_1986 = vector.broadcast %add3A_1985 : f32 to vector<16xf32>
            %add3A_1987 = arith.addf %mul3A_1984, %add3A_1986 : vector<16xf32>
            %mul3A_1988 = arith.mulf %add3A_1987, %mul3A_1965 : vector<16xf32>
            %add3A_1989 = arith.constant 0.098000586 : f32
            %add3A_1990 = vector.broadcast %add3A_1989 : f32 to vector<16xf32>
            %add3A_1991 = arith.addf %mul3A_1988, %add3A_1990 : vector<16xf32>
            %mul3A_1992 = arith.mulf %add3A_1991, %mul3A_1965 : vector<16xf32>
            %add3A_1993 = arith.constant -0.31612426 : f32
            %add3A_1994 = vector.broadcast %add3A_1993 : f32 to vector<16xf32>
            %add3A_1995 = arith.addf %mul3A_1992, %add3A_1994 : vector<16xf32>
            %mul3A_1996 = arith.mulf %add3A_1995, %mul3A_1965 : vector<16xf32>
            %add3A_1997 = arith.constant 0.998486995 : f32
            %add3A_1998 = vector.broadcast %add3A_1997 : f32 to vector<16xf32>
            %add3A_1999 = arith.addf %mul3A_1996, %add3A_1998 : vector<16xf32>
            %mul3A_2000 = arith.mulf %min3A_1964, %add3A_1999 : vector<16xf32>
            %mul3A_2001 = vector.broadcast %squeeze3A_1895 : f32 to vector<16xf32>
            %mul3A_2002 = arith.mulf %mul3A_2001, %mul3A_2000 : vector<16xf32>
            %add3A_2003 = arith.addf %add3A_1893, %mul3A_2002 : vector<16xf32>
            %slice3A_2004 = vector.extract_strided_slice %get3A_225 {offsets = [0], sizes = [1], strides = [1]} : vector<16xf32> to vector<1xf32>
            %squeeze3A_2005 = vector.extract %slice3A_2004[0] : f32 from vector<1xf32>
            %get3A_2006 = arith.index_cast %scan3A_201 : i32 to index
            %get3A_2007 = arith.constant 512 : index
            %get3A_2008 = tpu.vector_load %arg12[%get3A_2006, %get3A_2007] {strides = array<i32>} : memref<40x1024xf32, #tpu.memory_space<vmem>>, vector<1x16xf32>,
            %get3A_2009 = vector.shape_cast %get3A_2008 : vector<1x16xf32> to vector<16xf32>
            %get3A_2010 = arith.index_cast %scan3A_201 : i32 to index
            %get3A_2011 = arith.constant 512 : index
            %get3A_2012 = tpu.vector_load %arg13[%get3A_2010, %get3A_2011] {strides = array<i32>} : memref<40x1024xf32, #tpu.memory_space<vmem>>, vector<1x16xf32>,
            %get3A_2013 = vector.shape_cast %get3A_2012 : vector<1x16xf32> to vector<16xf32>
            %add3A_2014 = arith.addf %get3A_2009, %get3A_2013 : vector<16xf32>
            %max3A_2015 = arith.constant -4.200000e+00 : f32
            %max3A_2016 = vector.broadcast %max3A_2015 : f32 to vector<16xf32>
            %max3A_2017 = arith.maximumf %add3A_2014, %max3A_2016 : vector<16xf32>
            %min3A_2018 = arith.constant 4.200000e+00 : f32
            %min3A_2019 = vector.broadcast %min3A_2018 : f32 to vector<16xf32>
            %min3A_2020 = arith.minimumf %max3A_2017, %min3A_2019 : vector<16xf32>
            %mul3A_2021 = arith.mulf %min3A_2020, %min3A_2020 : vector<16xf32>
            %mul3A_2022 = arith.constant 5.701380e-09 : f32
            %mul3A_2023 = vector.broadcast %mul3A_2022 : f32 to vector<16xf32>
            %mul3A_2024 = arith.mulf %mul3A_2023, %mul3A_2021 : vector<16xf32>
            %add3A_2025 = arith.constant -4.54547461E-7 : f32
            %add3A_2026 = vector.broadcast %add3A_2025 : f32 to vector<16xf32>
            %add3A_2027 = arith.addf %mul3A_2024, %add3A_2026 : vector<16xf32>
            %mul3A_2028 = arith.mulf %add3A_2027, %mul3A_2021 : vector<16xf32>
            %add3A_2029 = arith.constant 1.52370731E-5 : f32
            %add3A_2030 = vector.broadcast %add3A_2029 : f32 to vector<16xf32>
            %add3A_2031 = arith.addf %mul3A_2028, %add3A_2030 : vector<16xf32>
            %mul3A_2032 = arith.mulf %add3A_2031, %mul3A_2021 : vector<16xf32>
            %add3A_2033 = arith.constant -2.8012236E-4 : f32
            %add3A_2034 = vector.broadcast %add3A_2033 : f32 to vector<16xf32>
            %add3A_2035 = arith.addf %mul3A_2032, %add3A_2034 : vector<16xf32>
            %mul3A_2036 = arith.mulf %add3A_2035, %mul3A_2021 : vector<16xf32>
            %add3A_2037 = arith.constant 0.00310155516 : f32
            %add3A_2038 = vector.broadcast %add3A_2037 : f32 to vector<16xf32>
            %add3A_2039 = arith.addf %mul3A_2036, %add3A_2038 : vector<16xf32>
            %mul3A_2040 = arith.mulf %add3A_2039, %mul3A_2021 : vector<16xf32>
            %add3A_2041 = arith.constant -0.0215865858 : f32
            %add3A_2042 = vector.broadcast %add3A_2041 : f32 to vector<16xf32>
            %add3A_2043 = arith.addf %mul3A_2040, %add3A_2042 : vector<16xf32>
            %mul3A_2044 = arith.mulf %add3A_2043, %mul3A_2021 : vector<16xf32>
            %add3A_2045 = arith.constant 0.098000586 : f32
            %add3A_2046 = vector.broadcast %add3A_2045 : f32 to vector<16xf32>
            %add3A_2047 = arith.addf %mul3A_2044, %add3A_2046 : vector<16xf32>
            %mul3A_2048 = arith.mulf %add3A_2047, %mul3A_2021 : vector<16xf32>
            %add3A_2049 = arith.constant -0.31612426 : f32
            %add3A_2050 = vector.broadcast %add3A_2049 : f32 to vector<16xf32>
            %add3A_2051 = arith.addf %mul3A_2048, %add3A_2050 : vector<16xf32>
            %mul3A_2052 = arith.mulf %add3A_2051, %mul3A_2021 : vector<16xf32>
            %add3A_2053 = arith.constant 0.998486995 : f32
            %add3A_2054 = vector.broadcast %add3A_2053 : f32 to vector<16xf32>
            %add3A_2055 = arith.addf %mul3A_2052, %add3A_2054 : vector<16xf32>
            %mul3A_2056 = arith.mulf %min3A_2020, %add3A_2055 : vector<16xf32>
            %mul3A_2057 = vector.broadcast %squeeze3A_2005 : f32 to vector<16xf32>
            %mul3A_2058 = arith.mulf %mul3A_2057, %mul3A_2056 : vector<16xf32>
            %add3A_2059 = arith.addf %add3A_1949, %mul3A_2058 : vector<16xf32>
            %get3A_2060 = arith.index_cast %scan3A_201 : i32 to index
            %get3A_2061 = arith.constant 528 : index
            %get3A_2062 = tpu.vector_load %arg12[%get3A_2060, %get3A_2061] {strides = array<i32>} : memref<40x1024xf32, #tpu.memory_space<vmem>>, vector<1x16xf32>,
            %get3A_2063 = vector.shape_cast %get3A_2062 : vector<1x16xf32> to vector<16xf32>
            %get3A_2064 = arith.index_cast %scan3A_201 : i32 to index
            %get3A_2065 = arith.constant 528 : index
            %get3A_2066 = tpu.vector_load %arg13[%get3A_2064, %get3A_2065] {strides = array<i32>} : memref<40x1024xf32, #tpu.memory_space<vmem>>, vector<1x16xf32>,
            %get3A_2067 = vector.shape_cast %get3A_2066 : vector<1x16xf32> to vector<16xf32>
            %add3A_2068 = arith.addf %get3A_2063, %get3A_2067 : vector<16xf32>
            %max3A_2069 = arith.constant -4.200000e+00 : f32
            %max3A_2070 = vector.broadcast %max3A_2069 : f32 to vector<16xf32>
            %max3A_2071 = arith.maximumf %add3A_2068, %max3A_2070 : vector<16xf32>
            %min3A_2072 = arith.constant 4.200000e+00 : f32
            %min3A_2073 = vector.broadcast %min3A_2072 : f32 to vector<16xf32>
            %min3A_2074 = arith.minimumf %max3A_2071, %min3A_2073 : vector<16xf32>
            %mul3A_2075 = arith.mulf %min3A_2074, %min3A_2074 : vector<16xf32>
            %mul3A_2076 = arith.constant 5.701380e-09 : f32
            %mul3A_2077 = vector.broadcast %mul3A_2076 : f32 to vector<16xf32>
            %mul3A_2078 = arith.mulf %mul3A_2077, %mul3A_2075 : vector<16xf32>
            %add3A_2079 = arith.constant -4.54547461E-7 : f32
            %add3A_2080 = vector.broadcast %add3A_2079 : f32 to vector<16xf32>
            %add3A_2081 = arith.addf %mul3A_2078, %add3A_2080 : vector<16xf32>
            %mul3A_2082 = arith.mulf %add3A_2081, %mul3A_2075 : vector<16xf32>
            %add3A_2083 = arith.constant 1.52370731E-5 : f32
            %add3A_2084 = vector.broadcast %add3A_2083 : f32 to vector<16xf32>
            %add3A_2085 = arith.addf %mul3A_2082, %add3A_2084 : vector<16xf32>
            %mul3A_2086 = arith.mulf %add3A_2085, %mul3A_2075 : vector<16xf32>
            %add3A_2087 = arith.constant -2.8012236E-4 : f32
            %add3A_2088 = vector.broadcast %add3A_2087 : f32 to vector<16xf32>
            %add3A_2089 = arith.addf %mul3A_2086, %add3A_2088 : vector<16xf32>
            %mul3A_2090 = arith.mulf %add3A_2089, %mul3A_2075 : vector<16xf32>
            %add3A_2091 = arith.constant 0.00310155516 : f32
            %add3A_2092 = vector.broadcast %add3A_2091 : f32 to vector<16xf32>
            %add3A_2093 = arith.addf %mul3A_2090, %add3A_2092 : vector<16xf32>
            %mul3A_2094 = arith.mulf %add3A_2093, %mul3A_2075 : vector<16xf32>
            %add3A_2095 = arith.constant -0.0215865858 : f32
            %add3A_2096 = vector.broadcast %add3A_2095 : f32 to vector<16xf32>
            %add3A_2097 = arith.addf %mul3A_2094, %add3A_2096 : vector<16xf32>
            %mul3A_2098 = arith.mulf %add3A_2097, %mul3A_2075 : vector<16xf32>
            %add3A_2099 = arith.constant 0.098000586 : f32
            %add3A_2100 = vector.broadcast %add3A_2099 : f32 to vector<16xf32>
            %add3A_2101 = arith.addf %mul3A_2098, %add3A_2100 : vector<16xf32>
            %mul3A_2102 = arith.mulf %add3A_2101, %mul3A_2075 : vector<16xf32>
            %add3A_2103 = arith.constant -0.31612426 : f32
            %add3A_2104 = vector.broadcast %add3A_2103 : f32 to vector<16xf32>
            %add3A_2105 = arith.addf %mul3A_2102, %add3A_2104 : vector<16xf32>
            %mul3A_2106 = arith.mulf %add3A_2105, %mul3A_2075 : vector<16xf32>
            %add3A_2107 = arith.constant 0.998486995 : f32
            %add3A_2108 = vector.broadcast %add3A_2107 : f32 to vector<16xf32>
            %add3A_2109 = arith.addf %mul3A_2106, %add3A_2108 : vector<16xf32>
            %mul3A_2110 = arith.mulf %min3A_2074, %add3A_2109 : vector<16xf32>
            %mul3A_2111 = vector.broadcast %squeeze3A_2005 : f32 to vector<16xf32>
            %mul3A_2112 = arith.mulf %mul3A_2111, %mul3A_2110 : vector<16xf32>
            %add3A_2113 = arith.addf %add3A_2003, %mul3A_2112 : vector<16xf32>
            %slice3A_2114 = vector.extract_strided_slice %get3A_225 {offsets = [1], sizes = [1], strides = [1]} : vector<16xf32> to vector<1xf32>
            %squeeze3A_2115 = vector.extract %slice3A_2114[0] : f32 from vector<1xf32>
            %get3A_2116 = arith.index_cast %scan3A_201 : i32 to index
            %get3A_2117 = arith.constant 544 : index
            %get3A_2118 = tpu.vector_load %arg12[%get3A_2116, %get3A_2117] {strides = array<i32>} : memref<40x1024xf32, #tpu.memory_space<vmem>>, vector<1x16xf32>,
            %get3A_2119 = vector.shape_cast %get3A_2118 : vector<1x16xf32> to vector<16xf32>
            %get3A_2120 = arith.index_cast %scan3A_201 : i32 to index
            %get3A_2121 = arith.constant 544 : index
            %get3A_2122 = tpu.vector_load %arg13[%get3A_2120, %get3A_2121] {strides = array<i32>} : memref<40x1024xf32, #tpu.memory_space<vmem>>, vector<1x16xf32>,
            %get3A_2123 = vector.shape_cast %get3A_2122 : vector<1x16xf32> to vector<16xf32>
            %add3A_2124 = arith.addf %get3A_2119, %get3A_2123 : vector<16xf32>
            %max3A_2125 = arith.constant -4.200000e+00 : f32
            %max3A_2126 = vector.broadcast %max3A_2125 : f32 to vector<16xf32>
            %max3A_2127 = arith.maximumf %add3A_2124, %max3A_2126 : vector<16xf32>
            %min3A_2128 = arith.constant 4.200000e+00 : f32
            %min3A_2129 = vector.broadcast %min3A_2128 : f32 to vector<16xf32>
            %min3A_2130 = arith.minimumf %max3A_2127, %min3A_2129 : vector<16xf32>
            %mul3A_2131 = arith.mulf %min3A_2130, %min3A_2130 : vector<16xf32>
            %mul3A_2132 = arith.constant 5.701380e-09 : f32
            %mul3A_2133 = vector.broadcast %mul3A_2132 : f32 to vector<16xf32>
            %mul3A_2134 = arith.mulf %mul3A_2133, %mul3A_2131 : vector<16xf32>
            %add3A_2135 = arith.constant -4.54547461E-7 : f32
            %add3A_2136 = vector.broadcast %add3A_2135 : f32 to vector<16xf32>
            %add3A_2137 = arith.addf %mul3A_2134, %add3A_2136 : vector<16xf32>
            %mul3A_2138 = arith.mulf %add3A_2137, %mul3A_2131 : vector<16xf32>
            %add3A_2139 = arith.constant 1.52370731E-5 : f32
            %add3A_2140 = vector.broadcast %add3A_2139 : f32 to vector<16xf32>
            %add3A_2141 = arith.addf %mul3A_2138, %add3A_2140 : vector<16xf32>
            %mul3A_2142 = arith.mulf %add3A_2141, %mul3A_2131 : vector<16xf32>
            %add3A_2143 = arith.constant -2.8012236E-4 : f32
            %add3A_2144 = vector.broadcast %add3A_2143 : f32 to vector<16xf32>
            %add3A_2145 = arith.addf %mul3A_2142, %add3A_2144 : vector<16xf32>
            %mul3A_2146 = arith.mulf %add3A_2145, %mul3A_2131 : vector<16xf32>
            %add3A_2147 = arith.constant 0.00310155516 : f32
            %add3A_2148 = vector.broadcast %add3A_2147 : f32 to vector<16xf32>
            %add3A_2149 = arith.addf %mul3A_2146, %add3A_2148 : vector<16xf32>
            %mul3A_2150 = arith.mulf %add3A_2149, %mul3A_2131 : vector<16xf32>
            %add3A_2151 = arith.constant -0.0215865858 : f32
            %add3A_2152 = vector.broadcast %add3A_2151 : f32 to vector<16xf32>
            %add3A_2153 = arith.addf %mul3A_2150, %add3A_2152 : vector<16xf32>
            %mul3A_2154 = arith.mulf %add3A_2153, %mul3A_2131 : vector<16xf32>
            %add3A_2155 = arith.constant 0.098000586 : f32
            %add3A_2156 = vector.broadcast %add3A_2155 : f32 to vector<16xf32>
            %add3A_2157 = arith.addf %mul3A_2154, %add3A_2156 : vector<16xf32>
            %mul3A_2158 = arith.mulf %add3A_2157, %mul3A_2131 : vector<16xf32>
            %add3A_2159 = arith.constant -0.31612426 : f32
            %add3A_2160 = vector.broadcast %add3A_2159 : f32 to vector<16xf32>
            %add3A_2161 = arith.addf %mul3A_2158, %add3A_2160 : vector<16xf32>
            %mul3A_2162 = arith.mulf %add3A_2161, %mul3A_2131 : vector<16xf32>
            %add3A_2163 = arith.constant 0.998486995 : f32
            %add3A_2164 = vector.broadcast %add3A_2163 : f32 to vector<16xf32>
            %add3A_2165 = arith.addf %mul3A_2162, %add3A_2164 : vector<16xf32>
            %mul3A_2166 = arith.mulf %min3A_2130, %add3A_2165 : vector<16xf32>
            %mul3A_2167 = vector.broadcast %squeeze3A_2115 : f32 to vector<16xf32>
            %mul3A_2168 = arith.mulf %mul3A_2167, %mul3A_2166 : vector<16xf32>
            %add3A_2169 = arith.addf %add3A_2059, %mul3A_2168 : vector<16xf32>
            %get3A_2170 = arith.index_cast %scan3A_201 : i32 to index
            %get3A_2171 = arith.constant 560 : index
            %get3A_2172 = tpu.vector_load %arg12[%get3A_2170, %get3A_2171] {strides = array<i32>} : memref<40x1024xf32, #tpu.memory_space<vmem>>, vector<1x16xf32>,
            %get3A_2173 = vector.shape_cast %get3A_2172 : vector<1x16xf32> to vector<16xf32>
            %get3A_2174 = arith.index_cast %scan3A_201 : i32 to index
            %get3A_2175 = arith.constant 560 : index
            %get3A_2176 = tpu.vector_load %arg13[%get3A_2174, %get3A_2175] {strides = array<i32>} : memref<40x1024xf32, #tpu.memory_space<vmem>>, vector<1x16xf32>,
            %get3A_2177 = vector.shape_cast %get3A_2176 : vector<1x16xf32> to vector<16xf32>
            %add3A_2178 = arith.addf %get3A_2173, %get3A_2177 : vector<16xf32>
            %max3A_2179 = arith.constant -4.200000e+00 : f32
            %max3A_2180 = vector.broadcast %max3A_2179 : f32 to vector<16xf32>
            %max3A_2181 = arith.maximumf %add3A_2178, %max3A_2180 : vector<16xf32>
            %min3A_2182 = arith.constant 4.200000e+00 : f32
            %min3A_2183 = vector.broadcast %min3A_2182 : f32 to vector<16xf32>
            %min3A_2184 = arith.minimumf %max3A_2181, %min3A_2183 : vector<16xf32>
            %mul3A_2185 = arith.mulf %min3A_2184, %min3A_2184 : vector<16xf32>
            %mul3A_2186 = arith.constant 5.701380e-09 : f32
            %mul3A_2187 = vector.broadcast %mul3A_2186 : f32 to vector<16xf32>
            %mul3A_2188 = arith.mulf %mul3A_2187, %mul3A_2185 : vector<16xf32>
            %add3A_2189 = arith.constant -4.54547461E-7 : f32
            %add3A_2190 = vector.broadcast %add3A_2189 : f32 to vector<16xf32>
            %add3A_2191 = arith.addf %mul3A_2188, %add3A_2190 : vector<16xf32>
            %mul3A_2192 = arith.mulf %add3A_2191, %mul3A_2185 : vector<16xf32>
            %add3A_2193 = arith.constant 1.52370731E-5 : f32
            %add3A_2194 = vector.broadcast %add3A_2193 : f32 to vector<16xf32>
            %add3A_2195 = arith.addf %mul3A_2192, %add3A_2194 : vector<16xf32>
            %mul3A_2196 = arith.mulf %add3A_2195, %mul3A_2185 : vector<16xf32>
            %add3A_2197 = arith.constant -2.8012236E-4 : f32
            %add3A_2198 = vector.broadcast %add3A_2197 : f32 to vector<16xf32>
            %add3A_2199 = arith.addf %mul3A_2196, %add3A_2198 : vector<16xf32>
            %mul3A_2200 = arith.mulf %add3A_2199, %mul3A_2185 : vector<16xf32>
            %add3A_2201 = arith.constant 0.00310155516 : f32
            %add3A_2202 = vector.broadcast %add3A_2201 : f32 to vector<16xf32>
            %add3A_2203 = arith.addf %mul3A_2200, %add3A_2202 : vector<16xf32>
            %mul3A_2204 = arith.mulf %add3A_2203, %mul3A_2185 : vector<16xf32>
            %add3A_2205 = arith.constant -0.0215865858 : f32
            %add3A_2206 = vector.broadcast %add3A_2205 : f32 to vector<16xf32>
            %add3A_2207 = arith.addf %mul3A_2204, %add3A_2206 : vector<16xf32>
            %mul3A_2208 = arith.mulf %add3A_2207, %mul3A_2185 : vector<16xf32>
            %add3A_2209 = arith.constant 0.098000586 : f32
            %add3A_2210 = vector.broadcast %add3A_2209 : f32 to vector<16xf32>
            %add3A_2211 = arith.addf %mul3A_2208, %add3A_2210 : vector<16xf32>
            %mul3A_2212 = arith.mulf %add3A_2211, %mul3A_2185 : vector<16xf32>
            %add3A_2213 = arith.constant -0.31612426 : f32
            %add3A_2214 = vector.broadcast %add3A_2213 : f32 to vector<16xf32>
            %add3A_2215 = arith.addf %mul3A_2212, %add3A_2214 : vector<16xf32>
            %mul3A_2216 = arith.mulf %add3A_2215, %mul3A_2185 : vector<16xf32>
            %add3A_2217 = arith.constant 0.998486995 : f32
            %add3A_2218 = vector.broadcast %add3A_2217 : f32 to vector<16xf32>
            %add3A_2219 = arith.addf %mul3A_2216, %add3A_2218 : vector<16xf32>
            %mul3A_2220 = arith.mulf %min3A_2184, %add3A_2219 : vector<16xf32>
            %mul3A_2221 = vector.broadcast %squeeze3A_2115 : f32 to vector<16xf32>
            %mul3A_2222 = arith.mulf %mul3A_2221, %mul3A_2220 : vector<16xf32>
            %add3A_2223 = arith.addf %add3A_2113, %mul3A_2222 : vector<16xf32>
            %slice3A_2224 = vector.extract_strided_slice %get3A_225 {offsets = [2], sizes = [1], strides = [1]} : vector<16xf32> to vector<1xf32>
            %squeeze3A_2225 = vector.extract %slice3A_2224[0] : f32 from vector<1xf32>
            %get3A_2226 = arith.index_cast %scan3A_201 : i32 to index
            %get3A_2227 = arith.constant 576 : index
            %get3A_2228 = tpu.vector_load %arg12[%get3A_2226, %get3A_2227] {strides = array<i32>} : memref<40x1024xf32, #tpu.memory_space<vmem>>, vector<1x16xf32>,
            %get3A_2229 = vector.shape_cast %get3A_2228 : vector<1x16xf32> to vector<16xf32>
            %get3A_2230 = arith.index_cast %scan3A_201 : i32 to index
            %get3A_2231 = arith.constant 576 : index
            %get3A_2232 = tpu.vector_load %arg13[%get3A_2230, %get3A_2231] {strides = array<i32>} : memref<40x1024xf32, #tpu.memory_space<vmem>>, vector<1x16xf32>,
            %get3A_2233 = vector.shape_cast %get3A_2232 : vector<1x16xf32> to vector<16xf32>
            %add3A_2234 = arith.addf %get3A_2229, %get3A_2233 : vector<16xf32>
            %max3A_2235 = arith.constant -4.200000e+00 : f32
            %max3A_2236 = vector.broadcast %max3A_2235 : f32 to vector<16xf32>
            %max3A_2237 = arith.maximumf %add3A_2234, %max3A_2236 : vector<16xf32>
            %min3A_2238 = arith.constant 4.200000e+00 : f32
            %min3A_2239 = vector.broadcast %min3A_2238 : f32 to vector<16xf32>
            %min3A_2240 = arith.minimumf %max3A_2237, %min3A_2239 : vector<16xf32>
            %mul3A_2241 = arith.mulf %min3A_2240, %min3A_2240 : vector<16xf32>
            %mul3A_2242 = arith.constant 5.701380e-09 : f32
            %mul3A_2243 = vector.broadcast %mul3A_2242 : f32 to vector<16xf32>
            %mul3A_2244 = arith.mulf %mul3A_2243, %mul3A_2241 : vector<16xf32>
            %add3A_2245 = arith.constant -4.54547461E-7 : f32
            %add3A_2246 = vector.broadcast %add3A_2245 : f32 to vector<16xf32>
            %add3A_2247 = arith.addf %mul3A_2244, %add3A_2246 : vector<16xf32>
            %mul3A_2248 = arith.mulf %add3A_2247, %mul3A_2241 : vector<16xf32>
            %add3A_2249 = arith.constant 1.52370731E-5 : f32
            %add3A_2250 = vector.broadcast %add3A_2249 : f32 to vector<16xf32>
            %add3A_2251 = arith.addf %mul3A_2248, %add3A_2250 : vector<16xf32>
            %mul3A_2252 = arith.mulf %add3A_2251, %mul3A_2241 : vector<16xf32>
            %add3A_2253 = arith.constant -2.8012236E-4 : f32
            %add3A_2254 = vector.broadcast %add3A_2253 : f32 to vector<16xf32>
            %add3A_2255 = arith.addf %mul3A_2252, %add3A_2254 : vector<16xf32>
            %mul3A_2256 = arith.mulf %add3A_2255, %mul3A_2241 : vector<16xf32>
            %add3A_2257 = arith.constant 0.00310155516 : f32
            %add3A_2258 = vector.broadcast %add3A_2257 : f32 to vector<16xf32>
            %add3A_2259 = arith.addf %mul3A_2256, %add3A_2258 : vector<16xf32>
            %mul3A_2260 = arith.mulf %add3A_2259, %mul3A_2241 : vector<16xf32>
            %add3A_2261 = arith.constant -0.0215865858 : f32
            %add3A_2262 = vector.broadcast %add3A_2261 : f32 to vector<16xf32>
            %add3A_2263 = arith.addf %mul3A_2260, %add3A_2262 : vector<16xf32>
            %mul3A_2264 = arith.mulf %add3A_2263, %mul3A_2241 : vector<16xf32>
            %add3A_2265 = arith.constant 0.098000586 : f32
            %add3A_2266 = vector.broadcast %add3A_2265 : f32 to vector<16xf32>
            %add3A_2267 = arith.addf %mul3A_2264, %add3A_2266 : vector<16xf32>
            %mul3A_2268 = arith.mulf %add3A_2267, %mul3A_2241 : vector<16xf32>
            %add3A_2269 = arith.constant -0.31612426 : f32
            %add3A_2270 = vector.broadcast %add3A_2269 : f32 to vector<16xf32>
            %add3A_2271 = arith.addf %mul3A_2268, %add3A_2270 : vector<16xf32>
            %mul3A_2272 = arith.mulf %add3A_2271, %mul3A_2241 : vector<16xf32>
            %add3A_2273 = arith.constant 0.998486995 : f32
            %add3A_2274 = vector.broadcast %add3A_2273 : f32 to vector<16xf32>
            %add3A_2275 = arith.addf %mul3A_2272, %add3A_2274 : vector<16xf32>
            %mul3A_2276 = arith.mulf %min3A_2240, %add3A_2275 : vector<16xf32>
            %mul3A_2277 = vector.broadcast %squeeze3A_2225 : f32 to vector<16xf32>
            %mul3A_2278 = arith.mulf %mul3A_2277, %mul3A_2276 : vector<16xf32>
            %add3A_2279 = arith.addf %add3A_2169, %mul3A_2278 : vector<16xf32>
            %get3A_2280 = arith.index_cast %scan3A_201 : i32 to index
            %get3A_2281 = arith.constant 592 : index
            %get3A_2282 = tpu.vector_load %arg12[%get3A_2280, %get3A_2281] {strides = array<i32>} : memref<40x1024xf32, #tpu.memory_space<vmem>>, vector<1x16xf32>,
            %get3A_2283 = vector.shape_cast %get3A_2282 : vector<1x16xf32> to vector<16xf32>
            %get3A_2284 = arith.index_cast %scan3A_201 : i32 to index
            %get3A_2285 = arith.constant 592 : index
            %get3A_2286 = tpu.vector_load %arg13[%get3A_2284, %get3A_2285] {strides = array<i32>} : memref<40x1024xf32, #tpu.memory_space<vmem>>, vector<1x16xf32>,
            %get3A_2287 = vector.shape_cast %get3A_2286 : vector<1x16xf32> to vector<16xf32>
            %add3A_2288 = arith.addf %get3A_2283, %get3A_2287 : vector<16xf32>
            %max3A_2289 = arith.constant -4.200000e+00 : f32
            %max3A_2290 = vector.broadcast %max3A_2289 : f32 to vector<16xf32>
            %max3A_2291 = arith.maximumf %add3A_2288, %max3A_2290 : vector<16xf32>
            %min3A_2292 = arith.constant 4.200000e+00 : f32
            %min3A_2293 = vector.broadcast %min3A_2292 : f32 to vector<16xf32>
            %min3A_2294 = arith.minimumf %max3A_2291, %min3A_2293 : vector<16xf32>
            %mul3A_2295 = arith.mulf %min3A_2294, %min3A_2294 : vector<16xf32>
            %mul3A_2296 = arith.constant 5.701380e-09 : f32
            %mul3A_2297 = vector.broadcast %mul3A_2296 : f32 to vector<16xf32>
            %mul3A_2298 = arith.mulf %mul3A_2297, %mul3A_2295 : vector<16xf32>
            %add3A_2299 = arith.constant -4.54547461E-7 : f32
            %add3A_2300 = vector.broadcast %add3A_2299 : f32 to vector<16xf32>
            %add3A_2301 = arith.addf %mul3A_2298, %add3A_2300 : vector<16xf32>
            %mul3A_2302 = arith.mulf %add3A_2301, %mul3A_2295 : vector<16xf32>
            %add3A_2303 = arith.constant 1.52370731E-5 : f32
            %add3A_2304 = vector.broadcast %add3A_2303 : f32 to vector<16xf32>
            %add3A_2305 = arith.addf %mul3A_2302, %add3A_2304 : vector<16xf32>
            %mul3A_2306 = arith.mulf %add3A_2305, %mul3A_2295 : vector<16xf32>
            %add3A_2307 = arith.constant -2.8012236E-4 : f32
            %add3A_2308 = vector.broadcast %add3A_2307 : f32 to vector<16xf32>
            %add3A_2309 = arith.addf %mul3A_2306, %add3A_2308 : vector<16xf32>
            %mul3A_2310 = arith.mulf %add3A_2309, %mul3A_2295 : vector<16xf32>
            %add3A_2311 = arith.constant 0.00310155516 : f32
            %add3A_2312 = vector.broadcast %add3A_2311 : f32 to vector<16xf32>
            %add3A_2313 = arith.addf %mul3A_2310, %add3A_2312 : vector<16xf32>
            %mul3A_2314 = arith.mulf %add3A_2313, %mul3A_2295 : vector<16xf32>
            %add3A_2315 = arith.constant -0.0215865858 : f32
            %add3A_2316 = vector.broadcast %add3A_2315 : f32 to vector<16xf32>
            %add3A_2317 = arith.addf %mul3A_2314, %add3A_2316 : vector<16xf32>
            %mul3A_2318 = arith.mulf %add3A_2317, %mul3A_2295 : vector<16xf32>
            %add3A_2319 = arith.constant 0.098000586 : f32
            %add3A_2320 = vector.broadcast %add3A_2319 : f32 to vector<16xf32>
            %add3A_2321 = arith.addf %mul3A_2318, %add3A_2320 : vector<16xf32>
            %mul3A_2322 = arith.mulf %add3A_2321, %mul3A_2295 : vector<16xf32>
            %add3A_2323 = arith.constant -0.31612426 : f32
            %add3A_2324 = vector.broadcast %add3A_2323 : f32 to vector<16xf32>
            %add3A_2325 = arith.addf %mul3A_2322, %add3A_2324 : vector<16xf32>
            %mul3A_2326 = arith.mulf %add3A_2325, %mul3A_2295 : vector<16xf32>
            %add3A_2327 = arith.constant 0.998486995 : f32
            %add3A_2328 = vector.broadcast %add3A_2327 : f32 to vector<16xf32>
            %add3A_2329 = arith.addf %mul3A_2326, %add3A_2328 : vector<16xf32>
            %mul3A_2330 = arith.mulf %min3A_2294, %add3A_2329 : vector<16xf32>
            %mul3A_2331 = vector.broadcast %squeeze3A_2225 : f32 to vector<16xf32>
            %mul3A_2332 = arith.mulf %mul3A_2331, %mul3A_2330 : vector<16xf32>
            %add3A_2333 = arith.addf %add3A_2223, %mul3A_2332 : vector<16xf32>
            %slice3A_2334 = vector.extract_strided_slice %get3A_225 {offsets = [3], sizes = [1], strides = [1]} : vector<16xf32> to vector<1xf32>
            %squeeze3A_2335 = vector.extract %slice3A_2334[0] : f32 from vector<1xf32>
            %get3A_2336 = arith.index_cast %scan3A_201 : i32 to index
            %get3A_2337 = arith.constant 608 : index
            %get3A_2338 = tpu.vector_load %arg12[%get3A_2336, %get3A_2337] {strides = array<i32>} : memref<40x1024xf32, #tpu.memory_space<vmem>>, vector<1x16xf32>,
            %get3A_2339 = vector.shape_cast %get3A_2338 : vector<1x16xf32> to vector<16xf32>
            %get3A_2340 = arith.index_cast %scan3A_201 : i32 to index
            %get3A_2341 = arith.constant 608 : index
            %get3A_2342 = tpu.vector_load %arg13[%get3A_2340, %get3A_2341] {strides = array<i32>} : memref<40x1024xf32, #tpu.memory_space<vmem>>, vector<1x16xf32>,
            %get3A_2343 = vector.shape_cast %get3A_2342 : vector<1x16xf32> to vector<16xf32>
            %add3A_2344 = arith.addf %get3A_2339, %get3A_2343 : vector<16xf32>
            %max3A_2345 = arith.constant -4.200000e+00 : f32
            %max3A_2346 = vector.broadcast %max3A_2345 : f32 to vector<16xf32>
            %max3A_2347 = arith.maximumf %add3A_2344, %max3A_2346 : vector<16xf32>
            %min3A_2348 = arith.constant 4.200000e+00 : f32
            %min3A_2349 = vector.broadcast %min3A_2348 : f32 to vector<16xf32>
            %min3A_2350 = arith.minimumf %max3A_2347, %min3A_2349 : vector<16xf32>
            %mul3A_2351 = arith.mulf %min3A_2350, %min3A_2350 : vector<16xf32>
            %mul3A_2352 = arith.constant 5.701380e-09 : f32
            %mul3A_2353 = vector.broadcast %mul3A_2352 : f32 to vector<16xf32>
            %mul3A_2354 = arith.mulf %mul3A_2353, %mul3A_2351 : vector<16xf32>
            %add3A_2355 = arith.constant -4.54547461E-7 : f32
            %add3A_2356 = vector.broadcast %add3A_2355 : f32 to vector<16xf32>
            %add3A_2357 = arith.addf %mul3A_2354, %add3A_2356 : vector<16xf32>
            %mul3A_2358 = arith.mulf %add3A_2357, %mul3A_2351 : vector<16xf32>
            %add3A_2359 = arith.constant 1.52370731E-5 : f32
            %add3A_2360 = vector.broadcast %add3A_2359 : f32 to vector<16xf32>
            %add3A_2361 = arith.addf %mul3A_2358, %add3A_2360 : vector<16xf32>
            %mul3A_2362 = arith.mulf %add3A_2361, %mul3A_2351 : vector<16xf32>
            %add3A_2363 = arith.constant -2.8012236E-4 : f32
            %add3A_2364 = vector.broadcast %add3A_2363 : f32 to vector<16xf32>
            %add3A_2365 = arith.addf %mul3A_2362, %add3A_2364 : vector<16xf32>
            %mul3A_2366 = arith.mulf %add3A_2365, %mul3A_2351 : vector<16xf32>
            %add3A_2367 = arith.constant 0.00310155516 : f32
            %add3A_2368 = vector.broadcast %add3A_2367 : f32 to vector<16xf32>
            %add3A_2369 = arith.addf %mul3A_2366, %add3A_2368 : vector<16xf32>
            %mul3A_2370 = arith.mulf %add3A_2369, %mul3A_2351 : vector<16xf32>
            %add3A_2371 = arith.constant -0.0215865858 : f32
            %add3A_2372 = vector.broadcast %add3A_2371 : f32 to vector<16xf32>
            %add3A_2373 = arith.addf %mul3A_2370, %add3A_2372 : vector<16xf32>
            %mul3A_2374 = arith.mulf %add3A_2373, %mul3A_2351 : vector<16xf32>
            %add3A_2375 = arith.constant 0.098000586 : f32
            %add3A_2376 = vector.broadcast %add3A_2375 : f32 to vector<16xf32>
            %add3A_2377 = arith.addf %mul3A_2374, %add3A_2376 : vector<16xf32>
            %mul3A_2378 = arith.mulf %add3A_2377, %mul3A_2351 : vector<16xf32>
            %add3A_2379 = arith.constant -0.31612426 : f32
            %add3A_2380 = vector.broadcast %add3A_2379 : f32 to vector<16xf32>
            %add3A_2381 = arith.addf %mul3A_2378, %add3A_2380 : vector<16xf32>
            %mul3A_2382 = arith.mulf %add3A_2381, %mul3A_2351 : vector<16xf32>
            %add3A_2383 = arith.constant 0.998486995 : f32
            %add3A_2384 = vector.broadcast %add3A_2383 : f32 to vector<16xf32>
            %add3A_2385 = arith.addf %mul3A_2382, %add3A_2384 : vector<16xf32>
            %mul3A_2386 = arith.mulf %min3A_2350, %add3A_2385 : vector<16xf32>
            %mul3A_2387 = vector.broadcast %squeeze3A_2335 : f32 to vector<16xf32>
            %mul3A_2388 = arith.mulf %mul3A_2387, %mul3A_2386 : vector<16xf32>
            %add3A_2389 = arith.addf %add3A_2279, %mul3A_2388 : vector<16xf32>
            %get3A_2390 = arith.index_cast %scan3A_201 : i32 to index
            %get3A_2391 = arith.constant 624 : index
            %get3A_2392 = tpu.vector_load %arg12[%get3A_2390, %get3A_2391] {strides = array<i32>} : memref<40x1024xf32, #tpu.memory_space<vmem>>, vector<1x16xf32>,
            %get3A_2393 = vector.shape_cast %get3A_2392 : vector<1x16xf32> to vector<16xf32>
            %get3A_2394 = arith.index_cast %scan3A_201 : i32 to index
            %get3A_2395 = arith.constant 624 : index
            %get3A_2396 = tpu.vector_load %arg13[%get3A_2394, %get3A_2395] {strides = array<i32>} : memref<40x1024xf32, #tpu.memory_space<vmem>>, vector<1x16xf32>,
            %get3A_2397 = vector.shape_cast %get3A_2396 : vector<1x16xf32> to vector<16xf32>
            %add3A_2398 = arith.addf %get3A_2393, %get3A_2397 : vector<16xf32>
            %max3A_2399 = arith.constant -4.200000e+00 : f32
            %max3A_2400 = vector.broadcast %max3A_2399 : f32 to vector<16xf32>
            %max3A_2401 = arith.maximumf %add3A_2398, %max3A_2400 : vector<16xf32>
            %min3A_2402 = arith.constant 4.200000e+00 : f32
            %min3A_2403 = vector.broadcast %min3A_2402 : f32 to vector<16xf32>
            %min3A_2404 = arith.minimumf %max3A_2401, %min3A_2403 : vector<16xf32>
            %mul3A_2405 = arith.mulf %min3A_2404, %min3A_2404 : vector<16xf32>
            %mul3A_2406 = arith.constant 5.701380e-09 : f32
            %mul3A_2407 = vector.broadcast %mul3A_2406 : f32 to vector<16xf32>
            %mul3A_2408 = arith.mulf %mul3A_2407, %mul3A_2405 : vector<16xf32>
            %add3A_2409 = arith.constant -4.54547461E-7 : f32
            %add3A_2410 = vector.broadcast %add3A_2409 : f32 to vector<16xf32>
            %add3A_2411 = arith.addf %mul3A_2408, %add3A_2410 : vector<16xf32>
            %mul3A_2412 = arith.mulf %add3A_2411, %mul3A_2405 : vector<16xf32>
            %add3A_2413 = arith.constant 1.52370731E-5 : f32
            %add3A_2414 = vector.broadcast %add3A_2413 : f32 to vector<16xf32>
            %add3A_2415 = arith.addf %mul3A_2412, %add3A_2414 : vector<16xf32>
            %mul3A_2416 = arith.mulf %add3A_2415, %mul3A_2405 : vector<16xf32>
            %add3A_2417 = arith.constant -2.8012236E-4 : f32
            %add3A_2418 = vector.broadcast %add3A_2417 : f32 to vector<16xf32>
            %add3A_2419 = arith.addf %mul3A_2416, %add3A_2418 : vector<16xf32>
            %mul3A_2420 = arith.mulf %add3A_2419, %mul3A_2405 : vector<16xf32>
            %add3A_2421 = arith.constant 0.00310155516 : f32
            %add3A_2422 = vector.broadcast %add3A_2421 : f32 to vector<16xf32>
            %add3A_2423 = arith.addf %mul3A_2420, %add3A_2422 : vector<16xf32>
            %mul3A_2424 = arith.mulf %add3A_2423, %mul3A_2405 : vector<16xf32>
            %add3A_2425 = arith.constant -0.0215865858 : f32
            %add3A_2426 = vector.broadcast %add3A_2425 : f32 to vector<16xf32>
            %add3A_2427 = arith.addf %mul3A_2424, %add3A_2426 : vector<16xf32>
            %mul3A_2428 = arith.mulf %add3A_2427, %mul3A_2405 : vector<16xf32>
            %add3A_2429 = arith.constant 0.098000586 : f32
            %add3A_2430 = vector.broadcast %add3A_2429 : f32 to vector<16xf32>
            %add3A_2431 = arith.addf %mul3A_2428, %add3A_2430 : vector<16xf32>
            %mul3A_2432 = arith.mulf %add3A_2431, %mul3A_2405 : vector<16xf32>
            %add3A_2433 = arith.constant -0.31612426 : f32
            %add3A_2434 = vector.broadcast %add3A_2433 : f32 to vector<16xf32>
            %add3A_2435 = arith.addf %mul3A_2432, %add3A_2434 : vector<16xf32>
            %mul3A_2436 = arith.mulf %add3A_2435, %mul3A_2405 : vector<16xf32>
            %add3A_2437 = arith.constant 0.998486995 : f32
            %add3A_2438 = vector.broadcast %add3A_2437 : f32 to vector<16xf32>
            %add3A_2439 = arith.addf %mul3A_2436, %add3A_2438 : vector<16xf32>
            %mul3A_2440 = arith.mulf %min3A_2404, %add3A_2439 : vector<16xf32>
            %mul3A_2441 = vector.broadcast %squeeze3A_2335 : f32 to vector<16xf32>
            %mul3A_2442 = arith.mulf %mul3A_2441, %mul3A_2440 : vector<16xf32>
            %add3A_2443 = arith.addf %add3A_2333, %mul3A_2442 : vector<16xf32>
            %slice3A_2444 = vector.extract_strided_slice %get3A_225 {offsets = [4], sizes = [1], strides = [1]} : vector<16xf32> to vector<1xf32>
            %squeeze3A_2445 = vector.extract %slice3A_2444[0] : f32 from vector<1xf32>
            %get3A_2446 = arith.index_cast %scan3A_201 : i32 to index
            %get3A_2447 = arith.constant 640 : index
            %get3A_2448 = tpu.vector_load %arg12[%get3A_2446, %get3A_2447] {strides = array<i32>} : memref<40x1024xf32, #tpu.memory_space<vmem>>, vector<1x16xf32>,
            %get3A_2449 = vector.shape_cast %get3A_2448 : vector<1x16xf32> to vector<16xf32>
            %get3A_2450 = arith.index_cast %scan3A_201 : i32 to index
            %get3A_2451 = arith.constant 640 : index
            %get3A_2452 = tpu.vector_load %arg13[%get3A_2450, %get3A_2451] {strides = array<i32>} : memref<40x1024xf32, #tpu.memory_space<vmem>>, vector<1x16xf32>,
            %get3A_2453 = vector.shape_cast %get3A_2452 : vector<1x16xf32> to vector<16xf32>
            %add3A_2454 = arith.addf %get3A_2449, %get3A_2453 : vector<16xf32>
            %max3A_2455 = arith.constant -4.200000e+00 : f32
            %max3A_2456 = vector.broadcast %max3A_2455 : f32 to vector<16xf32>
            %max3A_2457 = arith.maximumf %add3A_2454, %max3A_2456 : vector<16xf32>
            %min3A_2458 = arith.constant 4.200000e+00 : f32
            %min3A_2459 = vector.broadcast %min3A_2458 : f32 to vector<16xf32>
            %min3A_2460 = arith.minimumf %max3A_2457, %min3A_2459 : vector<16xf32>
            %mul3A_2461 = arith.mulf %min3A_2460, %min3A_2460 : vector<16xf32>
            %mul3A_2462 = arith.constant 5.701380e-09 : f32
            %mul3A_2463 = vector.broadcast %mul3A_2462 : f32 to vector<16xf32>
            %mul3A_2464 = arith.mulf %mul3A_2463, %mul3A_2461 : vector<16xf32>
            %add3A_2465 = arith.constant -4.54547461E-7 : f32
            %add3A_2466 = vector.broadcast %add3A_2465 : f32 to vector<16xf32>
            %add3A_2467 = arith.addf %mul3A_2464, %add3A_2466 : vector<16xf32>
            %mul3A_2468 = arith.mulf %add3A_2467, %mul3A_2461 : vector<16xf32>
            %add3A_2469 = arith.constant 1.52370731E-5 : f32
            %add3A_2470 = vector.broadcast %add3A_2469 : f32 to vector<16xf32>
            %add3A_2471 = arith.addf %mul3A_2468, %add3A_2470 : vector<16xf32>
            %mul3A_2472 = arith.mulf %add3A_2471, %mul3A_2461 : vector<16xf32>
            %add3A_2473 = arith.constant -2.8012236E-4 : f32
            %add3A_2474 = vector.broadcast %add3A_2473 : f32 to vector<16xf32>
            %add3A_2475 = arith.addf %mul3A_2472, %add3A_2474 : vector<16xf32>
            %mul3A_2476 = arith.mulf %add3A_2475, %mul3A_2461 : vector<16xf32>
            %add3A_2477 = arith.constant 0.00310155516 : f32
            %add3A_2478 = vector.broadcast %add3A_2477 : f32 to vector<16xf32>
            %add3A_2479 = arith.addf %mul3A_2476, %add3A_2478 : vector<16xf32>
            %mul3A_2480 = arith.mulf %add3A_2479, %mul3A_2461 : vector<16xf32>
            %add3A_2481 = arith.constant -0.0215865858 : f32
            %add3A_2482 = vector.broadcast %add3A_2481 : f32 to vector<16xf32>
            %add3A_2483 = arith.addf %mul3A_2480, %add3A_2482 : vector<16xf32>
            %mul3A_2484 = arith.mulf %add3A_2483, %mul3A_2461 : vector<16xf32>
            %add3A_2485 = arith.constant 0.098000586 : f32
            %add3A_2486 = vector.broadcast %add3A_2485 : f32 to vector<16xf32>
            %add3A_2487 = arith.addf %mul3A_2484, %add3A_2486 : vector<16xf32>
            %mul3A_2488 = arith.mulf %add3A_2487, %mul3A_2461 : vector<16xf32>
            %add3A_2489 = arith.constant -0.31612426 : f32
            %add3A_2490 = vector.broadcast %add3A_2489 : f32 to vector<16xf32>
            %add3A_2491 = arith.addf %mul3A_2488, %add3A_2490 : vector<16xf32>
            %mul3A_2492 = arith.mulf %add3A_2491, %mul3A_2461 : vector<16xf32>
            %add3A_2493 = arith.constant 0.998486995 : f32
            %add3A_2494 = vector.broadcast %add3A_2493 : f32 to vector<16xf32>
            %add3A_2495 = arith.addf %mul3A_2492, %add3A_2494 : vector<16xf32>
            %mul3A_2496 = arith.mulf %min3A_2460, %add3A_2495 : vector<16xf32>
            %mul3A_2497 = vector.broadcast %squeeze3A_2445 : f32 to vector<16xf32>
            %mul3A_2498 = arith.mulf %mul3A_2497, %mul3A_2496 : vector<16xf32>
            %add3A_2499 = arith.addf %add3A_2389, %mul3A_2498 : vector<16xf32>
            %get3A_2500 = arith.index_cast %scan3A_201 : i32 to index
            %get3A_2501 = arith.constant 656 : index
            %get3A_2502 = tpu.vector_load %arg12[%get3A_2500, %get3A_2501] {strides = array<i32>} : memref<40x1024xf32, #tpu.memory_space<vmem>>, vector<1x16xf32>,
            %get3A_2503 = vector.shape_cast %get3A_2502 : vector<1x16xf32> to vector<16xf32>
            %get3A_2504 = arith.index_cast %scan3A_201 : i32 to index
            %get3A_2505 = arith.constant 656 : index
            %get3A_2506 = tpu.vector_load %arg13[%get3A_2504, %get3A_2505] {strides = array<i32>} : memref<40x1024xf32, #tpu.memory_space<vmem>>, vector<1x16xf32>,
            %get3A_2507 = vector.shape_cast %get3A_2506 : vector<1x16xf32> to vector<16xf32>
            %add3A_2508 = arith.addf %get3A_2503, %get3A_2507 : vector<16xf32>
            %max3A_2509 = arith.constant -4.200000e+00 : f32
            %max3A_2510 = vector.broadcast %max3A_2509 : f32 to vector<16xf32>
            %max3A_2511 = arith.maximumf %add3A_2508, %max3A_2510 : vector<16xf32>
            %min3A_2512 = arith.constant 4.200000e+00 : f32
            %min3A_2513 = vector.broadcast %min3A_2512 : f32 to vector<16xf32>
            %min3A_2514 = arith.minimumf %max3A_2511, %min3A_2513 : vector<16xf32>
            %mul3A_2515 = arith.mulf %min3A_2514, %min3A_2514 : vector<16xf32>
            %mul3A_2516 = arith.constant 5.701380e-09 : f32
            %mul3A_2517 = vector.broadcast %mul3A_2516 : f32 to vector<16xf32>
            %mul3A_2518 = arith.mulf %mul3A_2517, %mul3A_2515 : vector<16xf32>
            %add3A_2519 = arith.constant -4.54547461E-7 : f32
            %add3A_2520 = vector.broadcast %add3A_2519 : f32 to vector<16xf32>
            %add3A_2521 = arith.addf %mul3A_2518, %add3A_2520 : vector<16xf32>
            %mul3A_2522 = arith.mulf %add3A_2521, %mul3A_2515 : vector<16xf32>
            %add3A_2523 = arith.constant 1.52370731E-5 : f32
            %add3A_2524 = vector.broadcast %add3A_2523 : f32 to vector<16xf32>
            %add3A_2525 = arith.addf %mul3A_2522, %add3A_2524 : vector<16xf32>
            %mul3A_2526 = arith.mulf %add3A_2525, %mul3A_2515 : vector<16xf32>
            %add3A_2527 = arith.constant -2.8012236E-4 : f32
            %add3A_2528 = vector.broadcast %add3A_2527 : f32 to vector<16xf32>
            %add3A_2529 = arith.addf %mul3A_2526, %add3A_2528 : vector<16xf32>
            %mul3A_2530 = arith.mulf %add3A_2529, %mul3A_2515 : vector<16xf32>
            %add3A_2531 = arith.constant 0.00310155516 : f32
            %add3A_2532 = vector.broadcast %add3A_2531 : f32 to vector<16xf32>
            %add3A_2533 = arith.addf %mul3A_2530, %add3A_2532 : vector<16xf32>
            %mul3A_2534 = arith.mulf %add3A_2533, %mul3A_2515 : vector<16xf32>
            %add3A_2535 = arith.constant -0.0215865858 : f32
            %add3A_2536 = vector.broadcast %add3A_2535 : f32 to vector<16xf32>
            %add3A_2537 = arith.addf %mul3A_2534, %add3A_2536 : vector<16xf32>
            %mul3A_2538 = arith.mulf %add3A_2537, %mul3A_2515 : vector<16xf32>
            %add3A_2539 = arith.constant 0.098000586 : f32
            %add3A_2540 = vector.broadcast %add3A_2539 : f32 to vector<16xf32>
            %add3A_2541 = arith.addf %mul3A_2538, %add3A_2540 : vector<16xf32>
            %mul3A_2542 = arith.mulf %add3A_2541, %mul3A_2515 : vector<16xf32>
            %add3A_2543 = arith.constant -0.31612426 : f32
            %add3A_2544 = vector.broadcast %add3A_2543 : f32 to vector<16xf32>
            %add3A_2545 = arith.addf %mul3A_2542, %add3A_2544 : vector<16xf32>
            %mul3A_2546 = arith.mulf %add3A_2545, %mul3A_2515 : vector<16xf32>
            %add3A_2547 = arith.constant 0.998486995 : f32
            %add3A_2548 = vector.broadcast %add3A_2547 : f32 to vector<16xf32>
            %add3A_2549 = arith.addf %mul3A_2546, %add3A_2548 : vector<16xf32>
            %mul3A_2550 = arith.mulf %min3A_2514, %add3A_2549 : vector<16xf32>
            %mul3A_2551 = vector.broadcast %squeeze3A_2445 : f32 to vector<16xf32>
            %mul3A_2552 = arith.mulf %mul3A_2551, %mul3A_2550 : vector<16xf32>
            %add3A_2553 = arith.addf %add3A_2443, %mul3A_2552 : vector<16xf32>
            %slice3A_2554 = vector.extract_strided_slice %get3A_225 {offsets = [5], sizes = [1], strides = [1]} : vector<16xf32> to vector<1xf32>
            %squeeze3A_2555 = vector.extract %slice3A_2554[0] : f32 from vector<1xf32>
            %get3A_2556 = arith.index_cast %scan3A_201 : i32 to index
            %get3A_2557 = arith.constant 672 : index
            %get3A_2558 = tpu.vector_load %arg12[%get3A_2556, %get3A_2557] {strides = array<i32>} : memref<40x1024xf32, #tpu.memory_space<vmem>>, vector<1x16xf32>,
            %get3A_2559 = vector.shape_cast %get3A_2558 : vector<1x16xf32> to vector<16xf32>
            %get3A_2560 = arith.index_cast %scan3A_201 : i32 to index
            %get3A_2561 = arith.constant 672 : index
            %get3A_2562 = tpu.vector_load %arg13[%get3A_2560, %get3A_2561] {strides = array<i32>} : memref<40x1024xf32, #tpu.memory_space<vmem>>, vector<1x16xf32>,
            %get3A_2563 = vector.shape_cast %get3A_2562 : vector<1x16xf32> to vector<16xf32>
            %add3A_2564 = arith.addf %get3A_2559, %get3A_2563 : vector<16xf32>
            %max3A_2565 = arith.constant -4.200000e+00 : f32
            %max3A_2566 = vector.broadcast %max3A_2565 : f32 to vector<16xf32>
            %max3A_2567 = arith.maximumf %add3A_2564, %max3A_2566 : vector<16xf32>
            %min3A_2568 = arith.constant 4.200000e+00 : f32
            %min3A_2569 = vector.broadcast %min3A_2568 : f32 to vector<16xf32>
            %min3A_2570 = arith.minimumf %max3A_2567, %min3A_2569 : vector<16xf32>
            %mul3A_2571 = arith.mulf %min3A_2570, %min3A_2570 : vector<16xf32>
            %mul3A_2572 = arith.constant 5.701380e-09 : f32
            %mul3A_2573 = vector.broadcast %mul3A_2572 : f32 to vector<16xf32>
            %mul3A_2574 = arith.mulf %mul3A_2573, %mul3A_2571 : vector<16xf32>
            %add3A_2575 = arith.constant -4.54547461E-7 : f32
            %add3A_2576 = vector.broadcast %add3A_2575 : f32 to vector<16xf32>
            %add3A_2577 = arith.addf %mul3A_2574, %add3A_2576 : vector<16xf32>
            %mul3A_2578 = arith.mulf %add3A_2577, %mul3A_2571 : vector<16xf32>
            %add3A_2579 = arith.constant 1.52370731E-5 : f32
            %add3A_2580 = vector.broadcast %add3A_2579 : f32 to vector<16xf32>
            %add3A_2581 = arith.addf %mul3A_2578, %add3A_2580 : vector<16xf32>
            %mul3A_2582 = arith.mulf %add3A_2581, %mul3A_2571 : vector<16xf32>
            %add3A_2583 = arith.constant -2.8012236E-4 : f32
            %add3A_2584 = vector.broadcast %add3A_2583 : f32 to vector<16xf32>
            %add3A_2585 = arith.addf %mul3A_2582, %add3A_2584 : vector<16xf32>
            %mul3A_2586 = arith.mulf %add3A_2585, %mul3A_2571 : vector<16xf32>
            %add3A_2587 = arith.constant 0.00310155516 : f32
            %add3A_2588 = vector.broadcast %add3A_2587 : f32 to vector<16xf32>
            %add3A_2589 = arith.addf %mul3A_2586, %add3A_2588 : vector<16xf32>
            %mul3A_2590 = arith.mulf %add3A_2589, %mul3A_2571 : vector<16xf32>
            %add3A_2591 = arith.constant -0.0215865858 : f32
            %add3A_2592 = vector.broadcast %add3A_2591 : f32 to vector<16xf32>
            %add3A_2593 = arith.addf %mul3A_2590, %add3A_2592 : vector<16xf32>
            %mul3A_2594 = arith.mulf %add3A_2593, %mul3A_2571 : vector<16xf32>
            %add3A_2595 = arith.constant 0.098000586 : f32
            %add3A_2596 = vector.broadcast %add3A_2595 : f32 to vector<16xf32>
            %add3A_2597 = arith.addf %mul3A_2594, %add3A_2596 : vector<16xf32>
            %mul3A_2598 = arith.mulf %add3A_2597, %mul3A_2571 : vector<16xf32>
            %add3A_2599 = arith.constant -0.31612426 : f32
            %add3A_2600 = vector.broadcast %add3A_2599 : f32 to vector<16xf32>
            %add3A_2601 = arith.addf %mul3A_2598, %add3A_2600 : vector<16xf32>
            %mul3A_2602 = arith.mulf %add3A_2601, %mul3A_2571 : vector<16xf32>
            %add3A_2603 = arith.constant 0.998486995 : f32
            %add3A_2604 = vector.broadcast %add3A_2603 : f32 to vector<16xf32>
            %add3A_2605 = arith.addf %mul3A_2602, %add3A_2604 : vector<16xf32>
            %mul3A_2606 = arith.mulf %min3A_2570, %add3A_2605 : vector<16xf32>
            %mul3A_2607 = vector.broadcast %squeeze3A_2555 : f32 to vector<16xf32>
            %mul3A_2608 = arith.mulf %mul3A_2607, %mul3A_2606 : vector<16xf32>
            %add3A_2609 = arith.addf %add3A_2499, %mul3A_2608 : vector<16xf32>
            %get3A_2610 = arith.index_cast %scan3A_201 : i32 to index
            %get3A_2611 = arith.constant 688 : index
            %get3A_2612 = tpu.vector_load %arg12[%get3A_2610, %get3A_2611] {strides = array<i32>} : memref<40x1024xf32, #tpu.memory_space<vmem>>, vector<1x16xf32>,
            %get3A_2613 = vector.shape_cast %get3A_2612 : vector<1x16xf32> to vector<16xf32>
            %get3A_2614 = arith.index_cast %scan3A_201 : i32 to index
            %get3A_2615 = arith.constant 688 : index
            %get3A_2616 = tpu.vector_load %arg13[%get3A_2614, %get3A_2615] {strides = array<i32>} : memref<40x1024xf32, #tpu.memory_space<vmem>>, vector<1x16xf32>,
            %get3A_2617 = vector.shape_cast %get3A_2616 : vector<1x16xf32> to vector<16xf32>
            %add3A_2618 = arith.addf %get3A_2613, %get3A_2617 : vector<16xf32>
            %max3A_2619 = arith.constant -4.200000e+00 : f32
            %max3A_2620 = vector.broadcast %max3A_2619 : f32 to vector<16xf32>
            %max3A_2621 = arith.maximumf %add3A_2618, %max3A_2620 : vector<16xf32>
            %min3A_2622 = arith.constant 4.200000e+00 : f32
            %min3A_2623 = vector.broadcast %min3A_2622 : f32 to vector<16xf32>
            %min3A_2624 = arith.minimumf %max3A_2621, %min3A_2623 : vector<16xf32>
            %mul3A_2625 = arith.mulf %min3A_2624, %min3A_2624 : vector<16xf32>
            %mul3A_2626 = arith.constant 5.701380e-09 : f32
            %mul3A_2627 = vector.broadcast %mul3A_2626 : f32 to vector<16xf32>
            %mul3A_2628 = arith.mulf %mul3A_2627, %mul3A_2625 : vector<16xf32>
            %add3A_2629 = arith.constant -4.54547461E-7 : f32
            %add3A_2630 = vector.broadcast %add3A_2629 : f32 to vector<16xf32>
            %add3A_2631 = arith.addf %mul3A_2628, %add3A_2630 : vector<16xf32>
            %mul3A_2632 = arith.mulf %add3A_2631, %mul3A_2625 : vector<16xf32>
            %add3A_2633 = arith.constant 1.52370731E-5 : f32
            %add3A_2634 = vector.broadcast %add3A_2633 : f32 to vector<16xf32>
            %add3A_2635 = arith.addf %mul3A_2632, %add3A_2634 : vector<16xf32>
            %mul3A_2636 = arith.mulf %add3A_2635, %mul3A_2625 : vector<16xf32>
            %add3A_2637 = arith.constant -2.8012236E-4 : f32
            %add3A_2638 = vector.broadcast %add3A_2637 : f32 to vector<16xf32>
            %add3A_2639 = arith.addf %mul3A_2636, %add3A_2638 : vector<16xf32>
            %mul3A_2640 = arith.mulf %add3A_2639, %mul3A_2625 : vector<16xf32>
            %add3A_2641 = arith.constant 0.00310155516 : f32
            %add3A_2642 = vector.broadcast %add3A_2641 : f32 to vector<16xf32>
            %add3A_2643 = arith.addf %mul3A_2640, %add3A_2642 : vector<16xf32>
            %mul3A_2644 = arith.mulf %add3A_2643, %mul3A_2625 : vector<16xf32>
            %add3A_2645 = arith.constant -0.0215865858 : f32
            %add3A_2646 = vector.broadcast %add3A_2645 : f32 to vector<16xf32>
            %add3A_2647 = arith.addf %mul3A_2644, %add3A_2646 : vector<16xf32>
            %mul3A_2648 = arith.mulf %add3A_2647, %mul3A_2625 : vector<16xf32>
            %add3A_2649 = arith.constant 0.098000586 : f32
            %add3A_2650 = vector.broadcast %add3A_2649 : f32 to vector<16xf32>
            %add3A_2651 = arith.addf %mul3A_2648, %add3A_2650 : vector<16xf32>
            %mul3A_2652 = arith.mulf %add3A_2651, %mul3A_2625 : vector<16xf32>
            %add3A_2653 = arith.constant -0.31612426 : f32
            %add3A_2654 = vector.broadcast %add3A_2653 : f32 to vector<16xf32>
            %add3A_2655 = arith.addf %mul3A_2652, %add3A_2654 : vector<16xf32>
            %mul3A_2656 = arith.mulf %add3A_2655, %mul3A_2625 : vector<16xf32>
            %add3A_2657 = arith.constant 0.998486995 : f32
            %add3A_2658 = vector.broadcast %add3A_2657 : f32 to vector<16xf32>
            %add3A_2659 = arith.addf %mul3A_2656, %add3A_2658 : vector<16xf32>
            %mul3A_2660 = arith.mulf %min3A_2624, %add3A_2659 : vector<16xf32>
            %mul3A_2661 = vector.broadcast %squeeze3A_2555 : f32 to vector<16xf32>
            %mul3A_2662 = arith.mulf %mul3A_2661, %mul3A_2660 : vector<16xf32>
            %add3A_2663 = arith.addf %add3A_2553, %mul3A_2662 : vector<16xf32>
            %slice3A_2664 = vector.extract_strided_slice %get3A_225 {offsets = [6], sizes = [1], strides = [1]} : vector<16xf32> to vector<1xf32>
            %squeeze3A_2665 = vector.extract %slice3A_2664[0] : f32 from vector<1xf32>
            %get3A_2666 = arith.index_cast %scan3A_201 : i32 to index
            %get3A_2667 = arith.constant 704 : index
            %get3A_2668 = tpu.vector_load %arg12[%get3A_2666, %get3A_2667] {strides = array<i32>} : memref<40x1024xf32, #tpu.memory_space<vmem>>, vector<1x16xf32>,
            %get3A_2669 = vector.shape_cast %get3A_2668 : vector<1x16xf32> to vector<16xf32>
            %get3A_2670 = arith.index_cast %scan3A_201 : i32 to index
            %get3A_2671 = arith.constant 704 : index
            %get3A_2672 = tpu.vector_load %arg13[%get3A_2670, %get3A_2671] {strides = array<i32>} : memref<40x1024xf32, #tpu.memory_space<vmem>>, vector<1x16xf32>,
            %get3A_2673 = vector.shape_cast %get3A_2672 : vector<1x16xf32> to vector<16xf32>
            %add3A_2674 = arith.addf %get3A_2669, %get3A_2673 : vector<16xf32>
            %max3A_2675 = arith.constant -4.200000e+00 : f32
            %max3A_2676 = vector.broadcast %max3A_2675 : f32 to vector<16xf32>
            %max3A_2677 = arith.maximumf %add3A_2674, %max3A_2676 : vector<16xf32>
            %min3A_2678 = arith.constant 4.200000e+00 : f32
            %min3A_2679 = vector.broadcast %min3A_2678 : f32 to vector<16xf32>
            %min3A_2680 = arith.minimumf %max3A_2677, %min3A_2679 : vector<16xf32>
            %mul3A_2681 = arith.mulf %min3A_2680, %min3A_2680 : vector<16xf32>
            %mul3A_2682 = arith.constant 5.701380e-09 : f32
            %mul3A_2683 = vector.broadcast %mul3A_2682 : f32 to vector<16xf32>
            %mul3A_2684 = arith.mulf %mul3A_2683, %mul3A_2681 : vector<16xf32>
            %add3A_2685 = arith.constant -4.54547461E-7 : f32
            %add3A_2686 = vector.broadcast %add3A_2685 : f32 to vector<16xf32>
            %add3A_2687 = arith.addf %mul3A_2684, %add3A_2686 : vector<16xf32>
            %mul3A_2688 = arith.mulf %add3A_2687, %mul3A_2681 : vector<16xf32>
            %add3A_2689 = arith.constant 1.52370731E-5 : f32
            %add3A_2690 = vector.broadcast %add3A_2689 : f32 to vector<16xf32>
            %add3A_2691 = arith.addf %mul3A_2688, %add3A_2690 : vector<16xf32>
            %mul3A_2692 = arith.mulf %add3A_2691, %mul3A_2681 : vector<16xf32>
            %add3A_2693 = arith.constant -2.8012236E-4 : f32
            %add3A_2694 = vector.broadcast %add3A_2693 : f32 to vector<16xf32>
            %add3A_2695 = arith.addf %mul3A_2692, %add3A_2694 : vector<16xf32>
            %mul3A_2696 = arith.mulf %add3A_2695, %mul3A_2681 : vector<16xf32>
            %add3A_2697 = arith.constant 0.00310155516 : f32
            %add3A_2698 = vector.broadcast %add3A_2697 : f32 to vector<16xf32>
            %add3A_2699 = arith.addf %mul3A_2696, %add3A_2698 : vector<16xf32>
            %mul3A_2700 = arith.mulf %add3A_2699, %mul3A_2681 : vector<16xf32>
            %add3A_2701 = arith.constant -0.0215865858 : f32
            %add3A_2702 = vector.broadcast %add3A_2701 : f32 to vector<16xf32>
            %add3A_2703 = arith.addf %mul3A_2700, %add3A_2702 : vector<16xf32>
            %mul3A_2704 = arith.mulf %add3A_2703, %mul3A_2681 : vector<16xf32>
            %add3A_2705 = arith.constant 0.098000586 : f32
            %add3A_2706 = vector.broadcast %add3A_2705 : f32 to vector<16xf32>
            %add3A_2707 = arith.addf %mul3A_2704, %add3A_2706 : vector<16xf32>
            %mul3A_2708 = arith.mulf %add3A_2707, %mul3A_2681 : vector<16xf32>
            %add3A_2709 = arith.constant -0.31612426 : f32
            %add3A_2710 = vector.broadcast %add3A_2709 : f32 to vector<16xf32>
            %add3A_2711 = arith.addf %mul3A_2708, %add3A_2710 : vector<16xf32>
            %mul3A_2712 = arith.mulf %add3A_2711, %mul3A_2681 : vector<16xf32>
            %add3A_2713 = arith.constant 0.998486995 : f32
            %add3A_2714 = vector.broadcast %add3A_2713 : f32 to vector<16xf32>
            %add3A_2715 = arith.addf %mul3A_2712, %add3A_2714 : vector<16xf32>
            %mul3A_2716 = arith.mulf %min3A_2680, %add3A_2715 : vector<16xf32>
            %mul3A_2717 = vector.broadcast %squeeze3A_2665 : f32 to vector<16xf32>
            %mul3A_2718 = arith.mulf %mul3A_2717, %mul3A_2716 : vector<16xf32>
            %add3A_2719 = arith.addf %add3A_2609, %mul3A_2718 : vector<16xf32>
            %get3A_2720 = arith.index_cast %scan3A_201 : i32 to index
            %get3A_2721 = arith.constant 720 : index
            %get3A_2722 = tpu.vector_load %arg12[%get3A_2720, %get3A_2721] {strides = array<i32>} : memref<40x1024xf32, #tpu.memory_space<vmem>>, vector<1x16xf32>,
            %get3A_2723 = vector.shape_cast %get3A_2722 : vector<1x16xf32> to vector<16xf32>
            %get3A_2724 = arith.index_cast %scan3A_201 : i32 to index
            %get3A_2725 = arith.constant 720 : index
            %get3A_2726 = tpu.vector_load %arg13[%get3A_2724, %get3A_2725] {strides = array<i32>} : memref<40x1024xf32, #tpu.memory_space<vmem>>, vector<1x16xf32>,
            %get3A_2727 = vector.shape_cast %get3A_2726 : vector<1x16xf32> to vector<16xf32>
            %add3A_2728 = arith.addf %get3A_2723, %get3A_2727 : vector<16xf32>
            %max3A_2729 = arith.constant -4.200000e+00 : f32
            %max3A_2730 = vector.broadcast %max3A_2729 : f32 to vector<16xf32>
            %max3A_2731 = arith.maximumf %add3A_2728, %max3A_2730 : vector<16xf32>
            %min3A_2732 = arith.constant 4.200000e+00 : f32
            %min3A_2733 = vector.broadcast %min3A_2732 : f32 to vector<16xf32>
            %min3A_2734 = arith.minimumf %max3A_2731, %min3A_2733 : vector<16xf32>
            %mul3A_2735 = arith.mulf %min3A_2734, %min3A_2734 : vector<16xf32>
            %mul3A_2736 = arith.constant 5.701380e-09 : f32
            %mul3A_2737 = vector.broadcast %mul3A_2736 : f32 to vector<16xf32>
            %mul3A_2738 = arith.mulf %mul3A_2737, %mul3A_2735 : vector<16xf32>
            %add3A_2739 = arith.constant -4.54547461E-7 : f32
            %add3A_2740 = vector.broadcast %add3A_2739 : f32 to vector<16xf32>
            %add3A_2741 = arith.addf %mul3A_2738, %add3A_2740 : vector<16xf32>
            %mul3A_2742 = arith.mulf %add3A_2741, %mul3A_2735 : vector<16xf32>
            %add3A_2743 = arith.constant 1.52370731E-5 : f32
            %add3A_2744 = vector.broadcast %add3A_2743 : f32 to vector<16xf32>
            %add3A_2745 = arith.addf %mul3A_2742, %add3A_2744 : vector<16xf32>
            %mul3A_2746 = arith.mulf %add3A_2745, %mul3A_2735 : vector<16xf32>
            %add3A_2747 = arith.constant -2.8012236E-4 : f32
            %add3A_2748 = vector.broadcast %add3A_2747 : f32 to vector<16xf32>
            %add3A_2749 = arith.addf %mul3A_2746, %add3A_2748 : vector<16xf32>
            %mul3A_2750 = arith.mulf %add3A_2749, %mul3A_2735 : vector<16xf32>
            %add3A_2751 = arith.constant 0.00310155516 : f32
            %add3A_2752 = vector.broadcast %add3A_2751 : f32 to vector<16xf32>
            %add3A_2753 = arith.addf %mul3A_2750, %add3A_2752 : vector<16xf32>
            %mul3A_2754 = arith.mulf %add3A_2753, %mul3A_2735 : vector<16xf32>
            %add3A_2755 = arith.constant -0.0215865858 : f32
            %add3A_2756 = vector.broadcast %add3A_2755 : f32 to vector<16xf32>
            %add3A_2757 = arith.addf %mul3A_2754, %add3A_2756 : vector<16xf32>
            %mul3A_2758 = arith.mulf %add3A_2757, %mul3A_2735 : vector<16xf32>
            %add3A_2759 = arith.constant 0.098000586 : f32
            %add3A_2760 = vector.broadcast %add3A_2759 : f32 to vector<16xf32>
            %add3A_2761 = arith.addf %mul3A_2758, %add3A_2760 : vector<16xf32>
            %mul3A_2762 = arith.mulf %add3A_2761, %mul3A_2735 : vector<16xf32>
            %add3A_2763 = arith.constant -0.31612426 : f32
            %add3A_2764 = vector.broadcast %add3A_2763 : f32 to vector<16xf32>
            %add3A_2765 = arith.addf %mul3A_2762, %add3A_2764 : vector<16xf32>
            %mul3A_2766 = arith.mulf %add3A_2765, %mul3A_2735 : vector<16xf32>
            %add3A_2767 = arith.constant 0.998486995 : f32
            %add3A_2768 = vector.broadcast %add3A_2767 : f32 to vector<16xf32>
            %add3A_2769 = arith.addf %mul3A_2766, %add3A_2768 : vector<16xf32>
            %mul3A_2770 = arith.mulf %min3A_2734, %add3A_2769 : vector<16xf32>
            %mul3A_2771 = vector.broadcast %squeeze3A_2665 : f32 to vector<16xf32>
            %mul3A_2772 = arith.mulf %mul3A_2771, %mul3A_2770 : vector<16xf32>
            %add3A_2773 = arith.addf %add3A_2663, %mul3A_2772 : vector<16xf32>
            %slice3A_2774 = vector.extract_strided_slice %get3A_225 {offsets = [7], sizes = [1], strides = [1]} : vector<16xf32> to vector<1xf32>
            %squeeze3A_2775 = vector.extract %slice3A_2774[0] : f32 from vector<1xf32>
            %get3A_2776 = arith.index_cast %scan3A_201 : i32 to index
            %get3A_2777 = arith.constant 736 : index
            %get3A_2778 = tpu.vector_load %arg12[%get3A_2776, %get3A_2777] {strides = array<i32>} : memref<40x1024xf32, #tpu.memory_space<vmem>>, vector<1x16xf32>,
            %get3A_2779 = vector.shape_cast %get3A_2778 : vector<1x16xf32> to vector<16xf32>
            %get3A_2780 = arith.index_cast %scan3A_201 : i32 to index
            %get3A_2781 = arith.constant 736 : index
            %get3A_2782 = tpu.vector_load %arg13[%get3A_2780, %get3A_2781] {strides = array<i32>} : memref<40x1024xf32, #tpu.memory_space<vmem>>, vector<1x16xf32>,
            %get3A_2783 = vector.shape_cast %get3A_2782 : vector<1x16xf32> to vector<16xf32>
            %add3A_2784 = arith.addf %get3A_2779, %get3A_2783 : vector<16xf32>
            %max3A_2785 = arith.constant -4.200000e+00 : f32
            %max3A_2786 = vector.broadcast %max3A_2785 : f32 to vector<16xf32>
            %max3A_2787 = arith.maximumf %add3A_2784, %max3A_2786 : vector<16xf32>
            %min3A_2788 = arith.constant 4.200000e+00 : f32
            %min3A_2789 = vector.broadcast %min3A_2788 : f32 to vector<16xf32>
            %min3A_2790 = arith.minimumf %max3A_2787, %min3A_2789 : vector<16xf32>
            %mul3A_2791 = arith.mulf %min3A_2790, %min3A_2790 : vector<16xf32>
            %mul3A_2792 = arith.constant 5.701380e-09 : f32
            %mul3A_2793 = vector.broadcast %mul3A_2792 : f32 to vector<16xf32>
            %mul3A_2794 = arith.mulf %mul3A_2793, %mul3A_2791 : vector<16xf32>
            %add3A_2795 = arith.constant -4.54547461E-7 : f32
            %add3A_2796 = vector.broadcast %add3A_2795 : f32 to vector<16xf32>
            %add3A_2797 = arith.addf %mul3A_2794, %add3A_2796 : vector<16xf32>
            %mul3A_2798 = arith.mulf %add3A_2797, %mul3A_2791 : vector<16xf32>
            %add3A_2799 = arith.constant 1.52370731E-5 : f32
            %add3A_2800 = vector.broadcast %add3A_2799 : f32 to vector<16xf32>
            %add3A_2801 = arith.addf %mul3A_2798, %add3A_2800 : vector<16xf32>
            %mul3A_2802 = arith.mulf %add3A_2801, %mul3A_2791 : vector<16xf32>
            %add3A_2803 = arith.constant -2.8012236E-4 : f32
            %add3A_2804 = vector.broadcast %add3A_2803 : f32 to vector<16xf32>
            %add3A_2805 = arith.addf %mul3A_2802, %add3A_2804 : vector<16xf32>
            %mul3A_2806 = arith.mulf %add3A_2805, %mul3A_2791 : vector<16xf32>
            %add3A_2807 = arith.constant 0.00310155516 : f32
            %add3A_2808 = vector.broadcast %add3A_2807 : f32 to vector<16xf32>
            %add3A_2809 = arith.addf %mul3A_2806, %add3A_2808 : vector<16xf32>
            %mul3A_2810 = arith.mulf %add3A_2809, %mul3A_2791 : vector<16xf32>
            %add3A_2811 = arith.constant -0.0215865858 : f32
            %add3A_2812 = vector.broadcast %add3A_2811 : f32 to vector<16xf32>
            %add3A_2813 = arith.addf %mul3A_2810, %add3A_2812 : vector<16xf32>
            %mul3A_2814 = arith.mulf %add3A_2813, %mul3A_2791 : vector<16xf32>
            %add3A_2815 = arith.constant 0.098000586 : f32
            %add3A_2816 = vector.broadcast %add3A_2815 : f32 to vector<16xf32>
            %add3A_2817 = arith.addf %mul3A_2814, %add3A_2816 : vector<16xf32>
            %mul3A_2818 = arith.mulf %add3A_2817, %mul3A_2791 : vector<16xf32>
            %add3A_2819 = arith.constant -0.31612426 : f32
            %add3A_2820 = vector.broadcast %add3A_2819 : f32 to vector<16xf32>
            %add3A_2821 = arith.addf %mul3A_2818, %add3A_2820 : vector<16xf32>
            %mul3A_2822 = arith.mulf %add3A_2821, %mul3A_2791 : vector<16xf32>
            %add3A_2823 = arith.constant 0.998486995 : f32
            %add3A_2824 = vector.broadcast %add3A_2823 : f32 to vector<16xf32>
            %add3A_2825 = arith.addf %mul3A_2822, %add3A_2824 : vector<16xf32>
            %mul3A_2826 = arith.mulf %min3A_2790, %add3A_2825 : vector<16xf32>
            %mul3A_2827 = vector.broadcast %squeeze3A_2775 : f32 to vector<16xf32>
            %mul3A_2828 = arith.mulf %mul3A_2827, %mul3A_2826 : vector<16xf32>
            %add3A_2829 = arith.addf %add3A_2719, %mul3A_2828 : vector<16xf32>
            %get3A_2830 = arith.index_cast %scan3A_201 : i32 to index
            %get3A_2831 = arith.constant 752 : index
            %get3A_2832 = tpu.vector_load %arg12[%get3A_2830, %get3A_2831] {strides = array<i32>} : memref<40x1024xf32, #tpu.memory_space<vmem>>, vector<1x16xf32>,
            %get3A_2833 = vector.shape_cast %get3A_2832 : vector<1x16xf32> to vector<16xf32>
            %get3A_2834 = arith.index_cast %scan3A_201 : i32 to index
            %get3A_2835 = arith.constant 752 : index
            %get3A_2836 = tpu.vector_load %arg13[%get3A_2834, %get3A_2835] {strides = array<i32>} : memref<40x1024xf32, #tpu.memory_space<vmem>>, vector<1x16xf32>,
            %get3A_2837 = vector.shape_cast %get3A_2836 : vector<1x16xf32> to vector<16xf32>
            %add3A_2838 = arith.addf %get3A_2833, %get3A_2837 : vector<16xf32>
            %max3A_2839 = arith.constant -4.200000e+00 : f32
            %max3A_2840 = vector.broadcast %max3A_2839 : f32 to vector<16xf32>
            %max3A_2841 = arith.maximumf %add3A_2838, %max3A_2840 : vector<16xf32>
            %min3A_2842 = arith.constant 4.200000e+00 : f32
            %min3A_2843 = vector.broadcast %min3A_2842 : f32 to vector<16xf32>
            %min3A_2844 = arith.minimumf %max3A_2841, %min3A_2843 : vector<16xf32>
            %mul3A_2845 = arith.mulf %min3A_2844, %min3A_2844 : vector<16xf32>
            %mul3A_2846 = arith.constant 5.701380e-09 : f32
            %mul3A_2847 = vector.broadcast %mul3A_2846 : f32 to vector<16xf32>
            %mul3A_2848 = arith.mulf %mul3A_2847, %mul3A_2845 : vector<16xf32>
            %add3A_2849 = arith.constant -4.54547461E-7 : f32
            %add3A_2850 = vector.broadcast %add3A_2849 : f32 to vector<16xf32>
            %add3A_2851 = arith.addf %mul3A_2848, %add3A_2850 : vector<16xf32>
            %mul3A_2852 = arith.mulf %add3A_2851, %mul3A_2845 : vector<16xf32>
            %add3A_2853 = arith.constant 1.52370731E-5 : f32
            %add3A_2854 = vector.broadcast %add3A_2853 : f32 to vector<16xf32>
            %add3A_2855 = arith.addf %mul3A_2852, %add3A_2854 : vector<16xf32>
            %mul3A_2856 = arith.mulf %add3A_2855, %mul3A_2845 : vector<16xf32>
            %add3A_2857 = arith.constant -2.8012236E-4 : f32
            %add3A_2858 = vector.broadcast %add3A_2857 : f32 to vector<16xf32>
            %add3A_2859 = arith.addf %mul3A_2856, %add3A_2858 : vector<16xf32>
            %mul3A_2860 = arith.mulf %add3A_2859, %mul3A_2845 : vector<16xf32>
            %add3A_2861 = arith.constant 0.00310155516 : f32
            %add3A_2862 = vector.broadcast %add3A_2861 : f32 to vector<16xf32>
            %add3A_2863 = arith.addf %mul3A_2860, %add3A_2862 : vector<16xf32>
            %mul3A_2864 = arith.mulf %add3A_2863, %mul3A_2845 : vector<16xf32>
            %add3A_2865 = arith.constant -0.0215865858 : f32
            %add3A_2866 = vector.broadcast %add3A_2865 : f32 to vector<16xf32>
            %add3A_2867 = arith.addf %mul3A_2864, %add3A_2866 : vector<16xf32>
            %mul3A_2868 = arith.mulf %add3A_2867, %mul3A_2845 : vector<16xf32>
            %add3A_2869 = arith.constant 0.098000586 : f32
            %add3A_2870 = vector.broadcast %add3A_2869 : f32 to vector<16xf32>
            %add3A_2871 = arith.addf %mul3A_2868, %add3A_2870 : vector<16xf32>
            %mul3A_2872 = arith.mulf %add3A_2871, %mul3A_2845 : vector<16xf32>
            %add3A_2873 = arith.constant -0.31612426 : f32
            %add3A_2874 = vector.broadcast %add3A_2873 : f32 to vector<16xf32>
            %add3A_2875 = arith.addf %mul3A_2872, %add3A_2874 : vector<16xf32>
            %mul3A_2876 = arith.mulf %add3A_2875, %mul3A_2845 : vector<16xf32>
            %add3A_2877 = arith.constant 0.998486995 : f32
            %add3A_2878 = vector.broadcast %add3A_2877 : f32 to vector<16xf32>
            %add3A_2879 = arith.addf %mul3A_2876, %add3A_2878 : vector<16xf32>
            %mul3A_2880 = arith.mulf %min3A_2844, %add3A_2879 : vector<16xf32>
            %mul3A_2881 = vector.broadcast %squeeze3A_2775 : f32 to vector<16xf32>
            %mul3A_2882 = arith.mulf %mul3A_2881, %mul3A_2880 : vector<16xf32>
            %add3A_2883 = arith.addf %add3A_2773, %mul3A_2882 : vector<16xf32>
            %slice3A_2884 = vector.extract_strided_slice %get3A_225 {offsets = [8], sizes = [1], strides = [1]} : vector<16xf32> to vector<1xf32>
            %squeeze3A_2885 = vector.extract %slice3A_2884[0] : f32 from vector<1xf32>
            %get3A_2886 = arith.index_cast %scan3A_201 : i32 to index
            %get3A_2887 = arith.constant 768 : index
            %get3A_2888 = tpu.vector_load %arg12[%get3A_2886, %get3A_2887] {strides = array<i32>} : memref<40x1024xf32, #tpu.memory_space<vmem>>, vector<1x16xf32>,
            %get3A_2889 = vector.shape_cast %get3A_2888 : vector<1x16xf32> to vector<16xf32>
            %get3A_2890 = arith.index_cast %scan3A_201 : i32 to index
            %get3A_2891 = arith.constant 768 : index
            %get3A_2892 = tpu.vector_load %arg13[%get3A_2890, %get3A_2891] {strides = array<i32>} : memref<40x1024xf32, #tpu.memory_space<vmem>>, vector<1x16xf32>,
            %get3A_2893 = vector.shape_cast %get3A_2892 : vector<1x16xf32> to vector<16xf32>
            %add3A_2894 = arith.addf %get3A_2889, %get3A_2893 : vector<16xf32>
            %max3A_2895 = arith.constant -4.200000e+00 : f32
            %max3A_2896 = vector.broadcast %max3A_2895 : f32 to vector<16xf32>
            %max3A_2897 = arith.maximumf %add3A_2894, %max3A_2896 : vector<16xf32>
            %min3A_2898 = arith.constant 4.200000e+00 : f32
            %min3A_2899 = vector.broadcast %min3A_2898 : f32 to vector<16xf32>
            %min3A_2900 = arith.minimumf %max3A_2897, %min3A_2899 : vector<16xf32>
            %mul3A_2901 = arith.mulf %min3A_2900, %min3A_2900 : vector<16xf32>
            %mul3A_2902 = arith.constant 5.701380e-09 : f32
            %mul3A_2903 = vector.broadcast %mul3A_2902 : f32 to vector<16xf32>
            %mul3A_2904 = arith.mulf %mul3A_2903, %mul3A_2901 : vector<16xf32>
            %add3A_2905 = arith.constant -4.54547461E-7 : f32
            %add3A_2906 = vector.broadcast %add3A_2905 : f32 to vector<16xf32>
            %add3A_2907 = arith.addf %mul3A_2904, %add3A_2906 : vector<16xf32>
            %mul3A_2908 = arith.mulf %add3A_2907, %mul3A_2901 : vector<16xf32>
            %add3A_2909 = arith.constant 1.52370731E-5 : f32
            %add3A_2910 = vector.broadcast %add3A_2909 : f32 to vector<16xf32>
            %add3A_2911 = arith.addf %mul3A_2908, %add3A_2910 : vector<16xf32>
            %mul3A_2912 = arith.mulf %add3A_2911, %mul3A_2901 : vector<16xf32>
            %add3A_2913 = arith.constant -2.8012236E-4 : f32
            %add3A_2914 = vector.broadcast %add3A_2913 : f32 to vector<16xf32>
            %add3A_2915 = arith.addf %mul3A_2912, %add3A_2914 : vector<16xf32>
            %mul3A_2916 = arith.mulf %add3A_2915, %mul3A_2901 : vector<16xf32>
            %add3A_2917 = arith.constant 0.00310155516 : f32
            %add3A_2918 = vector.broadcast %add3A_2917 : f32 to vector<16xf32>
            %add3A_2919 = arith.addf %mul3A_2916, %add3A_2918 : vector<16xf32>
            %mul3A_2920 = arith.mulf %add3A_2919, %mul3A_2901 : vector<16xf32>
            %add3A_2921 = arith.constant -0.0215865858 : f32
            %add3A_2922 = vector.broadcast %add3A_2921 : f32 to vector<16xf32>
            %add3A_2923 = arith.addf %mul3A_2920, %add3A_2922 : vector<16xf32>
            %mul3A_2924 = arith.mulf %add3A_2923, %mul3A_2901 : vector<16xf32>
            %add3A_2925 = arith.constant 0.098000586 : f32
            %add3A_2926 = vector.broadcast %add3A_2925 : f32 to vector<16xf32>
            %add3A_2927 = arith.addf %mul3A_2924, %add3A_2926 : vector<16xf32>
            %mul3A_2928 = arith.mulf %add3A_2927, %mul3A_2901 : vector<16xf32>
            %add3A_2929 = arith.constant -0.31612426 : f32
            %add3A_2930 = vector.broadcast %add3A_2929 : f32 to vector<16xf32>
            %add3A_2931 = arith.addf %mul3A_2928, %add3A_2930 : vector<16xf32>
            %mul3A_2932 = arith.mulf %add3A_2931, %mul3A_2901 : vector<16xf32>
            %add3A_2933 = arith.constant 0.998486995 : f32
            %add3A_2934 = vector.broadcast %add3A_2933 : f32 to vector<16xf32>
            %add3A_2935 = arith.addf %mul3A_2932, %add3A_2934 : vector<16xf32>
            %mul3A_2936 = arith.mulf %min3A_2900, %add3A_2935 : vector<16xf32>
            %mul3A_2937 = vector.broadcast %squeeze3A_2885 : f32 to vector<16xf32>
            %mul3A_2938 = arith.mulf %mul3A_2937, %mul3A_2936 : vector<16xf32>
            %add3A_2939 = arith.addf %add3A_2829, %mul3A_2938 : vector<16xf32>
            %get3A_2940 = arith.index_cast %scan3A_201 : i32 to index
            %get3A_2941 = arith.constant 784 : index
            %get3A_2942 = tpu.vector_load %arg12[%get3A_2940, %get3A_2941] {strides = array<i32>} : memref<40x1024xf32, #tpu.memory_space<vmem>>, vector<1x16xf32>,
            %get3A_2943 = vector.shape_cast %get3A_2942 : vector<1x16xf32> to vector<16xf32>
            %get3A_2944 = arith.index_cast %scan3A_201 : i32 to index
            %get3A_2945 = arith.constant 784 : index
            %get3A_2946 = tpu.vector_load %arg13[%get3A_2944, %get3A_2945] {strides = array<i32>} : memref<40x1024xf32, #tpu.memory_space<vmem>>, vector<1x16xf32>,
            %get3A_2947 = vector.shape_cast %get3A_2946 : vector<1x16xf32> to vector<16xf32>
            %add3A_2948 = arith.addf %get3A_2943, %get3A_2947 : vector<16xf32>
            %max3A_2949 = arith.constant -4.200000e+00 : f32
            %max3A_2950 = vector.broadcast %max3A_2949 : f32 to vector<16xf32>
            %max3A_2951 = arith.maximumf %add3A_2948, %max3A_2950 : vector<16xf32>
            %min3A_2952 = arith.constant 4.200000e+00 : f32
            %min3A_2953 = vector.broadcast %min3A_2952 : f32 to vector<16xf32>
            %min3A_2954 = arith.minimumf %max3A_2951, %min3A_2953 : vector<16xf32>
            %mul3A_2955 = arith.mulf %min3A_2954, %min3A_2954 : vector<16xf32>
            %mul3A_2956 = arith.constant 5.701380e-09 : f32
            %mul3A_2957 = vector.broadcast %mul3A_2956 : f32 to vector<16xf32>
            %mul3A_2958 = arith.mulf %mul3A_2957, %mul3A_2955 : vector<16xf32>
            %add3A_2959 = arith.constant -4.54547461E-7 : f32
            %add3A_2960 = vector.broadcast %add3A_2959 : f32 to vector<16xf32>
            %add3A_2961 = arith.addf %mul3A_2958, %add3A_2960 : vector<16xf32>
            %mul3A_2962 = arith.mulf %add3A_2961, %mul3A_2955 : vector<16xf32>
            %add3A_2963 = arith.constant 1.52370731E-5 : f32
            %add3A_2964 = vector.broadcast %add3A_2963 : f32 to vector<16xf32>
            %add3A_2965 = arith.addf %mul3A_2962, %add3A_2964 : vector<16xf32>
            %mul3A_2966 = arith.mulf %add3A_2965, %mul3A_2955 : vector<16xf32>
            %add3A_2967 = arith.constant -2.8012236E-4 : f32
            %add3A_2968 = vector.broadcast %add3A_2967 : f32 to vector<16xf32>
            %add3A_2969 = arith.addf %mul3A_2966, %add3A_2968 : vector<16xf32>
            %mul3A_2970 = arith.mulf %add3A_2969, %mul3A_2955 : vector<16xf32>
            %add3A_2971 = arith.constant 0.00310155516 : f32
            %add3A_2972 = vector.broadcast %add3A_2971 : f32 to vector<16xf32>
            %add3A_2973 = arith.addf %mul3A_2970, %add3A_2972 : vector<16xf32>
            %mul3A_2974 = arith.mulf %add3A_2973, %mul3A_2955 : vector<16xf32>
            %add3A_2975 = arith.constant -0.0215865858 : f32
            %add3A_2976 = vector.broadcast %add3A_2975 : f32 to vector<16xf32>
            %add3A_2977 = arith.addf %mul3A_2974, %add3A_2976 : vector<16xf32>
            %mul3A_2978 = arith.mulf %add3A_2977, %mul3A_2955 : vector<16xf32>
            %add3A_2979 = arith.constant 0.098000586 : f32
            %add3A_2980 = vector.broadcast %add3A_2979 : f32 to vector<16xf32>
            %add3A_2981 = arith.addf %mul3A_2978, %add3A_2980 : vector<16xf32>
            %mul3A_2982 = arith.mulf %add3A_2981, %mul3A_2955 : vector<16xf32>
            %add3A_2983 = arith.constant -0.31612426 : f32
            %add3A_2984 = vector.broadcast %add3A_2983 : f32 to vector<16xf32>
            %add3A_2985 = arith.addf %mul3A_2982, %add3A_2984 : vector<16xf32>
            %mul3A_2986 = arith.mulf %add3A_2985, %mul3A_2955 : vector<16xf32>
            %add3A_2987 = arith.constant 0.998486995 : f32
            %add3A_2988 = vector.broadcast %add3A_2987 : f32 to vector<16xf32>
            %add3A_2989 = arith.addf %mul3A_2986, %add3A_2988 : vector<16xf32>
            %mul3A_2990 = arith.mulf %min3A_2954, %add3A_2989 : vector<16xf32>
            %mul3A_2991 = vector.broadcast %squeeze3A_2885 : f32 to vector<16xf32>
            %mul3A_2992 = arith.mulf %mul3A_2991, %mul3A_2990 : vector<16xf32>
            %add3A_2993 = arith.addf %add3A_2883, %mul3A_2992 : vector<16xf32>
            %slice3A_2994 = vector.extract_strided_slice %get3A_225 {offsets = [9], sizes = [1], strides = [1]} : vector<16xf32> to vector<1xf32>
            %squeeze3A_2995 = vector.extract %slice3A_2994[0] : f32 from vector<1xf32>
            %get3A_2996 = arith.index_cast %scan3A_201 : i32 to index
            %get3A_2997 = arith.constant 800 : index
            %get3A_2998 = tpu.vector_load %arg12[%get3A_2996, %get3A_2997] {strides = array<i32>} : memref<40x1024xf32, #tpu.memory_space<vmem>>, vector<1x16xf32>,
            %get3A_2999 = vector.shape_cast %get3A_2998 : vector<1x16xf32> to vector<16xf32>
            %get3A_3000 = arith.index_cast %scan3A_201 : i32 to index
            %get3A_3001 = arith.constant 800 : index
            %get3A_3002 = tpu.vector_load %arg13[%get3A_3000, %get3A_3001] {strides = array<i32>} : memref<40x1024xf32, #tpu.memory_space<vmem>>, vector<1x16xf32>,
            %get3A_3003 = vector.shape_cast %get3A_3002 : vector<1x16xf32> to vector<16xf32>
            %add3A_3004 = arith.addf %get3A_2999, %get3A_3003 : vector<16xf32>
            %max3A_3005 = arith.constant -4.200000e+00 : f32
            %max3A_3006 = vector.broadcast %max3A_3005 : f32 to vector<16xf32>
            %max3A_3007 = arith.maximumf %add3A_3004, %max3A_3006 : vector<16xf32>
            %min3A_3008 = arith.constant 4.200000e+00 : f32
            %min3A_3009 = vector.broadcast %min3A_3008 : f32 to vector<16xf32>
            %min3A_3010 = arith.minimumf %max3A_3007, %min3A_3009 : vector<16xf32>
            %mul3A_3011 = arith.mulf %min3A_3010, %min3A_3010 : vector<16xf32>
            %mul3A_3012 = arith.constant 5.701380e-09 : f32
            %mul3A_3013 = vector.broadcast %mul3A_3012 : f32 to vector<16xf32>
            %mul3A_3014 = arith.mulf %mul3A_3013, %mul3A_3011 : vector<16xf32>
            %add3A_3015 = arith.constant -4.54547461E-7 : f32
            %add3A_3016 = vector.broadcast %add3A_3015 : f32 to vector<16xf32>
            %add3A_3017 = arith.addf %mul3A_3014, %add3A_3016 : vector<16xf32>
            %mul3A_3018 = arith.mulf %add3A_3017, %mul3A_3011 : vector<16xf32>
            %add3A_3019 = arith.constant 1.52370731E-5 : f32
            %add3A_3020 = vector.broadcast %add3A_3019 : f32 to vector<16xf32>
            %add3A_3021 = arith.addf %mul3A_3018, %add3A_3020 : vector<16xf32>
            %mul3A_3022 = arith.mulf %add3A_3021, %mul3A_3011 : vector<16xf32>
            %add3A_3023 = arith.constant -2.8012236E-4 : f32
            %add3A_3024 = vector.broadcast %add3A_3023 : f32 to vector<16xf32>
            %add3A_3025 = arith.addf %mul3A_3022, %add3A_3024 : vector<16xf32>
            %mul3A_3026 = arith.mulf %add3A_3025, %mul3A_3011 : vector<16xf32>
            %add3A_3027 = arith.constant 0.00310155516 : f32
            %add3A_3028 = vector.broadcast %add3A_3027 : f32 to vector<16xf32>
            %add3A_3029 = arith.addf %mul3A_3026, %add3A_3028 : vector<16xf32>
            %mul3A_3030 = arith.mulf %add3A_3029, %mul3A_3011 : vector<16xf32>
            %add3A_3031 = arith.constant -0.0215865858 : f32
            %add3A_3032 = vector.broadcast %add3A_3031 : f32 to vector<16xf32>
            %add3A_3033 = arith.addf %mul3A_3030, %add3A_3032 : vector<16xf32>
            %mul3A_3034 = arith.mulf %add3A_3033, %mul3A_3011 : vector<16xf32>
            %add3A_3035 = arith.constant 0.098000586 : f32
            %add3A_3036 = vector.broadcast %add3A_3035 : f32 to vector<16xf32>
            %add3A_3037 = arith.addf %mul3A_3034, %add3A_3036 : vector<16xf32>
            %mul3A_3038 = arith.mulf %add3A_3037, %mul3A_3011 : vector<16xf32>
            %add3A_3039 = arith.constant -0.31612426 : f32
            %add3A_3040 = vector.broadcast %add3A_3039 : f32 to vector<16xf32>
            %add3A_3041 = arith.addf %mul3A_3038, %add3A_3040 : vector<16xf32>
            %mul3A_3042 = arith.mulf %add3A_3041, %mul3A_3011 : vector<16xf32>
            %add3A_3043 = arith.constant 0.998486995 : f32
            %add3A_3044 = vector.broadcast %add3A_3043 : f32 to vector<16xf32>
            %add3A_3045 = arith.addf %mul3A_3042, %add3A_3044 : vector<16xf32>
            %mul3A_3046 = arith.mulf %min3A_3010, %add3A_3045 : vector<16xf32>
            %mul3A_3047 = vector.broadcast %squeeze3A_2995 : f32 to vector<16xf32>
            %mul3A_3048 = arith.mulf %mul3A_3047, %mul3A_3046 : vector<16xf32>
            %add3A_3049 = arith.addf %add3A_2939, %mul3A_3048 : vector<16xf32>
            %get3A_3050 = arith.index_cast %scan3A_201 : i32 to index
            %get3A_3051 = arith.constant 816 : index
            %get3A_3052 = tpu.vector_load %arg12[%get3A_3050, %get3A_3051] {strides = array<i32>} : memref<40x1024xf32, #tpu.memory_space<vmem>>, vector<1x16xf32>,
            %get3A_3053 = vector.shape_cast %get3A_3052 : vector<1x16xf32> to vector<16xf32>
            %get3A_3054 = arith.index_cast %scan3A_201 : i32 to index
            %get3A_3055 = arith.constant 816 : index
            %get3A_3056 = tpu.vector_load %arg13[%get3A_3054, %get3A_3055] {strides = array<i32>} : memref<40x1024xf32, #tpu.memory_space<vmem>>, vector<1x16xf32>,
            %get3A_3057 = vector.shape_cast %get3A_3056 : vector<1x16xf32> to vector<16xf32>
            %add3A_3058 = arith.addf %get3A_3053, %get3A_3057 : vector<16xf32>
            %max3A_3059 = arith.constant -4.200000e+00 : f32
            %max3A_3060 = vector.broadcast %max3A_3059 : f32 to vector<16xf32>
            %max3A_3061 = arith.maximumf %add3A_3058, %max3A_3060 : vector<16xf32>
            %min3A_3062 = arith.constant 4.200000e+00 : f32
            %min3A_3063 = vector.broadcast %min3A_3062 : f32 to vector<16xf32>
            %min3A_3064 = arith.minimumf %max3A_3061, %min3A_3063 : vector<16xf32>
            %mul3A_3065 = arith.mulf %min3A_3064, %min3A_3064 : vector<16xf32>
            %mul3A_3066 = arith.constant 5.701380e-09 : f32
            %mul3A_3067 = vector.broadcast %mul3A_3066 : f32 to vector<16xf32>
            %mul3A_3068 = arith.mulf %mul3A_3067, %mul3A_3065 : vector<16xf32>
            %add3A_3069 = arith.constant -4.54547461E-7 : f32
            %add3A_3070 = vector.broadcast %add3A_3069 : f32 to vector<16xf32>
            %add3A_3071 = arith.addf %mul3A_3068, %add3A_3070 : vector<16xf32>
            %mul3A_3072 = arith.mulf %add3A_3071, %mul3A_3065 : vector<16xf32>
            %add3A_3073 = arith.constant 1.52370731E-5 : f32
            %add3A_3074 = vector.broadcast %add3A_3073 : f32 to vector<16xf32>
            %add3A_3075 = arith.addf %mul3A_3072, %add3A_3074 : vector<16xf32>
            %mul3A_3076 = arith.mulf %add3A_3075, %mul3A_3065 : vector<16xf32>
            %add3A_3077 = arith.constant -2.8012236E-4 : f32
            %add3A_3078 = vector.broadcast %add3A_3077 : f32 to vector<16xf32>
            %add3A_3079 = arith.addf %mul3A_3076, %add3A_3078 : vector<16xf32>
            %mul3A_3080 = arith.mulf %add3A_3079, %mul3A_3065 : vector<16xf32>
            %add3A_3081 = arith.constant 0.00310155516 : f32
            %add3A_3082 = vector.broadcast %add3A_3081 : f32 to vector<16xf32>
            %add3A_3083 = arith.addf %mul3A_3080, %add3A_3082 : vector<16xf32>
            %mul3A_3084 = arith.mulf %add3A_3083, %mul3A_3065 : vector<16xf32>
            %add3A_3085 = arith.constant -0.0215865858 : f32
            %add3A_3086 = vector.broadcast %add3A_3085 : f32 to vector<16xf32>
            %add3A_3087 = arith.addf %mul3A_3084, %add3A_3086 : vector<16xf32>
            %mul3A_3088 = arith.mulf %add3A_3087, %mul3A_3065 : vector<16xf32>
            %add3A_3089 = arith.constant 0.098000586 : f32
            %add3A_3090 = vector.broadcast %add3A_3089 : f32 to vector<16xf32>
            %add3A_3091 = arith.addf %mul3A_3088, %add3A_3090 : vector<16xf32>
            %mul3A_3092 = arith.mulf %add3A_3091, %mul3A_3065 : vector<16xf32>
            %add3A_3093 = arith.constant -0.31612426 : f32
            %add3A_3094 = vector.broadcast %add3A_3093 : f32 to vector<16xf32>
            %add3A_3095 = arith.addf %mul3A_3092, %add3A_3094 : vector<16xf32>
            %mul3A_3096 = arith.mulf %add3A_3095, %mul3A_3065 : vector<16xf32>
            %add3A_3097 = arith.constant 0.998486995 : f32
            %add3A_3098 = vector.broadcast %add3A_3097 : f32 to vector<16xf32>
            %add3A_3099 = arith.addf %mul3A_3096, %add3A_3098 : vector<16xf32>
            %mul3A_3100 = arith.mulf %min3A_3064, %add3A_3099 : vector<16xf32>
            %mul3A_3101 = vector.broadcast %squeeze3A_2995 : f32 to vector<16xf32>
            %mul3A_3102 = arith.mulf %mul3A_3101, %mul3A_3100 : vector<16xf32>
            %add3A_3103 = arith.addf %add3A_2993, %mul3A_3102 : vector<16xf32>
            %slice3A_3104 = vector.extract_strided_slice %get3A_225 {offsets = [10], sizes = [1], strides = [1]} : vector<16xf32> to vector<1xf32>
            %squeeze3A_3105 = vector.extract %slice3A_3104[0] : f32 from vector<1xf32>
            %get3A_3106 = arith.index_cast %scan3A_201 : i32 to index
            %get3A_3107 = arith.constant 832 : index
            %get3A_3108 = tpu.vector_load %arg12[%get3A_3106, %get3A_3107] {strides = array<i32>} : memref<40x1024xf32, #tpu.memory_space<vmem>>, vector<1x16xf32>,
            %get3A_3109 = vector.shape_cast %get3A_3108 : vector<1x16xf32> to vector<16xf32>
            %get3A_3110 = arith.index_cast %scan3A_201 : i32 to index
            %get3A_3111 = arith.constant 832 : index
            %get3A_3112 = tpu.vector_load %arg13[%get3A_3110, %get3A_3111] {strides = array<i32>} : memref<40x1024xf32, #tpu.memory_space<vmem>>, vector<1x16xf32>,
            %get3A_3113 = vector.shape_cast %get3A_3112 : vector<1x16xf32> to vector<16xf32>
            %add3A_3114 = arith.addf %get3A_3109, %get3A_3113 : vector<16xf32>
            %max3A_3115 = arith.constant -4.200000e+00 : f32
            %max3A_3116 = vector.broadcast %max3A_3115 : f32 to vector<16xf32>
            %max3A_3117 = arith.maximumf %add3A_3114, %max3A_3116 : vector<16xf32>
            %min3A_3118 = arith.constant 4.200000e+00 : f32
            %min3A_3119 = vector.broadcast %min3A_3118 : f32 to vector<16xf32>
            %min3A_3120 = arith.minimumf %max3A_3117, %min3A_3119 : vector<16xf32>
            %mul3A_3121 = arith.mulf %min3A_3120, %min3A_3120 : vector<16xf32>
            %mul3A_3122 = arith.constant 5.701380e-09 : f32
            %mul3A_3123 = vector.broadcast %mul3A_3122 : f32 to vector<16xf32>
            %mul3A_3124 = arith.mulf %mul3A_3123, %mul3A_3121 : vector<16xf32>
            %add3A_3125 = arith.constant -4.54547461E-7 : f32
            %add3A_3126 = vector.broadcast %add3A_3125 : f32 to vector<16xf32>
            %add3A_3127 = arith.addf %mul3A_3124, %add3A_3126 : vector<16xf32>
            %mul3A_3128 = arith.mulf %add3A_3127, %mul3A_3121 : vector<16xf32>
            %add3A_3129 = arith.constant 1.52370731E-5 : f32
            %add3A_3130 = vector.broadcast %add3A_3129 : f32 to vector<16xf32>
            %add3A_3131 = arith.addf %mul3A_3128, %add3A_3130 : vector<16xf32>
            %mul3A_3132 = arith.mulf %add3A_3131, %mul3A_3121 : vector<16xf32>
            %add3A_3133 = arith.constant -2.8012236E-4 : f32
            %add3A_3134 = vector.broadcast %add3A_3133 : f32 to vector<16xf32>
            %add3A_3135 = arith.addf %mul3A_3132, %add3A_3134 : vector<16xf32>
            %mul3A_3136 = arith.mulf %add3A_3135, %mul3A_3121 : vector<16xf32>
            %add3A_3137 = arith.constant 0.00310155516 : f32
            %add3A_3138 = vector.broadcast %add3A_3137 : f32 to vector<16xf32>
            %add3A_3139 = arith.addf %mul3A_3136, %add3A_3138 : vector<16xf32>
            %mul3A_3140 = arith.mulf %add3A_3139, %mul3A_3121 : vector<16xf32>
            %add3A_3141 = arith.constant -0.0215865858 : f32
            %add3A_3142 = vector.broadcast %add3A_3141 : f32 to vector<16xf32>
            %add3A_3143 = arith.addf %mul3A_3140, %add3A_3142 : vector<16xf32>
            %mul3A_3144 = arith.mulf %add3A_3143, %mul3A_3121 : vector<16xf32>
            %add3A_3145 = arith.constant 0.098000586 : f32
            %add3A_3146 = vector.broadcast %add3A_3145 : f32 to vector<16xf32>
            %add3A_3147 = arith.addf %mul3A_3144, %add3A_3146 : vector<16xf32>
            %mul3A_3148 = arith.mulf %add3A_3147, %mul3A_3121 : vector<16xf32>
            %add3A_3149 = arith.constant -0.31612426 : f32
            %add3A_3150 = vector.broadcast %add3A_3149 : f32 to vector<16xf32>
            %add3A_3151 = arith.addf %mul3A_3148, %add3A_3150 : vector<16xf32>
            %mul3A_3152 = arith.mulf %add3A_3151, %mul3A_3121 : vector<16xf32>
            %add3A_3153 = arith.constant 0.998486995 : f32
            %add3A_3154 = vector.broadcast %add3A_3153 : f32 to vector<16xf32>
            %add3A_3155 = arith.addf %mul3A_3152, %add3A_3154 : vector<16xf32>
            %mul3A_3156 = arith.mulf %min3A_3120, %add3A_3155 : vector<16xf32>
            %mul3A_3157 = vector.broadcast %squeeze3A_3105 : f32 to vector<16xf32>
            %mul3A_3158 = arith.mulf %mul3A_3157, %mul3A_3156 : vector<16xf32>
            %add3A_3159 = arith.addf %add3A_3049, %mul3A_3158 : vector<16xf32>
            %get3A_3160 = arith.index_cast %scan3A_201 : i32 to index
            %get3A_3161 = arith.constant 848 : index
            %get3A_3162 = tpu.vector_load %arg12[%get3A_3160, %get3A_3161] {strides = array<i32>} : memref<40x1024xf32, #tpu.memory_space<vmem>>, vector<1x16xf32>,
            %get3A_3163 = vector.shape_cast %get3A_3162 : vector<1x16xf32> to vector<16xf32>
            %get3A_3164 = arith.index_cast %scan3A_201 : i32 to index
            %get3A_3165 = arith.constant 848 : index
            %get3A_3166 = tpu.vector_load %arg13[%get3A_3164, %get3A_3165] {strides = array<i32>} : memref<40x1024xf32, #tpu.memory_space<vmem>>, vector<1x16xf32>,
            %get3A_3167 = vector.shape_cast %get3A_3166 : vector<1x16xf32> to vector<16xf32>
            %add3A_3168 = arith.addf %get3A_3163, %get3A_3167 : vector<16xf32>
            %max3A_3169 = arith.constant -4.200000e+00 : f32
            %max3A_3170 = vector.broadcast %max3A_3169 : f32 to vector<16xf32>
            %max3A_3171 = arith.maximumf %add3A_3168, %max3A_3170 : vector<16xf32>
            %min3A_3172 = arith.constant 4.200000e+00 : f32
            %min3A_3173 = vector.broadcast %min3A_3172 : f32 to vector<16xf32>
            %min3A_3174 = arith.minimumf %max3A_3171, %min3A_3173 : vector<16xf32>
            %mul3A_3175 = arith.mulf %min3A_3174, %min3A_3174 : vector<16xf32>
            %mul3A_3176 = arith.constant 5.701380e-09 : f32
            %mul3A_3177 = vector.broadcast %mul3A_3176 : f32 to vector<16xf32>
            %mul3A_3178 = arith.mulf %mul3A_3177, %mul3A_3175 : vector<16xf32>
            %add3A_3179 = arith.constant -4.54547461E-7 : f32
            %add3A_3180 = vector.broadcast %add3A_3179 : f32 to vector<16xf32>
            %add3A_3181 = arith.addf %mul3A_3178, %add3A_3180 : vector<16xf32>
            %mul3A_3182 = arith.mulf %add3A_3181, %mul3A_3175 : vector<16xf32>
            %add3A_3183 = arith.constant 1.52370731E-5 : f32
            %add3A_3184 = vector.broadcast %add3A_3183 : f32 to vector<16xf32>
            %add3A_3185 = arith.addf %mul3A_3182, %add3A_3184 : vector<16xf32>
            %mul3A_3186 = arith.mulf %add3A_3185, %mul3A_3175 : vector<16xf32>
            %add3A_3187 = arith.constant -2.8012236E-4 : f32
            %add3A_3188 = vector.broadcast %add3A_3187 : f32 to vector<16xf32>
            %add3A_3189 = arith.addf %mul3A_3186, %add3A_3188 : vector<16xf32>
            %mul3A_3190 = arith.mulf %add3A_3189, %mul3A_3175 : vector<16xf32>
            %add3A_3191 = arith.constant 0.00310155516 : f32
            %add3A_3192 = vector.broadcast %add3A_3191 : f32 to vector<16xf32>
            %add3A_3193 = arith.addf %mul3A_3190, %add3A_3192 : vector<16xf32>
            %mul3A_3194 = arith.mulf %add3A_3193, %mul3A_3175 : vector<16xf32>
            %add3A_3195 = arith.constant -0.0215865858 : f32
            %add3A_3196 = vector.broadcast %add3A_3195 : f32 to vector<16xf32>
            %add3A_3197 = arith.addf %mul3A_3194, %add3A_3196 : vector<16xf32>
            %mul3A_3198 = arith.mulf %add3A_3197, %mul3A_3175 : vector<16xf32>
            %add3A_3199 = arith.constant 0.098000586 : f32
            %add3A_3200 = vector.broadcast %add3A_3199 : f32 to vector<16xf32>
            %add3A_3201 = arith.addf %mul3A_3198, %add3A_3200 : vector<16xf32>
            %mul3A_3202 = arith.mulf %add3A_3201, %mul3A_3175 : vector<16xf32>
            %add3A_3203 = arith.constant -0.31612426 : f32
            %add3A_3204 = vector.broadcast %add3A_3203 : f32 to vector<16xf32>
            %add3A_3205 = arith.addf %mul3A_3202, %add3A_3204 : vector<16xf32>
            %mul3A_3206 = arith.mulf %add3A_3205, %mul3A_3175 : vector<16xf32>
            %add3A_3207 = arith.constant 0.998486995 : f32
            %add3A_3208 = vector.broadcast %add3A_3207 : f32 to vector<16xf32>
            %add3A_3209 = arith.addf %mul3A_3206, %add3A_3208 : vector<16xf32>
            %mul3A_3210 = arith.mulf %min3A_3174, %add3A_3209 : vector<16xf32>
            %mul3A_3211 = vector.broadcast %squeeze3A_3105 : f32 to vector<16xf32>
            %mul3A_3212 = arith.mulf %mul3A_3211, %mul3A_3210 : vector<16xf32>
            %add3A_3213 = arith.addf %add3A_3103, %mul3A_3212 : vector<16xf32>
            %slice3A_3214 = vector.extract_strided_slice %get3A_225 {offsets = [11], sizes = [1], strides = [1]} : vector<16xf32> to vector<1xf32>
            %squeeze3A_3215 = vector.extract %slice3A_3214[0] : f32 from vector<1xf32>
            %get3A_3216 = arith.index_cast %scan3A_201 : i32 to index
            %get3A_3217 = arith.constant 864 : index
            %get3A_3218 = tpu.vector_load %arg12[%get3A_3216, %get3A_3217] {strides = array<i32>} : memref<40x1024xf32, #tpu.memory_space<vmem>>, vector<1x16xf32>,
            %get3A_3219 = vector.shape_cast %get3A_3218 : vector<1x16xf32> to vector<16xf32>
            %get3A_3220 = arith.index_cast %scan3A_201 : i32 to index
            %get3A_3221 = arith.constant 864 : index
            %get3A_3222 = tpu.vector_load %arg13[%get3A_3220, %get3A_3221] {strides = array<i32>} : memref<40x1024xf32, #tpu.memory_space<vmem>>, vector<1x16xf32>,
            %get3A_3223 = vector.shape_cast %get3A_3222 : vector<1x16xf32> to vector<16xf32>
            %add3A_3224 = arith.addf %get3A_3219, %get3A_3223 : vector<16xf32>
            %max3A_3225 = arith.constant -4.200000e+00 : f32
            %max3A_3226 = vector.broadcast %max3A_3225 : f32 to vector<16xf32>
            %max3A_3227 = arith.maximumf %add3A_3224, %max3A_3226 : vector<16xf32>
            %min3A_3228 = arith.constant 4.200000e+00 : f32
            %min3A_3229 = vector.broadcast %min3A_3228 : f32 to vector<16xf32>
            %min3A_3230 = arith.minimumf %max3A_3227, %min3A_3229 : vector<16xf32>
            %mul3A_3231 = arith.mulf %min3A_3230, %min3A_3230 : vector<16xf32>
            %mul3A_3232 = arith.constant 5.701380e-09 : f32
            %mul3A_3233 = vector.broadcast %mul3A_3232 : f32 to vector<16xf32>
            %mul3A_3234 = arith.mulf %mul3A_3233, %mul3A_3231 : vector<16xf32>
            %add3A_3235 = arith.constant -4.54547461E-7 : f32
            %add3A_3236 = vector.broadcast %add3A_3235 : f32 to vector<16xf32>
            %add3A_3237 = arith.addf %mul3A_3234, %add3A_3236 : vector<16xf32>
            %mul3A_3238 = arith.mulf %add3A_3237, %mul3A_3231 : vector<16xf32>
            %add3A_3239 = arith.constant 1.52370731E-5 : f32
            %add3A_3240 = vector.broadcast %add3A_3239 : f32 to vector<16xf32>
            %add3A_3241 = arith.addf %mul3A_3238, %add3A_3240 : vector<16xf32>
            %mul3A_3242 = arith.mulf %add3A_3241, %mul3A_3231 : vector<16xf32>
            %add3A_3243 = arith.constant -2.8012236E-4 : f32
            %add3A_3244 = vector.broadcast %add3A_3243 : f32 to vector<16xf32>
            %add3A_3245 = arith.addf %mul3A_3242, %add3A_3244 : vector<16xf32>
            %mul3A_3246 = arith.mulf %add3A_3245, %mul3A_3231 : vector<16xf32>
            %add3A_3247 = arith.constant 0.00310155516 : f32
            %add3A_3248 = vector.broadcast %add3A_3247 : f32 to vector<16xf32>
            %add3A_3249 = arith.addf %mul3A_3246, %add3A_3248 : vector<16xf32>
            %mul3A_3250 = arith.mulf %add3A_3249, %mul3A_3231 : vector<16xf32>
            %add3A_3251 = arith.constant -0.0215865858 : f32
            %add3A_3252 = vector.broadcast %add3A_3251 : f32 to vector<16xf32>
            %add3A_3253 = arith.addf %mul3A_3250, %add3A_3252 : vector<16xf32>
            %mul3A_3254 = arith.mulf %add3A_3253, %mul3A_3231 : vector<16xf32>
            %add3A_3255 = arith.constant 0.098000586 : f32
            %add3A_3256 = vector.broadcast %add3A_3255 : f32 to vector<16xf32>
            %add3A_3257 = arith.addf %mul3A_3254, %add3A_3256 : vector<16xf32>
            %mul3A_3258 = arith.mulf %add3A_3257, %mul3A_3231 : vector<16xf32>
            %add3A_3259 = arith.constant -0.31612426 : f32
            %add3A_3260 = vector.broadcast %add3A_3259 : f32 to vector<16xf32>
            %add3A_3261 = arith.addf %mul3A_3258, %add3A_3260 : vector<16xf32>
            %mul3A_3262 = arith.mulf %add3A_3261, %mul3A_3231 : vector<16xf32>
            %add3A_3263 = arith.constant 0.998486995 : f32
            %add3A_3264 = vector.broadcast %add3A_3263 : f32 to vector<16xf32>
            %add3A_3265 = arith.addf %mul3A_3262, %add3A_3264 : vector<16xf32>
            %mul3A_3266 = arith.mulf %min3A_3230, %add3A_3265 : vector<16xf32>
            %mul3A_3267 = vector.broadcast %squeeze3A_3215 : f32 to vector<16xf32>
            %mul3A_3268 = arith.mulf %mul3A_3267, %mul3A_3266 : vector<16xf32>
            %add3A_3269 = arith.addf %add3A_3159, %mul3A_3268 : vector<16xf32>
            %get3A_3270 = arith.index_cast %scan3A_201 : i32 to index
            %get3A_3271 = arith.constant 880 : index
            %get3A_3272 = tpu.vector_load %arg12[%get3A_3270, %get3A_3271] {strides = array<i32>} : memref<40x1024xf32, #tpu.memory_space<vmem>>, vector<1x16xf32>,
            %get3A_3273 = vector.shape_cast %get3A_3272 : vector<1x16xf32> to vector<16xf32>
            %get3A_3274 = arith.index_cast %scan3A_201 : i32 to index
            %get3A_3275 = arith.constant 880 : index
            %get3A_3276 = tpu.vector_load %arg13[%get3A_3274, %get3A_3275] {strides = array<i32>} : memref<40x1024xf32, #tpu.memory_space<vmem>>, vector<1x16xf32>,
            %get3A_3277 = vector.shape_cast %get3A_3276 : vector<1x16xf32> to vector<16xf32>
            %add3A_3278 = arith.addf %get3A_3273, %get3A_3277 : vector<16xf32>
            %max3A_3279 = arith.constant -4.200000e+00 : f32
            %max3A_3280 = vector.broadcast %max3A_3279 : f32 to vector<16xf32>
            %max3A_3281 = arith.maximumf %add3A_3278, %max3A_3280 : vector<16xf32>
            %min3A_3282 = arith.constant 4.200000e+00 : f32
            %min3A_3283 = vector.broadcast %min3A_3282 : f32 to vector<16xf32>
            %min3A_3284 = arith.minimumf %max3A_3281, %min3A_3283 : vector<16xf32>
            %mul3A_3285 = arith.mulf %min3A_3284, %min3A_3284 : vector<16xf32>
            %mul3A_3286 = arith.constant 5.701380e-09 : f32
            %mul3A_3287 = vector.broadcast %mul3A_3286 : f32 to vector<16xf32>
            %mul3A_3288 = arith.mulf %mul3A_3287, %mul3A_3285 : vector<16xf32>
            %add3A_3289 = arith.constant -4.54547461E-7 : f32
            %add3A_3290 = vector.broadcast %add3A_3289 : f32 to vector<16xf32>
            %add3A_3291 = arith.addf %mul3A_3288, %add3A_3290 : vector<16xf32>
            %mul3A_3292 = arith.mulf %add3A_3291, %mul3A_3285 : vector<16xf32>
            %add3A_3293 = arith.constant 1.52370731E-5 : f32
            %add3A_3294 = vector.broadcast %add3A_3293 : f32 to vector<16xf32>
            %add3A_3295 = arith.addf %mul3A_3292, %add3A_3294 : vector<16xf32>
            %mul3A_3296 = arith.mulf %add3A_3295, %mul3A_3285 : vector<16xf32>
            %add3A_3297 = arith.constant -2.8012236E-4 : f32
            %add3A_3298 = vector.broadcast %add3A_3297 : f32 to vector<16xf32>
            %add3A_3299 = arith.addf %mul3A_3296, %add3A_3298 : vector<16xf32>
            %mul3A_3300 = arith.mulf %add3A_3299, %mul3A_3285 : vector<16xf32>
            %add3A_3301 = arith.constant 0.00310155516 : f32
            %add3A_3302 = vector.broadcast %add3A_3301 : f32 to vector<16xf32>
            %add3A_3303 = arith.addf %mul3A_3300, %add3A_3302 : vector<16xf32>
            %mul3A_3304 = arith.mulf %add3A_3303, %mul3A_3285 : vector<16xf32>
            %add3A_3305 = arith.constant -0.0215865858 : f32
            %add3A_3306 = vector.broadcast %add3A_3305 : f32 to vector<16xf32>
            %add3A_3307 = arith.addf %mul3A_3304, %add3A_3306 : vector<16xf32>
            %mul3A_3308 = arith.mulf %add3A_3307, %mul3A_3285 : vector<16xf32>
            %add3A_3309 = arith.constant 0.098000586 : f32
            %add3A_3310 = vector.broadcast %add3A_3309 : f32 to vector<16xf32>
            %add3A_3311 = arith.addf %mul3A_3308, %add3A_3310 : vector<16xf32>
            %mul3A_3312 = arith.mulf %add3A_3311, %mul3A_3285 : vector<16xf32>
            %add3A_3313 = arith.constant -0.31612426 : f32
            %add3A_3314 = vector.broadcast %add3A_3313 : f32 to vector<16xf32>
            %add3A_3315 = arith.addf %mul3A_3312, %add3A_3314 : vector<16xf32>
            %mul3A_3316 = arith.mulf %add3A_3315, %mul3A_3285 : vector<16xf32>
            %add3A_3317 = arith.constant 0.998486995 : f32
            %add3A_3318 = vector.broadcast %add3A_3317 : f32 to vector<16xf32>
            %add3A_3319 = arith.addf %mul3A_3316, %add3A_3318 : vector<16xf32>
            %mul3A_3320 = arith.mulf %min3A_3284, %add3A_3319 : vector<16xf32>
            %mul3A_3321 = vector.broadcast %squeeze3A_3215 : f32 to vector<16xf32>
            %mul3A_3322 = arith.mulf %mul3A_3321, %mul3A_3320 : vector<16xf32>
            %add3A_3323 = arith.addf %add3A_3213, %mul3A_3322 : vector<16xf32>
            %slice3A_3324 = vector.extract_strided_slice %get3A_225 {offsets = [12], sizes = [1], strides = [1]} : vector<16xf32> to vector<1xf32>
            %squeeze3A_3325 = vector.extract %slice3A_3324[0] : f32 from vector<1xf32>
            %get3A_3326 = arith.index_cast %scan3A_201 : i32 to index
            %get3A_3327 = arith.constant 896 : index
            %get3A_3328 = tpu.vector_load %arg12[%get3A_3326, %get3A_3327] {strides = array<i32>} : memref<40x1024xf32, #tpu.memory_space<vmem>>, vector<1x16xf32>,
            %get3A_3329 = vector.shape_cast %get3A_3328 : vector<1x16xf32> to vector<16xf32>
            %get3A_3330 = arith.index_cast %scan3A_201 : i32 to index
            %get3A_3331 = arith.constant 896 : index
            %get3A_3332 = tpu.vector_load %arg13[%get3A_3330, %get3A_3331] {strides = array<i32>} : memref<40x1024xf32, #tpu.memory_space<vmem>>, vector<1x16xf32>,
            %get3A_3333 = vector.shape_cast %get3A_3332 : vector<1x16xf32> to vector<16xf32>
            %add3A_3334 = arith.addf %get3A_3329, %get3A_3333 : vector<16xf32>
            %max3A_3335 = arith.constant -4.200000e+00 : f32
            %max3A_3336 = vector.broadcast %max3A_3335 : f32 to vector<16xf32>
            %max3A_3337 = arith.maximumf %add3A_3334, %max3A_3336 : vector<16xf32>
            %min3A_3338 = arith.constant 4.200000e+00 : f32
            %min3A_3339 = vector.broadcast %min3A_3338 : f32 to vector<16xf32>
            %min3A_3340 = arith.minimumf %max3A_3337, %min3A_3339 : vector<16xf32>
            %mul3A_3341 = arith.mulf %min3A_3340, %min3A_3340 : vector<16xf32>
            %mul3A_3342 = arith.constant 5.701380e-09 : f32
            %mul3A_3343 = vector.broadcast %mul3A_3342 : f32 to vector<16xf32>
            %mul3A_3344 = arith.mulf %mul3A_3343, %mul3A_3341 : vector<16xf32>
            %add3A_3345 = arith.constant -4.54547461E-7 : f32
            %add3A_3346 = vector.broadcast %add3A_3345 : f32 to vector<16xf32>
            %add3A_3347 = arith.addf %mul3A_3344, %add3A_3346 : vector<16xf32>
            %mul3A_3348 = arith.mulf %add3A_3347, %mul3A_3341 : vector<16xf32>
            %add3A_3349 = arith.constant 1.52370731E-5 : f32
            %add3A_3350 = vector.broadcast %add3A_3349 : f32 to vector<16xf32>
            %add3A_3351 = arith.addf %mul3A_3348, %add3A_3350 : vector<16xf32>
            %mul3A_3352 = arith.mulf %add3A_3351, %mul3A_3341 : vector<16xf32>
            %add3A_3353 = arith.constant -2.8012236E-4 : f32
            %add3A_3354 = vector.broadcast %add3A_3353 : f32 to vector<16xf32>
            %add3A_3355 = arith.addf %mul3A_3352, %add3A_3354 : vector<16xf32>
            %mul3A_3356 = arith.mulf %add3A_3355, %mul3A_3341 : vector<16xf32>
            %add3A_3357 = arith.constant 0.00310155516 : f32
            %add3A_3358 = vector.broadcast %add3A_3357 : f32 to vector<16xf32>
            %add3A_3359 = arith.addf %mul3A_3356, %add3A_3358 : vector<16xf32>
            %mul3A_3360 = arith.mulf %add3A_3359, %mul3A_3341 : vector<16xf32>
            %add3A_3361 = arith.constant -0.0215865858 : f32
            %add3A_3362 = vector.broadcast %add3A_3361 : f32 to vector<16xf32>
            %add3A_3363 = arith.addf %mul3A_3360, %add3A_3362 : vector<16xf32>
            %mul3A_3364 = arith.mulf %add3A_3363, %mul3A_3341 : vector<16xf32>
            %add3A_3365 = arith.constant 0.098000586 : f32
            %add3A_3366 = vector.broadcast %add3A_3365 : f32 to vector<16xf32>
            %add3A_3367 = arith.addf %mul3A_3364, %add3A_3366 : vector<16xf32>
            %mul3A_3368 = arith.mulf %add3A_3367, %mul3A_3341 : vector<16xf32>
            %add3A_3369 = arith.constant -0.31612426 : f32
            %add3A_3370 = vector.broadcast %add3A_3369 : f32 to vector<16xf32>
            %add3A_3371 = arith.addf %mul3A_3368, %add3A_3370 : vector<16xf32>
            %mul3A_3372 = arith.mulf %add3A_3371, %mul3A_3341 : vector<16xf32>
            %add3A_3373 = arith.constant 0.998486995 : f32
            %add3A_3374 = vector.broadcast %add3A_3373 : f32 to vector<16xf32>
            %add3A_3375 = arith.addf %mul3A_3372, %add3A_3374 : vector<16xf32>
            %mul3A_3376 = arith.mulf %min3A_3340, %add3A_3375 : vector<16xf32>
            %mul3A_3377 = vector.broadcast %squeeze3A_3325 : f32 to vector<16xf32>
            %mul3A_3378 = arith.mulf %mul3A_3377, %mul3A_3376 : vector<16xf32>
            %add3A_3379 = arith.addf %add3A_3269, %mul3A_3378 : vector<16xf32>
            %get3A_3380 = arith.index_cast %scan3A_201 : i32 to index
            %get3A_3381 = arith.constant 912 : index
            %get3A_3382 = tpu.vector_load %arg12[%get3A_3380, %get3A_3381] {strides = array<i32>} : memref<40x1024xf32, #tpu.memory_space<vmem>>, vector<1x16xf32>,
            %get3A_3383 = vector.shape_cast %get3A_3382 : vector<1x16xf32> to vector<16xf32>
            %get3A_3384 = arith.index_cast %scan3A_201 : i32 to index
            %get3A_3385 = arith.constant 912 : index
            %get3A_3386 = tpu.vector_load %arg13[%get3A_3384, %get3A_3385] {strides = array<i32>} : memref<40x1024xf32, #tpu.memory_space<vmem>>, vector<1x16xf32>,
            %get3A_3387 = vector.shape_cast %get3A_3386 : vector<1x16xf32> to vector<16xf32>
            %add3A_3388 = arith.addf %get3A_3383, %get3A_3387 : vector<16xf32>
            %max3A_3389 = arith.constant -4.200000e+00 : f32
            %max3A_3390 = vector.broadcast %max3A_3389 : f32 to vector<16xf32>
            %max3A_3391 = arith.maximumf %add3A_3388, %max3A_3390 : vector<16xf32>
            %min3A_3392 = arith.constant 4.200000e+00 : f32
            %min3A_3393 = vector.broadcast %min3A_3392 : f32 to vector<16xf32>
            %min3A_3394 = arith.minimumf %max3A_3391, %min3A_3393 : vector<16xf32>
            %mul3A_3395 = arith.mulf %min3A_3394, %min3A_3394 : vector<16xf32>
            %mul3A_3396 = arith.constant 5.701380e-09 : f32
            %mul3A_3397 = vector.broadcast %mul3A_3396 : f32 to vector<16xf32>
            %mul3A_3398 = arith.mulf %mul3A_3397, %mul3A_3395 : vector<16xf32>
            %add3A_3399 = arith.constant -4.54547461E-7 : f32
            %add3A_3400 = vector.broadcast %add3A_3399 : f32 to vector<16xf32>
            %add3A_3401 = arith.addf %mul3A_3398, %add3A_3400 : vector<16xf32>
            %mul3A_3402 = arith.mulf %add3A_3401, %mul3A_3395 : vector<16xf32>
            %add3A_3403 = arith.constant 1.52370731E-5 : f32
            %add3A_3404 = vector.broadcast %add3A_3403 : f32 to vector<16xf32>
            %add3A_3405 = arith.addf %mul3A_3402, %add3A_3404 : vector<16xf32>
            %mul3A_3406 = arith.mulf %add3A_3405, %mul3A_3395 : vector<16xf32>
            %add3A_3407 = arith.constant -2.8012236E-4 : f32
            %add3A_3408 = vector.broadcast %add3A_3407 : f32 to vector<16xf32>
            %add3A_3409 = arith.addf %mul3A_3406, %add3A_3408 : vector<16xf32>
            %mul3A_3410 = arith.mulf %add3A_3409, %mul3A_3395 : vector<16xf32>
            %add3A_3411 = arith.constant 0.00310155516 : f32
            %add3A_3412 = vector.broadcast %add3A_3411 : f32 to vector<16xf32>
            %add3A_3413 = arith.addf %mul3A_3410, %add3A_3412 : vector<16xf32>
            %mul3A_3414 = arith.mulf %add3A_3413, %mul3A_3395 : vector<16xf32>
            %add3A_3415 = arith.constant -0.0215865858 : f32
            %add3A_3416 = vector.broadcast %add3A_3415 : f32 to vector<16xf32>
            %add3A_3417 = arith.addf %mul3A_3414, %add3A_3416 : vector<16xf32>
            %mul3A_3418 = arith.mulf %add3A_3417, %mul3A_3395 : vector<16xf32>
            %add3A_3419 = arith.constant 0.098000586 : f32
            %add3A_3420 = vector.broadcast %add3A_3419 : f32 to vector<16xf32>
            %add3A_3421 = arith.addf %mul3A_3418, %add3A_3420 : vector<16xf32>
            %mul3A_3422 = arith.mulf %add3A_3421, %mul3A_3395 : vector<16xf32>
            %add3A_3423 = arith.constant -0.31612426 : f32
            %add3A_3424 = vector.broadcast %add3A_3423 : f32 to vector<16xf32>
            %add3A_3425 = arith.addf %mul3A_3422, %add3A_3424 : vector<16xf32>
            %mul3A_3426 = arith.mulf %add3A_3425, %mul3A_3395 : vector<16xf32>
            %add3A_3427 = arith.constant 0.998486995 : f32
            %add3A_3428 = vector.broadcast %add3A_3427 : f32 to vector<16xf32>
            %add3A_3429 = arith.addf %mul3A_3426, %add3A_3428 : vector<16xf32>
            %mul3A_3430 = arith.mulf %min3A_3394, %add3A_3429 : vector<16xf32>
            %mul3A_3431 = vector.broadcast %squeeze3A_3325 : f32 to vector<16xf32>
            %mul3A_3432 = arith.mulf %mul3A_3431, %mul3A_3430 : vector<16xf32>
            %add3A_3433 = arith.addf %add3A_3323, %mul3A_3432 : vector<16xf32>
            %slice3A_3434 = vector.extract_strided_slice %get3A_225 {offsets = [13], sizes = [1], strides = [1]} : vector<16xf32> to vector<1xf32>
            %squeeze3A_3435 = vector.extract %slice3A_3434[0] : f32 from vector<1xf32>
            %get3A_3436 = arith.index_cast %scan3A_201 : i32 to index
            %get3A_3437 = arith.constant 928 : index
            %get3A_3438 = tpu.vector_load %arg12[%get3A_3436, %get3A_3437] {strides = array<i32>} : memref<40x1024xf32, #tpu.memory_space<vmem>>, vector<1x16xf32>,
            %get3A_3439 = vector.shape_cast %get3A_3438 : vector<1x16xf32> to vector<16xf32>
            %get3A_3440 = arith.index_cast %scan3A_201 : i32 to index
            %get3A_3441 = arith.constant 928 : index
            %get3A_3442 = tpu.vector_load %arg13[%get3A_3440, %get3A_3441] {strides = array<i32>} : memref<40x1024xf32, #tpu.memory_space<vmem>>, vector<1x16xf32>,
            %get3A_3443 = vector.shape_cast %get3A_3442 : vector<1x16xf32> to vector<16xf32>
            %add3A_3444 = arith.addf %get3A_3439, %get3A_3443 : vector<16xf32>
            %max3A_3445 = arith.constant -4.200000e+00 : f32
            %max3A_3446 = vector.broadcast %max3A_3445 : f32 to vector<16xf32>
            %max3A_3447 = arith.maximumf %add3A_3444, %max3A_3446 : vector<16xf32>
            %min3A_3448 = arith.constant 4.200000e+00 : f32
            %min3A_3449 = vector.broadcast %min3A_3448 : f32 to vector<16xf32>
            %min3A_3450 = arith.minimumf %max3A_3447, %min3A_3449 : vector<16xf32>
            %mul3A_3451 = arith.mulf %min3A_3450, %min3A_3450 : vector<16xf32>
            %mul3A_3452 = arith.constant 5.701380e-09 : f32
            %mul3A_3453 = vector.broadcast %mul3A_3452 : f32 to vector<16xf32>
            %mul3A_3454 = arith.mulf %mul3A_3453, %mul3A_3451 : vector<16xf32>
            %add3A_3455 = arith.constant -4.54547461E-7 : f32
            %add3A_3456 = vector.broadcast %add3A_3455 : f32 to vector<16xf32>
            %add3A_3457 = arith.addf %mul3A_3454, %add3A_3456 : vector<16xf32>
            %mul3A_3458 = arith.mulf %add3A_3457, %mul3A_3451 : vector<16xf32>
            %add3A_3459 = arith.constant 1.52370731E-5 : f32
            %add3A_3460 = vector.broadcast %add3A_3459 : f32 to vector<16xf32>
            %add3A_3461 = arith.addf %mul3A_3458, %add3A_3460 : vector<16xf32>
            %mul3A_3462 = arith.mulf %add3A_3461, %mul3A_3451 : vector<16xf32>
            %add3A_3463 = arith.constant -2.8012236E-4 : f32
            %add3A_3464 = vector.broadcast %add3A_3463 : f32 to vector<16xf32>
            %add3A_3465 = arith.addf %mul3A_3462, %add3A_3464 : vector<16xf32>
            %mul3A_3466 = arith.mulf %add3A_3465, %mul3A_3451 : vector<16xf32>
            %add3A_3467 = arith.constant 0.00310155516 : f32
            %add3A_3468 = vector.broadcast %add3A_3467 : f32 to vector<16xf32>
            %add3A_3469 = arith.addf %mul3A_3466, %add3A_3468 : vector<16xf32>
            %mul3A_3470 = arith.mulf %add3A_3469, %mul3A_3451 : vector<16xf32>
            %add3A_3471 = arith.constant -0.0215865858 : f32
            %add3A_3472 = vector.broadcast %add3A_3471 : f32 to vector<16xf32>
            %add3A_3473 = arith.addf %mul3A_3470, %add3A_3472 : vector<16xf32>
            %mul3A_3474 = arith.mulf %add3A_3473, %mul3A_3451 : vector<16xf32>
            %add3A_3475 = arith.constant 0.098000586 : f32
            %add3A_3476 = vector.broadcast %add3A_3475 : f32 to vector<16xf32>
            %add3A_3477 = arith.addf %mul3A_3474, %add3A_3476 : vector<16xf32>
            %mul3A_3478 = arith.mulf %add3A_3477, %mul3A_3451 : vector<16xf32>
            %add3A_3479 = arith.constant -0.31612426 : f32
            %add3A_3480 = vector.broadcast %add3A_3479 : f32 to vector<16xf32>
            %add3A_3481 = arith.addf %mul3A_3478, %add3A_3480 : vector<16xf32>
            %mul3A_3482 = arith.mulf %add3A_3481, %mul3A_3451 : vector<16xf32>
            %add3A_3483 = arith.constant 0.998486995 : f32
            %add3A_3484 = vector.broadcast %add3A_3483 : f32 to vector<16xf32>
            %add3A_3485 = arith.addf %mul3A_3482, %add3A_3484 : vector<16xf32>
            %mul3A_3486 = arith.mulf %min3A_3450, %add3A_3485 : vector<16xf32>
            %mul3A_3487 = vector.broadcast %squeeze3A_3435 : f32 to vector<16xf32>
            %mul3A_3488 = arith.mulf %mul3A_3487, %mul3A_3486 : vector<16xf32>
            %add3A_3489 = arith.addf %add3A_3379, %mul3A_3488 : vector<16xf32>
            %get3A_3490 = arith.index_cast %scan3A_201 : i32 to index
            %get3A_3491 = arith.constant 944 : index
            %get3A_3492 = tpu.vector_load %arg12[%get3A_3490, %get3A_3491] {strides = array<i32>} : memref<40x1024xf32, #tpu.memory_space<vmem>>, vector<1x16xf32>,
            %get3A_3493 = vector.shape_cast %get3A_3492 : vector<1x16xf32> to vector<16xf32>
            %get3A_3494 = arith.index_cast %scan3A_201 : i32 to index
            %get3A_3495 = arith.constant 944 : index
            %get3A_3496 = tpu.vector_load %arg13[%get3A_3494, %get3A_3495] {strides = array<i32>} : memref<40x1024xf32, #tpu.memory_space<vmem>>, vector<1x16xf32>,
            %get3A_3497 = vector.shape_cast %get3A_3496 : vector<1x16xf32> to vector<16xf32>
            %add3A_3498 = arith.addf %get3A_3493, %get3A_3497 : vector<16xf32>
            %max3A_3499 = arith.constant -4.200000e+00 : f32
            %max3A_3500 = vector.broadcast %max3A_3499 : f32 to vector<16xf32>
            %max3A_3501 = arith.maximumf %add3A_3498, %max3A_3500 : vector<16xf32>
            %min3A_3502 = arith.constant 4.200000e+00 : f32
            %min3A_3503 = vector.broadcast %min3A_3502 : f32 to vector<16xf32>
            %min3A_3504 = arith.minimumf %max3A_3501, %min3A_3503 : vector<16xf32>
            %mul3A_3505 = arith.mulf %min3A_3504, %min3A_3504 : vector<16xf32>
            %mul3A_3506 = arith.constant 5.701380e-09 : f32
            %mul3A_3507 = vector.broadcast %mul3A_3506 : f32 to vector<16xf32>
            %mul3A_3508 = arith.mulf %mul3A_3507, %mul3A_3505 : vector<16xf32>
            %add3A_3509 = arith.constant -4.54547461E-7 : f32
            %add3A_3510 = vector.broadcast %add3A_3509 : f32 to vector<16xf32>
            %add3A_3511 = arith.addf %mul3A_3508, %add3A_3510 : vector<16xf32>
            %mul3A_3512 = arith.mulf %add3A_3511, %mul3A_3505 : vector<16xf32>
            %add3A_3513 = arith.constant 1.52370731E-5 : f32
            %add3A_3514 = vector.broadcast %add3A_3513 : f32 to vector<16xf32>
            %add3A_3515 = arith.addf %mul3A_3512, %add3A_3514 : vector<16xf32>
            %mul3A_3516 = arith.mulf %add3A_3515, %mul3A_3505 : vector<16xf32>
            %add3A_3517 = arith.constant -2.8012236E-4 : f32
            %add3A_3518 = vector.broadcast %add3A_3517 : f32 to vector<16xf32>
            %add3A_3519 = arith.addf %mul3A_3516, %add3A_3518 : vector<16xf32>
            %mul3A_3520 = arith.mulf %add3A_3519, %mul3A_3505 : vector<16xf32>
            %add3A_3521 = arith.constant 0.00310155516 : f32
            %add3A_3522 = vector.broadcast %add3A_3521 : f32 to vector<16xf32>
            %add3A_3523 = arith.addf %mul3A_3520, %add3A_3522 : vector<16xf32>
            %mul3A_3524 = arith.mulf %add3A_3523, %mul3A_3505 : vector<16xf32>
            %add3A_3525 = arith.constant -0.0215865858 : f32
            %add3A_3526 = vector.broadcast %add3A_3525 : f32 to vector<16xf32>
            %add3A_3527 = arith.addf %mul3A_3524, %add3A_3526 : vector<16xf32>
            %mul3A_3528 = arith.mulf %add3A_3527, %mul3A_3505 : vector<16xf32>
            %add3A_3529 = arith.constant 0.098000586 : f32
            %add3A_3530 = vector.broadcast %add3A_3529 : f32 to vector<16xf32>
            %add3A_3531 = arith.addf %mul3A_3528, %add3A_3530 : vector<16xf32>
            %mul3A_3532 = arith.mulf %add3A_3531, %mul3A_3505 : vector<16xf32>
            %add3A_3533 = arith.constant -0.31612426 : f32
            %add3A_3534 = vector.broadcast %add3A_3533 : f32 to vector<16xf32>
            %add3A_3535 = arith.addf %mul3A_3532, %add3A_3534 : vector<16xf32>
            %mul3A_3536 = arith.mulf %add3A_3535, %mul3A_3505 : vector<16xf32>
            %add3A_3537 = arith.constant 0.998486995 : f32
            %add3A_3538 = vector.broadcast %add3A_3537 : f32 to vector<16xf32>
            %add3A_3539 = arith.addf %mul3A_3536, %add3A_3538 : vector<16xf32>
            %mul3A_3540 = arith.mulf %min3A_3504, %add3A_3539 : vector<16xf32>
            %mul3A_3541 = vector.broadcast %squeeze3A_3435 : f32 to vector<16xf32>
            %mul3A_3542 = arith.mulf %mul3A_3541, %mul3A_3540 : vector<16xf32>
            %add3A_3543 = arith.addf %add3A_3433, %mul3A_3542 : vector<16xf32>
            %slice3A_3544 = vector.extract_strided_slice %get3A_225 {offsets = [14], sizes = [1], strides = [1]} : vector<16xf32> to vector<1xf32>
            %squeeze3A_3545 = vector.extract %slice3A_3544[0] : f32 from vector<1xf32>
            %get3A_3546 = arith.index_cast %scan3A_201 : i32 to index
            %get3A_3547 = arith.constant 960 : index
            %get3A_3548 = tpu.vector_load %arg12[%get3A_3546, %get3A_3547] {strides = array<i32>} : memref<40x1024xf32, #tpu.memory_space<vmem>>, vector<1x16xf32>,
            %get3A_3549 = vector.shape_cast %get3A_3548 : vector<1x16xf32> to vector<16xf32>
            %get3A_3550 = arith.index_cast %scan3A_201 : i32 to index
            %get3A_3551 = arith.constant 960 : index
            %get3A_3552 = tpu.vector_load %arg13[%get3A_3550, %get3A_3551] {strides = array<i32>} : memref<40x1024xf32, #tpu.memory_space<vmem>>, vector<1x16xf32>,
            %get3A_3553 = vector.shape_cast %get3A_3552 : vector<1x16xf32> to vector<16xf32>
            %add3A_3554 = arith.addf %get3A_3549, %get3A_3553 : vector<16xf32>
            %max3A_3555 = arith.constant -4.200000e+00 : f32
            %max3A_3556 = vector.broadcast %max3A_3555 : f32 to vector<16xf32>
            %max3A_3557 = arith.maximumf %add3A_3554, %max3A_3556 : vector<16xf32>
            %min3A_3558 = arith.constant 4.200000e+00 : f32
            %min3A_3559 = vector.broadcast %min3A_3558 : f32 to vector<16xf32>
            %min3A_3560 = arith.minimumf %max3A_3557, %min3A_3559 : vector<16xf32>
            %mul3A_3561 = arith.mulf %min3A_3560, %min3A_3560 : vector<16xf32>
            %mul3A_3562 = arith.constant 5.701380e-09 : f32
            %mul3A_3563 = vector.broadcast %mul3A_3562 : f32 to vector<16xf32>
            %mul3A_3564 = arith.mulf %mul3A_3563, %mul3A_3561 : vector<16xf32>
            %add3A_3565 = arith.constant -4.54547461E-7 : f32
            %add3A_3566 = vector.broadcast %add3A_3565 : f32 to vector<16xf32>
            %add3A_3567 = arith.addf %mul3A_3564, %add3A_3566 : vector<16xf32>
            %mul3A_3568 = arith.mulf %add3A_3567, %mul3A_3561 : vector<16xf32>
            %add3A_3569 = arith.constant 1.52370731E-5 : f32
            %add3A_3570 = vector.broadcast %add3A_3569 : f32 to vector<16xf32>
            %add3A_3571 = arith.addf %mul3A_3568, %add3A_3570 : vector<16xf32>
            %mul3A_3572 = arith.mulf %add3A_3571, %mul3A_3561 : vector<16xf32>
            %add3A_3573 = arith.constant -2.8012236E-4 : f32
            %add3A_3574 = vector.broadcast %add3A_3573 : f32 to vector<16xf32>
            %add3A_3575 = arith.addf %mul3A_3572, %add3A_3574 : vector<16xf32>
            %mul3A_3576 = arith.mulf %add3A_3575, %mul3A_3561 : vector<16xf32>
            %add3A_3577 = arith.constant 0.00310155516 : f32
            %add3A_3578 = vector.broadcast %add3A_3577 : f32 to vector<16xf32>
            %add3A_3579 = arith.addf %mul3A_3576, %add3A_3578 : vector<16xf32>
            %mul3A_3580 = arith.mulf %add3A_3579, %mul3A_3561 : vector<16xf32>
            %add3A_3581 = arith.constant -0.0215865858 : f32
            %add3A_3582 = vector.broadcast %add3A_3581 : f32 to vector<16xf32>
            %add3A_3583 = arith.addf %mul3A_3580, %add3A_3582 : vector<16xf32>
            %mul3A_3584 = arith.mulf %add3A_3583, %mul3A_3561 : vector<16xf32>
            %add3A_3585 = arith.constant 0.098000586 : f32
            %add3A_3586 = vector.broadcast %add3A_3585 : f32 to vector<16xf32>
            %add3A_3587 = arith.addf %mul3A_3584, %add3A_3586 : vector<16xf32>
            %mul3A_3588 = arith.mulf %add3A_3587, %mul3A_3561 : vector<16xf32>
            %add3A_3589 = arith.constant -0.31612426 : f32
            %add3A_3590 = vector.broadcast %add3A_3589 : f32 to vector<16xf32>
            %add3A_3591 = arith.addf %mul3A_3588, %add3A_3590 : vector<16xf32>
            %mul3A_3592 = arith.mulf %add3A_3591, %mul3A_3561 : vector<16xf32>
            %add3A_3593 = arith.constant 0.998486995 : f32
            %add3A_3594 = vector.broadcast %add3A_3593 : f32 to vector<16xf32>
            %add3A_3595 = arith.addf %mul3A_3592, %add3A_3594 : vector<16xf32>
            %mul3A_3596 = arith.mulf %min3A_3560, %add3A_3595 : vector<16xf32>
            %mul3A_3597 = vector.broadcast %squeeze3A_3545 : f32 to vector<16xf32>
            %mul3A_3598 = arith.mulf %mul3A_3597, %mul3A_3596 : vector<16xf32>
            %add3A_3599 = arith.addf %add3A_3489, %mul3A_3598 : vector<16xf32>
            %get3A_3600 = arith.index_cast %scan3A_201 : i32 to index
            %get3A_3601 = arith.constant 976 : index
            %get3A_3602 = tpu.vector_load %arg12[%get3A_3600, %get3A_3601] {strides = array<i32>} : memref<40x1024xf32, #tpu.memory_space<vmem>>, vector<1x16xf32>,
            %get3A_3603 = vector.shape_cast %get3A_3602 : vector<1x16xf32> to vector<16xf32>
            %get3A_3604 = arith.index_cast %scan3A_201 : i32 to index
            %get3A_3605 = arith.constant 976 : index
            %get3A_3606 = tpu.vector_load %arg13[%get3A_3604, %get3A_3605] {strides = array<i32>} : memref<40x1024xf32, #tpu.memory_space<vmem>>, vector<1x16xf32>,
            %get3A_3607 = vector.shape_cast %get3A_3606 : vector<1x16xf32> to vector<16xf32>
            %add3A_3608 = arith.addf %get3A_3603, %get3A_3607 : vector<16xf32>
            %max3A_3609 = arith.constant -4.200000e+00 : f32
            %max3A_3610 = vector.broadcast %max3A_3609 : f32 to vector<16xf32>
            %max3A_3611 = arith.maximumf %add3A_3608, %max3A_3610 : vector<16xf32>
            %min3A_3612 = arith.constant 4.200000e+00 : f32
            %min3A_3613 = vector.broadcast %min3A_3612 : f32 to vector<16xf32>
            %min3A_3614 = arith.minimumf %max3A_3611, %min3A_3613 : vector<16xf32>
            %mul3A_3615 = arith.mulf %min3A_3614, %min3A_3614 : vector<16xf32>
            %mul3A_3616 = arith.constant 5.701380e-09 : f32
            %mul3A_3617 = vector.broadcast %mul3A_3616 : f32 to vector<16xf32>
            %mul3A_3618 = arith.mulf %mul3A_3617, %mul3A_3615 : vector<16xf32>
            %add3A_3619 = arith.constant -4.54547461E-7 : f32
            %add3A_3620 = vector.broadcast %add3A_3619 : f32 to vector<16xf32>
            %add3A_3621 = arith.addf %mul3A_3618, %add3A_3620 : vector<16xf32>
            %mul3A_3622 = arith.mulf %add3A_3621, %mul3A_3615 : vector<16xf32>
            %add3A_3623 = arith.constant 1.52370731E-5 : f32
            %add3A_3624 = vector.broadcast %add3A_3623 : f32 to vector<16xf32>
            %add3A_3625 = arith.addf %mul3A_3622, %add3A_3624 : vector<16xf32>
            %mul3A_3626 = arith.mulf %add3A_3625, %mul3A_3615 : vector<16xf32>
            %add3A_3627 = arith.constant -2.8012236E-4 : f32
            %add3A_3628 = vector.broadcast %add3A_3627 : f32 to vector<16xf32>
            %add3A_3629 = arith.addf %mul3A_3626, %add3A_3628 : vector<16xf32>
            %mul3A_3630 = arith.mulf %add3A_3629, %mul3A_3615 : vector<16xf32>
            %add3A_3631 = arith.constant 0.00310155516 : f32
            %add3A_3632 = vector.broadcast %add3A_3631 : f32 to vector<16xf32>
            %add3A_3633 = arith.addf %mul3A_3630, %add3A_3632 : vector<16xf32>
            %mul3A_3634 = arith.mulf %add3A_3633, %mul3A_3615 : vector<16xf32>
            %add3A_3635 = arith.constant -0.0215865858 : f32
            %add3A_3636 = vector.broadcast %add3A_3635 : f32 to vector<16xf32>
            %add3A_3637 = arith.addf %mul3A_3634, %add3A_3636 : vector<16xf32>
            %mul3A_3638 = arith.mulf %add3A_3637, %mul3A_3615 : vector<16xf32>
            %add3A_3639 = arith.constant 0.098000586 : f32
            %add3A_3640 = vector.broadcast %add3A_3639 : f32 to vector<16xf32>
            %add3A_3641 = arith.addf %mul3A_3638, %add3A_3640 : vector<16xf32>
            %mul3A_3642 = arith.mulf %add3A_3641, %mul3A_3615 : vector<16xf32>
            %add3A_3643 = arith.constant -0.31612426 : f32
            %add3A_3644 = vector.broadcast %add3A_3643 : f32 to vector<16xf32>
            %add3A_3645 = arith.addf %mul3A_3642, %add3A_3644 : vector<16xf32>
            %mul3A_3646 = arith.mulf %add3A_3645, %mul3A_3615 : vector<16xf32>
            %add3A_3647 = arith.constant 0.998486995 : f32
            %add3A_3648 = vector.broadcast %add3A_3647 : f32 to vector<16xf32>
            %add3A_3649 = arith.addf %mul3A_3646, %add3A_3648 : vector<16xf32>
            %mul3A_3650 = arith.mulf %min3A_3614, %add3A_3649 : vector<16xf32>
            %mul3A_3651 = vector.broadcast %squeeze3A_3545 : f32 to vector<16xf32>
            %mul3A_3652 = arith.mulf %mul3A_3651, %mul3A_3650 : vector<16xf32>
            %add3A_3653 = arith.addf %add3A_3543, %mul3A_3652 : vector<16xf32>
            %slice3A_3654 = vector.extract_strided_slice %get3A_225 {offsets = [15], sizes = [1], strides = [1]} : vector<16xf32> to vector<1xf32>
            %squeeze3A_3655 = vector.extract %slice3A_3654[0] : f32 from vector<1xf32>
            %get3A_3656 = arith.index_cast %scan3A_201 : i32 to index
            %get3A_3657 = arith.constant 992 : index
            %get3A_3658 = tpu.vector_load %arg12[%get3A_3656, %get3A_3657] {strides = array<i32>} : memref<40x1024xf32, #tpu.memory_space<vmem>>, vector<1x16xf32>,
            %get3A_3659 = vector.shape_cast %get3A_3658 : vector<1x16xf32> to vector<16xf32>
            %get3A_3660 = arith.index_cast %scan3A_201 : i32 to index
            %get3A_3661 = arith.constant 992 : index
            %get3A_3662 = tpu.vector_load %arg13[%get3A_3660, %get3A_3661] {strides = array<i32>} : memref<40x1024xf32, #tpu.memory_space<vmem>>, vector<1x16xf32>,
            %get3A_3663 = vector.shape_cast %get3A_3662 : vector<1x16xf32> to vector<16xf32>
            %add3A_3664 = arith.addf %get3A_3659, %get3A_3663 : vector<16xf32>
            %max3A_3665 = arith.constant -4.200000e+00 : f32
            %max3A_3666 = vector.broadcast %max3A_3665 : f32 to vector<16xf32>
            %max3A_3667 = arith.maximumf %add3A_3664, %max3A_3666 : vector<16xf32>
            %min3A_3668 = arith.constant 4.200000e+00 : f32
            %min3A_3669 = vector.broadcast %min3A_3668 : f32 to vector<16xf32>
            %min3A_3670 = arith.minimumf %max3A_3667, %min3A_3669 : vector<16xf32>
            %mul3A_3671 = arith.mulf %min3A_3670, %min3A_3670 : vector<16xf32>
            %mul3A_3672 = arith.constant 5.701380e-09 : f32
            %mul3A_3673 = vector.broadcast %mul3A_3672 : f32 to vector<16xf32>
            %mul3A_3674 = arith.mulf %mul3A_3673, %mul3A_3671 : vector<16xf32>
            %add3A_3675 = arith.constant -4.54547461E-7 : f32
            %add3A_3676 = vector.broadcast %add3A_3675 : f32 to vector<16xf32>
            %add3A_3677 = arith.addf %mul3A_3674, %add3A_3676 : vector<16xf32>
            %mul3A_3678 = arith.mulf %add3A_3677, %mul3A_3671 : vector<16xf32>
            %add3A_3679 = arith.constant 1.52370731E-5 : f32
            %add3A_3680 = vector.broadcast %add3A_3679 : f32 to vector<16xf32>
            %add3A_3681 = arith.addf %mul3A_3678, %add3A_3680 : vector<16xf32>
            %mul3A_3682 = arith.mulf %add3A_3681, %mul3A_3671 : vector<16xf32>
            %add3A_3683 = arith.constant -2.8012236E-4 : f32
            %add3A_3684 = vector.broadcast %add3A_3683 : f32 to vector<16xf32>
            %add3A_3685 = arith.addf %mul3A_3682, %add3A_3684 : vector<16xf32>
            %mul3A_3686 = arith.mulf %add3A_3685, %mul3A_3671 : vector<16xf32>
            %add3A_3687 = arith.constant 0.00310155516 : f32
            %add3A_3688 = vector.broadcast %add3A_3687 : f32 to vector<16xf32>
            %add3A_3689 = arith.addf %mul3A_3686, %add3A_3688 : vector<16xf32>
            %mul3A_3690 = arith.mulf %add3A_3689, %mul3A_3671 : vector<16xf32>
            %add3A_3691 = arith.constant -0.0215865858 : f32
            %add3A_3692 = vector.broadcast %add3A_3691 : f32 to vector<16xf32>
            %add3A_3693 = arith.addf %mul3A_3690, %add3A_3692 : vector<16xf32>
            %mul3A_3694 = arith.mulf %add3A_3693, %mul3A_3671 : vector<16xf32>
            %add3A_3695 = arith.constant 0.098000586 : f32
            %add3A_3696 = vector.broadcast %add3A_3695 : f32 to vector<16xf32>
            %add3A_3697 = arith.addf %mul3A_3694, %add3A_3696 : vector<16xf32>
            %mul3A_3698 = arith.mulf %add3A_3697, %mul3A_3671 : vector<16xf32>
            %add3A_3699 = arith.constant -0.31612426 : f32
            %add3A_3700 = vector.broadcast %add3A_3699 : f32 to vector<16xf32>
            %add3A_3701 = arith.addf %mul3A_3698, %add3A_3700 : vector<16xf32>
            %mul3A_3702 = arith.mulf %add3A_3701, %mul3A_3671 : vector<16xf32>
            %add3A_3703 = arith.constant 0.998486995 : f32
            %add3A_3704 = vector.broadcast %add3A_3703 : f32 to vector<16xf32>
            %add3A_3705 = arith.addf %mul3A_3702, %add3A_3704 : vector<16xf32>
            %mul3A_3706 = arith.mulf %min3A_3670, %add3A_3705 : vector<16xf32>
            %mul3A_3707 = vector.broadcast %squeeze3A_3655 : f32 to vector<16xf32>
            %mul3A_3708 = arith.mulf %mul3A_3707, %mul3A_3706 : vector<16xf32>
            %add3A_3709 = arith.addf %add3A_3599, %mul3A_3708 : vector<16xf32>
            %get3A_3710 = arith.index_cast %scan3A_201 : i32 to index
            %get3A_3711 = arith.constant 1008 : index
            %get3A_3712 = tpu.vector_load %arg12[%get3A_3710, %get3A_3711] {strides = array<i32>} : memref<40x1024xf32, #tpu.memory_space<vmem>>, vector<1x16xf32>,
            %get3A_3713 = vector.shape_cast %get3A_3712 : vector<1x16xf32> to vector<16xf32>
            %get3A_3714 = arith.index_cast %scan3A_201 : i32 to index
            %get3A_3715 = arith.constant 1008 : index
            %get3A_3716 = tpu.vector_load %arg13[%get3A_3714, %get3A_3715] {strides = array<i32>} : memref<40x1024xf32, #tpu.memory_space<vmem>>, vector<1x16xf32>,
            %get3A_3717 = vector.shape_cast %get3A_3716 : vector<1x16xf32> to vector<16xf32>
            %add3A_3718 = arith.addf %get3A_3713, %get3A_3717 : vector<16xf32>
            %max3A_3719 = arith.constant -4.200000e+00 : f32
            %max3A_3720 = vector.broadcast %max3A_3719 : f32 to vector<16xf32>
            %max3A_3721 = arith.maximumf %add3A_3718, %max3A_3720 : vector<16xf32>
            %min3A_3722 = arith.constant 4.200000e+00 : f32
            %min3A_3723 = vector.broadcast %min3A_3722 : f32 to vector<16xf32>
            %min3A_3724 = arith.minimumf %max3A_3721, %min3A_3723 : vector<16xf32>
            %mul3A_3725 = arith.mulf %min3A_3724, %min3A_3724 : vector<16xf32>
            %mul3A_3726 = arith.constant 5.701380e-09 : f32
            %mul3A_3727 = vector.broadcast %mul3A_3726 : f32 to vector<16xf32>
            %mul3A_3728 = arith.mulf %mul3A_3727, %mul3A_3725 : vector<16xf32>
            %add3A_3729 = arith.constant -4.54547461E-7 : f32
            %add3A_3730 = vector.broadcast %add3A_3729 : f32 to vector<16xf32>
            %add3A_3731 = arith.addf %mul3A_3728, %add3A_3730 : vector<16xf32>
            %mul3A_3732 = arith.mulf %add3A_3731, %mul3A_3725 : vector<16xf32>
            %add3A_3733 = arith.constant 1.52370731E-5 : f32
            %add3A_3734 = vector.broadcast %add3A_3733 : f32 to vector<16xf32>
            %add3A_3735 = arith.addf %mul3A_3732, %add3A_3734 : vector<16xf32>
            %mul3A_3736 = arith.mulf %add3A_3735, %mul3A_3725 : vector<16xf32>
            %add3A_3737 = arith.constant -2.8012236E-4 : f32
            %add3A_3738 = vector.broadcast %add3A_3737 : f32 to vector<16xf32>
            %add3A_3739 = arith.addf %mul3A_3736, %add3A_3738 : vector<16xf32>
            %mul3A_3740 = arith.mulf %add3A_3739, %mul3A_3725 : vector<16xf32>
            %add3A_3741 = arith.constant 0.00310155516 : f32
            %add3A_3742 = vector.broadcast %add3A_3741 : f32 to vector<16xf32>
            %add3A_3743 = arith.addf %mul3A_3740, %add3A_3742 : vector<16xf32>
            %mul3A_3744 = arith.mulf %add3A_3743, %mul3A_3725 : vector<16xf32>
            %add3A_3745 = arith.constant -0.0215865858 : f32
            %add3A_3746 = vector.broadcast %add3A_3745 : f32 to vector<16xf32>
            %add3A_3747 = arith.addf %mul3A_3744, %add3A_3746 : vector<16xf32>
            %mul3A_3748 = arith.mulf %add3A_3747, %mul3A_3725 : vector<16xf32>
            %add3A_3749 = arith.constant 0.098000586 : f32
            %add3A_3750 = vector.broadcast %add3A_3749 : f32 to vector<16xf32>
            %add3A_3751 = arith.addf %mul3A_3748, %add3A_3750 : vector<16xf32>
            %mul3A_3752 = arith.mulf %add3A_3751, %mul3A_3725 : vector<16xf32>
            %add3A_3753 = arith.constant -0.31612426 : f32
            %add3A_3754 = vector.broadcast %add3A_3753 : f32 to vector<16xf32>
            %add3A_3755 = arith.addf %mul3A_3752, %add3A_3754 : vector<16xf32>
            %mul3A_3756 = arith.mulf %add3A_3755, %mul3A_3725 : vector<16xf32>
            %add3A_3757 = arith.constant 0.998486995 : f32
            %add3A_3758 = vector.broadcast %add3A_3757 : f32 to vector<16xf32>
            %add3A_3759 = arith.addf %mul3A_3756, %add3A_3758 : vector<16xf32>
            %mul3A_3760 = arith.mulf %min3A_3724, %add3A_3759 : vector<16xf32>
            %mul3A_3761 = vector.broadcast %squeeze3A_3655 : f32 to vector<16xf32>
            %mul3A_3762 = arith.mulf %mul3A_3761, %mul3A_3760 : vector<16xf32>
            %add3A_3763 = arith.addf %add3A_3653, %mul3A_3762 : vector<16xf32>
            %broadcast_in_dim3A_3764 = arith.constant 0.000000e+00 : f32
            %broadcast_in_dim3A_3765 = vector.broadcast %broadcast_in_dim3A_3764 : f32 to vector<16xf32>
            %swap3A_3766 = arith.index_cast %scan3A_201 : i32 to index
            %swap3A_3767 = arith.constant 0 : index
            %swap3A_3768 = tpu.vector_load %arg21[%swap3A_3766, %swap3A_3767] {strides = array<i32>} : memref<40x128xf32, #tpu.memory_space<vmem>>, vector<1x16xf32>,
            %swap3A_3769 = vector.shape_cast %swap3A_3768 : vector<1x16xf32> to vector<16xf32>
            %swap3A_3770 = vector.shape_cast %broadcast_in_dim3A_3765 : vector<16xf32> to vector<1x16xf32>
            tpu.vector_store %arg21[%swap3A_3766, %swap3A_3767], %swap3A_3770 {strides = array<i32>} : memref<40x128xf32, #tpu.memory_space<vmem>>, vector<1x16xf32>,
            %broadcast_in_dim3A_3771 = arith.constant 0.000000e+00 : f32
            %broadcast_in_dim3A_3772 = vector.broadcast %broadcast_in_dim3A_3771 : f32 to vector<16xf32>
            %swap3A_3773 = arith.index_cast %scan3A_201 : i32 to index
            %swap3A_3774 = arith.constant 16 : index
            %swap3A_3775 = tpu.vector_load %arg21[%swap3A_3773, %swap3A_3774] {strides = array<i32>} : memref<40x128xf32, #tpu.memory_space<vmem>>, vector<1x16xf32>,
            %swap3A_3776 = vector.shape_cast %swap3A_3775 : vector<1x16xf32> to vector<16xf32>
            %swap3A_3777 = vector.shape_cast %broadcast_in_dim3A_3772 : vector<16xf32> to vector<1x16xf32>
            tpu.vector_store %arg21[%swap3A_3773, %swap3A_3774], %swap3A_3777 {strides = array<i32>} : memref<40x128xf32, #tpu.memory_space<vmem>>, vector<1x16xf32>,
            %broadcast_in_dim3A_3778 = arith.constant 0.000000e+00 : f32
            %broadcast_in_dim3A_3779 = vector.broadcast %broadcast_in_dim3A_3778 : f32 to vector<16xf32>
            %swap3A_3780 = arith.index_cast %scan3A_201 : i32 to index
            %swap3A_3781 = arith.constant 32 : index
            %swap3A_3782 = tpu.vector_load %arg21[%swap3A_3780, %swap3A_3781] {strides = array<i32>} : memref<40x128xf32, #tpu.memory_space<vmem>>, vector<1x16xf32>,
            %swap3A_3783 = vector.shape_cast %swap3A_3782 : vector<1x16xf32> to vector<16xf32>
            %swap3A_3784 = vector.shape_cast %broadcast_in_dim3A_3779 : vector<16xf32> to vector<1x16xf32>
            tpu.vector_store %arg21[%swap3A_3780, %swap3A_3781], %swap3A_3784 {strides = array<i32>} : memref<40x128xf32, #tpu.memory_space<vmem>>, vector<1x16xf32>,
            %broadcast_in_dim3A_3785 = arith.constant 0.000000e+00 : f32
            %broadcast_in_dim3A_3786 = vector.broadcast %broadcast_in_dim3A_3785 : f32 to vector<16xf32>
            %swap3A_3787 = arith.index_cast %scan3A_201 : i32 to index
            %swap3A_3788 = arith.constant 48 : index
            %swap3A_3789 = tpu.vector_load %arg21[%swap3A_3787, %swap3A_3788] {strides = array<i32>} : memref<40x128xf32, #tpu.memory_space<vmem>>, vector<1x16xf32>,
            %swap3A_3790 = vector.shape_cast %swap3A_3789 : vector<1x16xf32> to vector<16xf32>
            %swap3A_3791 = vector.shape_cast %broadcast_in_dim3A_3786 : vector<16xf32> to vector<1x16xf32>
            tpu.vector_store %arg21[%swap3A_3787, %swap3A_3788], %swap3A_3791 {strides = array<i32>} : memref<40x128xf32, #tpu.memory_space<vmem>>, vector<1x16xf32>,
            %broadcast_in_dim3A_3792 = arith.constant 0.000000e+00 : f32
            %broadcast_in_dim3A_3793 = vector.broadcast %broadcast_in_dim3A_3792 : f32 to vector<16xf32>
            %swap3A_3794 = arith.index_cast %scan3A_201 : i32 to index
            %swap3A_3795 = arith.constant 64 : index
            %swap3A_3796 = tpu.vector_load %arg21[%swap3A_3794, %swap3A_3795] {strides = array<i32>} : memref<40x128xf32, #tpu.memory_space<vmem>>, vector<1x16xf32>,
            %swap3A_3797 = vector.shape_cast %swap3A_3796 : vector<1x16xf32> to vector<16xf32>
            %swap3A_3798 = vector.shape_cast %broadcast_in_dim3A_3793 : vector<16xf32> to vector<1x16xf32>
            tpu.vector_store %arg21[%swap3A_3794, %swap3A_3795], %swap3A_3798 {strides = array<i32>} : memref<40x128xf32, #tpu.memory_space<vmem>>, vector<1x16xf32>,
            %broadcast_in_dim3A_3799 = arith.constant 0.000000e+00 : f32
            %broadcast_in_dim3A_3800 = vector.broadcast %broadcast_in_dim3A_3799 : f32 to vector<16xf32>
            %swap3A_3801 = arith.index_cast %scan3A_201 : i32 to index
            %swap3A_3802 = arith.constant 80 : index
            %swap3A_3803 = tpu.vector_load %arg21[%swap3A_3801, %swap3A_3802] {strides = array<i32>} : memref<40x128xf32, #tpu.memory_space<vmem>>, vector<1x16xf32>,
            %swap3A_3804 = vector.shape_cast %swap3A_3803 : vector<1x16xf32> to vector<16xf32>
            %swap3A_3805 = vector.shape_cast %broadcast_in_dim3A_3800 : vector<16xf32> to vector<1x16xf32>
            tpu.vector_store %arg21[%swap3A_3801, %swap3A_3802], %swap3A_3805 {strides = array<i32>} : memref<40x128xf32, #tpu.memory_space<vmem>>, vector<1x16xf32>,
            %broadcast_in_dim3A_3806 = arith.constant 0.000000e+00 : f32
            %broadcast_in_dim3A_3807 = vector.broadcast %broadcast_in_dim3A_3806 : f32 to vector<16xf32>
            %swap3A_3808 = arith.index_cast %scan3A_201 : i32 to index
            %swap3A_3809 = arith.constant 96 : index
            %swap3A_3810 = tpu.vector_load %arg21[%swap3A_3808, %swap3A_3809] {strides = array<i32>} : memref<40x128xf32, #tpu.memory_space<vmem>>, vector<1x16xf32>,
            %swap3A_3811 = vector.shape_cast %swap3A_3810 : vector<1x16xf32> to vector<16xf32>
            %swap3A_3812 = vector.shape_cast %broadcast_in_dim3A_3807 : vector<16xf32> to vector<1x16xf32>
            tpu.vector_store %arg21[%swap3A_3808, %swap3A_3809], %swap3A_3812 {strides = array<i32>} : memref<40x128xf32, #tpu.memory_space<vmem>>, vector<1x16xf32>,
            %broadcast_in_dim3A_3813 = arith.constant 0.000000e+00 : f32
            %broadcast_in_dim3A_3814 = vector.broadcast %broadcast_in_dim3A_3813 : f32 to vector<16xf32>
            %swap3A_3815 = arith.index_cast %scan3A_201 : i32 to index
            %swap3A_3816 = arith.constant 112 : index
            %swap3A_3817 = tpu.vector_load %arg21[%swap3A_3815, %swap3A_3816] {strides = array<i32>} : memref<40x128xf32, #tpu.memory_space<vmem>>, vector<1x16xf32>,
            %swap3A_3818 = vector.shape_cast %swap3A_3817 : vector<1x16xf32> to vector<16xf32>
            %swap3A_3819 = vector.shape_cast %broadcast_in_dim3A_3814 : vector<16xf32> to vector<1x16xf32>
            tpu.vector_store %arg21[%swap3A_3815, %swap3A_3816], %swap3A_3819 {strides = array<i32>} : memref<40x128xf32, #tpu.memory_space<vmem>>, vector<1x16xf32>,
            %mul3A_3820 = vector.broadcast %squeeze3A_233 : f32 to vector<16xf32>
            %mul3A_3821 = arith.mulf %add3A_3709, %mul3A_3820 : vector<16xf32>
            %swap3A_3822 = arith.index_cast %scan3A_201 : i32 to index
            %swap3A_3823 = arith.index_cast %squeeze3A_241 : i32 to index
            %swap3A_3824 = tpu.vector_load %arg21[%swap3A_3822, %swap3A_3823] {strides = array<i32>} : memref<40x128xf32, #tpu.memory_space<vmem>>, vector<1x16xf32>,
            %swap3A_3825 = vector.shape_cast %swap3A_3824 : vector<1x16xf32> to vector<16xf32>
            %swap3A_3826 = vector.shape_cast %mul3A_3821 : vector<16xf32> to vector<1x16xf32>
            tpu.vector_store %arg21[%swap3A_3822, %swap3A_3823], %swap3A_3826 {strides = array<i32>} : memref<40x128xf32, #tpu.memory_space<vmem>>, vector<1x16xf32>,
            %mul3A_3827 = vector.broadcast %squeeze3A_233 : f32 to vector<16xf32>
            %mul3A_3828 = arith.mulf %add3A_3763, %mul3A_3827 : vector<16xf32>
            %add3A_3829 = arith.constant 16 : i32
            %add3A_3830 = arith.addi %squeeze3A_241, %add3A_3829 : i32
            %swap3A_3831 = arith.index_cast %scan3A_201 : i32 to index
            %swap3A_3832 = arith.index_cast %add3A_3830 : i32 to index
            %swap3A_3833 = tpu.vector_load %arg21[%swap3A_3831, %swap3A_3832] {strides = array<i32>} : memref<40x128xf32, #tpu.memory_space<vmem>>, vector<1x16xf32>,
            %swap3A_3834 = vector.shape_cast %swap3A_3833 : vector<1x16xf32> to vector<16xf32>
            %swap3A_3835 = vector.shape_cast %mul3A_3828 : vector<16xf32> to vector<1x16xf32>
            tpu.vector_store %arg21[%swap3A_3831, %swap3A_3832], %swap3A_3835 {strides = array<i32>} : memref<40x128xf32, #tpu.memory_space<vmem>>, vector<1x16xf32>,
            %shift_right_logical3A_3836 = arith.constant 7 : i32
            %shift_right_logical3A_3837 = vector.broadcast %shift_right_logical3A_3836 : i32 to vector<16xi32>
            %shift_right_logical3A_3838 = arith.shrui %sub3A_208, %shift_right_logical3A_3837 : vector<16xi32>
            %slice3A_3839 = vector.extract_strided_slice %shift_right_logical3A_3838 {offsets = [0], sizes = [1], strides = [1]} : vector<16xi32> to vector<1xi32>
            %squeeze3A_3840 = vector.extract %slice3A_3839[0] : i32 from vector<1xi32>
            %and3A_3841 = arith.constant 127 : i32
            %and3A_3842 = vector.broadcast %and3A_3841 : i32 to vector<16xi32>
            %and3A_3843 = arith.andi %sub3A_208, %and3A_3842 : vector<16xi32>
            %shift_right_arithmetic3A = arith.constant 4 : i32
            %shift_right_arithmetic3A_3844 = vector.broadcast %shift_right_arithmetic3A : i32 to vector<16xi32>
            %shift_right_arithmetic3A_3845 = arith.shrsi %and3A_3843, %shift_right_arithmetic3A_3844 : vector<16xi32>
            %mul3A_3846 = arith.constant 16 : i32
            %mul3A_3847 = vector.broadcast %mul3A_3846 : i32 to vector<16xi32>
            %mul3A_3848 = arith.muli %shift_right_arithmetic3A_3845, %mul3A_3847 : vector<16xi32>
            %slice3A_3849 = vector.extract_strided_slice %mul3A_3848 {offsets = [0], sizes = [1], strides = [1]} : vector<16xi32> to vector<1xi32>
            %squeeze3A_3850 = vector.extract %slice3A_3849[0] : i32 from vector<1xi32>
            %and3A_3851 = arith.constant 15 : i32
            %and3A_3852 = vector.broadcast %and3A_3851 : i32 to vector<16xi32>
            %and3A_3853 = arith.andi %and3A_3843, %and3A_3852 : vector<16xi32>
            %iota3A_3854 = tpu.iota {dimensions = array<i32: 0>} : vector<16xi32>
            %slice3A_3855 = vector.extract_strided_slice %and3A_3853 {offsets = [0], sizes = [1], strides = [1]} : vector<16xi32> to vector<1xi32>
            %squeeze3A_3856 = vector.extract %slice3A_3855[0] : i32 from vector<1xi32>
            %eq3A_3857 = vector.broadcast %squeeze3A_3856 : i32 to vector<16xi32>
            %eq3A_3858 = arith.cmpi eq, %iota3A_3854, %eq3A_3857 : vector<16xi32>
            %jit3A_3859 = arith.constant 1.000000e+00 : f32
            %jit3A_3860 = arith.constant 0.000000e+00 : f32
            %broadcast_in_dim3A_3861 = vector.broadcast %jit3A_3859 : f32 to vector<16xf32>
            %broadcast_in_dim3A_3862 = vector.broadcast %jit3A_3860 : f32 to vector<16xf32>
            %select_n3A_3863 = arith.select %eq3A_3858, %broadcast_in_dim3A_3861, %broadcast_in_dim3A_3862 : vector<16xi1>, vector<16xf32>
            %get3A_3864 = arith.index_cast %squeeze3A_3840 : i32 to index
            %get3A_3865 = arith.index_cast %squeeze3A_3850 : i32 to index
            %get3A_3866 = tpu.vector_load %arg20[%get3A_3864, %get3A_3865] {strides = array<i32>} : memref<48x128xf32, #tpu.memory_space<vmem>>, vector<1x16xf32>,
            %get3A_3867 = vector.shape_cast %get3A_3866 : vector<1x16xf32> to vector<16xf32>
            %add3A_3868 = arith.addf %get3A_3867, %select_n3A_3863 : vector<16xf32>
            %swap3A_3869 = arith.index_cast %squeeze3A_3840 : i32 to index
            %swap3A_3870 = arith.index_cast %squeeze3A_3850 : i32 to index
            %swap3A_3871 = tpu.vector_load %arg20[%swap3A_3869, %swap3A_3870] {strides = array<i32>} : memref<48x128xf32, #tpu.memory_space<vmem>>, vector<1x16xf32>,
            %swap3A_3872 = vector.shape_cast %swap3A_3871 : vector<1x16xf32> to vector<16xf32>
            %swap3A_3873 = vector.shape_cast %add3A_3868 : vector<16xf32> to vector<1x16xf32>
            tpu.vector_store %arg20[%swap3A_3869, %swap3A_3870], %swap3A_3873 {strides = array<i32>} : memref<48x128xf32, #tpu.memory_space<vmem>>, vector<1x16xf32>,
          } else {
          }
          %scan3A_217 = arith.constant 0 : i32
          scf.yield %scan3A_217 : i32
        }
        %scan3A_199 = arith.constant 40 : i32
        "tpu.region"() ({
          %run_scoped3A = tpu.sem_alloc : memref<!tpu.dma_semaphore, #tpu.memory_space<semaphore_mem>>
          %dma_start3A_201 = arith.constant 0 : i32
          %dma_start3A_202 = arith.constant 0 : i32
          %dma_start3A_203 = tpu.memref_slice %arg10[%dma_start3A_201, %dma_start3A_202] : memref<1256x128xf32, #tpu.memory_space<vmem_shared>> -> memref<1256x128xf32, #tpu.memory_space<vmem_shared>>
          tpu.enqueue_indirect_dma source(%arg21 : memref<40x128xf32, #tpu.memory_space<vmem>>) target(%dma_start3A_203 : memref<1256x128xf32, #tpu.memory_space<vmem_shared>>) offsets(%arg18 : memref<40xi32, #tpu.memory_space<vmem>>) semaphore(%run_scoped3A : memref<!tpu.dma_semaphore, #tpu.memory_space<semaphore_mem>>) {add = true}
          %dma_wait3A_204 = arith.constant 0 : i32
          %dma_wait3A_205 = arith.constant 0 : i32
          %dma_wait3A_206 = tpu.memref_slice %arg10[%dma_wait3A_204, %dma_wait3A_205] : memref<1256x128xf32, #tpu.memory_space<vmem_shared>> -> memref<1256x128xf32, #tpu.memory_space<vmem_shared>>
          tpu.wait_indirect_dma semaphore(%run_scoped3A : memref<!tpu.dma_semaphore, #tpu.memory_space<semaphore_mem>>) src(%arg21 : memref<40x128xf32, #tpu.memory_space<vmem>>) dst(%dma_wait3A_206 : memref<1256x128xf32, #tpu.memory_space<vmem_shared>>)
          tpu.yield
        }) : () -> ()
        %scan3A_200 = arith.constant 0 : i32
        scf.yield %scan3A_200 : i32
      }
      %scan3A_100 = arith.constant 25 : i32
      %scan3A_101 = arith.constant 0 : i32
      scf.yield %scan3A_101 : i32
    }
    %scan3A_70 = arith.constant 10 : i32
    "tpu.region"() ({
      %run_scoped3A = tpu.sem_alloc : memref<!tpu.dma_semaphore, #tpu.memory_space<semaphore_mem>>
      %dma_start3A = arith.constant 0 : i32
      %dma_start3A_87 = arith.constant 0 : i32
      %dma_start3A_88 = tpu.memref_slice %arg11[%dma_start3A, %dma_start3A_87] : memref<48x128xf32, #tpu.memory_space<vmem_shared>> -> memref<48x128xf32, #tpu.memory_space<vmem_shared>>
      tpu.enqueue_indirect_dma source(%arg20 : memref<48x128xf32, #tpu.memory_space<vmem>>) target(%dma_start3A_88 : memref<48x128xf32, #tpu.memory_space<vmem_shared>>) offsets(%arg19 : memref<48xi32, #tpu.memory_space<vmem>>) semaphore(%run_scoped3A : memref<!tpu.dma_semaphore, #tpu.memory_space<semaphore_mem>>) {add = true}
      %dma_wait3A = arith.constant 0 : i32
      %dma_wait3A_89 = arith.constant 0 : i32
      %dma_wait3A_90 = tpu.memref_slice %arg11[%dma_wait3A, %dma_wait3A_89] : memref<48x128xf32, #tpu.memory_space<vmem_shared>> -> memref<48x128xf32, #tpu.memory_space<vmem_shared>>
      tpu.wait_indirect_dma semaphore(%run_scoped3A : memref<!tpu.dma_semaphore, #tpu.memory_space<semaphore_mem>>) src(%arg20 : memref<48x128xf32, #tpu.memory_space<vmem>>) dst(%dma_wait3A_90 : memref<48x128xf32, #tpu.memory_space<vmem_shared>>)
      tpu.yield
    }) : () -> ()
    %barrier3A_71 = arith.constant 0 : index
    tpu.barrier barrier_id(%barrier3A_71)
    %lt3A_72 = arith.constant 15 : i32
    %lt3A_73 = arith.cmpi slt, %arg1, %lt3A_72 : i32
    %convert_element_type3A_74 = arith.extui %lt3A_73 : i1 to i32
    %cond3A_75 = arith.constant 0 : i32
    %cond3A_76 = arith.cmpi ne, %convert_element_type3A_74, %cond3A_75 : i32
    scf.if %cond3A_76 {
      %mul3A_87 = arith.constant 80 : i32
      %mul3A_88 = arith.muli %arg1, %mul3A_87 : i32
      %multiple_of3A = tpu.assume_multiple %mul3A_88, 8 : i32
      %mul3A_89 = arith.constant 1256 : i32
      %mul3A_90 = arith.muli %arg0, %mul3A_89 : i32
      %add3A_91 = arith.addi %mul3A_90, %multiple_of3A : i32
      "tpu.region"() ({
        %run_scoped3A = tpu.sem_alloc : memref<!tpu.dma_semaphore, #tpu.memory_space<semaphore_mem>>
        %dma_start3A = arith.constant 0 : i32
        %dma_start3A_92 = tpu.memref_slice %arg8[%add3A_91, %dma_start3A] : memref<2512x128xf32, #tpu.memory_space<hbm>> -> memref<80x128xf32, #tpu.memory_space<hbm>>
        %dma_start3A_93 = arith.constant 0 : i32
        %dma_start3A_94 = tpu.memref_slice %arg10[%multiple_of3A, %dma_start3A_93] : memref<1256x128xf32, #tpu.memory_space<vmem_shared>> -> memref<80x128xf32, #tpu.memory_space<vmem_shared>>
        tpu.enqueue_dma source(%dma_start3A_94 : memref<80x128xf32, #tpu.memory_space<vmem_shared>>) target(%dma_start3A_92 : memref<80x128xf32, #tpu.memory_space<hbm>>) target_semaphore(%run_scoped3A : memref<!tpu.dma_semaphore, #tpu.memory_space<semaphore_mem>>)
        %dma_wait3A = arith.constant 0 : i32
        %dma_wait3A_95 = tpu.memref_slice %arg8[%add3A_91, %dma_wait3A] : memref<2512x128xf32, #tpu.memory_space<hbm>> -> memref<80x128xf32, #tpu.memory_space<hbm>>
        %dma_wait3A_96 = arith.constant 0 : i32
        %dma_wait3A_97 = tpu.memref_slice %arg10[%multiple_of3A, %dma_wait3A_96] : memref<1256x128xf32, #tpu.memory_space<vmem_shared>> -> memref<80x128xf32, #tpu.memory_space<vmem_shared>>
        tpu.wait_dma2 semaphore(%run_scoped3A : memref<!tpu.dma_semaphore, #tpu.memory_space<semaphore_mem>>) src(%dma_wait3A_97 : memref<80x128xf32, #tpu.memory_space<vmem_shared>>) dst(%dma_wait3A_95 : memref<80x128xf32, #tpu.memory_space<hbm>>)
        tpu.yield
      }) : () -> ()
    } else {
    }
    %eq3A_77 = arith.constant 15 : i32
    %eq3A_78 = arith.cmpi eq, %arg1, %eq3A_77 : i32
    %convert_element_type3A_79 = arith.extui %eq3A_78 : i1 to i32
    %cond3A_80 = arith.constant 0 : i32
    %cond3A_81 = arith.cmpi ne, %convert_element_type3A_79, %cond3A_80 : i32
    scf.if %cond3A_81 {
      %mul3A_87 = arith.constant 1256 : i32
      %mul3A_88 = arith.muli %arg0, %mul3A_87 : i32
      %add3A_89 = arith.constant 1200 : i32
      %add3A_90 = arith.addi %mul3A_88, %add3A_89 : i32
      "tpu.region"() ({
        %run_scoped3A = tpu.sem_alloc : memref<!tpu.dma_semaphore, #tpu.memory_space<semaphore_mem>>
        %dma_start3A = arith.constant 0 : i32
        %dma_start3A_91 = tpu.memref_slice %arg8[%add3A_90, %dma_start3A] : memref<2512x128xf32, #tpu.memory_space<hbm>> -> memref<56x128xf32, #tpu.memory_space<hbm>>
        %dma_start3A_92 = arith.constant 1200 : i32
        %dma_start3A_93 = arith.constant 0 : i32
        %dma_start3A_94 = tpu.memref_slice %arg10[%dma_start3A_92, %dma_start3A_93] : memref<1256x128xf32, #tpu.memory_space<vmem_shared>> -> memref<56x128xf32, #tpu.memory_space<vmem_shared>>
        tpu.enqueue_dma source(%dma_start3A_94 : memref<56x128xf32, #tpu.memory_space<vmem_shared>>) target(%dma_start3A_91 : memref<56x128xf32, #tpu.memory_space<hbm>>) target_semaphore(%run_scoped3A : memref<!tpu.dma_semaphore, #tpu.memory_space<semaphore_mem>>)
        %dma_wait3A = arith.constant 0 : i32
        %dma_wait3A_95 = tpu.memref_slice %arg8[%add3A_90, %dma_wait3A] : memref<2512x128xf32, #tpu.memory_space<hbm>> -> memref<56x128xf32, #tpu.memory_space<hbm>>
        %dma_wait3A_96 = arith.constant 1200 : i32
        %dma_wait3A_97 = arith.constant 0 : i32
        %dma_wait3A_98 = tpu.memref_slice %arg10[%dma_wait3A_96, %dma_wait3A_97] : memref<1256x128xf32, #tpu.memory_space<vmem_shared>> -> memref<56x128xf32, #tpu.memory_space<vmem_shared>>
        tpu.wait_dma2 semaphore(%run_scoped3A : memref<!tpu.dma_semaphore, #tpu.memory_space<semaphore_mem>>) src(%dma_wait3A_98 : memref<56x128xf32, #tpu.memory_space<vmem_shared>>) dst(%dma_wait3A_95 : memref<56x128xf32, #tpu.memory_space<hbm>>)
        tpu.yield
      }) : () -> ()
    } else {
    }
    %eq3A_82 = arith.constant 0 : i32
    %eq3A_83 = arith.cmpi eq, %arg1, %eq3A_82 : i32
    %convert_element_type3A_84 = arith.extui %eq3A_83 : i1 to i32
    %cond3A_85 = arith.constant 0 : i32
    %cond3A_86 = arith.cmpi ne, %convert_element_type3A_84, %cond3A_85 : i32
    scf.if %cond3A_86 {
      %mul3A_87 = arith.constant 48 : i32
      %mul3A_88 = arith.muli %arg0, %mul3A_87 : i32
      "tpu.region"() ({
        %run_scoped3A = tpu.sem_alloc : memref<!tpu.dma_semaphore, #tpu.memory_space<semaphore_mem>>
        %dma_start3A = arith.constant 0 : i32
        %dma_start3A_89 = tpu.memref_slice %arg9[%mul3A_88, %dma_start3A] : memref<96x128xf32, #tpu.memory_space<hbm>> -> memref<48x128xf32, #tpu.memory_space<hbm>>
        tpu.enqueue_dma source(%arg11 : memref<48x128xf32, #tpu.memory_space<vmem_shared>>) target(%dma_start3A_89 : memref<48x128xf32, #tpu.memory_space<hbm>>) target_semaphore(%run_scoped3A : memref<!tpu.dma_semaphore, #tpu.memory_space<semaphore_mem>>)
        %dma_wait3A = arith.constant 0 : i32
        %dma_wait3A_90 = tpu.memref_slice %arg9[%mul3A_88, %dma_wait3A] : memref<96x128xf32, #tpu.memory_space<hbm>> -> memref<48x128xf32, #tpu.memory_space<hbm>>
        tpu.wait_dma2 semaphore(%run_scoped3A : memref<!tpu.dma_semaphore, #tpu.memory_space<semaphore_mem>>) src(%arg11 : memref<48x128xf32, #tpu.memory_space<vmem_shared>>) dst(%dma_wait3A_90 : memref<48x128xf32, #tpu.memory_space<hbm>>)
        tpu.yield
      }) : () -> ()
    } else {
    }
    return
  }
}

module attributes {stable_mosaic.version = 14 : i64} {
  func.func @_dense_kernel(%arg0: i32, %arg1: memref<1000x128xf32, #tpu.memory_space<vmem>>, %arg2: memref<128x1024xf32, #tpu.memory_space<vmem>>, %arg3: memref<128x1024xf32, #tpu.memory_space<vmem>>, %arg4: memref<128x32xf32, #tpu.memory_space<vmem>>, %arg5: memref<8x1024xf32, #tpu.memory_space<vmem>>, %arg6: memref<8x32xf32, #tpu.memory_space<vmem>>, %arg7: memref<1000x1024xf32, #tpu.memory_space<vmem>>, %arg8: memref<1000x1024xf32, #tpu.memory_space<vmem>>, %arg9: memref<1000x128xf32, #tpu.memory_space<vmem>>) attributes {dimension_semantics = [#tpu.dimension_semantics<arbitrary>], iteration_bounds = array<i64: 10>, scalar_prefetch = 0 : i64, scratch_operands = 0 : i64, tpu.core_type = #tpu.core_type<tc>, window_params = [{transform_indices = @transform_0, window_bounds = array<i64: 1000, 128>}, {pipeline_mode = #tpu.pipeline_mode<synchronous>, transform_indices = @transform_1, window_bounds = array<i64: 128, 1024>}, {pipeline_mode = #tpu.pipeline_mode<synchronous>, transform_indices = @transform_2, window_bounds = array<i64: 128, 1024>}, {pipeline_mode = #tpu.pipeline_mode<synchronous>, transform_indices = @transform_3, window_bounds = array<i64: 128, 32>}, {pipeline_mode = #tpu.pipeline_mode<synchronous>, transform_indices = @transform_4, window_bounds = array<i64: 8, 1024>}, {pipeline_mode = #tpu.pipeline_mode<synchronous>, transform_indices = @transform_5, window_bounds = array<i64: 8, 32>}, {transform_indices = @transform_6, window_bounds = array<i64: 1000, 1024>}, {transform_indices = @transform_7, window_bounds = array<i64: 1000, 1024>}, {transform_indices = @transform_8, window_bounds = array<i64: 1000, 128>}]} {
    %get3A = arith.constant 0 : index
    %get3A_0 = arith.constant 0 : index
    %get3A_1 = vector.load %arg1[%get3A, %get3A_0] : memref<1000x128xf32, #tpu.memory_space<vmem>>, vector<1000x128xf32>
    %get3A_2 = arith.constant 0 : index
    %get3A_3 = arith.constant 0 : index
    %get3A_4 = vector.load %arg2[%get3A_2, %get3A_3] : memref<128x1024xf32, #tpu.memory_space<vmem>>, vector<128x1024xf32>
    %dot_general3A = arith.constant dense<0.000000e+00> : vector<1000x1024xf32>
    %dot_general3A_5 = tpu.matmul %get3A_1, %get3A_4, %dot_general3A {dimension_numbers = #tpu.dot_dimension_numbers<[1], [0], [0], [1], [0, 0, 1, 1], [], []>, transpose_lhs_hint = false} : vector<1000x128xf32>, vector<128x1024xf32>, vector<1000x1024xf32> -> vector<1000x1024xf32>
    %get3A_6 = arith.constant 0 : index
    %get3A_7 = arith.constant 0 : index
    %get3A_8 = vector.load %arg5[%get3A_6, %get3A_7] : memref<8x1024xf32, #tpu.memory_space<vmem>>, vector<1x1024xf32>
    %add3A = vector.broadcast %get3A_8 : vector<1x1024xf32> to vector<1000x1024xf32>
    %add3A_9 = arith.addf %dot_general3A_5, %add3A : vector<1000x1024xf32>
    %swap3A = arith.constant 0 : index
    %swap3A_10 = arith.constant 0 : index
    %swap3A_11 = vector.load %arg7[%swap3A, %swap3A_10] : memref<1000x1024xf32, #tpu.memory_space<vmem>>, vector<1000x1024xf32>
    tpu.vector_store %arg7[%swap3A, %swap3A_10], %add3A_9 {strides = array<i32>} : memref<1000x1024xf32, #tpu.memory_space<vmem>>, vector<1000x1024xf32>,
    %get3A_12 = arith.constant 0 : index
    %get3A_13 = arith.constant 0 : index
    %get3A_14 = vector.load %arg3[%get3A_12, %get3A_13] : memref<128x1024xf32, #tpu.memory_space<vmem>>, vector<128x1024xf32>
    %dot_general3A_15 = arith.constant dense<0.000000e+00> : vector<1000x1024xf32>
    %dot_general3A_16 = tpu.matmul %get3A_1, %get3A_14, %dot_general3A_15 {dimension_numbers = #tpu.dot_dimension_numbers<[1], [0], [0], [1], [0, 0, 1, 1], [], []>, transpose_lhs_hint = false} : vector<1000x128xf32>, vector<128x1024xf32>, vector<1000x1024xf32> -> vector<1000x1024xf32>
    %swap3A_17 = arith.constant 0 : index
    %swap3A_18 = arith.constant 0 : index
    %swap3A_19 = vector.load %arg8[%swap3A_17, %swap3A_18] : memref<1000x1024xf32, #tpu.memory_space<vmem>>, vector<1000x1024xf32>
    tpu.vector_store %arg8[%swap3A_17, %swap3A_18], %dot_general3A_16 {strides = array<i32>} : memref<1000x1024xf32, #tpu.memory_space<vmem>>, vector<1000x1024xf32>,
    %get3A_20 = arith.constant 0 : index
    %get3A_21 = arith.constant 0 : index
    %get3A_22 = vector.load %arg4[%get3A_20, %get3A_21] : memref<128x32xf32, #tpu.memory_space<vmem>>, vector<128x32xf32>
    %dot_general3A_23 = arith.constant dense<0.000000e+00> : vector<1000x32xf32>
    %dot_general3A_24 = tpu.matmul %get3A_1, %get3A_22, %dot_general3A_23 {dimension_numbers = #tpu.dot_dimension_numbers<[1], [0], [0], [1], [0, 0, 1, 1], [], []>, transpose_lhs_hint = false} : vector<1000x128xf32>, vector<128x32xf32>, vector<1000x32xf32> -> vector<1000x32xf32>
    %get3A_25 = arith.constant 0 : index
    %get3A_26 = arith.constant 0 : index
    %get3A_27 = vector.load %arg6[%get3A_25, %get3A_26] : memref<8x32xf32, #tpu.memory_space<vmem>>, vector<1x32xf32>
    %add3A_28 = vector.broadcast %get3A_27 : vector<1x32xf32> to vector<1000x32xf32>
    %add3A_29 = arith.addf %dot_general3A_24, %add3A_28 : vector<1000x32xf32>
    %tanh3A = math.tanh %add3A_29 : vector<1000x32xf32>
    %reduce_sum3A = arith.constant dense<0.000000e+00> : vector<1000xf32>
    %reduce_sum3A_30 = vector.multi_reduction <add>, %tanh3A, %reduce_sum3A [1] : vector<1000x32xf32> to vector<1000xf32>
    %broadcast_in_dim3A = vector.shape_cast %reduce_sum3A_30 : vector<1000xf32> to vector<1000x1xf32>
    %broadcast_in_dim3A_31 = arith.constant 0.000000e+00 : f32
    %broadcast_in_dim3A_32 = vector.broadcast %broadcast_in_dim3A_31 : f32 to vector<1000x95xf32>
    %concatenate3A = tpu.concatenate %tanh3A, %broadcast_in_dim3A, %broadcast_in_dim3A_32 in 1 : vector<1000x32xf32>, vector<1000x1xf32>, vector<1000x95xf32> -> vector<1000x128xf32>
    %swap3A_33 = arith.constant 0 : index
    %swap3A_34 = arith.constant 0 : index
    %swap3A_35 = vector.load %arg9[%swap3A_33, %swap3A_34] : memref<1000x128xf32, #tpu.memory_space<vmem>>, vector<1000x128xf32>
    tpu.vector_store %arg9[%swap3A_33, %swap3A_34], %concatenate3A {strides = array<i32>} : memref<1000x128xf32, #tpu.memory_space<vmem>>, vector<1000x128xf32>,
    return
  }
  func.func @transform_0(%arg0: i32) -> (i32, i32) {
    %c0_i32 = arith.constant 0 : i32
    %c0_i32_0 = arith.constant 0 : i32
    return %arg0, %c0_i32 : i32, i32
  }
  func.func @transform_1(%arg0: i32) -> (i32, i32) {
    %c0_i32 = arith.constant 0 : i32
    %c0_i32_0 = arith.constant 0 : i32
    %c0_i32_1 = arith.constant 0 : i32
    return %c0_i32, %c0_i32_0 : i32, i32
  }
  func.func @transform_2(%arg0: i32) -> (i32, i32) {
    %c0_i32 = arith.constant 0 : i32
    %c0_i32_0 = arith.constant 0 : i32
    %c0_i32_1 = arith.constant 0 : i32
    return %c0_i32, %c0_i32_0 : i32, i32
  }
  func.func @transform_3(%arg0: i32) -> (i32, i32) {
    %c0_i32 = arith.constant 0 : i32
    %c0_i32_0 = arith.constant 0 : i32
    %c0_i32_1 = arith.constant 0 : i32
    return %c0_i32, %c0_i32_0 : i32, i32
  }
  func.func @transform_4(%arg0: i32) -> (i32, i32) {
    %c0_i32 = arith.constant 0 : i32
    %c0_i32_0 = arith.constant 0 : i32
    %c0_i32_1 = arith.constant 0 : i32
    return %c0_i32, %c0_i32_0 : i32, i32
  }
  func.func @transform_5(%arg0: i32) -> (i32, i32) {
    %c0_i32 = arith.constant 0 : i32
    %c0_i32_0 = arith.constant 0 : i32
    %c0_i32_1 = arith.constant 0 : i32
    return %c0_i32, %c0_i32_0 : i32, i32
  }
  func.func @transform_6(%arg0: i32) -> (i32, i32) {
    %c0_i32 = arith.constant 0 : i32
    %c0_i32_0 = arith.constant 0 : i32
    return %arg0, %c0_i32 : i32, i32
  }
  func.func @transform_7(%arg0: i32) -> (i32, i32) {
    %c0_i32 = arith.constant 0 : i32
    %c0_i32_0 = arith.constant 0 : i32
    return %arg0, %c0_i32 : i32, i32
  }
  func.func @transform_8(%arg0: i32) -> (i32, i32) {
    %c0_i32 = arith.constant 0 : i32
    %c0_i32_0 = arith.constant 0 : i32
    return %arg0, %c0_i32 : i32, i32
  }
}

module attributes {stable_mosaic.version = 14 : i64} {
  func.func @_head_kernel(%arg0: i32, %arg1: memref<1000x32xf32, #tpu.memory_space<vmem>>, %arg2: memref<1000x128xf32, #tpu.memory_space<vmem>>, %arg3: memref<1000x8xf32, #tpu.memory_space<vmem>>, %arg4: memref<32x128xf32, #tpu.memory_space<vmem>>, %arg5: memref<8x128xf32, #tpu.memory_space<vmem>>, %arg6: memref<1000x128xf32, #tpu.memory_space<vmem>>) attributes {dimension_semantics = [#tpu.dimension_semantics<arbitrary>], iteration_bounds = array<i64: 10>, scalar_prefetch = 0 : i64, scratch_operands = 0 : i64, tpu.core_type = #tpu.core_type<tc>, window_params = [{transform_indices = @transform_0, window_bounds = array<i64: 1000, 32>}, {transform_indices = @transform_1, window_bounds = array<i64: 1000, 128>}, {transform_indices = @transform_2, window_bounds = array<i64: 1000, 8>}, {pipeline_mode = #tpu.pipeline_mode<synchronous>, transform_indices = @transform_3, window_bounds = array<i64: 32, 128>}, {pipeline_mode = #tpu.pipeline_mode<synchronous>, transform_indices = @transform_4, window_bounds = array<i64: 8, 128>}, {transform_indices = @transform_5, window_bounds = array<i64: 1000, 128>}]} {
    %get3A = arith.constant 0 : index
    %get3A_0 = arith.constant 0 : index
    %get3A_1 = vector.load %arg3[%get3A, %get3A_0] : memref<1000x8xf32, #tpu.memory_space<vmem>>, vector<1000x1xf32>
    %get3A_2 = arith.constant 0 : index
    %get3A_3 = arith.constant 0 : index
    %get3A_4 = vector.load %arg1[%get3A_2, %get3A_3] : memref<1000x32xf32, #tpu.memory_space<vmem>>, vector<1000x32xf32>
    %get3A_5 = arith.constant 0 : index
    %get3A_6 = arith.constant 0 : index
    %get3A_7 = vector.load %arg2[%get3A_5, %get3A_6] : memref<1000x128xf32, #tpu.memory_space<vmem>>, vector<1000x32xf32>
    %add3A = arith.addf %get3A_4, %get3A_7 : vector<1000x32xf32>
    %mul3A = vector.broadcast %get3A_1 : vector<1000x1xf32> to vector<1000x32xf32>
    %mul3A_8 = arith.mulf %mul3A, %add3A : vector<1000x32xf32>
    %get3A_9 = arith.constant 0 : index
    %get3A_10 = arith.constant 0 : index
    %get3A_11 = vector.load %arg4[%get3A_9, %get3A_10] : memref<32x128xf32, #tpu.memory_space<vmem>>, vector<32x128xf32>
    %dot_general3A = arith.constant dense<0.000000e+00> : vector<1000x128xf32>
    %dot_general3A_12 = tpu.matmul %mul3A_8, %get3A_11, %dot_general3A {dimension_numbers = #tpu.dot_dimension_numbers<[1], [0], [0], [1], [0, 0, 1, 1], [], []>, transpose_lhs_hint = false} : vector<1000x32xf32>, vector<32x128xf32>, vector<1000x128xf32> -> vector<1000x128xf32>
    %get3A_13 = arith.constant 0 : index
    %get3A_14 = arith.constant 0 : index
    %get3A_15 = vector.load %arg5[%get3A_13, %get3A_14] : memref<8x128xf32, #tpu.memory_space<vmem>>, vector<1x128xf32>
    %add3A_16 = vector.broadcast %get3A_15 : vector<1x128xf32> to vector<1000x128xf32>
    %add3A_17 = arith.addf %dot_general3A_12, %add3A_16 : vector<1000x128xf32>
    %reduce_max3A = arith.constant dense<0xFF800000> : vector<1000xf32>
    %reduce_max3A_18 = vector.multi_reduction <maximumf>, %add3A_17, %reduce_max3A [1] : vector<1000x128xf32> to vector<1000xf32>
    %broadcast_in_dim3A = vector.shape_cast %reduce_max3A_18 : vector<1000xf32> to vector<1000x1xf32>
    %sub3A = vector.broadcast %broadcast_in_dim3A : vector<1000x1xf32> to vector<1000x128xf32>
    %sub3A_19 = arith.subf %add3A_17, %sub3A : vector<1000x128xf32>
    %exp3A = math.exp %sub3A_19 : vector<1000x128xf32>
    %reduce_sum3A = arith.constant dense<0.000000e+00> : vector<1000xf32>
    %reduce_sum3A_20 = vector.multi_reduction <add>, %exp3A, %reduce_sum3A [1] : vector<1000x128xf32> to vector<1000xf32>
    %broadcast_in_dim3A_21 = vector.shape_cast %reduce_sum3A_20 : vector<1000xf32> to vector<1000x1xf32>
    %log3A = math.log %broadcast_in_dim3A_21 : vector<1000x1xf32>
    %add3A_22 = arith.addf %log3A, %broadcast_in_dim3A : vector<1000x1xf32>
    %sub3A_23 = vector.broadcast %add3A_22 : vector<1000x1xf32> to vector<1000x128xf32>
    %sub3A_24 = arith.subf %add3A_17, %sub3A_23 : vector<1000x128xf32>
    %swap3A = arith.constant 0 : index
    %swap3A_25 = arith.constant 0 : index
    %swap3A_26 = vector.load %arg6[%swap3A, %swap3A_25] : memref<1000x128xf32, #tpu.memory_space<vmem>>, vector<1000x128xf32>
    tpu.vector_store %arg6[%swap3A, %swap3A_25], %sub3A_24 {strides = array<i32>} : memref<1000x128xf32, #tpu.memory_space<vmem>>, vector<1000x128xf32>,
    return
  }
  func.func @transform_0(%arg0: i32) -> (i32, i32) {
    %c0_i32 = arith.constant 0 : i32
    %c0_i32_0 = arith.constant 0 : i32
    return %arg0, %c0_i32 : i32, i32
  }
  func.func @transform_1(%arg0: i32) -> (i32, i32) {
    %c0_i32 = arith.constant 0 : i32
    %c0_i32_0 = arith.constant 0 : i32
    return %arg0, %c0_i32 : i32, i32
  }
  func.func @transform_2(%arg0: i32) -> (i32, i32) {
    %c0_i32 = arith.constant 0 : i32
    %c0_i32_0 = arith.constant 0 : i32
    return %arg0, %c0_i32 : i32, i32
  }
  func.func @transform_3(%arg0: i32) -> (i32, i32) {
    %c0_i32 = arith.constant 0 : i32
    %c0_i32_0 = arith.constant 0 : i32
    %c0_i32_1 = arith.constant 0 : i32
    return %c0_i32, %c0_i32_0 : i32, i32
  }
  func.func @transform_4(%arg0: i32) -> (i32, i32) {
    %c0_i32 = arith.constant 0 : i32
    %c0_i32_0 = arith.constant 0 : i32
    %c0_i32_1 = arith.constant 0 : i32
    return %c0_i32, %c0_i32_0 : i32, i32
  }
  func.func @transform_5(%arg0: i32) -> (i32, i32) {
    %c0_i32 = arith.constant 0 : i32
    %c0_i32_0 = arith.constant 0 : i32
    return %arg0, %c0_i32 : i32, i32
  }
}

</mosaic_0001>

<sc_bundles>
// kernel: kernel.5.cloned.1.call-start
scs
__scs_entry_jumppad:
0x0: {  	(pc) =	sbr.rel $0x88, $3  }
0x1: {  	(tag) =	ssettag $0x0;
	lr =	simm.s32 $0x1  }
0x2: {  	[smem:$0x3F97] =	sst lr;
	_ =	strace $0xD0000000  }
0x3: {  	_ = 	snop  }
0x4: {  	_ = 	snop  }
0x5: {  	_ = 	snop  }
0x6: {  	_ = 	snop  }
0x7: {  	_ = 	snop  }
__scs_overlays_trampoline_lowered:
0x8: {  	[smem:$0x3FA6] =	sst s0  }
0x9: {  	[smem:$0x3FA7] =	sst s1  }
0xa: {  	[smem:$0x3FA8] =	sst s2  }
0xb: {  	[smem:$0x3FA9] =	sst s3  }
0xc: {  	[smem:$0x3FAA] =	sst s4  }
0xd: {  	[smem:$0x3FAB] =	sst s5  }
0xe: {  	[smem:$0x3FAC] =	sst s6  }
0xf: {  	[smem:$0x3FAD] =	sst s7  }
0x10: {  	[smem:$0x3FAE] =	sst s8  }
0x11: {  	[smem:$0x3FAF] =	sst s9;
	s0 =	simm.s32 @!p0 $0x0  }
0x12: {  	s1 =	sld [smem:$0x3F95];
	s0 =	simm.s32 @p0 $0x1  }
0x13: {  	[smem:$0x3FB0] =	sst s0;
	s0 =	simm.s32 @!p1 $0x0  }
0x14: {  	s2 =	sld [smem:$0x3F94];
	s0 =	simm.s32 @p1 $0x1  }
0x15: {  	[smem:$0x3FB1] =	sst s0;
	s0 =	simm.s32 @!p2 $0x0  }
0x16: {  	s3 =	sld [smem:$0x3FDB];
	s0 =	simm.s32 @p2 $0x1  }
0x17: {  	s4 =	simm.s32 $0x1BF5;
	[smem:$0x3FB3] =	sst s0  }
0x18: {  	s0 =	sld [smem:$0x3F96];
	_ =	swait.ge [sflag:s4], $0x0  }
0x19: {  	s7 =	sld [smem:$0x3F97]  }
0x1a: {  	s8 =	sadd.s32 $0xFFFFE003, lr  }
0x1b: {  	s9 =	sadd.s32 $0xFFFFFEF7, lr;
	s5 =	simm.s32 $0xFFFFFFFF;
	p2 =	slt.u32 s8, $0xFFFFF086  }
0x1c: {  	p1 =	slt.u32 s9, $0xF7A;
	s5 =	simm.s32 @!p2 $0x0  }
0x1d: {  	s5 =	simm.s32 @p1 $0x1;
	p0 =	seq.s32 s7, s2  }
0x1e: {  	s7 =	smul.u32 @!p0 $0xF7A, s2;
	p2 =	seq.s32 @!p0 s5, $0x0  }
0x1f: {  	s9 =	smul.u32 $0xF7A, s1;
	s8 =	simm.s32 @!p0 $0x1BF5;
	p2 =	por !p2, p0  }
0x20: {  	[sflag:s8] =	ssyncset.s32 @!p0 $0xFFFFF086;
	s6 =	sadd.s32 @!p0 s3, s7;
	s7 =	simm.s32 @!p0 $0x108  }
0x21: {  	s3 =	sadd.s32 s3, s9;
	s6 =	sadd.s32 @!p0 $0x88, s6;
	s7 =	simm.s32 @p2 $0x1082  }
0x22: {  	[simem:s7], [sflag:s8] =	dma.local @!p0 [hbm:s6], $0xF7A  }
0x23: {  	s9 =	sor.u32 $0xD0000000, s2;
	s6 =	simm.s32 $0x108;
	_ =	swait.ge @!p0 [sflag:s8], $0x0  }
0x24: {  	s3 =	sadd.s32 $0x88, s3;
	s6 =	simm.s32 @!p1 $0x1082;
	[sflag:s4] =	ssyncset.s32 $0xFFFFF086  }
0x25: {  	[simem:s6], [sflag:s4] =	dma.local [hbm:s3], $0xF7A  }
0x26: {  	[smem:$0x3F97] =	sst s1;
	(tag) =	ssettag s2;
	_ =	strace s9  }
0x27: {  	s1 =	sld [smem:$0x3FA7]  }
0x28: {  	s2 =	sld [smem:$0x3FA8]  }
0x29: {  	s4 =	sld [smem:$0x3FAA]  }
0x2a: {  	p0 =	seq.s32 s5, $0x0;
	s5 =	sld [smem:$0x3FAB]  }
0x2b: {  	s6 =	sld [smem:$0x3FAC]  }
0x2c: {  	s7 =	sld [smem:$0x3FAD]  }
0x2d: {  	s3 =	simm.s32 $0x108;
	s8 =	sld [smem:$0x3FAE]  }
0x2e: {  	s3 =	simm.s32 @!p0 $0x1082;
	s9 =	sld [smem:$0x3FAF]  }
0x2f: {  	lr =	sadd.s32 s0, s3;
	s0 =	sld [smem:$0x3FA6]  }
0x30: {  	s3 =	sld [smem:$0x3FA9]  }
0x31: {  	[smem:$0x3FB2] =	sst s10  }
0x32: {  	s10 =	sld [smem:$0x3FB0];
	_ =	sdelay $0x3  }
0x33: {  	p0 =	seq.s32 s10, $0x1;
	s10 =	sld [smem:$0x3FB2];
	_ =	sdelay $0x3  }
0x34: {  	[smem:$0x3FB2] =	sst s10  }
0x35: {  	s10 =	sld [smem:$0x3FB1];
	_ =	sdelay $0x3  }
0x36: {  	p1 =	seq.s32 s10, $0x1;
	s10 =	sld [smem:$0x3FB2];
	_ =	sdelay $0x3  }
0x37: {  	[smem:$0x3FB2] =	sst s10  }
0x38: {  	s10 =	sld [smem:$0x3FB3]  }
0x39: {  	_ = 	snop;
	(pc) =	sbr.ind lr, $3  }
0x3a: {  	_ = 	snop  }
0x3b: {  	_ = 	snop  }
0x3c: {  	p2 =	seq.s32 s10, $0x1;
	s10 =	sld [smem:$0x3FB2]  }
0x3d: {  	_ =	shalt  }
0x3e: {  	_ =	shalt  }
0x3f: {  	_ =	shalt  }
0x40: {  	_ =	shalt  }
0x41: {  	_ =	shalt  }
0x42: {  	_ =	shalt  }
0x43: {  	_ =	shalt  }
0x44: {  	_ =	shalt  }
0x45: {  	_ =	shalt  }
0x46: {  	_ =	shalt  }
0x47: {  	_ =	shalt  }
0x48: {  	_ =	shalt  }
0x49: {  	_ =	shalt  }
0x4a: {  	_ =	shalt  }
0x4b: {  	_ =	shalt  }
0x4c: {  	_ =	shalt  }
0x4d: {  	_ =	shalt  }
0x4e: {  	_ =	shalt  }
0x4f: {  	_ =	shalt  }
0x50: {  	_ =	shalt  }
0x51: {  	_ =	shalt  }
0x52: {  	_ =	shalt  }
0x53: {  	_ =	shalt  }
0x54: {  	_ =	shalt  }
0x55: {  	_ =	shalt  }
0x56: {  	_ =	shalt  }
0x57: {  	_ =	shalt  }
0x58: {  	_ =	shalt  }
0x59: {  	_ =	shalt  }
0x5a: {  	_ =	shalt  }
0x5b: {  	_ =	shalt  }
0x5c: {  	_ =	shalt  }
0x5d: {  	_ =	shalt  }
0x5e: {  	_ =	shalt  }
0x5f: {  	_ =	shalt  }
0x60: {  	_ =	shalt  }
0x61: {  	_ =	shalt  }
0x62: {  	_ =	shalt  }
0x63: {  	_ =	shalt  }
0x64: {  	_ =	shalt  }
0x65: {  	_ =	shalt  }
0x66: {  	_ =	shalt  }
0x67: {  	_ =	shalt  }
0x68: {  	_ =	shalt  }
0x69: {  	_ =	shalt  }
0x6a: {  	_ =	shalt  }
0x6b: {  	_ =	shalt  }
0x6c: {  	_ =	shalt  }
0x6d: {  	_ =	shalt  }
0x6e: {  	_ =	shalt  }
0x6f: {  	_ =	shalt  }
0x70: {  	_ =	shalt  }
0x71: {  	_ =	shalt  }
0x72: {  	_ =	shalt  }
0x73: {  	_ =	shalt  }
0x74: {  	_ =	shalt  }
0x75: {  	_ =	shalt  }
0x76: {  	_ =	shalt  }
0x77: {  	_ =	shalt  }
0x78: {  	_ =	shalt  }
0x79: {  	_ =	shalt  }
0x7a: {  	_ =	shalt  }
0x7b: {  	_ =	shalt  }
0x7c: {  	_ =	shalt  }
0x7d: {  	_ =	shalt  }
0x7e: {  	_ =	shalt  }
0x7f: {  	_ =	shalt  }
0x80: {  	_ =	shalt  }
0x81: {  	_ =	shalt  }
0x82: {  	_ =	shalt  }
0x83: {  	_ =	shalt  }
0x84: {  	_ =	shalt  }
0x85: {  	_ =	shalt  }
0x86: {  	_ =	shalt  }
0x87: {  	_ =	shalt  }
.Lfunc_end0:
.L_simem_size_0:
called_computation_lowered:
.L_overlay_start_0:
0x88: {  	s2 =	sld [smem:$0x3FD9]  }
0x89: {  	s3 =	sld [smem:$0x3FFE];
	_ =	sdelay $0x1  }
0x8a: {  	s1 =	srdreg.scid  }
0x8b: {  	s0 =	sand.u32 $0x1, s1  }
0x8c: {  	s17 =	sshll.u32 s0, $0xA;
	s2 =	sadd.s32 s3, s2  }
0x8d: {  	s2 =	sadd.s32 s2, s17  }
0x8e: {  	[smem:$0x3FBE] =	sst s2  }
0x8f: {  	_ = 	snop  }
0x90: {  	s2 =	sld [smem:$0x3FC8]  }
0x91: {  	s18 =	sld [smem:$0x3FC7]  }
0x92: {  	s4 =	sld [smem:$0x3FC6]  }
0x93: {  	s5 =	sld [smem:$0x3FD0];
	(tm) =	ssettm $0x1  }
0x94: {  	s6 =	sld [smem:$0x3FFB];
	_ =	sdelay $0x3  }
0x95: {  	_ =	strace s6  }
0x96: {  	s6 =	sld [smem:$0x3FFC];
	_ =	sdelay $0x3  }
0x97: {  	_ =	strace s6  }
0x98: {  	s6 =	sld [smem:$0x3FFD];
	_ =	sdelay $0x3  }
0x99: {  	_ =	strace s6  }
0x9a: {  	_ =	strace $0x8FFFFFFF  }
0x9b: {  	s19 =	sld [smem:$0x3FDB];
	_ =	sdelay $0x1  }
0x9c: {  	s7 =	simm.s32 $_scs_section_size  }
0x9d: {  	s8 =	simm.s32 $_size__tile_overlayer_lowered;
	s9 =	simm.s32 $_tile_overlayer_lowered  }
0x9e: {  	s22 =	simm.s32 $0x1BFF;
	s21 =	sshll.u32 s9, $0x1;
	s6 =	sadd.s32 s7, s19  }
0x9f: {  	s10 =	simm.s32 $0x0;
	s20 =	sshll.u32 s8, $0x1;
	s8 =	sadd.s32 s21, s6  }
0xa0: {  	[timem:s10], [sflag:s22] =	dma.local [hbm:s8], s20  }
0xa1: {  	_ =	swait.ge [sflag:s22], s20  }
0xa2: {  	s7 =	ssub.s32 $0x0, s20;
	[sflag:s22] =	ssyncset.done $0x0  }
0xa3: {  	[sflag:s22] =	ssyncadd.s32 s7;
	_ =	sdelay $0x1  }
0xa4: {  	s23 =	simm.s32 $0x1B8B  }
0xa5: {  	_ =	swait.ge [sflag:s23], $0x1  }
0xa6: {  	[sflag:s23] =	ssyncset.done $0x0  }
0xa7: {  	s25 =	simm.s32 $0x1B8E;
	s24 =	sld [smem:$0x3FFE];
	[sflag:s23] =	ssyncadd.s32 $0xFFFFFFFF  }
0xa8: {  	s26 =	simm.s32 $execute0_lowered;
	[smem:$0x3FD2] =	sst s25  }
0xa9: {  	s8 =	sshll.u32 s26, $0x1;
	_ =	strace $0x80000046;
	[dreg:$0x1] =	wrdreg $0xFFFFFFFF  }
0xaa: {  	s28 =	simm.s32 $_size_execute0_lowered;
	s6 =	sadd.s32 s6, s8;
	[dreg:$0x0] =	wrdreg $0x0  }
0xab: {  	s8 =	sshll.u32 s28, $0x1;
	[dreg:$0x2] =	wrdreg s6  }
0xac: {  	[dreg:$0x3] =	wrdreg s8  }
0xad: {  	[dreg:$0x4] =	wrdreg $0xC0  }
0xae: {  	_ =	task [dreg:s10], $0x5FFFF  }
0xaf: {  	[dreg:$0x1] =	wrdreg $0xFFFFFFFF  }
0xb0: {  	[dreg:$0x0] =	wrdreg $0x60  }
0xb1: {  	[dreg:$0x2] =	wrdreg s24  }
0xb2: {  	[dreg:$0x3] =	wrdreg s2  }
0xb3: {  	[dreg:$0x4] =	wrdreg s18  }
0xb4: {  	[dreg:$0x5] =	wrdreg s4  }
0xb5: {  	[dreg:$0x6] =	wrdreg s5  }
0xb6: {  	[dreg:$0x7] =	wrdreg $0x0  }
0xb7: {  	[dreg:$0x8] =	wrdreg $0x27400  }
0xb8: {  	[dreg:$0x9] =	wrdreg $0x9  }
0xb9: {  	_ =	task.clear_ibuf [dreg:s10], $0xAFFFF;
	_ =	strace $0x90000046  }
0xba: {  	s29 =	simm.s32 $0x9;
	_ =	strace $0x80000048  }
0xbb: {  	_ =	swait.ge [sflag:s29], $0x1  }
0xbc: {  	[sflag:s29] =	ssyncadd.s32 $0xFFFFFFFF  }
0xbd: {  	_ =	strace $0x90000048  }
0xbe: {  	_ =	sfence  }
0xbf: {  	s30 =	sld [smem:$0x0];
	_ =	sdelay $0x2  }
0xc0: {  	s31 =	sshll.u32 s1, $0xD;
	s1 =	sshrl.u32 s1, $0x2  }
0xc1: {  	s3 =	sand.u32 $0x4000, s31;
	s1 =	sadd.s32 s1, s30  }
0xc2: {  	s0 =	sor.u32 s3, s0;
	s1 =	sshll.u32 s1, $0x11  }
0xc3: {  	s0 =	sor.u32 s1, s0  }
0xc4: {  	s0 =	sadd.s32 $0x8F2B, s0  }
0xc5: {  	[sflag:s0] =	ssyncadd.remote.s32 $0x1  }
0xc6: {  	_ =	sfence.sel $0xFFFF  }
0xc7: {  	[dreg:$0x0] =	wrdreg $0xFFFFFFFF;
	(pc) =	sbr.abs _section_cstart, $3  }
0xc8: {  	[dreg:$0x1] =	wrdreg $0xFFFFFFFF  }
0xc9: {  	_ =	task.clear_ibuf [dreg:s10], $0x2FFFF;
	_ =	strace $0x9FFFFFFF  }
0xca: {  	(tm) =	ssettm $0x7FFFFFFF  }
0xcb: {  	_ =	shalt  }
tec
execute0_lowered:
.L_overlay_start_1:
0x0: {  	(tag) =	ssettag $0x1  }
0x1: {  	s1 =	rddreg [dreg:$0x0]  }
0x2: {  	s2 =	rddreg [dreg:$0x4]  }
0x3: {  	s12 =	rddreg [dreg:$0x5]  }
0x4: {  	s13 =	rddreg [dreg:$0x6]  }
0x5: {  	s20 =	simm.s32 $0x0;
	s0 =	srdreg.scid;
	s21 =	stileid.u32  }
0x6: {  	s28 =	simm.s32 $0x2;
	s29 =	simm.s32 $0x3;
	s30 =	simm.s32 $0x188C0  }
0x7: {  	s31 =	simm.s32 $0x1A1C0;
	[smem:$0x7FF] =	sst s20;
	s5 =	smul.u32 $0xA000, s21  }
0x8: {  	s3 =	sand.u32 $0x1, s0;
	s8 =	sadd.s32 $0x13AA00, s1;
	s7 =	smul.u32 $0x2710, s21  }
0x9: {  	s9 =	sadd.s32 $0x2200, s1;
	s10 =	sadd.s32 $0x273200, s1;
	s23 =	smul.u32 $0x500, s21  }
0xa: {  	s14 =	sadd.s32 $0x2300, s1;
	s15 =	sadd.s32 $0x2400, s1;
	s17 =	sadd.s32 $0x13AB00, s1  }
0xb: {  	s16 =	sadd.s32 $0x2500, s1;
	s18 =	sadd.s32 $0x13AC00, s1;
	s4 =	smul.u32 $0x300, s3  }
0xc: {  	s19 =	sadd.s32 $0x13AD00, s1;
	p0 =	sne.s32 s21, $0xF;
	s0 =	smul.u32 $0x1388, s3  }
0xd: {  	p3 =	seq.s32 s21, $0xF;
	_ =	strace $0x80000047;
	s11 =	smul.u32 $0x4E80, s3  }
0xe: {  	s6 =	ssub.s32 $0x2, s3;
	s3 =	smul.u32 $0x27400, s3;
	p2 =	sne.s32 @p0 s21, $0x0  }
0xf: {  	[dreg:$0x9] =	wrdreg s7;
	s22 =	sshrl.u32 s6, $0x1;
	s5 =	sshrl.u32 s5, $0x2  }
0x10: {  	p1 =	por p2, !p0;
	p2 =	por !p2, !p0;
	s4 =	sadd.s32 s4, s1  }
0x11: {  	s7 =	sadd.s32 s5, s12;
	s12 =	sadd.s32 $0x25800, s12;
	s3 =	sshrl.u32 s3, $0x3  }
0x12: {  	s5 =	sadd.s32 s23, s11;
	s24 =	sadd.s32 s2, s3;
	[dreg:$0xa] =	wrdreg s7  }
.Ltmp0:
0x13: {  	s2 =	sadd.s32 s2, s5;
	[dreg:$0xb] =	wrdreg s12;
	(pc) =	sbr.rel .LBB2_1-.Ltmp0, $4  }
0x14: {  	v1 =	vimm.f32 $1.000000000e+00;
	v2 =	vlaneseq.u32;
	v3 =	vimm.s32 $0x0;
	s6 =	ssub.s32 s6, s22;
	s25 =	sadd.s32 $0x29A400, s4;
	[dreg:$0xc] =	wrdreg s2  }
0x15: {  	v6 =	vimm.f32 $0.0e+00;
	vm0 =	vmmov $0xffff;
	v4 =	vor.u32 $0x10, v2;
	s11 =	simm.s32 $0x28;
	s26 =	smax.u32 s6, $0x1;
	[dreg:$0xe] =	wrdreg s25  }
0x16: {  	v5 =	vor.u32 $0x20, v2;
	v7 =	vand.u32 $0x7, v2;
	v8 =	vshrl.u32 v2, $0x3;
	s4 =	simm.s32 $0x168C0;
	s1 =	sadd.s32 $0x4B00, s24;
	[dreg:$0xf] =	wrdreg s26  }
0x17: {  	v9 =	vor.u32 $0x8, v2;
	v8 =	vmul.u32 $0x8, v8;
	v0 =	vmov s0;
	s24 =	simm.s32 $0x4;
	s26 =	simm.s32 $0x1;
	[dreg:$0xd] =	wrdreg s1  }
.LBB2_15:
0x18: {  	s13 =	rddreg [dreg:$0x6]  }
0x19: {  	s0 =	simm.s32 $0x30;
	s1 =	simm.s32 $0x18940;
	s2 =	simm.s32 $0x189C0  }
0x1a: {  	[spmem:s13] =	stream.indirect.scatter.add.f32 [tilespmem:s2], [sflag:$0x4], $0x80, s1, s0, $0xb8;
	[tilespmem:$0x1DDC0] =	vst v63  }
0x1b: {  	_ =	swait.ge [sflag:s24], $0x1800  }
0x1c: {  	[sflag:s24] =	ssyncset.done $0x0  }
0x1d: {  	[sflag:s24] =	ssyncadd.s32 $0xFFFFE800  }
0x1e: {  	[bflag:$0x0] =	sbarrier.arrive $0xFFFF  }
0x1f: {  	s12 =	rddreg [dreg:$0xb]  }
0x20: {  	s1 =	simm.s32 @p3 $0x1FC4;
	s2 =	rddreg [dreg:$0xd];
	s0 =	sshrl.u32 @p3 s12, $0x3  }
0x21: {  	[hbm:s2], [sflag:s1] =	dma.local @p3 [spmem:s0], $0x380  }
0x22: {  	s0 =	simm.s32 @p3 $0x4  }
0x23: {  	_ =	swait.ge @p3 [sflag:s0], $0x380  }
0x24: {  	s3 =	stileid.u32;
	s7 =	rddreg [dreg:$0xa]  }
0x25: {  	s1 =	sshll.u32 @!p3 s3, $0x6;
	[sflag:s0] =	ssyncset.done @p3 $0x0;
	s2 =	rddreg [dreg:$0xc]  }
0x26: {  	[sflag:s0] =	ssyncadd.s32 @p3 $0xFFFFFC80;
	s0 =	sor.u32 @!p3 $0x1C04, s1;
	s1 =	sshrl.u32 @!p3 s7, $0x3  }
0x27: {  	[hbm:s2], [sflag:s0] =	dma.local @!p3 [spmem:s1], $0x500  }
0x28: {  	s0 =	simm.s32 @!p3 $0x4  }
0x29: {  	_ =	swait.ge @!p3 [sflag:s0], $0x500  }
0x2a: {  	s1 =	sshll.u32 @p4 s3, $0x6;
	[sflag:s0] =	ssyncset.done @!p3 $0x0;
	s3 =	rddreg [dreg:$0xe]  }
0x2b: {  	[sflag:s0] =	ssyncadd.s32 @!p3 $0xFFFFFB00;
	s0 =	sor.u32 @p4 $0x1C04, s1;
	s1 =	sshrl.u32 @p4 s13, $0x3  }
0x2c: {  	[hbm:s3], [sflag:s0] =	dma.local @p4 [spmem:s1], $0x300  }
0x2d: {  	s0 =	simm.s32 @p4 $0x4  }
0x2e: {  	_ =	swait.ge @p4 [sflag:s0], $0x300  }
0x2f: {  	s20 =	rddreg [dreg:$0x8]  }
0x30: {  	s25 =	rddreg [dreg:$0xf];
	s20 =	sadd.s32 $0x1, s20  }
0x31: {  	p5 =	sne.s32 s20, s25  }
.Ltmp1:
0x32: {  	_ = 	snop;
	(pc) =	sbr.rel @!p5 .LBB2_16-.Ltmp1, $3  }
0x33: {  	_ =	sdelay $0x1  }
0x34: {  	[sflag:s0] =	ssyncset.done @p4 $0x0  }
0x35: {  	s2 =	stileid.u32;
	[sflag:s0] =	ssyncadd.s32 @p4 $0xFFFFFD00  }
.LBB2_1:
0x36: {  	[tilespmem:$0x188A8] =	vst v1  }
0x37: {  	[tilespmem:$0x180A8] =	vst v3  }
0x38: {  	[tilespmem:$0x18940] =	vst v2  }
0x39: {  	[tilespmem:$0x18950] =	vst v4  }
0x3a: {  	[tilespmem:$0x18960] =	vst v5;
	s0 =	simm.s32 $0x0  }
0x3b: {  	[tilespmem:s0+$0x1A230] =	vst v6  }
0x3c: {  	[tilespmem:s0+$0x1A1E0] =	vst v6  }
0x3d: {  	[tilespmem:s0+$0x1A1F0] =	vst v6  }
0x3e: {  	[tilespmem:s0+$0x1A200] =	vst v6  }
0x3f: {  	s1 =	simm.s32 $0x200;
	[tilespmem:s0+$0x1A210] =	vst v6  }
.LBB2_2:
0x40: {  	p4 =	sne.s32 s1, $0x4E00;
	[tilespmem:s0+$0x1A220] =	vst v6;
	s0 =	sshra.s32 s1, $0x2;
	s1 =	sadd.s32 $0x200, s1  }
.Ltmp2:
0x41: {  	[tilespmem:s0+$0x1A230] =	vst v6;
	(pc) =	sbr.rel @p4 .LBB2_2-.Ltmp2, $4  }
0x42: {  	[tilespmem:s0+$0x1A1E0] =	vst v6  }
0x43: {  	[tilespmem:s0+$0x1A1F0] =	vst v6  }
0x44: {  	[tilespmem:s0+$0x1A200] =	vst v6  }
0x45: {  	[tilespmem:s0+$0x1A210] =	vst v6  }
0x46: {  	[tilespmem:s0+$0x1A220] =	vst v6;
	s0 =	simm.s32 $0x0;
	s1 =	simm.s32 $0x200  }
.LBB2_4:
0x47: {  	p4 =	sne.s32 s1, $0x5E00;
	[tilespmem:s0+$0x18A30] =	vst v6  }
0x48: {  	[tilespmem:s0+$0x189C0] =	vst v6  }
0x49: {  	[tilespmem:s0+$0x189D0] =	vst v6  }
.Ltmp3:
0x4a: {  	[tilespmem:s0+$0x189E0] =	vst v6;
	(pc) =	sbr.rel @p4 .LBB2_4-.Ltmp3, $4  }
0x4b: {  	[tilespmem:s0+$0x189F0] =	vst v6  }
0x4c: {  	[tilespmem:s0+$0x18A00] =	vst v6  }
0x4d: {  	[tilespmem:s0+$0x18A10] =	vst v6  }
0x4e: {  	[tilespmem:s0+$0x18A20] =	vst v6;
	s0 =	sshra.s32 s1, $0x2;
	s1 =	sadd.s32 $0x200, s1  }
0x4f: {  	[tilespmem:s0+$0x18A30] =	vst v6  }
0x50: {  	[tilespmem:s0+$0x189C0] =	vst v6  }
0x51: {  	[tilespmem:s0+$0x189D0] =	vst v6  }
0x52: {  	[tilespmem:s0+$0x189E0] =	vst v6  }
0x53: {  	[tilespmem:s0+$0x189F0] =	vst v6  }
0x54: {  	[tilespmem:s0+$0x18A00] =	vst v6  }
0x55: {  	[tilespmem:s0+$0x18A10] =	vst v6  }
0x56: {  	[dreg:$0x8] =	wrdreg s20;
	[tilespmem:s0+$0x18A20] =	vst v6;
	s0 =	simm.s32 $0x0;
	s1 =	simm.s32 $0x200  }
.LBB2_6:
0x57: {  	p4 =	sne.s32 s1, $0x9E00;
	[tilespmem:s0+$0x1B630] =	vst v6  }
0x58: {  	[tilespmem:s0+$0x1B5C0] =	vst v6  }
0x59: {  	[tilespmem:s0+$0x1B5D0] =	vst v6  }
.Ltmp4:
0x5a: {  	[tilespmem:s0+$0x1B5E0] =	vst v6;
	(pc) =	sbr.rel @p4 .LBB2_6-.Ltmp4, $4  }
0x5b: {  	[tilespmem:s0+$0x1B5F0] =	vst v6  }
0x5c: {  	[tilespmem:s0+$0x1B600] =	vst v6  }
0x5d: {  	[tilespmem:s0+$0x1B610] =	vst v6  }
0x5e: {  	[tilespmem:s0+$0x1B620] =	vst v6;
	s0 =	sshra.s32 s1, $0x2;
	s1 =	sadd.s32 $0x200, s1  }
0x5f: {  	[tilespmem:s0+$0x1B630] =	vst v6  }
0x60: {  	[tilespmem:s0+$0x1B5C0] =	vst v6  }
0x61: {  	[tilespmem:s0+$0x1B5D0] =	vst v6  }
0x62: {  	[tilespmem:s0+$0x1B5E0] =	vst v6  }
0x63: {  	[tilespmem:s0+$0x1B5F0] =	vst v6  }
0x64: {  	[tilespmem:s0+$0x1B600] =	vst v6  }
0x65: {  	[tilespmem:s0+$0x1B610] =	vst v6  }
0x66: {  	[tilespmem:s0+$0x1B620] =	vst v6;
	s0 =	simm.s32 @p0 $0x1B5C0  }
0x67: {  	[spmem:s7] =	stream.linear.scatter @p0 [tilespmem:s0], [sflag:$0x4], $0x2800, $0x38;
	[tilespmem:$0x1DDC0] =	vst v63  }
0x68: {  	s0 =	simm.s32 @p0 $0x4  }
0x69: {  	_ =	swait.ge @p0 [sflag:s0], $0x2800  }
0x6a: {  	[sflag:s0] =	ssyncset.done @p0 $0x0  }
0x6b: {  	[sflag:s0] =	ssyncadd.s32 @p0 $0xFFFFD800;
	s0 =	simm.s32 @!p1 $0x1B5C0  }
0x6c: {  	[spmem:s13] =	stream.linear.scatter @!p1 [tilespmem:s0], [sflag:$0x4], $0x1800, $0x38;
	[tilespmem:$0x1DDC0] =	vst v63  }
0x6d: {  	s0 =	simm.s32 @!p1 $0x4  }
0x6e: {  	_ =	swait.ge @!p1 [sflag:s0], $0x1800  }
0x6f: {  	[sflag:s0] =	ssyncset.done @!p1 $0x0  }
0x70: {  	[sflag:s0] =	ssyncadd.s32 @!p1 $0xFFFFE800;
	s0 =	simm.s32 @!p0 $0x1B5C0  }
0x71: {  	[spmem:s12] =	stream.linear.scatter @!p0 [tilespmem:s0], [sflag:$0x4], $0x1C00, $0x38;
	[tilespmem:$0x1DDC0] =	vst v63  }
0x72: {  	s0 =	simm.s32 @!p0 $0x4  }
.Ltmp5:
0x73: {  	_ =	swait.ge @!p0 [sflag:s0], $0x1C00;
	(pc) =	sbr.rel .LBB2_8-.Ltmp5, $4  }
0x74: {  	[sflag:s0] =	ssyncset.done @!p0 $0x0  }
0x75: {  	p5 =	por @p0 $0x0, $0x0;
	p4 =	por @!p1 $0x1, $0x1;
	[sflag:s0] =	ssyncadd.s32 @!p0 $0xFFFFE400  }
0x76: {  	p4 =	por @!p2 p5, p5;
	p5 =	por @!p0 $0x0, $0x0;
	[bflag:$0x0] =	sbarrier.arrive $0xFFFF  }
0x77: {  	p4 =	por @!p0 p5, p5;
	s0 =	simm.s32 $0x0  }
.LBB2_14:
0x78: {  	s0 =	rddreg [dreg:$0x10]  }
0x79: {  	s0 =	sadd.s32 $0x1, s0  }
0x7a: {  	p5 =	sne.s32 s0, $0xA  }
.Ltmp6:
0x7b: {  	_ = 	snop;
	(pc) =	sbr.rel @!p5 .LBB2_15-.Ltmp6, $1  }
0x7c: {  	_ =	sdelay $0x3  }
.LBB2_8:
0x7d: {  	s20 =	smul.u32 $0x3E8, s0  }
0x7e: {  	s1 =	rddreg [dreg:$0x9]  }
0x7f: {  	[dreg:$0x10] =	wrdreg s0;
	s0 =	sadd.s32 s1, s20  }
0x80: {  	s21 =	rddreg [dreg:$0x1];
	s0 =	sshrl.u32 s0, $0x3  }
0x81: {  	s23 =	simm.s32 $0x17CC0;
	s3 =	simm.s32 $0x0;
	s1 =	sadd.s32 s21, s0  }
0x82: {  	[tilespmem:s23], [sflag:$0x4] =	stream.linear.gather [hbm4b:s1+s3], $0x3E8, $0x38;
	[tilespmem:$0x1DDC0] =	vst v63  }
0x83: {  	_ =	swait.ge [sflag:s24], $0x3E8  }
0x84: {  	[sflag:s24] =	ssyncset.done $0x0  }
0x85: {  	[sflag:s24] =	ssyncadd.s32 $0xFFFFFC18  }
0x86: {  	s22 =	rddreg [dreg:$0x2]  }
0x87: {  	s2 =	simm.s32 $0x180C0;
	s1 =	sadd.s32 s22, s0  }
0x88: {  	[tilespmem:s2], [sflag:$0x4] =	stream.linear.gather [hbm4b:s1+s3], $0x3E8, $0x38;
	[tilespmem:$0x1DDC0] =	vst v63  }
0x89: {  	_ =	swait.ge [sflag:s24], $0x3E8  }
0x8a: {  	[sflag:s24] =	ssyncset.done $0x0  }
0x8b: {  	[sflag:s24] =	ssyncadd.s32 $0xFFFFFC18  }
0x8c: {  	s25 =	rddreg [dreg:$0x3]  }
.Ltmp7:
0x8d: {  	s7 =	simm.s32 $0x184C0;
	s0 =	sadd.s32 s25, s0;
	(pc) =	sbr.rel .LBB2_9-.Ltmp7, $4  }
0x8e: {  	[tilespmem:s7], [sflag:$0x4] =	stream.linear.gather [hbm4b:s0+s3], $0x3E8, $0x38;
	[tilespmem:$0x1DDC0] =	vst v63  }
0x8f: {  	_ =	swait.ge [sflag:s24], $0x3E8  }
0x90: {  	[sflag:s24] =	ssyncset.done $0x0  }
0x91: {  	s21 =	simm.s32 $0x0;
	[sflag:s24] =	ssyncadd.s32 $0xFFFFFC18  }
.LBB2_13:
0x92: {  	s21 =	sadd.s32 $0x1, s21  }
0x93: {  	p5 =	sne.s32 s21, $0x19  }
.Ltmp8:
0x94: {  	s0 =	rddreg [dreg:$0x5];
	(pc) =	sbr.rel @!p5 .LBB2_14-.Ltmp8, $4  }
0x95: {  	[spmem:s0] =	stream.indirect.scatter.add.f32 [tilespmem:s31], [sflag:$0x4], $0x80, s30, s11, $0xb8;
	[tilespmem:$0x1DDC0] =	vst v63  }
0x96: {  	_ =	swait.ge [sflag:s24], $0x1400  }
0x97: {  	[sflag:s24] =	ssyncset.done $0x0  }
0x98: {  	s7 =	sadd.s32 $0x28, s7;
	s23 =	sadd.s32 $0x28, s23;
	[sflag:s24] =	ssyncadd.s32 $0xFFFFEC00  }
.LBB2_9:
0x99: {  	s0 =	smul.u32 $0x28, s21;
	_ =	sdelay $0x1  }
0x9a: {  	v10 =	vld [tilespmem:s0+$0x17CC0];
	_ =	sdelay $0x4  }
0x9b: {  	v10 =	vsub.s32 v10, v0  }
0x9c: {  	v10 =	vmin.u32 v10, $0x1388  }
0x9d: {  	v10 =	vshrl.u32 v10, $0x2  }
0x9e: {  	[tilespmem:$0x188C0] =	vst v10  }
0x9f: {  	v10 =	vld [tilespmem:s0+$0x17CD0];
	_ =	sdelay $0x4  }
0xa0: {  	v10 =	vsub.s32 v10, v0  }
0xa1: {  	v10 =	vmin.u32 v10, $0x1388  }
0xa2: {  	v10 =	vshrl.u32 v10, $0x2  }
0xa3: {  	[tilespmem:$0x188D0] =	vst v10  }
0xa4: {  	v10 =	vld [tilespmem:s0+$0x17CD8];
	_ =	sdelay $0x4  }
0xa5: {  	v10 =	vsub.s32 v10, v0  }
0xa6: {  	v10 =	vmin.u32 v10, $0x1388  }
0xa7: {  	v10 =	vshrl.u32 v10, $0x2  }
0xa8: {  	[tilespmem:$0x188D8] =	vst v10  }
0xa9: {  	v10 =	vld [tilespmem:s0+$0x17CC0];
	_ =	sdelay $0x4  }
0xaa: {  	v11 =	vshll.u32 v10, $0x3  }
0xab: {  	v10 =	vand.u32 $0x7, v10;
	v11 =	vand.u32 $0xFFFFFFC0, v11  }
0xac: {  	v10 =	vor.u32 v10, v11  }
0xad: {  	v11 =	vperm.xlane v10, v7;
	_ =	sdelay $0x1  }
0xae: {  	v11 =	vadd.s32 v8, v11;
	_ =	sdelay $0x3  }
0xaf: {  	s22 =	simm.s32 $0x0;
	s1 =	simm.s32 $0x28C0  }
0xb0: {  	[tilespmem:s1], [sflag:$0x1] =	stream.indirect_vreg.gather [hbm4b:s9+s22], $0x80, v11, vm0, $0xb8;
	[tilespmem:$0x1DDC0] =	vst v63  }
0xb1: {  	s3 =	simm.s32 $0x30C0;
	v10 =	vperm.xlane v10, v9  }
0xb2: {  	[tilespmem:s3], [sflag:$0x1] =	stream.indirect_vreg.gather [hbm4b:s14+s22], $0x80, v11, vm0, $0xb8;
	[tilespmem:$0x1DDC0] =	vst v63  }
0xb3: {  	s5 =	simm.s32 $0x38C0;
	v10 =	vadd.s32 v8, v10  }
0xb4: {  	[tilespmem:s5], [sflag:$0x1] =	stream.indirect_vreg.gather [hbm4b:s15+s22], $0x80, v11, vm0, $0xb8;
	[tilespmem:$0x1DDC0] =	vst v63  }
0xb5: {  	s6 =	simm.s32 $0x40C0  }
0xb6: {  	[tilespmem:s6], [sflag:$0x1] =	stream.indirect_vreg.gather [hbm4b:s16+s22], $0x80, v11, vm0, $0xb8;
	[tilespmem:$0x1DDC0] =	vst v63  }
0xb7: {  	s12 =	simm.s32 $0x48C0  }
0xb8: {  	[tilespmem:s12], [sflag:$0x1] =	stream.indirect_vreg.gather [hbm4b:s9+s22], $0x80, v10, vm0, $0xb8;
	[tilespmem:$0x1DDC0] =	vst v63  }
0xb9: {  	s13 =	simm.s32 $0x50C0  }
0xba: {  	[tilespmem:s13], [sflag:$0x1] =	stream.indirect_vreg.gather [hbm4b:s14+s22], $0x80, v10, vm0, $0xb8;
	[tilespmem:$0x1DDC0] =	vst v63  }
0xbb: {  	s20 =	simm.s32 $0x58C0  }
0xbc: {  	[tilespmem:s20], [sflag:$0x1] =	stream.indirect_vreg.gather [hbm4b:s15+s22], $0x80, v10, vm0, $0xb8;
	[tilespmem:$0x1DDC0] =	vst v63  }
0xbd: {  	s25 =	simm.s32 $0x60C0  }
0xbe: {  	[tilespmem:s25], [sflag:$0x1] =	stream.indirect_vreg.gather [hbm4b:s16+s22], $0x80, v10, vm0, $0xb8;
	[tilespmem:$0x1DDC0] =	vst v63  }
0xbf: {  	v10 =	vld [tilespmem:s0+$0x17CD0];
	_ =	sdelay $0x4  }
0xc0: {  	v11 =	vshll.u32 v10, $0x3  }
0xc1: {  	v10 =	vand.u32 $0x7, v10;
	v11 =	vand.u32 $0xFFFFFFC0, v11  }
0xc2: {  	v10 =	vor.u32 v10, v11  }
0xc3: {  	v11 =	vperm.xlane v10, v7;
	_ =	sdelay $0x1  }
0xc4: {  	v11 =	vadd.s32 v8, v11;
	_ =	sdelay $0x3  }
0xc5: {  	s2 =	simm.s32 $0x68C0  }
0xc6: {  	[tilespmem:s2], [sflag:$0x1] =	stream.indirect_vreg.gather [hbm4b:s9+s22], $0x80, v11, vm0, $0xb8;
	[tilespmem:$0x1DDC0] =	vst v63  }
0xc7: {  	s3 =	simm.s32 $0x70C0;
	v10 =	vperm.xlane v10, v9  }
0xc8: {  	[tilespmem:s3], [sflag:$0x1] =	stream.indirect_vreg.gather [hbm4b:s14+s22], $0x80, v11, vm0, $0xb8;
	[tilespmem:$0x1DDC0] =	vst v63  }
0xc9: {  	s5 =	simm.s32 $0x78C0;
	v10 =	vadd.s32 v8, v10  }
0xca: {  	[tilespmem:s5], [sflag:$0x1] =	stream.indirect_vreg.gather [hbm4b:s15+s22], $0x80, v11, vm0, $0xb8;
	[tilespmem:$0x1DDC0] =	vst v63  }
0xcb: {  	s6 =	simm.s32 $0x80C0  }
0xcc: {  	[tilespmem:s6], [sflag:$0x1] =	stream.indirect_vreg.gather [hbm4b:s16+s22], $0x80, v11, vm0, $0xb8;
	[tilespmem:$0x1DDC0] =	vst v63  }
0xcd: {  	s12 =	simm.s32 $0x88C0  }
0xce: {  	[tilespmem:s12], [sflag:$0x1] =	stream.indirect_vreg.gather [hbm4b:s9+s22], $0x80, v10, vm0, $0xb8;
	[tilespmem:$0x1DDC0] =	vst v63  }
0xcf: {  	s13 =	simm.s32 $0x90C0  }
0xd0: {  	[tilespmem:s13], [sflag:$0x1] =	stream.indirect_vreg.gather [hbm4b:s14+s22], $0x80, v10, vm0, $0xb8;
	[tilespmem:$0x1DDC0] =	vst v63  }
0xd1: {  	s20 =	simm.s32 $0x98C0  }
0xd2: {  	[tilespmem:s20], [sflag:$0x1] =	stream.indirect_vreg.gather [hbm4b:s15+s22], $0x80, v10, vm0, $0xb8;
	[tilespmem:$0x1DDC0] =	vst v63  }
0xd3: {  	s25 =	simm.s32 $0xA0C0  }
0xd4: {  	[tilespmem:s25], [sflag:$0x1] =	stream.indirect_vreg.gather [hbm4b:s16+s22], $0x80, v10, vm0, $0xb8;
	[tilespmem:$0x1DDC0] =	vst v63  }
0xd5: {  	v10 =	vld.msk [tilespmem:s0+$0x17CE0], $0xff;
	_ =	sdelay $0x4  }
0xd6: {  	v11 =	vshll.u32 v10, $0x3  }
0xd7: {  	v10 =	vand.u32 $0x7, v10;
	v11 =	vand.u32 $0xFFFFFFC0, v11  }
0xd8: {  	v10 =	vor.u32 v10, v11  }
0xd9: {  	v10 =	vperm.xlane v10, v7;
	_ =	sdelay $0x1  }
0xda: {  	v10 =	vadd.s32 v8, v10;
	_ =	sdelay $0x3  }
0xdb: {  	s2 =	simm.s32 $0xA8C0  }
0xdc: {  	[tilespmem:s2], [sflag:$0x1] =	stream.indirect_vreg.gather [hbm4b:s9+s22], $0x80, v10, vm0, $0xb8;
	[tilespmem:$0x1DDC0] =	vst v63  }
0xdd: {  	s3 =	simm.s32 $0xB0C0  }
0xde: {  	[tilespmem:s3], [sflag:$0x1] =	stream.indirect_vreg.gather [hbm4b:s14+s22], $0x80, v10, vm0, $0xb8;
	[tilespmem:$0x1DDC0] =	vst v63  }
0xdf: {  	s5 =	simm.s32 $0xB8C0  }
0xe0: {  	[tilespmem:s5], [sflag:$0x1] =	stream.indirect_vreg.gather [hbm4b:s15+s22], $0x80, v10, vm0, $0xb8;
	[tilespmem:$0x1DDC0] =	vst v63  }
0xe1: {  	s6 =	simm.s32 $0xC0C0  }
0xe2: {  	[tilespmem:s6], [sflag:$0x1] =	stream.indirect_vreg.gather [hbm4b:s16+s22], $0x80, v10, vm0, $0xb8;
	[tilespmem:$0x1DDC0] =	vst v63  }
0xe3: {  	v10 =	vld [tilespmem:s0+$0x180C0];
	_ =	sdelay $0x4  }
0xe4: {  	v11 =	vshll.u32 v10, $0x3  }
0xe5: {  	v10 =	vand.u32 $0x7, v10;
	v11 =	vand.u32 $0xFFFFFFC0, v11  }
0xe6: {  	v10 =	vor.u32 v10, v11  }
0xe7: {  	v11 =	vperm.xlane v10, v7;
	_ =	sdelay $0x1  }
0xe8: {  	v11 =	vadd.s32 v8, v11;
	_ =	sdelay $0x3  }
0xe9: {  	s12 =	simm.s32 $0xC8C0  }
0xea: {  	[tilespmem:s12], [sflag:$0x2] =	stream.indirect_vreg.gather [hbm4b:s8+s22], $0x80, v11, vm0, $0xb8;
	[tilespmem:$0x1DDC0] =	vst v63  }
0xeb: {  	s13 =	simm.s32 $0xD0C0;
	v10 =	vperm.xlane v10, v9  }
0xec: {  	[tilespmem:s13], [sflag:$0x2] =	stream.indirect_vreg.gather [hbm4b:s17+s22], $0x80, v11, vm0, $0xb8;
	[tilespmem:$0x1DDC0] =	vst v63  }
0xed: {  	s20 =	simm.s32 $0xD8C0;
	v10 =	vadd.s32 v8, v10  }
0xee: {  	[tilespmem:s20], [sflag:$0x2] =	stream.indirect_vreg.gather [hbm4b:s18+s22], $0x80, v11, vm0, $0xb8;
	[tilespmem:$0x1DDC0] =	vst v63  }
0xef: {  	s25 =	simm.s32 $0xE0C0  }
0xf0: {  	[tilespmem:s25], [sflag:$0x2] =	stream.indirect_vreg.gather [hbm4b:s19+s22], $0x80, v11, vm0, $0xb8;
	[tilespmem:$0x1DDC0] =	vst v63  }
0xf1: {  	s2 =	simm.s32 $0xE8C0  }
0xf2: {  	[tilespmem:s2], [sflag:$0x2] =	stream.indirect_vreg.gather [hbm4b:s8+s22], $0x80, v10, vm0, $0xb8;
	[tilespmem:$0x1DDC0] =	vst v63  }
0xf3: {  	s3 =	simm.s32 $0xF0C0  }
0xf4: {  	[tilespmem:s3], [sflag:$0x2] =	stream.indirect_vreg.gather [hbm4b:s17+s22], $0x80, v10, vm0, $0xb8;
	[tilespmem:$0x1DDC0] =	vst v63  }
0xf5: {  	s5 =	simm.s32 $0xF8C0  }
0xf6: {  	[tilespmem:s5], [sflag:$0x2] =	stream.indirect_vreg.gather [hbm4b:s18+s22], $0x80, v10, vm0, $0xb8;
	[tilespmem:$0x1DDC0] =	vst v63  }
0xf7: {  	s6 =	simm.s32 $0x100C0  }
0xf8: {  	[tilespmem:s6], [sflag:$0x2] =	stream.indirect_vreg.gather [hbm4b:s19+s22], $0x80, v10, vm0, $0xb8;
	[tilespmem:$0x1DDC0] =	vst v63  }
0xf9: {  	v10 =	vld [tilespmem:s0+$0x180D0];
	_ =	sdelay $0x4  }
0xfa: {  	v11 =	vshll.u32 v10, $0x3  }
0xfb: {  	v10 =	vand.u32 $0x7, v10;
	v11 =	vand.u32 $0xFFFFFFC0, v11  }
0xfc: {  	v10 =	vor.u32 v10, v11  }
0xfd: {  	v11 =	vperm.xlane v10, v7;
	_ =	sdelay $0x1  }
0xfe: {  	v11 =	vadd.s32 v8, v11;
	_ =	sdelay $0x3  }
0xff: {  	s12 =	simm.s32 $0x108C0  }
0x100: {  	[tilespmem:s12], [sflag:$0x2] =	stream.indirect_vreg.gather [hbm4b:s8+s22], $0x80, v11, vm0, $0xb8;
	[tilespmem:$0x1DDC0] =	vst v63  }
0x101: {  	s13 =	simm.s32 $0x110C0;
	v10 =	vperm.xlane v10, v9  }
0x102: {  	[tilespmem:s13], [sflag:$0x2] =	stream.indirect_vreg.gather [hbm4b:s17+s22], $0x80, v11, vm0, $0xb8;
	[tilespmem:$0x1DDC0] =	vst v63  }
0x103: {  	s20 =	simm.s32 $0x118C0;
	v10 =	vadd.s32 v8, v10  }
0x104: {  	[tilespmem:s20], [sflag:$0x2] =	stream.indirect_vreg.gather [hbm4b:s18+s22], $0x80, v11, vm0, $0xb8;
	[tilespmem:$0x1DDC0] =	vst v63  }
0x105: {  	s25 =	simm.s32 $0x120C0  }
0x106: {  	[tilespmem:s25], [sflag:$0x2] =	stream.indirect_vreg.gather [hbm4b:s19+s22], $0x80, v11, vm0, $0xb8;
	[tilespmem:$0x1DDC0] =	vst v63  }
0x107: {  	s2 =	simm.s32 $0x128C0  }
0x108: {  	[tilespmem:s2], [sflag:$0x2] =	stream.indirect_vreg.gather [hbm4b:s8+s22], $0x80, v10, vm0, $0xb8;
	[tilespmem:$0x1DDC0] =	vst v63  }
0x109: {  	s3 =	simm.s32 $0x130C0  }
0x10a: {  	[tilespmem:s3], [sflag:$0x2] =	stream.indirect_vreg.gather [hbm4b:s17+s22], $0x80, v10, vm0, $0xb8;
	[tilespmem:$0x1DDC0] =	vst v63  }
0x10b: {  	s5 =	simm.s32 $0x138C0  }
0x10c: {  	[tilespmem:s5], [sflag:$0x2] =	stream.indirect_vreg.gather [hbm4b:s18+s22], $0x80, v10, vm0, $0xb8;
	[tilespmem:$0x1DDC0] =	vst v63  }
0x10d: {  	s6 =	simm.s32 $0x140C0  }
0x10e: {  	[tilespmem:s6], [sflag:$0x2] =	stream.indirect_vreg.gather [hbm4b:s19+s22], $0x80, v10, vm0, $0xb8;
	[tilespmem:$0x1DDC0] =	vst v63  }
0x10f: {  	v10 =	vld.msk [tilespmem:s0+$0x180E0], $0xff;
	_ =	sdelay $0x4  }
0x110: {  	v11 =	vshll.u32 v10, $0x3  }
0x111: {  	v10 =	vand.u32 $0x7, v10;
	v11 =	vand.u32 $0xFFFFFFC0, v11  }
0x112: {  	v10 =	vor.u32 v10, v11  }
0x113: {  	v10 =	vperm.xlane v10, v7;
	_ =	sdelay $0x1  }
0x114: {  	v10 =	vadd.s32 v8, v10;
	_ =	sdelay $0x3  }
0x115: {  	s12 =	simm.s32 $0x148C0  }
0x116: {  	[tilespmem:s12], [sflag:$0x2] =	stream.indirect_vreg.gather [hbm4b:s8+s22], $0x80, v10, vm0, $0xb8;
	[tilespmem:$0x1DDC0] =	vst v63  }
0x117: {  	s13 =	simm.s32 $0x150C0  }
0x118: {  	[tilespmem:s13], [sflag:$0x2] =	stream.indirect_vreg.gather [hbm4b:s17+s22], $0x80, v10, vm0, $0xb8;
	[tilespmem:$0x1DDC0] =	vst v63  }
0x119: {  	s20 =	simm.s32 $0x158C0  }
0x11a: {  	[tilespmem:s20], [sflag:$0x2] =	stream.indirect_vreg.gather [hbm4b:s18+s22], $0x80, v10, vm0, $0xb8;
	[tilespmem:$0x1DDC0] =	vst v63  }
0x11b: {  	s25 =	simm.s32 $0x160C0  }
0x11c: {  	[tilespmem:s25], [sflag:$0x2] =	stream.indirect_vreg.gather [hbm4b:s19+s22], $0x80, v10, vm0, $0xb8;
	[tilespmem:$0x1DDC0] =	vst v63  }
0x11d: {  	s0 =	sadd.s32 $0x17CC0, s0  }
0x11e: {  	[tilespmem:s4], [sflag:$0x3] =	stream.indirect.gather [hbm4b:s10+s11], $0x80, s0, s11, $0xb8;
	[tilespmem:$0x1DDC0] =	vst v63  }
0x11f: {  	_ =	swait.ge [sflag:s26], $0xA000  }
0x120: {  	[sflag:s26] =	ssyncset.done $0x0  }
0x121: {  	[sflag:s26] =	ssyncadd.s32 $0xFFFF6000  }
0x122: {  	_ =	swait.ge [sflag:s28], $0xA000  }
.Ltmp9:
0x123: {  	[sflag:s28] =	ssyncset.done $0x0;
	(pc) =	sbr.rel .LBB2_10-.Ltmp9, $4  }
0x124: {  	[sflag:s28] =	ssyncadd.s32 $0xFFFF6000  }
0x125: {  	s5 =	simm.s32 $0x0;
	_ =	swait.ge [sflag:s29], $0x1400  }
0x126: {  	s12 =	simm.s32 $0x0;
	s13 =	simm.s32 $0x0;
	[sflag:s29] =	ssyncset.done $0x0  }
0x127: {  	s20 =	smov.u32 s7;
	s0 =	smov.u32 s23;
	[sflag:s29] =	ssyncadd.s32 $0xFFFFEC00  }
.LBB2_12:
0x128: {  	s13 =	sadd.s32 $0x200, s13  }
0x129: {  	p5 =	sne.s32 s13, $0x5000  }
.Ltmp10:
0x12a: {  	_ = 	snop;
	(pc) =	sbr.rel @!p5 .LBB2_13-.Ltmp10, $3  }
0x12b: {  	_ =	sdelay $0x1  }
0x12c: {  	s12 =	sadd.s32 $0x400, s12;
	s5 =	sadd.s32 $0x1, s5  }
0x12d: {  	s22 =	sadd.s32 $0x80, s22;
	s20 =	sadd.s32 $0x1, s20;
	s0 =	sadd.s32 $0x1, s0  }
.LBB2_10:
0x12e: {  	v11 =	vld [tilespmem:s0+$0x0];
	_ =	sdelay $0x4  }
0x12f: {  	v10 =	vsub.s32 v11, v0  }
0x130: {  	(v2sf) =	vpush v10, $0x0;
	_ =	sdelay $0xe  }
0x131: {  	s6 =	spop (v2sf)  }
0x132: {  	p5 =	sgt.u32 s6, $0x1387  }
.Ltmp11:
0x133: {  	_ = 	snop;
	(pc) =	sbr.rel @p5 .LBB2_12-.Ltmp11, $1  }
0x134: {  	_ =	sdelay $0x3  }
0x135: {  	s1 =	sand.u32 $0xE000, s12;
	s2 =	sand.u32 $0x380, s22  }
0x136: {  	s2 =	sor.u32 s2, s1  }
0x137: {  	v10 =	vld [tilespmem:s2+$0x28C0]  }
0x138: {  	v12 =	vld [tilespmem:s2+$0xC8C0];
	_ =	sdelay $0x4  }
0x139: {  	v10 =	vadd.f32 v12, v10;
	_ =	sdelay $0x1  }
0x13a: {  	v14 =	vld [tilespmem:s2+$0xC8D0];
	v10 =	vmax.f32 v10, $-4.199999810e+00  }
0x13b: {  	v61 =	vmin.f32 v10, $4.199999810e+00;
	v10 =	vld [tilespmem:s2+$0x28D0]  }
0x13c: {  	v16 =	vld [tilespmem:s2+$0x28E0];
	v13 =	vmul.f32 v61, v61  }
0x13d: {  	v17 =	vld [tilespmem:s2+$0xC8E0]  }
0x13e: {  	v29 =	vld [tilespmem:s2+$0x28F0];
	v15 =	vmul.f32 $5.701379810e-09, v13  }
0x13f: {  	v18 =	vld [tilespmem:s2+$0xC8F0]  }
0x140: {  	v24 =	vld [tilespmem:s20+$0x0];
	v15 =	vadd.f32 $-4.545474610e-07, v15;
	v10 =	vadd.f32 v14, v10;
	_ =	sdelay $0x1  }
0x141: {  	v62 =	vmul.f32 v15, v13;
	v10 =	vmax.f32 v10, $-4.199999810e+00  }
0x142: {  	v63 =	vmin.f32 v10, $4.199999810e+00;
	v10 =	vadd.f32 v17, v16  }
0x143: {  	v16 =	vadd.f32 v18, v29;
	v14 =	vadd.f32 $1.523707310e-05, v62  }
0x144: {  	v34 =	vld [tilespmem:s2+$0x2900];
	(erf) = vrcp.f32 v24;
	v30 =	vmul.f32 v63, v63;
	v10 =	vmax.f32 v10, $-4.199999810e+00  }
0x145: {  	v23 =	vld [tilespmem:s2+$0xC900];
	v16 =	vmax.f32 v16, $-4.199999810e+00;
	v14 =	vmul.f32 v14, v13;
	v20 =	vmin.f32 v10, $4.199999810e+00  }
0x146: {  	v27 =	vld [tilespmem:s2+$0x2910];
	v19 =	vmul.f32 $5.701379810e-09, v30;
	v16 =	vmin.f32 v16, $4.199999810e+00;
	v31 =	vmul.f32 v20, v20  }
0x147: {  	v39 =	vld [tilespmem:s2+$0xC910];
	v22 =	vmul.f32 v16, v16  }
0x148: {  	v10 =	vadd.f32 $-2.801223600e-04, v14;
	v19 =	vadd.f32 $-4.545474610e-07, v19;
	v21 =	vmul.f32 $5.701379810e-09, v31  }
0x149: {  	v25 =	vmul.f32 $5.701379810e-09, v22  }
0x14a: {  	v10 =	vmul.f32 v10, v13;
	v32 =	vmul.f32 v19, v30;
	v33 =	vadd.f32 $-4.545474610e-07, v21  }
0x14b: {  	v25 =	vadd.f32 $-4.545474610e-07, v25;
	v21 =	vadd.f32 v23, v34  }
0x14c: {  	v10 =	vadd.f32 $3.101555160e-03, v10;
	v18 =	vadd.f32 $1.523707310e-05, v32  }
0x14d: {  	v46 =	vadd.f32 v39, v27;
	v19 =	vmul.f32 v33, v31;
	v35 =	vmul.f32 v25, v22  }
0x14e: {  	v21 =	vmax.f32 v21, $-4.199999810e+00;
	v10 =	vmul.f32 v10, v13;
	v18 =	vmul.f32 v18, v30  }
0x14f: {  	v38 =	vpop (erf);
	v21 =	vmin.f32 v21, $4.199999810e+00;
	v19 =	vadd.f32 $1.523707310e-05, v19;
	v23 =	vadd.f32 $1.523707310e-05, v35  }
0x150: {  	(v2sf) =	vpush v38, $0x0;
	v36 =	vmul.f32 v21, v21;
	v18 =	vadd.f32 $-2.801223600e-04, v18  }
0x151: {  	v10 =	vadd.f32 $-2.158658580e-02, v10;
	v19 =	vmul.f32 v19, v31;
	v23 =	vmul.f32 v23, v22  }
0x152: {  	(v2sf) =	vpush v11, $0x0;
	v37 =	vmul.f32 $5.701379810e-09, v36;
	v18 =	vmul.f32 v18, v30  }
0x153: {  	v51 =	vld [tilespmem:s2+$0x2930];
	v10 =	vmul.f32 v10, v13;
	v19 =	vadd.f32 $-2.801223600e-04, v19;
	v23 =	vadd.f32 $-2.801223600e-04, v23  }
0x154: {  	v48 =	vmax.f32 v46, $-4.199999810e+00;
	v25 =	vadd.f32 $-4.545474610e-07, v37;
	v18 =	vadd.f32 $3.101555160e-03, v18  }
0x155: {  	v52 =	vld [tilespmem:s2+$0xC930];
	v10 =	vadd.f32 $9.800058600e-02, v10;
	v19 =	vmul.f32 v19, v31;
	v23 =	vmul.f32 v23, v22  }
0x156: {  	v14 =	vmin.f32 v48, $4.199999810e+00;
	v25 =	vmul.f32 v25, v36;
	v18 =	vmul.f32 v18, v30  }
0x157: {  	v56 =	vld [tilespmem:s2+$0x2CC0];
	v10 =	vmul.f32 v10, v13;
	v19 =	vadd.f32 $3.101555160e-03, v19;
	v23 =	vadd.f32 $3.101555160e-03, v23  }
0x158: {  	s1 =	sshra.s32 s13, $0x2;
	v57 =	vld [tilespmem:s2+$0xCCC0];
	v50 =	vmul.f32 v14, v14;
	v25 =	vadd.f32 $1.523707310e-05, v25;
	v18 =	vadd.f32 $-2.158658580e-02, v18  }
0x159: {  	v26 =	vadd.f32 $-3.161242600e-01, v10;
	v10 =	vld [tilespmem:s1+$0x168C0];
	v19 =	vmul.f32 v19, v31;
	v41 =	vmul.f32 v23, v22  }
0x15a: {  	v45 =	vld [tilespmem:s2+$0x2920];
	v25 =	vmul.f32 v25, v36;
	v23 =	vadd.f32 v52, v51;
	v18 =	vmul.f32 v18, v30  }
0x15b: {  	v47 =	vld [tilespmem:s2+$0xC920];
	v13 =	vmul.f32 v26, v13;
	v19 =	vadd.f32 $-2.158658580e-02, v19;
	v43 =	vadd.f32 $-2.158658580e-02, v41  }
0x15c: {  	v53 =	vmul.f32 $5.701379810e-09, v50;
	v44 =	vadd.f32 $-2.801223600e-04, v25;
	v18 =	vadd.f32 $9.800058600e-02, v18  }
0x15d: {  	v59 =	vmax.f32 v23, $-4.199999810e+00;
	v13 =	vadd.f32 $9.984869950e-01, v13;
	v19 =	vmul.f32 v19, v31  }
0x15e: {  	v25 =	vadd.f32 v57, v56;
	v42 =	vbroadcast v10, $0x0;
	v18 =	vmul.f32 v18, v30  }
0x15f: {  	v12 =	vmul.f32 v13, v61;
	v13 =	vmul.f32 v43, v22;
	v40 =	vadd.f32 $9.800058600e-02, v19  }
0x160: {  	v54 =	vbroadcast v10, $0x1;
	v19 =	vadd.f32 v47, v45;
	v18 =	vadd.f32 $-3.161242600e-01, v18  }
0x161: {  	v52 =	vbroadcast v10, $0x3;
	v13 =	vadd.f32 $9.800058600e-02, v13;
	v11 =	vmul.f32 v40, v31  }
0x162: {  	v19 =	vmax.f32 v19, $-4.199999810e+00;
	v17 =	vmul.f32 v18, v30;
	v18 =	vmul.f32 v44, v36  }
0x163: {  	v13 =	vmul.f32 v13, v22;
	v19 =	vmin.f32 v19, $4.199999810e+00;
	v11 =	vadd.f32 $-3.161242600e-01, v11  }
0x164: {  	v12 =	vmul.f32 v12, v42;
	v55 =	vmul.f32 v19, v19;
	v17 =	vadd.f32 $9.984869950e-01, v17  }
0x165: {  	v49 =	vadd.f32 $3.101555160e-03, v18;
	v13 =	vadd.f32 $-3.161242600e-01, v13;
	v11 =	vmul.f32 v11, v31  }
0x166: {  	v28 =	vmul.f32 $5.701379810e-09, v55;
	v31 =	vmax.f32 v25, $-4.199999810e+00;
	v15 =	vmul.f32 v17, v63  }
0x167: {  	v17 =	vmul.f32 v49, v36;
	v13 =	vmul.f32 v13, v22;
	v24 =	vmin.f32 v31, $4.199999810e+00  }
0x168: {  	v31 =	vbroadcast v10, $0x2;
	v11 =	vadd.f32 $9.984869950e-01, v11;
	v60 =	vadd.f32 $-4.545474610e-07, v28  }
0x169: {  	v15 =	vmul.f32 v15, v42;
	v17 =	vadd.f32 $-2.158658580e-02, v17;
	v13 =	vadd.f32 $9.984869950e-01, v13  }
0x16a: {  	v11 =	vmul.f32 v11, v20;
	v20 =	vadd.f32 $-4.545474610e-07, v53;
	v23 =	vmul.f32 v60, v55  }
0x16b: {  	v12 =	vadd.f32 $0.0e+00, v12;
	v17 =	vmul.f32 v17, v36;
	v13 =	vmul.f32 v13, v16  }
0x16c: {  	v62 =	vld [tilespmem:s2+$0x2CD0];
	v15 =	vadd.f32 $0.0e+00, v15;
	v20 =	vmul.f32 v20, v50;
	v23 =	vadd.f32 $1.523707310e-05, v23  }
0x16d: {  	v63 =	vld [tilespmem:s2+$0xCCD0];
	v11 =	vmul.f32 v11, v54;
	v17 =	vadd.f32 $9.800058600e-02, v17;
	v13 =	vmul.f32 v13, v54  }
0x16e: {  	v48 =	vld [tilespmem:s2+$0x2CF0];
	v58 =	vadd.f32 $1.523707310e-05, v20;
	v20 =	vmin.f32 v59, $4.199999810e+00;
	v33 =	vmul.f32 v23, v55  }
0x16f: {  	v49 =	vld [tilespmem:s2+$0xCCF0];
	v17 =	vmul.f32 v17, v36;
	v61 =	vmul.f32 v20, v20  }
0x170: {  	v12 =	vadd.f32 v11, v12;
	v13 =	vadd.f32 v13, v15;
	v11 =	vmul.f32 v58, v50  }
0x171: {  	v15 =	vadd.f32 $-2.801223600e-04, v33;
	v17 =	vadd.f32 $-3.161242600e-01, v17;
	v30 =	vmul.f32 $5.701379810e-09, v61  }
0x172: {  	v34 =	vmul.f32 v24, v24;
	v35 =	vadd.f32 v63, v62;
	v11 =	vadd.f32 $-2.801223600e-04, v11  }
0x173: {  	v42 =	vld [tilespmem:s2+$0x2CE0];
	v15 =	vmul.f32 v15, v55;
	v17 =	vmul.f32 v17, v36;
	v32 =	vadd.f32 $-4.545474610e-07, v30  }
0x174: {  	v57 =	vadd.f32 v49, v48;
	v36 =	vmul.f32 $5.701379810e-09, v34;
	v30 =	vld [tilespmem:s2+$0xCCE0];
	v11 =	vmul.f32 v11, v50  }
0x175: {  	v15 =	vadd.f32 $3.101555160e-03, v15;
	v25 =	vmul.f32 v32, v61;
	v17 =	vadd.f32 $9.984869950e-01, v17  }
0x176: {  	v60 =	vmax.f32 v57, $-4.199999810e+00;
	v38 =	vadd.f32 $-4.545474610e-07, v36;
	v11 =	vadd.f32 $3.101555160e-03, v11  }
0x177: {  	v15 =	vmul.f32 v15, v55;
	v25 =	vadd.f32 $1.523707310e-05, v25;
	v17 =	vmul.f32 v17, v21  }
0x178: {  	v41 =	vmul.f32 v38, v34;
	v37 =	vmul.f32 v11, v50;
	v11 =	vmax.f32 v35, $-4.199999810e+00  }
0x179: {  	v15 =	vadd.f32 $-2.158658580e-02, v15;
	v26 =	vadd.f32 v30, v42;
	v11 =	vmin.f32 v11, $4.199999810e+00  }
0x17a: {  	v25 =	vmul.f32 v25, v61;
	v21 =	vadd.f32 $1.523707310e-05, v41;
	v17 =	vmul.f32 v17, v31  }
0x17b: {  	v38 =	vld [tilespmem:s2+$0xCD20];
	v39 =	vadd.f32 $-2.158658580e-02, v37;
	v40 =	vmul.f32 v11, v11;
	v15 =	vmul.f32 v15, v55  }
0x17c: {  	v26 =	vmax.f32 v26, $-4.199999810e+00;
	v37 =	vld [tilespmem:s2+$0x2D20];
	v25 =	vadd.f32 $-2.801223600e-04, v25;
	v21 =	vmul.f32 v21, v34  }
0x17d: {  	v26 =	vmin.f32 v26, $4.199999810e+00;
	v27 =	vmul.f32 v39, v50;
	v29 =	vmul.f32 $5.701379810e-09, v40  }
0x17e: {  	v15 =	vadd.f32 $9.800058600e-02, v15;
	v30 =	vmul.f32 v26, v26;
	v25 =	vmul.f32 v25, v61  }
0x17f: {  	v39 =	vbroadcast v10, $0x4;
	v21 =	vadd.f32 $-2.801223600e-04, v21;
	v27 =	vadd.f32 $9.800058600e-02, v27  }
0x180: {  	v29 =	vadd.f32 $-4.545474610e-07, v29;
	v15 =	vmul.f32 v15, v55;
	v25 =	vadd.f32 $3.101555160e-03, v25  }
0x181: {  	v44 =	vmul.f32 $5.701379810e-09, v30;
	v21 =	vmul.f32 v21, v34;
	v23 =	vadd.f32 v38, v37  }
0x182: {  	v29 =	vmul.f32 v29, v40;
	v15 =	vadd.f32 $-3.161242600e-01, v15;
	v25 =	vmul.f32 v25, v61  }
0x183: {  	v27 =	vmul.f32 v27, v50;
	v45 =	vadd.f32 $-4.545474610e-07, v44;
	v21 =	vadd.f32 $3.101555160e-03, v21  }
0x184: {  	v23 =	vmax.f32 v23, $-4.199999810e+00;
	v29 =	vadd.f32 $1.523707310e-05, v29;
	v25 =	vadd.f32 $-2.158658580e-02, v25  }
0x185: {  	v27 =	vadd.f32 $-3.161242600e-01, v27;
	v15 =	vmul.f32 v15, v55;
	v22 =	vmul.f32 v45, v30  }
0x186: {  	v23 =	vmin.f32 v23, $4.199999810e+00;
	v29 =	vmul.f32 v29, v40;
	v25 =	vmul.f32 v25, v61  }
0x187: {  	v21 =	vmul.f32 v21, v34;
	v44 =	vmul.f32 v23, v23;
	v15 =	vadd.f32 $9.984869950e-01, v15  }
0x188: {  	v56 =	vld [tilespmem:s2+$0x2D00];
	v18 =	vmul.f32 v27, v50;
	v43 =	vadd.f32 $-2.801223600e-04, v29;
	v25 =	vadd.f32 $9.800058600e-02, v25  }
0x189: {  	v58 =	vld [tilespmem:s2+$0xCD00];
	v51 =	vadd.f32 $1.523707310e-05, v22;
	v21 =	vadd.f32 $-2.158658580e-02, v21;
	v15 =	vmul.f32 v15, v19  }
0x18a: {  	v18 =	vadd.f32 $9.984869950e-01, v18;
	v27 =	vmul.f32 v43, v40;
	v46 =	vmul.f32 v25, v61  }
0x18b: {  	v12 =	vadd.f32 v17, v12;
	v55 =	vmul.f32 v51, v30;
	v21 =	vmul.f32 v21, v34  }
0x18c: {  	v14 =	vmul.f32 v18, v14;
	v47 =	vadd.f32 $3.101555160e-03, v27;
	v18 =	vadd.f32 $-3.161242600e-01, v46  }
0x18d: {  	v59 =	vld [tilespmem:s2+$0x2D10];
	v15 =	vmul.f32 v15, v52;
	v19 =	vadd.f32 $-2.801223600e-04, v55;
	v50 =	vadd.f32 $9.800058600e-02, v21  }
0x18e: {  	v57 =	vld [tilespmem:s2+$0x30C0];
	v21 =	vadd.f32 v58, v56;
	v25 =	vmul.f32 v47, v40;
	v16 =	vmul.f32 v18, v61  }
0x18f: {  	v56 =	vbroadcast v10, $0x5;
	v58 =	vld [tilespmem:s2+$0xD0C0];
	v14 =	vmul.f32 v14, v31;
	v12 =	vadd.f32 v15, v12  }
0x190: {  	v19 =	vmul.f32 v19, v30;
	v61 =	vld [tilespmem:s2+$0xCD10];
	v53 =	vadd.f32 $-2.158658580e-02, v25;
	v16 =	vadd.f32 $9.984869950e-01, v16  }
0x191: {  	v54 =	vmul.f32 v50, v34;
	v21 =	vmax.f32 v21, $-4.199999810e+00;
	v13 =	vadd.f32 v14, v13  }
0x192: {  	v18 =	vmul.f32 v53, v40;
	v16 =	vmul.f32 v16, v20;
	v20 =	vmin.f32 v60, $4.199999810e+00  }
0x193: {  	v21 =	vmin.f32 v21, $4.199999810e+00;
	v47 =	vmul.f32 $5.701379810e-09, v44;
	v63 =	vmul.f32 v20, v20  }
0x194: {  	v17 =	vadd.f32 $-3.161242600e-01, v54;
	v15 =	vmul.f32 v21, v21;
	v18 =	vadd.f32 $9.800058600e-02, v18  }
0x195: {  	v27 =	vadd.f32 v58, v57;
	v36 =	vadd.f32 v61, v59;
	v35 =	vmul.f32 $5.701379810e-09, v63  }
0x196: {  	v17 =	vmul.f32 v17, v34;
	v34 =	vadd.f32 $3.101555160e-03, v19;
	v62 =	vmul.f32 v18, v40  }
0x197: {  	v33 =	vmul.f32 v16, v52;
	v22 =	vmax.f32 v36, $-4.199999810e+00;
	v19 =	vadd.f32 $-4.545474610e-07, v35  }
0x198: {  	v16 =	vmul.f32 v34, v30;
	v22 =	vmin.f32 v22, $4.199999810e+00;
	v14 =	vadd.f32 $-3.161242600e-01, v62  }
0x199: {  	v17 =	vadd.f32 $9.984869950e-01, v17;
	v25 =	vmul.f32 v22, v22;
	v19 =	vmul.f32 v19, v63  }
0x19a: {  	v16 =	vadd.f32 $-2.158658580e-02, v16;
	v14 =	vmul.f32 v14, v40;
	v40 =	vmul.f32 $5.701379810e-09, v15  }
0x19b: {  	v17 =	vmul.f32 v17, v24;
	v41 =	vmul.f32 $5.701379810e-09, v25;
	v19 =	vadd.f32 $1.523707310e-05, v19  }
0x19c: {  	v27 =	vmax.f32 v27, $-4.199999810e+00;
	v16 =	vmul.f32 v16, v30;
	v42 =	vadd.f32 $-4.545474610e-07, v40  }
0x19d: {  	v17 =	vmul.f32 v17, v39;
	v43 =	vadd.f32 $-4.545474610e-07, v41;
	v19 =	vmul.f32 v19, v63  }
0x19e: {  	v48 =	vld [tilespmem:s2+$0x2D30];
	v13 =	vadd.f32 v33, v13;
	v16 =	vadd.f32 $9.800058600e-02, v16;
	v24 =	vmul.f32 v42, v15  }
0x19f: {  	v50 =	vld [tilespmem:s2+$0xCD30];
	v12 =	vadd.f32 v17, v12;
	v28 =	vmul.f32 v43, v25;
	v19 =	vadd.f32 $-2.801223600e-04, v19  }
0x1a0: {  	v14 =	vadd.f32 $9.984869950e-01, v14;
	v16 =	vmul.f32 v16, v30;
	v45 =	vadd.f32 $1.523707310e-05, v24  }
0x1a1: {  	v40 =	vbroadcast v10, $0x6;
	v46 =	vadd.f32 $1.523707310e-05, v28;
	v19 =	vmul.f32 v19, v63  }
0x1a2: {  	v11 =	vmul.f32 v14, v11;
	v16 =	vadd.f32 $-3.161242600e-01, v16;
	v14 =	vmul.f32 v45, v15  }
0x1a3: {  	v28 =	vadd.f32 $-4.545474610e-07, v47;
	v49 =	vmul.f32 v46, v25;
	v19 =	vadd.f32 $3.101555160e-03, v19  }
0x1a4: {  	v11 =	vmul.f32 v11, v39;
	v24 =	vadd.f32 v50, v48;
	v14 =	vadd.f32 $-2.801223600e-04, v14  }
0x1a5: {  	v51 =	vmul.f32 v28, v44;
	v17 =	vadd.f32 $-2.801223600e-04, v49;
	v19 =	vmul.f32 v19, v63  }
0x1a6: {  	v16 =	vmul.f32 v16, v30;
	v24 =	vmax.f32 v24, $-4.199999810e+00;
	v52 =	vmul.f32 v14, v15  }
0x1a7: {  	v55 =	vadd.f32 $1.523707310e-05, v51;
	v53 =	vmul.f32 v17, v25;
	v19 =	vadd.f32 $-2.158658580e-02, v19  }
0x1a8: {  	v11 =	vadd.f32 v11, v13;
	v24 =	vmin.f32 v24, $4.199999810e+00;
	v13 =	vadd.f32 $3.101555160e-03, v52  }
0x1a9: {  	v14 =	vadd.f32 $3.101555160e-03, v53;
	v54 =	vmul.f32 v19, v63;
	v19 =	vmul.f32 v55, v44  }
0x1aa: {  	v27 =	vmin.f32 v27, $4.199999810e+00;
	v59 =	vmul.f32 v24, v24;
	v13 =	vmul.f32 v13, v15  }
0x1ab: {  	v41 =	vld [tilespmem:s2+$0x30E0];
	v14 =	vmul.f32 v14, v25;
	v17 =	vadd.f32 $9.800058600e-02, v54;
	v19 =	vadd.f32 $-2.801223600e-04, v19  }
0x1ac: {  	v16 =	vadd.f32 $9.984869950e-01, v16;
	v60 =	vmul.f32 $5.701379810e-09, v59;
	v13 =	vadd.f32 $-2.158658580e-02, v13  }
0x1ad: {  	v42 =	vld [tilespmem:s2+$0xD0E0];
	v14 =	vadd.f32 $-2.158658580e-02, v14;
	v17 =	vmul.f32 v17, v63;
	v19 =	vmul.f32 v19, v44  }
0x1ae: {  	v32 =	vld [tilespmem:s2+$0xD0D0];
	v16 =	vmul.f32 v16, v26;
	v62 =	vadd.f32 $-4.545474610e-07, v60;
	v13 =	vmul.f32 v13, v15  }
0x1af: {  	v38 =	vld [tilespmem:s2+$0x30D0];
	v14 =	vmul.f32 v14, v25;
	v17 =	vadd.f32 $-3.161242600e-01, v17;
	v61 =	vadd.f32 $3.101555160e-03, v19  }
0x1b0: {  	v16 =	vmul.f32 v16, v56;
	v13 =	vadd.f32 $9.800058600e-02, v13;
	v19 =	vmul.f32 v62, v59  }
0x1b1: {  	v14 =	vadd.f32 $9.800058600e-02, v14;
	v17 =	vmul.f32 v17, v63;
	v18 =	vmul.f32 v61, v44  }
0x1b2: {  	v49 =	vadd.f32 v42, v41;
	v13 =	vmul.f32 v13, v15;
	v63 =	vmul.f32 v27, v27  }
0x1b3: {  	v43 =	vld [tilespmem:s2+$0x30F0];
	v35 =	vmul.f32 v14, v25;
	v19 =	vadd.f32 $1.523707310e-05, v19;
	v14 =	vadd.f32 v16, v12  }
0x1b4: {  	v50 =	vbroadcast v10, $0x7;
	v45 =	vld [tilespmem:s2+$0xD0F0];
	v16 =	vadd.f32 v32, v38;
	v18 =	vadd.f32 $-2.158658580e-02, v18  }
0x1b5: {  	v17 =	vadd.f32 $9.984869950e-01, v17;
	v36 =	vadd.f32 $-3.161242600e-01, v13;
	v37 =	vmul.f32 $5.701379810e-09, v63  }
0x1b6: {  	v31 =	vadd.f32 $-3.161242600e-01, v35;
	v19 =	vmul.f32 v19, v59;
	v18 =	vmul.f32 v18, v44  }
0x1b7: {  	v34 =	vld [tilespmem:s2+$0x3110];
	v16 =	vmax.f32 v16, $-4.199999810e+00;
	v17 =	vmul.f32 v17, v20;
	v12 =	vmul.f32 v36, v15  }
0x1b8: {  	v35 =	vld [tilespmem:s2+$0xD110];
	v13 =	vadd.f32 $-4.545474610e-07, v37;
	v39 =	vmul.f32 v31, v25;
	v25 =	vmin.f32 v16, $4.199999810e+00  }
0x1b9: {  	v51 =	vld [tilespmem:s2+$0x3100];
	v19 =	vadd.f32 $-2.801223600e-04, v19;
	v16 =	vadd.f32 v45, v43;
	v31 =	vmul.f32 v25, v25  }
0x1ba: {  	v52 =	vld [tilespmem:s2+$0xD100];
	v18 =	vadd.f32 $9.800058600e-02, v18;
	v17 =	vmul.f32 v17, v56;
	v12 =	vadd.f32 $9.984869950e-01, v12  }
0x1bb: {  	v13 =	vmul.f32 v13, v63;
	v15 =	vadd.f32 $9.984869950e-01, v39;
	v16 =	vmax.f32 v16, $-4.199999810e+00  }
0x1bc: {  	v19 =	vmul.f32 v19, v59;
	v48 =	vmul.f32 $5.701379810e-09, v31;
	v29 =	vmin.f32 v16, $4.199999810e+00  }
0x1bd: {  	v62 =	vadd.f32 v35, v34;
	v18 =	vmul.f32 v18, v44;
	v13 =	vadd.f32 $1.523707310e-05, v13  }
0x1be: {  	v12 =	vmul.f32 v12, v21;
	v19 =	vadd.f32 $3.101555160e-03, v19;
	v15 =	vmul.f32 v15, v22  }
0x1bf: {  	v56 =	vmul.f32 v29, v29;
	v21 =	vadd.f32 v52, v51;
	v13 =	vmul.f32 v13, v63  }
0x1c0: {  	v18 =	vadd.f32 $-3.161242600e-01, v18;
	v19 =	vmul.f32 v19, v59;
	v26 =	vmul.f32 v12, v40  }
0x1c1: {  	v12 =	vmul.f32 v15, v40;
	v57 =	vmul.f32 $5.701379810e-09, v56;
	v21 =	vmax.f32 v21, $-4.199999810e+00  }
0x1c2: {  	v18 =	vmul.f32 v18, v44;
	v44 =	vadd.f32 $-2.801223600e-04, v13;
	v47 =	vadd.f32 $-2.158658580e-02, v19  }
0x1c3: {  	v21 =	vmin.f32 v21, $4.199999810e+00;
	v13 =	vadd.f32 v17, v11;
	v17 =	vadd.f32 $-4.545474610e-07, v48  }
0x1c4: {  	v19 =	vmax.f32 v49, $-4.199999810e+00;
	v22 =	vadd.f32 $-4.545474610e-07, v57;
	v11 =	vmul.f32 v44, v63  }
0x1c5: {  	v30 =	vmul.f32 v21, v21;
	v46 =	vadd.f32 $9.984869950e-01, v18;
	v18 =	vmul.f32 v47, v59  }
0x1c6: {  	v19 =	vmin.f32 v19, $4.199999810e+00;
	v17 =	vmul.f32 v17, v31;
	v11 =	vadd.f32 $3.101555160e-03, v11  }
0x1c7: {  	v53 =	vmul.f32 v19, v19;
	v22 =	vmul.f32 v22, v56;
	v18 =	vadd.f32 $9.800058600e-02, v18  }
0x1c8: {  	v14 =	vadd.f32 v26, v14;
	v17 =	vadd.f32 $1.523707310e-05, v17;
	v11 =	vmul.f32 v11, v63  }
0x1c9: {  	v55 =	vmul.f32 $5.701379810e-09, v53;
	v22 =	vadd.f32 $1.523707310e-05, v22;
	v18 =	vmul.f32 v18, v59  }
0x1ca: {  	v15 =	vmul.f32 v46, v23;
	v17 =	vmul.f32 v17, v31;
	v11 =	vadd.f32 $-2.158658580e-02, v11  }
0x1cb: {  	v22 =	vmul.f32 v22, v56;
	v54 =	vadd.f32 $-3.161242600e-01, v18;
	v18 =	vadd.f32 $-4.545474610e-07, v55  }
0x1cc: {  	v33 =	vmul.f32 $5.701379810e-09, v30;
	v15 =	vmul.f32 v15, v50;
	v17 =	vadd.f32 $-2.801223600e-04, v17  }
0x1cd: {  	v22 =	vadd.f32 $-2.801223600e-04, v22;
	v11 =	vmul.f32 v11, v63;
	v18 =	vmul.f32 v18, v53  }
0x1ce: {  	v58 =	vadd.f32 $-4.545474610e-07, v33;
	v16 =	vmul.f32 v54, v59;
	v17 =	vmul.f32 v17, v31  }
0x1cf: {  	v22 =	vmul.f32 v22, v56;
	v11 =	vadd.f32 $9.800058600e-02, v11;
	v18 =	vadd.f32 $1.523707310e-05, v18  }
0x1d0: {  	v60 =	vmul.f32 v58, v30;
	v16 =	vadd.f32 $9.984869950e-01, v16;
	v17 =	vadd.f32 $3.101555160e-03, v17  }
0x1d1: {  	v22 =	vadd.f32 $3.101555160e-03, v22;
	v11 =	vmul.f32 v11, v63;
	v18 =	vmul.f32 v18, v53  }
0x1d2: {  	v12 =	vadd.f32 v12, v13;
	v16 =	vmul.f32 v16, v24;
	v17 =	vmul.f32 v17, v31  }
0x1d3: {  	v24 =	vmax.f32 v62, $-4.199999810e+00;
	v22 =	vmul.f32 v22, v56;
	v11 =	vadd.f32 $-3.161242600e-01, v11  }
0x1d4: {  	v24 =	vmin.f32 v24, $4.199999810e+00;
	v18 =	vadd.f32 $-2.801223600e-04, v18;
	v59 =	vadd.f32 $-2.158658580e-02, v17  }
0x1d5: {  	v17 =	vadd.f32 $1.523707310e-05, v60;
	v40 =	vmul.f32 v24, v24;
	v28 =	vmul.f32 v11, v63  }
0x1d6: {  	v41 =	vld [tilespmem:s2+$0xD120];
	v14 =	vadd.f32 v15, v14;
	v11 =	vmul.f32 v16, v50;
	v18 =	vmul.f32 v18, v53  }
0x1d7: {  	v44 =	vadd.f32 $-2.158658580e-02, v22;
	v16 =	vmul.f32 v59, v31;
	v17 =	vmul.f32 v17, v30;
	v63 =	vld [tilespmem:s2+$0x3120]  }
0x1d8: {  	v36 =	vmul.f32 $5.701379810e-09, v40;
	v61 =	vadd.f32 $9.984869950e-01, v28;
	v18 =	vadd.f32 $3.101555160e-03, v18  }
0x1d9: {  	v42 =	vbroadcast v10, $0x8;
	v37 =	vld [tilespmem:s2+$0xD4E0];
	v16 =	vadd.f32 $9.800058600e-02, v16;
	v17 =	vadd.f32 $-2.801223600e-04, v17  }
0x1da: {  	v46 =	vadd.f32 $-4.545474610e-07, v36;
	v36 =	vld [tilespmem:s2+$0x34E0];
	v20 =	vmul.f32 v61, v27;
	v18 =	vmul.f32 v18, v53  }
0x1db: {  	v11 =	vadd.f32 v11, v12;
	v16 =	vmul.f32 v16, v31;
	v17 =	vmul.f32 v17, v30  }
0x1dc: {  	v47 =	vmul.f32 v46, v40;
	v27 =	vadd.f32 v41, v63;
	v63 =	vbroadcast v10, $0xA  }
0x1dd: {  	v18 =	vadd.f32 $-2.158658580e-02, v18;
	v43 =	vadd.f32 $-3.161242600e-01, v16;
	v16 =	vmul.f32 v20, v42  }
0x1de: {  	v17 =	vadd.f32 $3.101555160e-03, v17;
	v20 =	vmul.f32 v44, v56;
	v26 =	vadd.f32 $1.523707310e-05, v47  }
0x1df: {  	v27 =	vmax.f32 v27, $-4.199999810e+00;
	v32 =	vadd.f32 v37, v36;
	v18 =	vmul.f32 v18, v53  }
0x1e0: {  	v45 =	vmul.f32 v43, v31;
	v17 =	vmul.f32 v17, v30;
	v20 =	vadd.f32 $9.800058600e-02, v20  }
0x1e1: {  	v49 =	vld [tilespmem:s2+$0x3130];
	v27 =	vmin.f32 v27, $4.199999810e+00;
	v26 =	vmul.f32 v26, v40;
	v14 =	vadd.f32 v16, v14  }
0x1e2: {  	v57 =	vld [tilespmem:s2+$0xD4C0];
	v48 =	vmul.f32 v27, v27;
	v32 =	vmax.f32 v32, $-4.199999810e+00;
	v18 =	vadd.f32 $9.800058600e-02, v18  }
0x1e3: {  	v55 =	vld [tilespmem:s2+$0x34C0];
	v17 =	vadd.f32 $-2.158658580e-02, v17;
	v22 =	vadd.f32 $9.984869950e-01, v45;
	v20 =	vmul.f32 v20, v56  }
0x1e4: {  	v47 =	vld [tilespmem:s2+$0xD4F0];
	v52 =	vadd.f32 $-2.801223600e-04, v26;
	v51 =	vmul.f32 $5.701379810e-09, v48;
	v18 =	vmul.f32 v18, v53  }
0x1e5: {  	v32 =	vmin.f32 v32, $4.199999810e+00;
	v45 =	vld [tilespmem:s2+$0x34F0];
	v17 =	vmul.f32 v17, v30;
	v22 =	vmul.f32 v22, v25  }
0x1e6: {  	v50 =	vld [tilespmem:s2+$0xD130];
	v20 =	vadd.f32 $-3.161242600e-01, v20;
	v23 =	vmul.f32 v52, v40;
	v25 =	vadd.f32 $-4.545474610e-07, v51  }
0x1e7: {  	v18 =	vadd.f32 $-3.161242600e-01, v18;
	v17 =	vadd.f32 $9.800058600e-02, v17;
	v22 =	vmul.f32 v22, v42  }
0x1e8: {  	v20 =	vmul.f32 v20, v56;
	v54 =	vadd.f32 $3.101555160e-03, v23;
	v56 =	vbroadcast v10, $0x9  }
0x1e9: {  	v23 =	vadd.f32 v57, v55;
	v42 =	vmul.f32 v32, v32;
	v55 =	vbroadcast v10, $0xB  }
0x1ea: {  	v59 =	vld [tilespmem:s2+$0x34D0];
	v25 =	vmul.f32 v25, v48;
	v51 =	vadd.f32 v47, v45;
	v18 =	vmul.f32 v18, v53  }
0x1eb: {  	v61 =	vld [tilespmem:s2+$0xD4D0];
	v17 =	vmul.f32 v17, v30;
	v20 =	vadd.f32 $9.984869950e-01, v20;
	v53 =	vadd.f32 v50, v49  }
0x1ec: {  	v23 =	vmax.f32 v23, $-4.199999810e+00;
	v43 =	vmul.f32 $5.701379810e-09, v42;
	v25 =	vadd.f32 $1.523707310e-05, v25  }
0x1ed: {  	v23 =	vmin.f32 v23, $4.199999810e+00;
	v18 =	vadd.f32 $9.984869950e-01, v18;
	v17 =	vadd.f32 $-3.161242600e-01, v17  }
0x1ee: {  	v26 =	vmax.f32 v53, $-4.199999810e+00;
	v20 =	vmul.f32 v20, v29;
	v33 =	vmul.f32 v23, v23  }
0x1ef: {  	v26 =	vmin.f32 v26, $4.199999810e+00;
	v58 =	vmul.f32 v25, v48;
	v18 =	vmul.f32 v18, v19  }
0x1f0: {  	v29 =	vadd.f32 v61, v59;
	v17 =	vmul.f32 v17, v30;
	v25 =	vmul.f32 v26, v26  }
0x1f1: {  	v11 =	vadd.f32 v22, v11;
	v19 =	vmul.f32 v54, v40;
	v20 =	vmul.f32 v20, v56  }
0x1f2: {  	v29 =	vmax.f32 v29, $-4.199999810e+00;
	v13 =	vadd.f32 $-2.801223600e-04, v58;
	v60 =	vmul.f32 $5.701379810e-09, v25  }
0x1f3: {  	v38 =	vmul.f32 $5.701379810e-09, v33;
	v29 =	vmin.f32 v29, $4.199999810e+00;
	v19 =	vadd.f32 $-2.158658580e-02, v19  }
0x1f4: {  	v17 =	vadd.f32 $9.984869950e-01, v17;
	v13 =	vmul.f32 v13, v48;
	v62 =	vadd.f32 $-4.545474610e-07, v60  }
0x1f5: {  	v46 =	vadd.f32 $-4.545474610e-07, v43;
	v35 =	vmul.f32 v29, v29;
	v19 =	vmul.f32 v19, v40  }
0x1f6: {  	v17 =	vmul.f32 v17, v21;
	v13 =	vadd.f32 $3.101555160e-03, v13;
	v21 =	vmul.f32 v62, v25  }
0x1f7: {  	v50 =	vmul.f32 v46, v42;
	v58 =	vld [tilespmem:s2+$0xD500];
	v18 =	vmul.f32 v18, v56;
	v19 =	vadd.f32 $9.800058600e-02, v19  }
0x1f8: {  	v56 =	vld [tilespmem:s2+$0x3500];
	v41 =	vmul.f32 $5.701379810e-09, v35;
	v13 =	vmul.f32 v13, v48;
	v21 =	vadd.f32 $1.523707310e-05, v21  }
0x1f9: {  	v39 =	vadd.f32 $-4.545474610e-07, v38;
	v11 =	vadd.f32 v20, v11;
	v19 =	vmul.f32 v19, v40  }
0x1fa: {  	v28 =	vadd.f32 $-4.545474610e-07, v41;
	v13 =	vadd.f32 $-2.158658580e-02, v13;
	v21 =	vmul.f32 v21, v25  }
0x1fb: {  	v54 =	vmax.f32 v51, $-4.199999810e+00;
	v14 =	vadd.f32 v18, v14;
	v19 =	vadd.f32 $-3.161242600e-01, v19  }
0x1fc: {  	v28 =	vmul.f32 v28, v35;
	v13 =	vmul.f32 v13, v48;
	v21 =	vadd.f32 $-2.801223600e-04, v21  }
0x1fd: {  	v60 =	vadd.f32 v58, v56;
	v19 =	vmul.f32 v19, v40;
	v40 =	vmul.f32 v39, v33  }
0x1fe: {  	v44 =	vadd.f32 $1.523707310e-05, v28;
	v13 =	vadd.f32 $9.800058600e-02, v13;
	v21 =	vmul.f32 v21, v25  }
0x1ff: {  	v17 =	vmul.f32 v17, v63;
	v15 =	vadd.f32 $1.523707310e-05, v40;
	v19 =	vadd.f32 $9.984869950e-01, v19  }
0x200: {  	v49 =	vmul.f32 v44, v35;
	v13 =	vmul.f32 v13, v48;
	v21 =	vadd.f32 $3.101555160e-03, v21  }
0x201: {  	v15 =	vmul.f32 v15, v33;
	v19 =	vmul.f32 v19, v24;
	v24 =	vadd.f32 $1.523707310e-05, v50  }
0x202: {  	v40 =	vbroadcast v10, $0xC;
	v13 =	vadd.f32 $-3.161242600e-01, v13;
	v21 =	vmul.f32 v21, v25  }
0x203: {  	v15 =	vadd.f32 $-2.801223600e-04, v15;
	v53 =	vmul.f32 v24, v42;
	v24 =	vmin.f32 v54, $4.199999810e+00  }
0x204: {  	v61 =	vld [tilespmem:s2+$0x3510];
	v14 =	vadd.f32 v17, v14;
	v19 =	vmul.f32 v19, v63;
	v57 =	vmul.f32 v24, v24  }
0x205: {  	v63 =	vld [tilespmem:s2+$0xD510];
	v13 =	vmul.f32 v13, v48;
	v21 =	vadd.f32 $-2.158658580e-02, v21;
	v48 =	vmul.f32 v15, v33  }
0x206: {  	v15 =	vadd.f32 $-2.801223600e-04, v49;
	v11 =	vadd.f32 v19, v11;
	v59 =	vmul.f32 $5.701379810e-09, v57  }
0x207: {  	v13 =	vadd.f32 $9.984869950e-01, v13;
	v21 =	vmul.f32 v21, v25;
	v12 =	vadd.f32 $3.101555160e-03, v48  }
0x208: {  	v49 =	vbroadcast v10, $0xD;
	v15 =	vmul.f32 v15, v35;
	v22 =	vadd.f32 $-4.545474610e-07, v59  }
0x209: {  	v13 =	vmul.f32 v13, v27;
	v21 =	vadd.f32 $9.800058600e-02, v21;
	v12 =	vmul.f32 v12, v33  }
0x20a: {  	v38 =	vadd.f32 v63, v61;
	v15 =	vadd.f32 $3.101555160e-03, v15;
	v22 =	vmul.f32 v22, v57  }
0x20b: {  	v52 =	vmul.f32 v21, v25;
	v12 =	vadd.f32 $-2.158658580e-02, v12;
	v21 =	vadd.f32 $-2.801223600e-04, v53  }
0x20c: {  	v41 =	vld [tilespmem:s2+$0xD520];
	v13 =	vmul.f32 v13, v55;
	v15 =	vmul.f32 v15, v35;
	v22 =	vadd.f32 $1.523707310e-05, v22  }
0x20d: {  	v50 =	vld [tilespmem:s2+$0x38C0];
	v16 =	vadd.f32 $-3.161242600e-01, v52;
	v12 =	vmul.f32 v12, v33;
	v21 =	vmul.f32 v21, v42  }
0x20e: {  	v13 =	vadd.f32 v13, v14;
	v15 =	vadd.f32 $-2.158658580e-02, v15;
	v52 =	vld [tilespmem:s2+$0xD8C0];
	v36 =	vmul.f32 v22, v57  }
0x20f: {  	v39 =	vld [tilespmem:s2+$0x3520];
	v16 =	vmul.f32 v16, v25;
	v12 =	vadd.f32 $9.800058600e-02, v12;
	v21 =	vadd.f32 $3.101555160e-03, v21  }
0x210: {  	v15 =	vmul.f32 v15, v35;
	v25 =	vmax.f32 v60, $-4.199999810e+00;
	v20 =	vadd.f32 $-2.801223600e-04, v36  }
0x211: {  	v25 =	vmin.f32 v25, $4.199999810e+00;
	v16 =	vadd.f32 $9.984869950e-01, v16;
	v21 =	vmul.f32 v21, v42  }
0x212: {  	v12 =	vmul.f32 v12, v33;
	v15 =	vadd.f32 $9.800058600e-02, v15;
	v20 =	vmul.f32 v20, v57  }
0x213: {  	v31 =	vadd.f32 v52, v50;
	v16 =	vmul.f32 v16, v26;
	v21 =	vadd.f32 $-2.158658580e-02, v21  }
0x214: {  	v12 =	vadd.f32 $-3.161242600e-01, v12;
	v15 =	vmul.f32 v15, v35;
	v26 =	vadd.f32 v41, v39  }
0x215: {  	v20 =	vadd.f32 $3.101555160e-03, v20;
	v31 =	vmax.f32 v31, $-4.199999810e+00;
	v62 =	vmul.f32 v21, v42  }
0x216: {  	v21 =	vmul.f32 v25, v25;
	v12 =	vmul.f32 v12, v33;
	v15 =	vadd.f32 $-3.161242600e-01, v15  }
0x217: {  	v16 =	vmul.f32 v16, v55;
	v26 =	vmax.f32 v26, $-4.199999810e+00;
	v31 =	vmin.f32 v31, $4.199999810e+00  }
0x218: {  	v26 =	vmin.f32 v26, $4.199999810e+00;
	v18 =	vadd.f32 $9.800058600e-02, v62;
	v37 =	vmul.f32 $5.701379810e-09, v21  }
0x219: {  	v34 =	vmul.f32 v31, v31;
	v12 =	vadd.f32 $9.984869950e-01, v12;
	v15 =	vmul.f32 v15, v35  }
0x21a: {  	v28 =	vmul.f32 v26, v26;
	v18 =	vmul.f32 v18, v42;
	v22 =	vadd.f32 $-4.545474610e-07, v37  }
0x21b: {  	v62 =	vmul.f32 $5.701379810e-09, v34;
	v12 =	vmul.f32 v12, v23;
	v23 =	vmax.f32 v38, $-4.199999810e+00  }
0x21c: {  	v23 =	vmin.f32 v23, $4.199999810e+00;
	v18 =	vadd.f32 $-3.161242600e-01, v18;
	v22 =	vmul.f32 v22, v21  }
0x21d: {  	v46 =	vld [tilespmem:s2+$0xD530];
	v15 =	vadd.f32 $9.984869950e-01, v15;
	v51 =	vmul.f32 $5.701379810e-09, v28;
	v43 =	vmul.f32 v23, v23  }
0x21e: {  	v44 =	vld [tilespmem:s2+$0x3530];
	v18 =	vmul.f32 v18, v42;
	v22 =	vadd.f32 $1.523707310e-05, v22;
	v42 =	vmul.f32 v20, v57  }
0x21f: {  	v11 =	vadd.f32 v16, v11;
	v15 =	vmul.f32 v15, v29;
	v47 =	vmul.f32 $5.701379810e-09, v43  }
0x220: {  	v12 =	vmul.f32 v12, v40;
	v45 =	vmul.f32 v22, v21;
	v17 =	vadd.f32 $-2.158658580e-02, v42  }
0x221: {  	v36 =	vadd.f32 $-4.545474610e-07, v62;
	v15 =	vmul.f32 v15, v40;
	v48 =	vadd.f32 $-4.545474610e-07, v47  }
0x222: {  	v12 =	vadd.f32 v12, v13;
	v19 =	vadd.f32 $-2.801223600e-04, v45;
	v17 =	vmul.f32 v17, v57  }
0x223: {  	v18 =	vadd.f32 $9.984869950e-01, v18;
	v22 =	vadd.f32 v46, v44;
	v27 =	vmul.f32 v48, v43  }
0x224: {  	v11 =	vadd.f32 v15, v11;
	v19 =	vmul.f32 v19, v21;
	v17 =	vadd.f32 $9.800058600e-02, v17  }
0x225: {  	v18 =	vmul.f32 v18, v32;
	v32 =	vadd.f32 $-4.545474610e-07, v51;
	v27 =	vadd.f32 $1.523707310e-05, v27  }
0x226: {  	v22 =	vmax.f32 v22, $-4.199999810e+00;
	v19 =	vadd.f32 $3.101555160e-03, v19;
	v17 =	vmul.f32 v17, v57  }
0x227: {  	v22 =	vmin.f32 v22, $4.199999810e+00;
	v55 =	vmul.f32 v32, v28;
	v27 =	vmul.f32 v27, v43  }
0x228: {  	v58 =	vld [tilespmem:s2+$0xD8D0];
	v53 =	vmul.f32 v19, v21;
	v19 =	vmul.f32 v22, v22;
	v17 =	vadd.f32 $-3.161242600e-01, v17  }
0x229: {  	v50 =	vld [tilespmem:s2+$0x38E0];
	v18 =	vmul.f32 v18, v49;
	v30 =	vadd.f32 $1.523707310e-05, v55;
	v27 =	vadd.f32 $-2.801223600e-04, v27  }
0x22a: {  	v52 =	vld [tilespmem:s2+$0xD8E0];
	v14 =	vadd.f32 $-2.158658580e-02, v53;
	v54 =	vmul.f32 $5.701379810e-09, v19;
	v17 =	vmul.f32 v17, v57  }
0x22b: {  	v12 =	vadd.f32 v18, v12;
	v30 =	vmul.f32 v30, v28;
	v27 =	vmul.f32 v27, v43;
	v57 =	vld [tilespmem:s2+$0x38D0]  }
0x22c: {  	v14 =	vmul.f32 v14, v21;
	v56 =	vadd.f32 $-4.545474610e-07, v54;
	v17 =	vadd.f32 $9.984869950e-01, v17  }
0x22d: {  	v39 =	vmul.f32 v36, v34;
	v60 =	vadd.f32 $-2.801223600e-04, v30;
	v27 =	vadd.f32 $3.101555160e-03, v27  }
0x22e: {  	v14 =	vadd.f32 $9.800058600e-02, v14;
	v32 =	vmul.f32 v56, v19;
	v17 =	vmul.f32 v17, v24  }
0x22f: {  	v59 =	vmul.f32 v27, v43;
	v27 =	vmul.f32 v60, v28;
	v56 =	vadd.f32 v52, v50  }
0x230: {  	v37 =	vadd.f32 v58, v57;
	v14 =	vmul.f32 v14, v21;
	v32 =	vadd.f32 $1.523707310e-05, v32  }
0x231: {  	v17 =	vmul.f32 v17, v49;
	v24 =	vadd.f32 $-2.158658580e-02, v59;
	v27 =	vadd.f32 $3.101555160e-03, v27  }
0x232: {  	v49 =	vbroadcast v10, $0xE;
	v40 =	vmax.f32 v37, $-4.199999810e+00;
	v61 =	vmul.f32 v32, v19  }
0x233: {  	v14 =	vadd.f32 $-3.161242600e-01, v14;
	v24 =	vmul.f32 v24, v43;
	v29 =	vmin.f32 v40, $4.199999810e+00  }
0x234: {  	v10 =	vbroadcast v10, $0xF;
	v41 =	vmul.f32 v29, v29;
	v63 =	vadd.f32 $-2.801223600e-04, v61  }
0x235: {  	v27 =	vmul.f32 v27, v28;
	v14 =	vmul.f32 v14, v21;
	v24 =	vadd.f32 $9.800058600e-02, v24  }
0x236: {  	v21 =	vadd.f32 $1.523707310e-05, v39;
	v42 =	vmul.f32 $5.701379810e-09, v41;
	v38 =	vmul.f32 v63, v19  }
0x237: {  	v11 =	vadd.f32 v17, v11;
	v27 =	vadd.f32 $-2.158658580e-02, v27;
	v24 =	vmul.f32 v24, v43  }
0x238: {  	v21 =	vmul.f32 v21, v34;
	v44 =	vadd.f32 $-4.545474610e-07, v42;
	v16 =	vadd.f32 $3.101555160e-03, v38  }
0x239: {  	v60 =	vld [tilespmem:s2+$0x3900];
	v14 =	vadd.f32 $9.984869950e-01, v14;
	v27 =	vmul.f32 v27, v28;
	v24 =	vadd.f32 $-3.161242600e-01, v24  }
0x23a: {  	v63 =	vld [tilespmem:s2+$0xD900];
	v21 =	vadd.f32 $-2.801223600e-04, v21;
	v48 =	vmul.f32 v44, v41;
	v16 =	vmul.f32 v16, v19  }
0x23b: {  	v14 =	vmul.f32 v14, v25;
	v20 =	vmul.f32 v24, v43;
	v43 =	vadd.f32 $9.800058600e-02, v27  }
0x23c: {  	v57 =	vld [tilespmem:s2+$0x38F0];
	v46 =	vmul.f32 v21, v34;
	v51 =	vadd.f32 $1.523707310e-05, v48;
	v16 =	vadd.f32 $-2.158658580e-02, v16  }
0x23d: {  	v59 =	vld [tilespmem:s2+$0xD8F0];
	v14 =	vmul.f32 v14, v49;
	v20 =	vadd.f32 $9.984869950e-01, v20;
	v47 =	vmul.f32 v43, v28  }
0x23e: {  	v55 =	vmul.f32 v51, v41;
	v45 =	vmul.f32 v16, v19;
	v16 =	vadd.f32 $3.101555160e-03, v46  }
0x23f: {  	v27 =	vadd.f32 v63, v60;
	v20 =	vmul.f32 v20, v23;
	v21 =	vadd.f32 $-3.161242600e-01, v47  }
0x240: {  	v12 =	vadd.f32 v14, v12;
	v18 =	vadd.f32 $-2.801223600e-04, v55;
	v53 =	vmul.f32 v16, v34  }
0x241: {  	v13 =	vadd.f32 $9.800058600e-02, v45;
	v54 =	vmul.f32 v21, v28;
	v20 =	vmul.f32 v20, v49  }
0x242: {  	v21 =	vmax.f32 v27, $-4.199999810e+00;
	v58 =	vmul.f32 v18, v41;
	v18 =	vadd.f32 v59, v57  }
0x243: {  	v21 =	vmin.f32 v21, $4.199999810e+00;
	v13 =	vmul.f32 v13, v19;
	v15 =	vadd.f32 $-2.158658580e-02, v53  }
0x244: {  	v16 =	vadd.f32 $9.984869950e-01, v54;
	v37 =	vmul.f32 v21, v21;
	v17 =	vadd.f32 $3.101555160e-03, v58  }
0x245: {  	v18 =	vmax.f32 v18, $-4.199999810e+00;
	v13 =	vadd.f32 $-3.161242600e-01, v13;
	v15 =	vmul.f32 v15, v34  }
0x246: {  	v16 =	vmul.f32 v16, v26;
	v18 =	vmin.f32 v18, $4.199999810e+00;
	v38 =	vmul.f32 $5.701379810e-09, v37  }
0x247: {  	v11 =	vadd.f32 v20, v11;
	v17 =	vmul.f32 v17, v41;
	v33 =	vmul.f32 v18, v18  }
0x248: {  	v40 =	vld [tilespmem:s2+$0x3920];
	v13 =	vmul.f32 v13, v19;
	v15 =	vadd.f32 $9.800058600e-02, v15;
	v19 =	vmax.f32 v56, $-4.199999810e+00  }
0x249: {  	v42 =	vld [tilespmem:s2+$0xD920];
	v16 =	vmul.f32 v16, v10;
	v25 =	vadd.f32 $-4.545474610e-07, v38;
	v19 =	vmin.f32 v19, $4.199999810e+00  }
0x24a: {  	v17 =	vadd.f32 $-2.158658580e-02, v17;
	v35 =	vmul.f32 $5.701379810e-09, v33;
	v13 =	vadd.f32 $9.984869950e-01, v13  }
0x24b: {  	v48 =	vld [tilespmem:s2+$0x3930];
	v61 =	vmul.f32 v15, v34;
	v62 =	vmul.f32 v19, v19;
	v12 =	vadd.f32 v16, v12  }
0x24c: {  	v49 =	vld [tilespmem:s2+$0xD930];
	v25 =	vmul.f32 v25, v37;
	v17 =	vmul.f32 v17, v41;
	v24 =	vadd.f32 $-4.545474610e-07, v35  }
0x24d: {  	v13 =	vmul.f32 v13, v22;
	v14 =	vadd.f32 $-3.161242600e-01, v61;
	v26 =	vmul.f32 $5.701379810e-09, v62  }
0x24e: {  	v25 =	vadd.f32 $1.523707310e-05, v25;
	v17 =	vadd.f32 $9.800058600e-02, v17  }
0x24f: {  	v24 =	vmul.f32 v24, v33;
	v13 =	vmul.f32 v13, v10;
	v20 =	vadd.f32 $-4.545474610e-07, v26  }
0x250: {  	v28 =	vld [tilespmem:s2+$0x3910];
	v14 =	vmul.f32 v14, v34;
	v46 =	vmul.f32 v25, v37;
	v26 =	vadd.f32 v42, v40  }
0x251: {  	v34 =	vld [tilespmem:s2+$0xD910];
	v25 =	vadd.f32 v49, v48;
	v36 =	vmul.f32 v17, v41;
	v32 =	vmul.f32 v20, v62  }
0x252: {  	v24 =	vadd.f32 $1.523707310e-05, v24;
	v11 =	vadd.f32 v13, v11  }
0x253: {  	v10 =	vld [tilespmem:s1+$0x168D0];
	v13 =	vadd.f32 $-3.161242600e-01, v36;
	v16 =	vadd.f32 $1.523707310e-05, v32  }
0x254: {  	v14 =	vadd.f32 $9.984869950e-01, v14;
	v50 =	vadd.f32 $-2.801223600e-04, v46;
	v52 =	vmax.f32 v26, $-4.199999810e+00  }
0x255: {  	v25 =	vmax.f32 v25, $-4.199999810e+00;
	v13 =	vmul.f32 v13, v41;
	v16 =	vmul.f32 v16, v62  }
0x256: {  	v24 =	vmul.f32 v24, v33;
	v25 =	vmin.f32 v25, $4.199999810e+00;
	v22 =	vadd.f32 v34, v28  }
0x257: {  	v14 =	vmul.f32 v14, v31;
	v13 =	vadd.f32 $9.984869950e-01, v13;
	v16 =	vadd.f32 $-2.801223600e-04, v16  }
0x258: {  	v55 =	vmul.f32 v25, v25;
	v39 =	vbroadcast v10, $0x0;
	v22 =	vmax.f32 v22, $-4.199999810e+00  }
0x259: {  	v22 =	vmin.f32 v22, $4.199999810e+00;
	v13 =	vmul.f32 v13, v29;
	v16 =	vmul.f32 v16, v62  }
0x25a: {  	v45 =	vadd.f32 $-2.801223600e-04, v24;
	v24 =	vmin.f32 v52, $4.199999810e+00;
	v41 =	vmul.f32 v22, v22  }
0x25b: {  	v53 =	vmul.f32 v24, v24;
	v13 =	vmul.f32 v13, v39;
	v16 =	vadd.f32 $3.101555160e-03, v16  }
0x25c: {  	v14 =	vmul.f32 v14, v39;
	v43 =	vmul.f32 $5.701379810e-09, v41  }
0x25d: {  	v11 =	vadd.f32 v13, v11;
	v13 =	vmul.f32 v50, v37;
	v44 =	vmul.f32 v16, v62  }
0x25e: {  	v12 =	vadd.f32 v14, v12;
	v47 =	vadd.f32 $-4.545474610e-07, v43;
	v16 =	vmul.f32 v45, v33  }
0x25f: {  	v56 =	vmul.f32 $5.701379810e-09, v55;
	v13 =	vadd.f32 $3.101555160e-03, v13;
	v14 =	vadd.f32 $-2.158658580e-02, v44  }
0x260: {  	v54 =	vmul.f32 $5.701379810e-09, v53;
	v51 =	vmul.f32 v47, v41;
	v16 =	vadd.f32 $3.101555160e-03, v16  }
0x261: {  	v13 =	vmul.f32 v13, v37;
	v14 =	vmul.f32 v14, v62  }
0x262: {  	v28 =	vadd.f32 $-4.545474610e-07, v54;
	v23 =	vadd.f32 $1.523707310e-05, v51;
	v16 =	vmul.f32 v16, v33  }
0x263: {  	v49 =	vld [tilespmem:s2+$0x3CF0];
	v54 =	vbroadcast v10, $0x3;
	v13 =	vadd.f32 $-2.158658580e-02, v13;
	v14 =	vadd.f32 $9.800058600e-02, v14  }
0x264: {  	v52 =	vld [tilespmem:s2+$0xDCF0];
	v28 =	vmul.f32 v28, v53;
	v23 =	vmul.f32 v23, v41;
	v16 =	vadd.f32 $-2.158658580e-02, v16  }
0x265: {  	v59 =	vadd.f32 $-4.545474610e-07, v56;
	v13 =	vmul.f32 v13, v37;
	v14 =	vmul.f32 v14, v62  }
0x266: {  	v58 =	vadd.f32 $1.523707310e-05, v28;
	v23 =	vadd.f32 $-2.801223600e-04, v23;
	v16 =	vmul.f32 v16, v33  }
0x267: {  	v39 =	vbroadcast v10, $0x2;
	v13 =	vadd.f32 $9.800058600e-02, v13;
	v14 =	vadd.f32 $-3.161242600e-01, v14  }
0x268: {  	v60 =	vld [tilespmem:s2+$0x3CC0];
	v28 =	vmul.f32 v59, v55;
	v23 =	vmul.f32 v23, v41;
	v16 =	vadd.f32 $9.800058600e-02, v16  }
0x269: {  	v63 =	vld [tilespmem:s2+$0xDCC0];
	v26 =	vadd.f32 v52, v49;
	v13 =	vmul.f32 v13, v37;
	v14 =	vmul.f32 v14, v62  }
0x26a: {  	v42 =	vld [tilespmem:s2+$0x3CE0];
	v23 =	vadd.f32 $3.101555160e-03, v23;
	v57 =	vmul.f32 v16, v33;
	v62 =	vadd.f32 $1.523707310e-05, v28  }
0x26b: {  	v43 =	vld [tilespmem:s2+$0xDCE0];
	v16 =	vmul.f32 v58, v53;
	v13 =	vadd.f32 $-3.161242600e-01, v13;
	v14 =	vadd.f32 $9.984869950e-01, v14  }
0x26c: {  	v23 =	vmul.f32 v23, v41;
	v15 =	vadd.f32 $-3.161242600e-01, v57;
	v35 =	vmul.f32 v62, v55  }
0x26d: {  	v16 =	vadd.f32 $-2.801223600e-04, v16;
	v13 =	vmul.f32 v13, v37;
	v14 =	vmul.f32 v14, v19  }
0x26e: {  	v38 =	vld [tilespmem:s2+$0xDCD0];
	v23 =	vadd.f32 $-2.158658580e-02, v23;
	v15 =	vmul.f32 v15, v33;
	v33 =	vbroadcast v10, $0x1  }
0x26f: {  	v37 =	vld [tilespmem:s2+$0x3CD0];
	v16 =	vmul.f32 v16, v53;
	v36 =	vadd.f32 $-2.801223600e-04, v35;
	v19 =	vadd.f32 v63, v60  }
0x270: {  	v61 =	vmul.f32 v23, v41;
	v13 =	vadd.f32 $9.984869950e-01, v13;
	v23 =	vadd.f32 v43, v42  }
0x271: {  	v15 =	vadd.f32 $9.984869950e-01, v15;
	v14 =	vmul.f32 v14, v33;
	v16 =	vadd.f32 $3.101555160e-03, v16  }
0x272: {  	v19 =	vmax.f32 v19, $-4.199999810e+00;
	v34 =	vadd.f32 $9.800058600e-02, v61;
	v13 =	vmul.f32 v13, v21  }
0x273: {  	v23 =	vmax.f32 v23, $-4.199999810e+00;
	v15 =	vmul.f32 v15, v18;
	v16 =	vmul.f32 v16, v53  }
0x274: {  	v18 =	vmul.f32 v36, v55;
	v20 =	vadd.f32 v38, v37;
	v23 =	vmin.f32 v23, $4.199999810e+00  }
0x275: {  	v17 =	vmul.f32 v34, v41;
	v13 =	vmul.f32 v13, v39;
	v16 =	vadd.f32 $-2.158658580e-02, v16  }
0x276: {  	v51 =	vmul.f32 v23, v23;
	v18 =	vadd.f32 $3.101555160e-03, v18;
	v20 =	vmax.f32 v20, $-4.199999810e+00  }
0x277: {  	v17 =	vadd.f32 $-3.161242600e-01, v17;
	v20 =	vmin.f32 v20, $4.199999810e+00;
	v40 =	vmul.f32 v16, v53  }
0x278: {  	v19 =	vmin.f32 v19, $4.199999810e+00;
	v18 =	vmul.f32 v18, v55;
	v47 =	vmul.f32 v20, v20  }
0x279: {  	v12 =	vadd.f32 v14, v12;
	v17 =	vmul.f32 v17, v41;
	v41 =	vmul.f32 v19, v19  }
0x27a: {  	v14 =	vadd.f32 $9.800058600e-02, v40;
	v18 =	vadd.f32 $-2.158658580e-02, v18;
	v48 =	vmul.f32 $5.701379810e-09, v47  }
0x27b: {  	v15 =	vmul.f32 v15, v33;
	v17 =	vadd.f32 $9.984869950e-01, v17;
	v44 =	vmul.f32 $5.701379810e-09, v41  }
0x27c: {  	v14 =	vmul.f32 v14, v53;
	v46 =	vmul.f32 v18, v55;
	v21 =	vadd.f32 $-4.545474610e-07, v48  }
0x27d: {  	v11 =	vadd.f32 v15, v11;
	v17 =	vmul.f32 v17, v22;
	v45 =	vadd.f32 $-4.545474610e-07, v44  }
0x27e: {  	v60 =	vld [tilespmem:s2+$0x3D10];
	v14 =	vadd.f32 $-3.161242600e-01, v14;
	v15 =	vadd.f32 $9.800058600e-02, v46;
	v21 =	vmul.f32 v21, v47  }
0x27f: {  	v57 =	vmax.f32 v26, $-4.199999810e+00;
	v61 =	vld [tilespmem:s2+$0xDD10];
	v22 =	vmul.f32 v45, v41;
	v17 =	vmul.f32 v17, v39  }
0x280: {  	v12 =	vadd.f32 v13, v12;
	v14 =	vmul.f32 v14, v53;
	v15 =	vmul.f32 v15, v55  }
0x281: {  	v53 =	vmul.f32 $5.701379810e-09, v51;
	v21 =	vadd.f32 $1.523707310e-05, v21;
	v22 =	vadd.f32 $1.523707310e-05, v22  }
0x282: {  	v43 =	vbroadcast v10, $0x4;
	v11 =	vadd.f32 v17, v11;
	v15 =	vadd.f32 $-3.161242600e-01, v15  }
0x283: {  	v14 =	vadd.f32 $9.984869950e-01, v14;
	v17 =	vadd.f32 $-4.545474610e-07, v53;
	v21 =	vmul.f32 v21, v47  }
0x284: {  	v56 =	vld [tilespmem:s2+$0xDD00];
	v26 =	vadd.f32 v61, v60;
	v50 =	vmul.f32 v22, v41;
	v15 =	vmul.f32 v15, v55  }
0x285: {  	v14 =	vmul.f32 v14, v24;
	v55 =	vld [tilespmem:s2+$0x3D00];
	v17 =	vmul.f32 v17, v51;
	v21 =	vadd.f32 $-2.801223600e-04, v21  }
0x286: {  	v26 =	vmax.f32 v26, $-4.199999810e+00;
	v13 =	vadd.f32 $-2.801223600e-04, v50;
	v15 =	vadd.f32 $9.984869950e-01, v15  }
0x287: {  	v14 =	vmul.f32 v14, v54;
	v17 =	vadd.f32 $1.523707310e-05, v17;
	v58 =	vmul.f32 v21, v47  }
0x288: {  	v26 =	vmin.f32 v26, $4.199999810e+00;
	v13 =	vmul.f32 v13, v41;
	v15 =	vmul.f32 v15, v25  }
0x289: {  	v12 =	vadd.f32 v14, v12;
	v17 =	vmul.f32 v17, v51;
	v14 =	vadd.f32 $3.101555160e-03, v58  }
0x28a: {  	v25 =	vmin.f32 v57, $4.199999810e+00;
	v13 =	vadd.f32 $3.101555160e-03, v13;
	v27 =	vadd.f32 v56, v55  }
0x28b: {  	v35 =	vmul.f32 v26, v26;
	v59 =	vmul.f32 v25, v25;
	v17 =	vadd.f32 $-2.801223600e-04, v17  }
0x28c: {  	v14 =	vmul.f32 v14, v47;
	v13 =	vmul.f32 v13, v41;
	v27 =	vmax.f32 v27, $-4.199999810e+00  }
0x28d: {  	v48 =	vbroadcast v10, $0x5;
	v62 =	vmul.f32 $5.701379810e-09, v59;
	v27 =	vmin.f32 v27, $4.199999810e+00  }
0x28e: {  	v17 =	vmul.f32 v17, v51;
	v14 =	vadd.f32 $-2.158658580e-02, v14;
	v13 =	vadd.f32 $-2.158658580e-02, v13  }
0x28f: {  	v36 =	vmul.f32 $5.701379810e-09, v35;
	v24 =	vadd.f32 $-4.545474610e-07, v62;
	v63 =	vmul.f32 v27, v27  }
0x290: {  	v17 =	vadd.f32 $3.101555160e-03, v17;
	v14 =	vmul.f32 v14, v47;
	v13 =	vmul.f32 v13, v41  }
0x291: {  	v39 =	vadd.f32 $-4.545474610e-07, v36;
	v24 =	vmul.f32 v24, v59;
	v33 =	vmul.f32 $5.701379810e-09, v63  }
0x292: {  	v17 =	vmul.f32 v17, v51;
	v14 =	vadd.f32 $9.800058600e-02, v14;
	v13 =	vadd.f32 $9.800058600e-02, v13  }
0x293: {  	v15 =	vmul.f32 v15, v54;
	v62 =	vld [tilespmem:s2+$0x40E0];
	v24 =	vadd.f32 $1.523707310e-05, v24;
	v28 =	vadd.f32 $-4.545474610e-07, v33  }
0x294: {  	v33 =	vld [tilespmem:s2+$0xE0E0];
	v17 =	vadd.f32 $-2.158658580e-02, v17;
	v14 =	vmul.f32 v14, v47;
	v13 =	vmul.f32 v13, v41  }
0x295: {  	v11 =	vadd.f32 v15, v11;
	v34 =	vmul.f32 v24, v59;
	v28 =	vmul.f32 v28, v63  }
0x296: {  	v42 =	vld [tilespmem:s2+$0xDD20];
	v37 =	vmul.f32 v17, v51;
	v14 =	vadd.f32 $-3.161242600e-01, v14;
	v13 =	vadd.f32 $-3.161242600e-01, v13  }
0x297: {  	v40 =	vld [tilespmem:s2+$0x3D20];
	v58 =	vbroadcast v10, $0x6;
	v15 =	vadd.f32 $-2.801223600e-04, v34;
	v38 =	vadd.f32 $1.523707310e-05, v28  }
0x298: {  	v44 =	vld [tilespmem:s2+$0x3D30];
	v28 =	vmul.f32 v39, v35;
	v16 =	vadd.f32 $9.800058600e-02, v37;
	v14 =	vmul.f32 v14, v47  }
0x299: {  	v45 =	vld [tilespmem:s2+$0xDD30];
	v24 =	vadd.f32 v33, v62;
	v13 =	vmul.f32 v13, v41;
	v15 =	vmul.f32 v15, v59  }
0x29a: {  	v36 =	vld [tilespmem:s2+$0xE0F0];
	v17 =	vmul.f32 v38, v63;
	v41 =	vadd.f32 $1.523707310e-05, v28;
	v16 =	vmul.f32 v16, v51  }
0x29b: {  	v34 =	vld [tilespmem:s2+$0x40F0];
	v14 =	vadd.f32 $9.984869950e-01, v14;
	v24 =	vmax.f32 v24, $-4.199999810e+00;
	v13 =	vadd.f32 $9.984869950e-01, v13  }
0x29c: {  	v15 =	vadd.f32 $3.101555160e-03, v15;
	v17 =	vadd.f32 $-2.801223600e-04, v17;
	v18 =	vmul.f32 v41, v35  }
0x29d: {  	v24 =	vmin.f32 v24, $4.199999810e+00;
	v16 =	vadd.f32 $-3.161242600e-01, v16;
	v14 =	vmul.f32 v14, v20  }
0x29e: {  	v20 =	vadd.f32 v45, v44;
	v13 =	vmul.f32 v13, v19;
	v15 =	vmul.f32 v15, v59  }
0x29f: {  	v17 =	vmul.f32 v17, v63;
	v18 =	vadd.f32 $-2.801223600e-04, v18;
	v19 =	vadd.f32 v42, v40  }
0x2a0: {  	v40 =	vadd.f32 v36, v34;
	v42 =	vmul.f32 v24, v24;
	v16 =	vmul.f32 v16, v51  }
0x2a1: {  	v14 =	vmul.f32 v14, v43;
	v20 =	vmax.f32 v20, $-4.199999810e+00;
	v15 =	vadd.f32 $-2.158658580e-02, v15  }
0x2a2: {  	v50 =	vld [tilespmem:s2+$0x40C0];
	v13 =	vmul.f32 v13, v43;
	v17 =	vadd.f32 $3.101555160e-03, v17;
	v18 =	vmul.f32 v18, v35  }
0x2a3: {  	v19 =	vmax.f32 v19, $-4.199999810e+00;
	v20 =	vmin.f32 v20, $4.199999810e+00;
	v44 =	vmul.f32 $5.701379810e-09, v42  }
0x2a4: {  	v51 =	vld [tilespmem:s2+$0xE0C0];
	v16 =	vadd.f32 $9.984869950e-01, v16;
	v19 =	vmin.f32 v19, $4.199999810e+00;
	v53 =	vmul.f32 v20, v20  }
0x2a5: {  	v15 =	vmul.f32 v15, v59;
	v17 =	vmul.f32 v17, v63;
	v18 =	vadd.f32 $3.101555160e-03, v18  }
0x2a6: {  	v12 =	vadd.f32 v13, v12;
	v47 =	vmul.f32 v19, v19;
	v16 =	vmul.f32 v16, v23  }
0x2a7: {  	v54 =	vmul.f32 $5.701379810e-09, v53;
	v15 =	vadd.f32 $9.800058600e-02, v15;
	v17 =	vadd.f32 $-2.158658580e-02, v17  }
0x2a8: {  	v31 =	vadd.f32 $-4.545474610e-07, v44;
	v18 =	vmul.f32 v18, v35;
	v49 =	vmul.f32 $5.701379810e-09, v47  }
0x2a9: {  	v21 =	vadd.f32 v51, v50;
	v15 =	vmul.f32 v15, v59;
	v46 =	vmul.f32 v17, v63  }
0x2aa: {  	v31 =	vmul.f32 v31, v42;
	v18 =	vadd.f32 $-2.158658580e-02, v18;
	v23 =	vadd.f32 $-4.545474610e-07, v49  }
0x2ab: {  	v51 =	vbroadcast v10, $0x7;
	v15 =	vadd.f32 $-3.161242600e-01, v15;
	v13 =	vadd.f32 $9.800058600e-02, v46  }
0x2ac: {  	v11 =	vadd.f32 v14, v11;
	v52 =	vmul.f32 v18, v35;
	v23 =	vmul.f32 v23, v47  }
0x2ad: {  	v55 =	vadd.f32 $-4.545474610e-07, v54;
	v15 =	vmul.f32 v15, v59;
	v13 =	vmul.f32 v13, v63  }
0x2ae: {  	v16 =	vmul.f32 v16, v48;
	v14 =	vadd.f32 $9.800058600e-02, v52;
	v23 =	vadd.f32 $1.523707310e-05, v23  }
0x2af: {  	v21 =	vmax.f32 v21, $-4.199999810e+00;
	v13 =	vadd.f32 $-3.161242600e-01, v13;
	v15 =	vadd.f32 $9.984869950e-01, v15  }
0x2b0: {  	v31 =	vadd.f32 $1.523707310e-05, v31;
	v14 =	vmul.f32 v14, v35;
	v23 =	vmul.f32 v23, v47  }
0x2b1: {  	v21 =	vmin.f32 v21, $4.199999810e+00;
	v13 =	vmul.f32 v13, v63;
	v15 =	vmul.f32 v15, v25  }
0x2b2: {  	v57 =	vld [tilespmem:s2+$0xE0D0];
	v14 =	vadd.f32 $-3.161242600e-01, v14;
	v25 =	vmul.f32 v55, v53;
	v23 =	vadd.f32 $-2.801223600e-04, v23  }
0x2b3: {  	v56 =	vld [tilespmem:s2+$0x40D0];
	v12 =	vadd.f32 v16, v12;
	v31 =	vmul.f32 v31, v42;
	v13 =	vadd.f32 $9.984869950e-01, v13  }
0x2b4: {  	v14 =	vmul.f32 v14, v35;
	v59 =	vadd.f32 $1.523707310e-05, v25;
	v60 =	vmul.f32 v23, v47  }
0x2b5: {  	v50 =	vadd.f32 $-2.801223600e-04, v31;
	v13 =	vmul.f32 v13, v27;
	v27 =	vmul.f32 v21, v21  }
0x2b6: {  	v15 =	vmul.f32 v15, v48;
	v25 =	vmax.f32 v40, $-4.199999810e+00;
	v63 =	vmul.f32 v59, v53  }
0x2b7: {  	v25 =	vmin.f32 v25, $4.199999810e+00;
	v16 =	vadd.f32 $3.101555160e-03, v60;
	v61 =	vmul.f32 $5.701379810e-09, v27  }
0x2b8: {  	v35 =	vadd.f32 v57, v56;
	v43 =	vmul.f32 v25, v25;
	v22 =	vadd.f32 $-2.801223600e-04, v63  }
0x2b9: {  	v15 =	vadd.f32 v15, v11;
	v11 =	vmul.f32 v16, v47;
	v23 =	vadd.f32 $-4.545474610e-07, v61  }
0x2ba: {  	v38 =	vmax.f32 v35, $-4.199999810e+00;
	v45 =	vmul.f32 $5.701379810e-09, v43;
	v22 =	vmul.f32 v22, v53  }
0x2bb: {  	v11 =	vadd.f32 $-2.158658580e-02, v11;
	v37 =	vmul.f32 v23, v27;
	v23 =	vmin.f32 v38, $4.199999810e+00  }
0x2bc: {  	v14 =	vadd.f32 $9.984869950e-01, v14;
	v32 =	vadd.f32 $-4.545474610e-07, v45;
	v39 =	vmul.f32 v23, v23  }
0x2bd: {  	v13 =	vmul.f32 v13, v58;
	v22 =	vadd.f32 $3.101555160e-03, v22;
	v11 =	vmul.f32 v11, v47  }
0x2be: {  	v46 =	vmul.f32 v32, v43;
	v16 =	vadd.f32 $1.523707310e-05, v37;
	v41 =	vmul.f32 $5.701379810e-09, v39  }
0x2bf: {  	v14 =	vmul.f32 v14, v26;
	v22 =	vmul.f32 v22, v53;
	v11 =	vadd.f32 $9.800058600e-02, v11  }
0x2c0: {  	v17 =	vadd.f32 $1.523707310e-05, v46;
	v16 =	vmul.f32 v16, v27;
	v28 =	vadd.f32 $-4.545474610e-07, v41  }
0x2c1: {  	v14 =	vmul.f32 v14, v58;
	v22 =	vadd.f32 $-2.158658580e-02, v22;
	v11 =	vmul.f32 v11, v47  }
0x2c2: {  	v17 =	vmul.f32 v17, v43;
	v16 =	vadd.f32 $-2.801223600e-04, v16;
	v28 =	vmul.f32 v28, v39  }
0x2c3: {  	v13 =	vadd.f32 v13, v12;
	v22 =	vmul.f32 v22, v53;
	v11 =	vadd.f32 $-3.161242600e-01, v11  }
0x2c4: {  	v17 =	vadd.f32 $-2.801223600e-04, v17;
	v16 =	vmul.f32 v16, v27;
	v28 =	vadd.f32 $1.523707310e-05, v28  }
0x2c5: {  	v48 =	vld [tilespmem:s2+$0xE100];
	v14 =	vadd.f32 v14, v15;
	v22 =	vadd.f32 $9.800058600e-02, v22;
	v11 =	vmul.f32 v11, v47  }
0x2c6: {  	v47 =	vld [tilespmem:s2+$0x4100];
	v17 =	vmul.f32 v17, v43;
	v16 =	vadd.f32 $3.101555160e-03, v16;
	v28 =	vmul.f32 v28, v39  }
0x2c7: {  	v37 =	vbroadcast v10, $0x8;
	v22 =	vmul.f32 v22, v53;
	v11 =	vadd.f32 $9.984869950e-01, v11  }
0x2c8: {  	v17 =	vadd.f32 $3.101555160e-03, v17;
	v16 =	vmul.f32 v16, v27;
	v28 =	vadd.f32 $-2.801223600e-04, v28  }
0x2c9: {  	v46 =	vbroadcast v10, $0x9;
	v22 =	vadd.f32 $-3.161242600e-01, v22;
	v11 =	vmul.f32 v11, v19  }
0x2ca: {  	v56 =	vld [tilespmem:s2+$0x4110];
	v59 =	vmul.f32 v17, v43;
	v16 =	vadd.f32 $-2.158658580e-02, v16;
	v28 =	vmul.f32 v28, v39  }
0x2cb: {  	v58 =	vld [tilespmem:s2+$0xE110];
	v52 =	vadd.f32 v48, v47;
	v18 =	vmul.f32 v22, v53;
	v22 =	vmul.f32 v50, v42  }
0x2cc: {  	s3 =	sand.u32 $0x7, s5;
	v53 =	vmul.f32 v11, v51;
	v16 =	vmul.f32 v16, v27;
	v49 =	vadd.f32 $3.101555160e-03, v28  }
0x2cd: {  	s3 =	sshll.u32 s3, $0x7;
	v12 =	vadd.f32 $-2.158658580e-02, v59;
	v55 =	vmax.f32 v52, $-4.199999810e+00;
	v18 =	vadd.f32 $9.984869950e-01, v18  }
0x2ce: {  	s3 =	sadd.s32 s3, s12;
	v54 =	vadd.f32 $3.101555160e-03, v22;
	v16 =	vadd.f32 $9.800058600e-02, v16;
	v19 =	vmul.f32 v49, v39  }
0x2cf: {  	s25 =	sor.u32 $0x1C00, s3;
	v12 =	vmul.f32 v12, v43;
	v13 =	vadd.f32 v53, v13;
	v18 =	vmul.f32 v18, v20  }
0x2d0: {  	v45 =	vld [tilespmem:s25+$0x28C0];
	v20 =	vadd.f32 v58, v56;
	v16 =	vmul.f32 v16, v27;
	v11 =	vadd.f32 $-2.158658580e-02, v19  }
0x2d1: {  	v47 =	vld [tilespmem:s25+$0xC8C0];
	v63 =	vadd.f32 $9.800058600e-02, v12;
	v18 =	vmul.f32 v18, v51;
	v19 =	vmul.f32 v54, v42  }
0x2d2: {  	v16 =	vadd.f32 $-3.161242600e-01, v16;
	v57 =	vmul.f32 v11, v39;
	v11 =	vmin.f32 v55, $4.199999810e+00  }
0x2d3: {  	v33 =	vmax.f32 v20, $-4.199999810e+00;
	v19 =	vadd.f32 $-2.158658580e-02, v19;
	v17 =	vmul.f32 v11, v11  }
0x2d4: {  	v40 =	vld [tilespmem:s2+$0xE120];
	v35 =	vmul.f32 v63, v43;
	v12 =	vmin.f32 v33, $4.199999810e+00;
	v16 =	vmul.f32 v16, v27  }
0x2d5: {  	v38 =	vld [tilespmem:s2+$0x4120];
	v60 =	vadd.f32 $9.800058600e-02, v57;
	v19 =	vmul.f32 v19, v42;
	v61 =	vmul.f32 $5.701379810e-09, v17  }
0x2d6: {  	v54 =	vadd.f32 v47, v45;
	v26 =	vmul.f32 v12, v12;
	v16 =	vadd.f32 $9.984869950e-01, v16  }
0x2d7: {  	v27 =	vmul.f32 v60, v39;
	v19 =	vadd.f32 $9.800058600e-02, v19;
	v28 =	vadd.f32 $-4.545474610e-07, v61  }
0x2d8: {  	s25 =	sor.u32 $0x1C10, s3;
	v14 =	vadd.f32 v18, v14;
	v16 =	vmul.f32 v16, v21;
	v21 =	vadd.f32 $-3.161242600e-01, v35  }
0x2d9: {  	v48 =	vld [tilespmem:s25+$0x28C0];
	v62 =	vadd.f32 $-3.161242600e-01, v27;
	v19 =	vmul.f32 v19, v42;
	v31 =	vmul.f32 v28, v17  }
0x2da: {  	v49 =	vld [tilespmem:s25+$0xC8C0];
	v21 =	vmul.f32 v21, v43;
	v16 =	vmul.f32 v16, v37;
	v28 =	vadd.f32 v40, v38  }
0x2db: {  	v34 =	vmul.f32 v62, v39;
	v19 =	vadd.f32 $-3.161242600e-01, v19;
	v39 =	vmul.f32 $5.701379810e-09, v26  }
0x2dc: {  	v36 =	vadd.f32 $1.523707310e-05, v31;
	v21 =	vadd.f32 $9.984869950e-01, v21;
	v53 =	vmax.f32 v28, $-4.199999810e+00  }
0x2dd: {  	v44 =	vld [tilespmem:s2+$0xE130];
	v13 =	vadd.f32 v16, v13;
	v20 =	vadd.f32 $9.984869950e-01, v34;
	v19 =	vmul.f32 v19, v42  }
0x2de: {  	v42 =	vld [tilespmem:s2+$0x4130];
	v43 =	vadd.f32 $-4.545474610e-07, v39;
	v22 =	vmul.f32 v36, v17;
	v21 =	vmul.f32 v21, v25  }
0x2df: {  	v25 =	vadd.f32 v49, v48;
	v41 =	vmul.f32 v20, v23;
	v19 =	vadd.f32 $9.984869950e-01, v19  }
0x2e0: {  	v23 =	vmul.f32 v43, v26;
	v22 =	vadd.f32 $-2.801223600e-04, v22;
	v50 =	vmul.f32 v21, v46  }
0x2e1: {  	v25 =	vmax.f32 v25, $-4.199999810e+00;
	v15 =	vmul.f32 v41, v37;
	v19 =	vmul.f32 v19, v24  }
0x2e2: {  	v23 =	vadd.f32 $1.523707310e-05, v23;
	v24 =	vmax.f32 v54, $-4.199999810e+00;
	v25 =	vmin.f32 v25, $4.199999810e+00  }
0x2e3: {  	v22 =	vmul.f32 v22, v17;
	v20 =	vadd.f32 v44, v42;
	v61 =	vmul.f32 v25, v25  }
0x2e4: {  	v24 =	vmin.f32 v24, $4.199999810e+00;
	v19 =	vmul.f32 v19, v46;
	v52 =	vmul.f32 v23, v26  }
0x2e5: {  	v23 =	vmin.f32 v53, $4.199999810e+00;
	v59 =	vmul.f32 v24, v24;
	v14 =	vadd.f32 v15, v14  }
0x2e6: {  	s25 =	sor.u32 $0x1C20, s3;
	v22 =	vadd.f32 $3.101555160e-03, v22;
	v20 =	vmax.f32 v20, $-4.199999810e+00;
	v55 =	vmul.f32 v23, v23  }
0x2e7: {  	v45 =	vld [tilespmem:s25+$0xC8C0];
	v62 =	vmul.f32 $5.701379810e-09, v61;
	v20 =	vmin.f32 v20, $4.199999810e+00;
	v60 =	vmul.f32 $5.701379810e-09, v59  }
0x2e8: {  	v43 =	vld [tilespmem:s25+$0x28C0];
	s25 =	sor.u32 $0x1C30, s3;
	v13 =	vadd.f32 v19, v13;
	v56 =	vmul.f32 v20, v20;
	v57 =	vmul.f32 $5.701379810e-09, v55  }
0x2e9: {  	v48 =	vld [tilespmem:s25+$0xC8C0];
	v51 =	vmul.f32 v22, v17;
	v22 =	vadd.f32 $-2.801223600e-04, v52;
	v15 =	vadd.f32 $-4.545474610e-07, v60  }
0x2ea: {  	v46 =	vld [tilespmem:s25+$0x28C0];
	v14 =	vadd.f32 v50, v14;
	v58 =	vmul.f32 $5.701379810e-09, v56;
	v28 =	vadd.f32 $-4.545474610e-07, v57  }
0x2eb: {  	v32 =	vadd.f32 $-4.545474610e-07, v62;
	v22 =	vmul.f32 v22, v26;
	v15 =	vmul.f32 v15, v59  }
0x2ec: {  	v21 =	vadd.f32 $-2.158658580e-02, v51;
	v29 =	vadd.f32 $-4.545474610e-07, v58;
	v28 =	vmul.f32 v28, v55  }
0x2ed: {  	v41 =	vbroadcast v10, $0xA;
	v51 =	vadd.f32 v45, v43;
	v15 =	vadd.f32 $1.523707310e-05, v15  }
0x2ee: {  	v22 =	vadd.f32 $3.101555160e-03, v22;
	v29 =	vmul.f32 v29, v56;
	v28 =	vadd.f32 $1.523707310e-05, v28  }
0x2ef: {  	v54 =	vadd.f32 v48, v46;
	v21 =	vmul.f32 v21, v17;
	v15 =	vmul.f32 v15, v59  }
0x2f0: {  	v22 =	vmul.f32 v22, v26;
	v29 =	vadd.f32 $1.523707310e-05, v29;
	v28 =	vmul.f32 v28, v55  }
0x2f1: {  	v32 =	vmul.f32 v32, v61;
	v21 =	vadd.f32 $9.800058600e-02, v21;
	v15 =	vadd.f32 $-2.801223600e-04, v15  }
0x2f2: {  	v22 =	vadd.f32 $-2.158658580e-02, v22;
	v29 =	vmul.f32 v29, v56;
	v28 =	vadd.f32 $-2.801223600e-04, v28  }
0x2f3: {  	v32 =	vadd.f32 $1.523707310e-05, v32;
	v21 =	vmul.f32 v21, v17;
	v15 =	vmul.f32 v15, v59  }
0x2f4: {  	v22 =	vmul.f32 v22, v26;
	v29 =	vadd.f32 $-2.801223600e-04, v29;
	v28 =	vmul.f32 v28, v55  }
0x2f5: {  	v32 =	vmul.f32 v32, v61;
	v21 =	vadd.f32 $-3.161242600e-01, v21;
	v15 =	vadd.f32 $3.101555160e-03, v15  }
0x2f6: {  	v22 =	vadd.f32 $9.800058600e-02, v22;
	v29 =	vmul.f32 v29, v56;
	v63 =	vadd.f32 $3.101555160e-03, v28  }
0x2f7: {  	v34 =	vadd.f32 $-2.801223600e-04, v32;
	v17 =	vmul.f32 v21, v17;
	v15 =	vmul.f32 v15, v59  }
0x2f8: {  	v22 =	vmul.f32 v22, v26;
	v33 =	vadd.f32 $3.101555160e-03, v29;
	v21 =	vmul.f32 v63, v55  }
0x2f9: {  	v17 =	vadd.f32 $9.984869950e-01, v17;
	v29 =	vmul.f32 v34, v61;
	v15 =	vadd.f32 $-2.158658580e-02, v15  }
0x2fa: {  	v22 =	vadd.f32 $-3.161242600e-01, v22;
	v28 =	vmul.f32 v33, v56;
	v35 =	vadd.f32 $-2.158658580e-02, v21  }
0x2fb: {  	v11 =	vmul.f32 v17, v11;
	v37 =	vadd.f32 $3.101555160e-03, v29;
	v15 =	vmul.f32 v15, v59  }
0x2fc: {  	v22 =	vmul.f32 v22, v26;
	v36 =	vadd.f32 $-2.158658580e-02, v28;
	v17 =	vmul.f32 v35, v55  }
0x2fd: {  	v11 =	vmul.f32 v11, v41;
	v40 =	vmul.f32 v37, v61;
	v15 =	vadd.f32 $9.800058600e-02, v15  }
0x2fe: {  	v39 =	vadd.f32 $9.984869950e-01, v22;
	v38 =	vmul.f32 v36, v56;
	v17 =	vadd.f32 $9.800058600e-02, v17  }
0x2ff: {  	v13 =	vadd.f32 v11, v13;
	v42 =	vadd.f32 $-2.158658580e-02, v40;
	v11 =	vmul.f32 v15, v59  }
0x300: {  	v12 =	vmul.f32 v39, v12;
	v19 =	vadd.f32 $9.800058600e-02, v38;
	v17 =	vmul.f32 v17, v55  }
0x301: {  	v33 =	vbroadcast v10, $0xC;
	v21 =	vmul.f32 v42, v61;
	v11 =	vadd.f32 $-3.161242600e-01, v11  }
0x302: {  	s25 =	sor.u32 $0x1C40, s3;
	v12 =	vmul.f32 v12, v41;
	v44 =	vmul.f32 v19, v56;
	v17 =	vadd.f32 $-3.161242600e-01, v17  }
0x303: {  	v53 =	vld [tilespmem:s25+$0x28C0];
	v47 =	vadd.f32 $9.800058600e-02, v21;
	v19 =	vmax.f32 v54, $-4.199999810e+00;
	v52 =	vmul.f32 v11, v59  }
0x304: {  	v11 =	vmax.f32 v51, $-4.199999810e+00;
	v19 =	vmin.f32 v19, $4.199999810e+00;
	v18 =	vadd.f32 $-3.161242600e-01, v44  }
0x305: {  	v49 =	vmul.f32 v17, v55;
	v15 =	vmul.f32 v47, v61;
	v11 =	vmin.f32 v11, $4.199999810e+00;
	v55 =	vld [tilespmem:s25+$0xC8C0];
	s25 =	sor.u32 $0x1C50, s3  }
0x306: {  	v12 =	vadd.f32 v12, v14;
	v62 =	vmul.f32 v19, v19;
	v57 =	vmul.f32 v11, v11;
	v58 =	vld [tilespmem:s25+$0x28C0]  }
0x307: {  	v59 =	vld [tilespmem:s25+$0xC8C0];
	v50 =	vmul.f32 v18, v56;
	v14 =	vadd.f32 $9.984869950e-01, v49;
	v15 =	vadd.f32 $-3.161242600e-01, v15  }
0x308: {  	s25 =	sor.u32 $0x1C60, s3;
	v56 =	vbroadcast v10, $0xB;
	v18 =	vadd.f32 $9.984869950e-01, v52;
	v60 =	vmul.f32 $5.701379810e-09, v57  }
0x309: {  	v63 =	vld [tilespmem:s25+$0xC8C0];
	v36 =	vmul.f32 $5.701379810e-09, v62;
	v16 =	vadd.f32 $9.984869950e-01, v50;
	v14 =	vmul.f32 v14, v23  }
0x30a: {  	v15 =	vmul.f32 v15, v61;
	v61 =	vld [tilespmem:s25+$0x28C0];
	s25 =	sor.u32 $0x1C70, s3;
	v18 =	vmul.f32 v18, v24;
	v27 =	vadd.f32 $-4.545474610e-07, v60  }
0x30b: {  	v34 =	vld [tilespmem:s25+$0x28C0];
	v17 =	vadd.f32 v55, v53;
	v55 =	vbroadcast v10, $0xD;
	v16 =	vmul.f32 v16, v20  }
0x30c: {  	v37 =	vld [tilespmem:s25+$0xC8C0];
	v14 =	vmul.f32 v14, v56;
	v15 =	vadd.f32 $9.984869950e-01, v15;
	v18 =	vmul.f32 v18, v33  }
0x30d: {  	v20 =	vadd.f32 v59, v58;
	v58 =	vbroadcast v10, $0xE;
	v10 =	vbroadcast v10, $0xF  }
0x30e: {  	v27 =	vmul.f32 v27, v57;
	v17 =	vmax.f32 v17, $-4.199999810e+00;
	v16 =	vmul.f32 v16, v56  }
0x30f: {  	v13 =	vadd.f32 v14, v13;
	v35 =	vmul.f32 v15, v25;
	v15 =	vadd.f32 $-4.545474610e-07, v36  }
0x310: {  	v17 =	vmin.f32 v17, $4.199999810e+00;
	v20 =	vmax.f32 v20, $-4.199999810e+00;
	v39 =	vadd.f32 v63, v61  }
0x311: {  	v20 =	vmin.f32 v20, $4.199999810e+00;
	v40 =	vmul.f32 v17, v17;
	v25 =	vadd.f32 v37, v34  }
0x312: {  	v14 =	vmul.f32 v35, v33;
	v15 =	vmul.f32 v15, v62;
	v24 =	vmax.f32 v39, $-4.199999810e+00  }
0x313: {  	v41 =	vmul.f32 v20, v20;
	v24 =	vmin.f32 v24, $4.199999810e+00;
	v25 =	vmax.f32 v25, $-4.199999810e+00  }
0x314: {  	v43 =	vmul.f32 $5.701379810e-09, v40;
	v42 =	vmul.f32 v24, v24;
	v25 =	vmin.f32 v25, $4.199999810e+00  }
0x315: {  	v38 =	vadd.f32 $1.523707310e-05, v27;
	v44 =	vmul.f32 $5.701379810e-09, v41;
	v46 =	vmul.f32 v25, v25  }
0x316: {  	v12 =	vadd.f32 v16, v12;
	v29 =	vadd.f32 $-4.545474610e-07, v43;
	v45 =	vmul.f32 $5.701379810e-09, v42  }
0x317: {  	v13 =	vadd.f32 v18, v13;
	v30 =	vadd.f32 $-4.545474610e-07, v44;
	v47 =	vmul.f32 $5.701379810e-09, v46  }
0x318: {  	v21 =	vmul.f32 v38, v57;
	v29 =	vmul.f32 v29, v40;
	v16 =	vadd.f32 $-4.545474610e-07, v45  }
0x319: {  	v15 =	vadd.f32 $1.523707310e-05, v15;
	v30 =	vmul.f32 v30, v41;
	v32 =	vadd.f32 $-4.545474610e-07, v47  }
0x31a: {  	v21 =	vadd.f32 $-2.801223600e-04, v21;
	v29 =	vadd.f32 $1.523707310e-05, v29;
	v16 =	vmul.f32 v16, v42  }
0x31b: {  	v15 =	vmul.f32 v15, v62;
	v30 =	vadd.f32 $1.523707310e-05, v30;
	v32 =	vmul.f32 v32, v46  }
0x31c: {  	v21 =	vmul.f32 v21, v57;
	v29 =	vmul.f32 v29, v40;
	v16 =	vadd.f32 $1.523707310e-05, v16  }
0x31d: {  	v15 =	vadd.f32 $-2.801223600e-04, v15;
	v30 =	vmul.f32 v30, v41;
	v32 =	vadd.f32 $1.523707310e-05, v32  }
0x31e: {  	v21 =	vadd.f32 $3.101555160e-03, v21;
	v29 =	vadd.f32 $-2.801223600e-04, v29;
	v16 =	vmul.f32 v16, v42  }
0x31f: {  	v15 =	vmul.f32 v15, v62;
	v30 =	vadd.f32 $-2.801223600e-04, v30;
	v32 =	vmul.f32 v32, v46  }
0x320: {  	v21 =	vmul.f32 v21, v57;
	v29 =	vmul.f32 v29, v40;
	v16 =	vadd.f32 $-2.801223600e-04, v16  }
0x321: {  	v15 =	vadd.f32 $3.101555160e-03, v15;
	v30 =	vmul.f32 v30, v41;
	v32 =	vadd.f32 $-2.801223600e-04, v32  }
0x322: {  	v21 =	vadd.f32 $-2.158658580e-02, v21;
	v29 =	vadd.f32 $3.101555160e-03, v29;
	v16 =	vmul.f32 v16, v42  }
0x323: {  	v15 =	vmul.f32 v15, v62;
	v30 =	vadd.f32 $3.101555160e-03, v30;
	v32 =	vmul.f32 v32, v46  }
0x324: {  	v21 =	vmul.f32 v21, v57;
	v29 =	vmul.f32 v29, v40;
	v16 =	vadd.f32 $3.101555160e-03, v16  }
0x325: {  	v15 =	vadd.f32 $-2.158658580e-02, v15;
	v30 =	vmul.f32 v30, v41;
	v32 =	vadd.f32 $3.101555160e-03, v32  }
0x326: {  	v21 =	vadd.f32 $9.800058600e-02, v21;
	v29 =	vadd.f32 $-2.158658580e-02, v29;
	v16 =	vmul.f32 v16, v42  }
0x327: {  	v15 =	vmul.f32 v15, v62;
	v30 =	vadd.f32 $-2.158658580e-02, v30;
	v32 =	vmul.f32 v32, v46  }
0x328: {  	v21 =	vmul.f32 v21, v57;
	v29 =	vmul.f32 v29, v40;
	v16 =	vadd.f32 $-2.158658580e-02, v16  }
0x329: {  	v15 =	vadd.f32 $9.800058600e-02, v15;
	v30 =	vmul.f32 v30, v41;
	v32 =	vadd.f32 $-2.158658580e-02, v32  }
0x32a: {  	v21 =	vadd.f32 $-3.161242600e-01, v21;
	v48 =	vadd.f32 $9.800058600e-02, v29;
	v16 =	vmul.f32 v16, v42  }
0x32b: {  	v15 =	vmul.f32 v15, v62;
	v49 =	vadd.f32 $9.800058600e-02, v30;
	v50 =	vmul.f32 v32, v46  }
0x32c: {  	v21 =	vmul.f32 v21, v57;
	v22 =	vmul.f32 v48, v40;
	v16 =	vadd.f32 $9.800058600e-02, v16  }
0x32d: {  	v15 =	vadd.f32 $-3.161242600e-01, v15;
	v23 =	vmul.f32 v49, v41;
	v29 =	vadd.f32 $9.800058600e-02, v50  }
0x32e: {  	v21 =	vadd.f32 $9.984869950e-01, v21;
	v51 =	vadd.f32 $-3.161242600e-01, v22;
	v16 =	vmul.f32 v16, v42  }
0x32f: {  	v15 =	vmul.f32 v15, v62;
	v52 =	vadd.f32 $-3.161242600e-01, v23;
	v53 =	vmul.f32 v29, v46  }
0x330: {  	v11 =	vmul.f32 v21, v11;
	v54 =	vmul.f32 v51, v40;
	v16 =	vadd.f32 $-3.161242600e-01, v16  }
0x331: {  	v15 =	vadd.f32 $9.984869950e-01, v15;
	v21 =	vmul.f32 v52, v41;
	v22 =	vadd.f32 $-3.161242600e-01, v53  }
0x332: {  	v12 =	vadd.f32 v14, v12;
	v18 =	vadd.f32 $9.984869950e-01, v54;
	v16 =	vmul.f32 v16, v42  }
0x333: {  	v15 =	vmul.f32 v15, v19;
	v21 =	vadd.f32 $9.984869950e-01, v21;
	v56 =	vmul.f32 v22, v46  }
0x334: {  	v11 =	vmul.f32 v11, v55;
	v57 =	vmul.f32 v18, v17;
	v16 =	vadd.f32 $9.984869950e-01, v16  }
0x335: {  	v15 =	vmul.f32 v15, v55;
	v59 =	vmul.f32 v21, v20;
	v19 =	vadd.f32 $9.984869950e-01, v56  }
0x336: {  	[tilespmem:s1+$0x1A1C0] =	vst v6;
	v11 =	vadd.f32 v11, v13;
	v60 =	vmul.f32 v57, v58;
	v16 =	vmul.f32 v16, v24  }
0x337: {  	[tilespmem:s1+$0x1A1D0] =	vst v6;
	v12 =	vadd.f32 v15, v12;
	v61 =	vmul.f32 v59, v58;
	v62 =	vmul.f32 v19, v25  }
0x338: {  	[tilespmem:s1+$0x1A1E0] =	vst v6;
	v11 =	vadd.f32 v60, v11;
	v63 =	vmul.f32 v16, v10  }
0x339: {  	s3 =	spop (v2sf);
	[tilespmem:s1+$0x1A1F0] =	vst v6;
	v12 =	vadd.f32 v61, v12;
	v10 =	vmul.f32 v62, v10  }
0x33a: {  	s2 =	smul.f32 $2.812499930e-02, s3;
	s25 =	spop (v2sf);
	[tilespmem:s1+$0x1A200] =	vst v6;
	v11 =	vadd.f32 v63, v11  }
0x33b: {  	[tilespmem:s1+$0x1A210] =	vst v6;
	s3 =	sand.u32 $0x3, s25;
	v10 =	vadd.f32 v10, v12  }
0x33c: {  	[tilespmem:s1+$0x1A220] =	vst v6;
	s25 =	sadd.s32 $0x1A1C0, s1;
	s3 =	sshll.u32 s3, $0x5;
	v11 =	vmul.f32 s2, v11  }
0x33d: {  	[tilespmem:s1+$0x1A230] =	vst v6;
	s25 =	sadd.s32 s3, s25;
	v10 =	vmul.f32 s2, v10  }
0x33e: {  	[tilespmem:s25+$0x0] =	vst v11  }
0x33f: {  	s3 =	sand.u32 $0x1FF0, s6;
	[tilespmem:s25+$0x10] =	vst v10  }
0x340: {  	v10 =	vld [tilespmem:s3+$0x189C0]  }
0x341: {  	s25 =	sand.u32 $0xF, s6  }
0x342: {  	v11 =	vmov s25  }
.Ltmp12:
0x343: {  	vm1 =	veq.s32 v11, v2;
	(pc) =	sbr.rel .LBB2_12-.Ltmp12, $3  }
0x344: {  	v11 =	vsel vm1, $0x3F800000, v6  }
0x345: {  	v10 =	vadd.f32 v10, v11;
	_ =	sdelay $0x1  }
0x346: {  	[tilespmem:s3+$0x189C0] =	vst v10  }
.LBB2_16:
0x347: {  	_ =	sfence.sel $0x180000  }
0x348: {  	[bflag:$0x0] =	sbarrier.arrive $0xFFFF  }
0x349: {  	_ =	strace $0x90000047  }
0x34a: {  	[bflag:$0x2] =	sbarrier.arrive $0xFFFF  }
0x34b: {  	p0 =	sne.s32 s2, $0x0;
	s0 =	rddreg [dreg:$0x7]  }
0x34c: {  	s0 =	sadd.s32 @!p0 $0x100000, s0  }
0x34d: {  	[sflag:s0] =	ssyncadd.tile.s32 @!p0 $0x1;
	_ =	shalt  }
.Lfunc_end2:
_tile_overlayer_lowered:
.L_overlay_start_2:
0x34e: {  	(tag) =	ssettag $0x2  }
0x34f: {  	s0 =	rddreg [dreg:$0x0];
	s2 =	stileid.u32  }
0x350: {  	s1 =	rddreg [dreg:$0x1];
	p0 =	sne.s32 s2, $0x0  }
0x351: {  	s3 =	rddreg [dreg:$0x2];
	[bflag:$0x3] =	sbarrier.arrive $0xFFFF;
	s2 =	simm.s32 @!p0 $0x1C04  }
0x352: {  	[timem:s3], [sflag:s2] =	dma.local @!p0 [hbm:s0], s1  }
0x353: {  	s0 =	simm.s32 @!p0 $0x4  }
0x354: {  	_ =	swait.ge @!p0 [sflag:s0], s1  }
0x355: {  	s1 =	ssub.s32 @!p0 $0x0, s1;
	[sflag:s0] =	ssyncset.done @!p0 $0x0  }
0x356: {  	[sflag:s0] =	ssyncadd.s32 @!p0 s1  }
0x357: {  	[bflag:$0x3] =	sbarrier.arrive $0xFFFF  }
0x358: {  	_ =	shalt  }

</sc_bundles>
